<compile_context>
chip_gen: v7x
topology: tpu7x:2x2x1
jax: 0.10.2.dev20260603
libtpu: 0.0.44.dev20260713+nightly
codegen_flags: <defaults>
</compile_context>

<pallas_src>
import functools

import jax
import jax.numpy as jnp
from jax import lax
from jax.experimental import pallas as pl
from jax.experimental.pallas import tpu as pltpu
from jax.experimental.pallas import tpu_sc as plsc

B = 4096
S = 200
D = 64
C = 16
V = 1000000
NC = 2
NS = 16
NW = NC * NS
BPW = B // NW
CH0, CH1 = 104, 96
LANES = 16
PACK = 8
VP = 131072
TBLK = 4096
NBLK = VP // TBLK
LAST = (V - 1) // TBLK



def _mm_body(*refs):
    et_refs, w8_ref, out_ref = refs[:PACK], refs[PACK], refs[PACK + 1]
    es = jnp.concatenate([et_refs[a][...] for a in range(PACK)], axis=0)
    out_ref[...] = lax.dot_general(
        es, w8_ref[...], (((0,), (0,)), ((), ())),
        preferred_element_type=jnp.float32)


def _mk_in_spec(a):
    return pl.BlockSpec((D, TBLK),
                        lambda v: (0, jnp.minimum(a * NBLK + v, LAST)))


_pack_table = pl.pallas_call(
    _mm_body,
    grid=(NBLK,),
    in_specs=[_mk_in_spec(a) for a in range(PACK)]
    + [pl.BlockSpec((PACK * D, PACK * C), lambda v: (0, 0))],
    out_specs=pl.BlockSpec((TBLK, PACK * C), lambda v: (v, 0)),
    out_shape=jax.ShapeDtypeStruct((VP, PACK * C), jnp.float32),
)



NSLOT = 4


def _sc_body(*refs):
    (ids_hbm, tp_hbm, bias_hbm, out_hbm) = refs[:4]
    idx_v = refs[4]
    bufsA = refs[5:5 + NSLOT]
    bufsB = refs[5 + NSLOT:5 + 2 * NSLOT]
    bias_v, out_v = refs[5 + 2 * NSLOT:7 + 2 * NSLOT]
    semsA = refs[7 + 2 * NSLOT:7 + 3 * NSLOT]
    semsB = refs[7 + 3 * NSLOT:7 + 4 * NSLOT]

    wid = lax.axis_index("s") * NC + lax.axis_index("c")
    base = wid * BPW
    pltpu.sync_copy(ids_hbm.at[pl.ds(base * S, BPW * S)], idx_v)
    pltpu.sync_copy(bias_hbm, bias_v)

    def mkidx(k, carry):
        for j in range(4):
            o = (k * 4 + j) * LANES
            v = idx_v[pl.ds(o, LANES)]
            idx_v[pl.ds(o, LANES)] = ((v & (VP - 1)) << 3) | (v >> 17)
        return carry

    lax.fori_loop(0, BPW * S // (4 * LANES), mkidx, 0)

    def fire(r, slot):
        off = pl.multiple_of(r * S, 8)
        pltpu.async_copy(tp_hbm.at[idx_v.at[pl.ds(off, CH0)]],
                         bufsA[slot], semsA[slot])
        off1 = pl.multiple_of(r * S + CH0, 8)
        pltpu.async_copy(tp_hbm.at[idx_v.at[pl.ds(off1, CH1)]],
                         bufsB[slot], semsB[slot])

    for r0 in range(NSLOT):
        fire(r0, r0)

    bias_vec = bias_v[...]
    inv_s = jnp.float32(1.0 / S)
    zero = jnp.zeros((LANES,), jnp.float32)

    def step(i, slot):
        r = i * NSLOT + slot
        pltpu.make_async_copy(tp_hbm.at[idx_v.at[pl.ds(0, CH0)]],
                              bufsA[slot], semsA[slot]).wait()
        pltpu.make_async_copy(tp_hbm.at[idx_v.at[pl.ds(0, CH1)]],
                              bufsB[slot], semsB[slot]).wait()

        accs = [zero, zero, zero, zero]
        for t in range(S):
            buf = bufsA[slot] if t < CH0 else bufsB[slot]
            row = t if t < CH0 else t - CH0
            accs[t % 4] = accs[t % 4] + buf[row, :]
        acc = (accs[0] + accs[1]) + (accs[2] + accs[3])

        @pl.when(r + NSLOT < BPW)
        def _():
            fire(r + NSLOT, slot)

        out_v[r, :] = bias_vec + acc * inv_s

    def outer(i, carry):
        for slot in range(NSLOT):
            step(i, slot)
        return carry

    lax.fori_loop(0, BPW // NSLOT, outer, 0)
    pltpu.sync_copy(out_v, out_hbm.at[pl.ds(base, BPW)])


@functools.partial(
    pl.kernel,
    out_type=jax.ShapeDtypeStruct((B, C), jnp.float32),
    mesh=plsc.VectorSubcoreMesh(core_axis_name="c", subcore_axis_name="s",
                                num_cores=NC, num_subcores=NS),
    compiler_params=pltpu.CompilerParams(use_tc_tiling_on_sc=False),
    scratch_types=[pltpu.VMEM((BPW * S,), jnp.int32)]
    + [pltpu.VMEM((CH0, C), jnp.float32)] * NSLOT
    + [pltpu.VMEM((CH1, C), jnp.float32)] * NSLOT
    + [pltpu.VMEM((C,), jnp.float32), pltpu.VMEM((BPW, C), jnp.float32)]
    + [pltpu.SemaphoreType.DMA] * (2 * NSLOT),
)
def _sc_pool(*refs):
    _sc_body(*refs)


def kernel(input_ids, embedding, W, b):
    ids_flat = input_ids.reshape(-1).astype(jnp.int32)
    wt = jnp.asarray(W, jnp.float32).T
    w8 = jnp.kron(jnp.eye(PACK, dtype=jnp.float32), wt)
    embt = embedding.T
    tpack = _pack_table(*([embt] * PACK), w8)
    tview = tpack.reshape(VP * PACK, C)
    return _sc_pool(ids_flat, tview, b)

# --- scband reference (transcript-rebuilt; emitter-appended) ---
"""Pipeline reference for scband-logistic-regression-81570018885821 (READ-ONLY COPY).

The authoritative reference and input builder live on the scoring server;
editing this copy changes nothing except your own understanding.
"""

import jax, jax.numpy as jnp
import numpy as np

VOCAB = 1000000
EMBED_DIM = 64
NUM_CLASSES = 16
BATCH = 4096
SEQ = 200


def setup_inputs(seed: int = 0) -> dict:
    key = jax.random.key(seed)
    k_ids, k_emb, k_w, k_b = jax.random.split(key, 4)
    input_ids = jax.random.randint(k_ids, (BATCH, SEQ), 0, VOCAB, dtype=jnp.int64 if jax.config.jax_enable_x64 else jnp.int32)
    embedding = jax.random.normal(k_emb, (VOCAB, EMBED_DIM), dtype=jnp.float32)
    # nn.Linear(embed_dim, num_classes): weight [num_classes, embed_dim], bias [num_classes]
    lim = 1.0 / np.sqrt(EMBED_DIM)
    W = jax.random.uniform(k_w, (NUM_CLASSES, EMBED_DIM), minval=-lim, maxval=lim, dtype=jnp.float32)
    b = jax.random.uniform(k_b, (NUM_CLASSES,), minval=-lim, maxval=lim, dtype=jnp.float32)
    return {"input_ids": input_ids, "embedding": embedding, "W": W, "b": b}


def reference(input_ids, embedding, W, b):
    # embedded = self.embedding(input_ids)  -> gather
    embedded = jnp.take(embedding, input_ids, axis=0)  # [B, S, D]
    # pooled = embedded.mean(dim=1)
    pooled = jnp.mean(embedded, axis=1)  # [B, D]
    # logits = self.linear(pooled)
    logits = pooled @ W.T + b  # [B, num_classes]
    return logits

if __name__ == "__main__":
    import jax
    _d = setup_inputs()
    print(jax.jit(kernel)(*tuple(_d.values())))

</pallas_src>

<mosaic_0001>
#map = affine_map<(d0, d1) -> (0)>
#map1 = affine_map<(d0, d1) -> (0, 0)>
module attributes {stable_mosaic.version = 14 : i64} {
  func.func @_sc_pool(%arg0: i32, %arg1: i32, %arg2: memref<819200xi32, #tpu.memory_space<hbm>>, %arg3: memref<1048576x16xf32, #tpu.memory_space<hbm>>, %arg4: memref<16xf32, #tpu.memory_space<hbm>>, %arg5: memref<4096x16xf32, #tpu.memory_space<hbm>>, %arg6: memref<25600xi32, #tpu.memory_space<vmem>>, %arg7: memref<104x16xf32, #tpu.memory_space<vmem>>, %arg8: memref<104x16xf32, #tpu.memory_space<vmem>>, %arg9: memref<104x16xf32, #tpu.memory_space<vmem>>, %arg10: memref<104x16xf32, #tpu.memory_space<vmem>>, %arg11: memref<96x16xf32, #tpu.memory_space<vmem>>, %arg12: memref<96x16xf32, #tpu.memory_space<vmem>>, %arg13: memref<96x16xf32, #tpu.memory_space<vmem>>, %arg14: memref<96x16xf32, #tpu.memory_space<vmem>>, %arg15: memref<16xf32, #tpu.memory_space<vmem>>, %arg16: memref<128x16xf32, #tpu.memory_space<vmem>>, %arg17: memref<!tpu.dma_semaphore, #tpu.memory_space<semaphore_mem>>, %arg18: memref<!tpu.dma_semaphore, #tpu.memory_space<semaphore_mem>>, %arg19: memref<!tpu.dma_semaphore, #tpu.memory_space<semaphore_mem>>, %arg20: memref<!tpu.dma_semaphore, #tpu.memory_space<semaphore_mem>>, %arg21: memref<!tpu.dma_semaphore, #tpu.memory_space<semaphore_mem>>, %arg22: memref<!tpu.dma_semaphore, #tpu.memory_space<semaphore_mem>>, %arg23: memref<!tpu.dma_semaphore, #tpu.memory_space<semaphore_mem>>, %arg24: memref<!tpu.dma_semaphore, #tpu.memory_space<semaphore_mem>>) attributes {dimension_semantics = [#tpu.dimension_semantics<core_parallel>, #tpu.dimension_semantics<subcore_parallel>], iteration_bounds = array<i64: 2, 16>, scalar_prefetch = 0 : i64, scratch_operands = 19 : i64, tpu.core_type = #tpu.core_type<sc_vector_subcore>, window_params = [{transform_indices = #map}, {transform_indices = #map1}, {transform_indices = #map}, {transform_indices = #map1}]} {
    %mul3A = arith.constant 2 : i32
    %mul3A_0 = arith.muli %arg1, %mul3A : i32
    %add3A = arith.addi %mul3A_0, %arg0 : i32
    %mul3A_1 = arith.constant 128 : i32
    %mul3A_2 = arith.muli %add3A, %mul3A_1 : i32
    %mul3A_3 = arith.constant 200 : i32
    %mul3A_4 = arith.muli %mul3A_2, %mul3A_3 : i32
    "tpu.region"() ({
      %run_scoped3A = tpu.sem_alloc : memref<!tpu.dma_semaphore, #tpu.memory_space<semaphore_mem>>
      %dma_start3A_66 = tpu.memref_slice %arg2[%mul3A_4] : memref<819200xi32, #tpu.memory_space<hbm>> -> memref<25600xi32, #tpu.memory_space<hbm>>
      %dma_start3A_67 = tpu.memref_slice %arg2[%mul3A_4] : memref<819200xi32, #tpu.memory_space<hbm>> -> memref<25600xi32, #tpu.memory_space<hbm>>
      tpu.enqueue_dma source(%dma_start3A_67 : memref<25600xi32, #tpu.memory_space<hbm>>) target(%arg6 : memref<25600xi32, #tpu.memory_space<vmem>>) target_semaphore(%run_scoped3A : memref<!tpu.dma_semaphore, #tpu.memory_space<semaphore_mem>>)
      %dma_wait3A = tpu.memref_slice %arg2[%mul3A_4] : memref<819200xi32, #tpu.memory_space<hbm>> -> memref<25600xi32, #tpu.memory_space<hbm>>
      %dma_wait3A_68 = tpu.memref_slice %arg2[%mul3A_4] : memref<819200xi32, #tpu.memory_space<hbm>> -> memref<25600xi32, #tpu.memory_space<hbm>>
      tpu.wait_dma2 semaphore(%run_scoped3A : memref<!tpu.dma_semaphore, #tpu.memory_space<semaphore_mem>>) src(%dma_wait3A_68 : memref<25600xi32, #tpu.memory_space<hbm>>) dst(%arg6 : memref<25600xi32, #tpu.memory_space<vmem>>)
      tpu.yield
    }) : () -> ()
    "tpu.region"() ({
      %run_scoped3A = tpu.sem_alloc : memref<!tpu.dma_semaphore, #tpu.memory_space<semaphore_mem>>
      tpu.enqueue_dma source(%arg4 : memref<16xf32, #tpu.memory_space<hbm>>) target(%arg15 : memref<16xf32, #tpu.memory_space<vmem>>) target_semaphore(%run_scoped3A : memref<!tpu.dma_semaphore, #tpu.memory_space<semaphore_mem>>)
      tpu.wait_dma2 semaphore(%run_scoped3A : memref<!tpu.dma_semaphore, #tpu.memory_space<semaphore_mem>>) src(%arg4 : memref<16xf32, #tpu.memory_space<hbm>>) dst(%arg15 : memref<16xf32, #tpu.memory_space<vmem>>)
      tpu.yield
    }) : () -> ()
    %scan3A = arith.constant 0 : i32
    %scan3A_5 = arith.constant 0 : i32
    %scan3A_6 = arith.constant 400 : i32
    %scan3A_7 = arith.addi %scan3A_5, %scan3A_6 : i32
    %scan3A_8 = arith.constant 1 : i32
    scf.for %scan3A_66 = %scan3A_5 to %scan3A_7 step %scan3A_8  : i32 {
      %mul3A_67 = arith.constant 4 : i32
      %mul3A_68 = arith.muli %scan3A_66, %mul3A_67 : i32
      %add3A_69 = arith.constant 0 : i32
      %add3A_70 = arith.addi %mul3A_68, %add3A_69 : i32
      %mul3A_71 = arith.constant 16 : i32
      %mul3A_72 = arith.muli %add3A_70, %mul3A_71 : i32
      %get3A_73 = arith.index_cast %mul3A_72 : i32 to index
      %get3A_74 = tpu.vector_load %arg6[%get3A_73] {strides = array<i32>} : memref<25600xi32, #tpu.memory_space<vmem>>, vector<16xi32>,
      %get3A_75 = vector.shape_cast %get3A_74 : vector<16xi32> to vector<16xi32>
      %and3A = arith.constant 131071 : i32
      %and3A_76 = vector.broadcast %and3A : i32 to vector<16xi32>
      %and3A_77 = arith.andi %get3A_75, %and3A_76 : vector<16xi32>
      %shift_left3A = arith.constant 3 : i32
      %shift_left3A_78 = vector.broadcast %shift_left3A : i32 to vector<16xi32>
      %shift_left3A_79 = arith.shli %and3A_77, %shift_left3A_78 : vector<16xi32>
      %shift_right_arithmetic3A = arith.constant 17 : i32
      %shift_right_arithmetic3A_80 = vector.broadcast %shift_right_arithmetic3A : i32 to vector<16xi32>
      %shift_right_arithmetic3A_81 = arith.shrsi %get3A_75, %shift_right_arithmetic3A_80 : vector<16xi32>
      %or3A = arith.ori %shift_left3A_79, %shift_right_arithmetic3A_81 : vector<16xi32>
      %swap3A = arith.index_cast %mul3A_72 : i32 to index
      %swap3A_82 = tpu.vector_load %arg6[%swap3A] {strides = array<i32>} : memref<25600xi32, #tpu.memory_space<vmem>>, vector<16xi32>,
      %swap3A_83 = vector.shape_cast %swap3A_82 : vector<16xi32> to vector<16xi32>
      %swap3A_84 = vector.shape_cast %or3A : vector<16xi32> to vector<16xi32>
      tpu.vector_store %arg6[%swap3A], %swap3A_84 {strides = array<i32>} : memref<25600xi32, #tpu.memory_space<vmem>>, vector<16xi32>,
      %mul3A_85 = arith.constant 4 : i32
      %mul3A_86 = arith.muli %scan3A_66, %mul3A_85 : i32
      %add3A_87 = arith.constant 1 : i32
      %add3A_88 = arith.addi %mul3A_86, %add3A_87 : i32
      %mul3A_89 = arith.constant 16 : i32
      %mul3A_90 = arith.muli %add3A_88, %mul3A_89 : i32
      %get3A_91 = arith.index_cast %mul3A_90 : i32 to index
      %get3A_92 = tpu.vector_load %arg6[%get3A_91] {strides = array<i32>} : memref<25600xi32, #tpu.memory_space<vmem>>, vector<16xi32>,
      %get3A_93 = vector.shape_cast %get3A_92 : vector<16xi32> to vector<16xi32>
      %and3A_94 = arith.constant 131071 : i32
      %and3A_95 = vector.broadcast %and3A_94 : i32 to vector<16xi32>
      %and3A_96 = arith.andi %get3A_93, %and3A_95 : vector<16xi32>
      %shift_left3A_97 = arith.constant 3 : i32
      %shift_left3A_98 = vector.broadcast %shift_left3A_97 : i32 to vector<16xi32>
      %shift_left3A_99 = arith.shli %and3A_96, %shift_left3A_98 : vector<16xi32>
      %shift_right_arithmetic3A_100 = arith.constant 17 : i32
      %shift_right_arithmetic3A_101 = vector.broadcast %shift_right_arithmetic3A_100 : i32 to vector<16xi32>
      %shift_right_arithmetic3A_102 = arith.shrsi %get3A_93, %shift_right_arithmetic3A_101 : vector<16xi32>
      %or3A_103 = arith.ori %shift_left3A_99, %shift_right_arithmetic3A_102 : vector<16xi32>
      %swap3A_104 = arith.index_cast %mul3A_90 : i32 to index
      %swap3A_105 = tpu.vector_load %arg6[%swap3A_104] {strides = array<i32>} : memref<25600xi32, #tpu.memory_space<vmem>>, vector<16xi32>,
      %swap3A_106 = vector.shape_cast %swap3A_105 : vector<16xi32> to vector<16xi32>
      %swap3A_107 = vector.shape_cast %or3A_103 : vector<16xi32> to vector<16xi32>
      tpu.vector_store %arg6[%swap3A_104], %swap3A_107 {strides = array<i32>} : memref<25600xi32, #tpu.memory_space<vmem>>, vector<16xi32>,
      %mul3A_108 = arith.constant 4 : i32
      %mul3A_109 = arith.muli %scan3A_66, %mul3A_108 : i32
      %add3A_110 = arith.constant 2 : i32
      %add3A_111 = arith.addi %mul3A_109, %add3A_110 : i32
      %mul3A_112 = arith.constant 16 : i32
      %mul3A_113 = arith.muli %add3A_111, %mul3A_112 : i32
      %get3A_114 = arith.index_cast %mul3A_113 : i32 to index
      %get3A_115 = tpu.vector_load %arg6[%get3A_114] {strides = array<i32>} : memref<25600xi32, #tpu.memory_space<vmem>>, vector<16xi32>,
      %get3A_116 = vector.shape_cast %get3A_115 : vector<16xi32> to vector<16xi32>
      %and3A_117 = arith.constant 131071 : i32
      %and3A_118 = vector.broadcast %and3A_117 : i32 to vector<16xi32>
      %and3A_119 = arith.andi %get3A_116, %and3A_118 : vector<16xi32>
      %shift_left3A_120 = arith.constant 3 : i32
      %shift_left3A_121 = vector.broadcast %shift_left3A_120 : i32 to vector<16xi32>
      %shift_left3A_122 = arith.shli %and3A_119, %shift_left3A_121 : vector<16xi32>
      %shift_right_arithmetic3A_123 = arith.constant 17 : i32
      %shift_right_arithmetic3A_124 = vector.broadcast %shift_right_arithmetic3A_123 : i32 to vector<16xi32>
      %shift_right_arithmetic3A_125 = arith.shrsi %get3A_116, %shift_right_arithmetic3A_124 : vector<16xi32>
      %or3A_126 = arith.ori %shift_left3A_122, %shift_right_arithmetic3A_125 : vector<16xi32>
      %swap3A_127 = arith.index_cast %mul3A_113 : i32 to index
      %swap3A_128 = tpu.vector_load %arg6[%swap3A_127] {strides = array<i32>} : memref<25600xi32, #tpu.memory_space<vmem>>, vector<16xi32>,
      %swap3A_129 = vector.shape_cast %swap3A_128 : vector<16xi32> to vector<16xi32>
      %swap3A_130 = vector.shape_cast %or3A_126 : vector<16xi32> to vector<16xi32>
      tpu.vector_store %arg6[%swap3A_127], %swap3A_130 {strides = array<i32>} : memref<25600xi32, #tpu.memory_space<vmem>>, vector<16xi32>,
      %mul3A_131 = arith.constant 4 : i32
      %mul3A_132 = arith.muli %scan3A_66, %mul3A_131 : i32
      %add3A_133 = arith.constant 3 : i32
      %add3A_134 = arith.addi %mul3A_132, %add3A_133 : i32
      %mul3A_135 = arith.constant 16 : i32
      %mul3A_136 = arith.muli %add3A_134, %mul3A_135 : i32
      %get3A_137 = arith.index_cast %mul3A_136 : i32 to index
      %get3A_138 = tpu.vector_load %arg6[%get3A_137] {strides = array<i32>} : memref<25600xi32, #tpu.memory_space<vmem>>, vector<16xi32>,
      %get3A_139 = vector.shape_cast %get3A_138 : vector<16xi32> to vector<16xi32>
      %and3A_140 = arith.constant 131071 : i32
      %and3A_141 = vector.broadcast %and3A_140 : i32 to vector<16xi32>
      %and3A_142 = arith.andi %get3A_139, %and3A_141 : vector<16xi32>
      %shift_left3A_143 = arith.constant 3 : i32
      %shift_left3A_144 = vector.broadcast %shift_left3A_143 : i32 to vector<16xi32>
      %shift_left3A_145 = arith.shli %and3A_142, %shift_left3A_144 : vector<16xi32>
      %shift_right_arithmetic3A_146 = arith.constant 17 : i32
      %shift_right_arithmetic3A_147 = vector.broadcast %shift_right_arithmetic3A_146 : i32 to vector<16xi32>
      %shift_right_arithmetic3A_148 = arith.shrsi %get3A_139, %shift_right_arithmetic3A_147 : vector<16xi32>
      %or3A_149 = arith.ori %shift_left3A_145, %shift_right_arithmetic3A_148 : vector<16xi32>
      %swap3A_150 = arith.index_cast %mul3A_136 : i32 to index
      %swap3A_151 = tpu.vector_load %arg6[%swap3A_150] {strides = array<i32>} : memref<25600xi32, #tpu.memory_space<vmem>>, vector<16xi32>,
      %swap3A_152 = vector.shape_cast %swap3A_151 : vector<16xi32> to vector<16xi32>
      %swap3A_153 = vector.shape_cast %or3A_149 : vector<16xi32> to vector<16xi32>
      tpu.vector_store %arg6[%swap3A_150], %swap3A_153 {strides = array<i32>} : memref<25600xi32, #tpu.memory_space<vmem>>, vector<16xi32>,
    }
    %scan3A_9 = arith.constant 400 : i32
    %multiple_of3A = arith.constant 0 : i32
    %multiple_of3A_10 = tpu.assume_multiple %multiple_of3A, 8 : i32
    %dma_start3A = tpu.memref_slice %arg6[%multiple_of3A_10] : memref<25600xi32, #tpu.memory_space<vmem>> -> memref<104xi32, #tpu.memory_space<vmem>>
    %dma_start3A_11 = arith.constant 0 : i32
    %dma_start3A_12 = arith.constant 0 : i32
    %dma_start3A_13 = tpu.memref_slice %arg3[%dma_start3A_11, %dma_start3A_12] : memref<1048576x16xf32, #tpu.memory_space<hbm>> -> memref<1048576x16xf32, #tpu.memory_space<hbm>>
    tpu.enqueue_indirect_dma source(%dma_start3A_13 : memref<1048576x16xf32, #tpu.memory_space<hbm>>) target(%arg7 : memref<104x16xf32, #tpu.memory_space<vmem>>) offsets(%dma_start3A : memref<104xi32, #tpu.memory_space<vmem>>) semaphore(%arg17 : memref<!tpu.dma_semaphore, #tpu.memory_space<semaphore_mem>>)
    %multiple_of3A_14 = arith.constant 104 : i32
    %multiple_of3A_15 = tpu.assume_multiple %multiple_of3A_14, 8 : i32
    %dma_start3A_16 = tpu.memref_slice %arg6[%multiple_of3A_15] : memref<25600xi32, #tpu.memory_space<vmem>> -> memref<96xi32, #tpu.memory_space<vmem>>
    %dma_start3A_17 = arith.constant 0 : i32
    %dma_start3A_18 = arith.constant 0 : i32
    %dma_start3A_19 = tpu.memref_slice %arg3[%dma_start3A_17, %dma_start3A_18] : memref<1048576x16xf32, #tpu.memory_space<hbm>> -> memref<1048576x16xf32, #tpu.memory_space<hbm>>
    tpu.enqueue_indirect_dma source(%dma_start3A_19 : memref<1048576x16xf32, #tpu.memory_space<hbm>>) target(%arg11 : memref<96x16xf32, #tpu.memory_space<vmem>>) offsets(%dma_start3A_16 : memref<96xi32, #tpu.memory_space<vmem>>) semaphore(%arg21 : memref<!tpu.dma_semaphore, #tpu.memory_space<semaphore_mem>>)
    %multiple_of3A_20 = arith.constant 200 : i32
    %multiple_of3A_21 = tpu.assume_multiple %multiple_of3A_20, 8 : i32
    %dma_start3A_22 = tpu.memref_slice %arg6[%multiple_of3A_21] : memref<25600xi32, #tpu.memory_space<vmem>> -> memref<104xi32, #tpu.memory_space<vmem>>
    %dma_start3A_23 = arith.constant 0 : i32
    %dma_start3A_24 = arith.constant 0 : i32
    %dma_start3A_25 = tpu.memref_slice %arg3[%dma_start3A_23, %dma_start3A_24] : memref<1048576x16xf32, #tpu.memory_space<hbm>> -> memref<1048576x16xf32, #tpu.memory_space<hbm>>
    tpu.enqueue_indirect_dma source(%dma_start3A_25 : memref<1048576x16xf32, #tpu.memory_space<hbm>>) target(%arg8 : memref<104x16xf32, #tpu.memory_space<vmem>>) offsets(%dma_start3A_22 : memref<104xi32, #tpu.memory_space<vmem>>) semaphore(%arg18 : memref<!tpu.dma_semaphore, #tpu.memory_space<semaphore_mem>>)
    %multiple_of3A_26 = arith.constant 304 : i32
    %multiple_of3A_27 = tpu.assume_multiple %multiple_of3A_26, 8 : i32
    %dma_start3A_28 = tpu.memref_slice %arg6[%multiple_of3A_27] : memref<25600xi32, #tpu.memory_space<vmem>> -> memref<96xi32, #tpu.memory_space<vmem>>
    %dma_start3A_29 = arith.constant 0 : i32
    %dma_start3A_30 = arith.constant 0 : i32
    %dma_start3A_31 = tpu.memref_slice %arg3[%dma_start3A_29, %dma_start3A_30] : memref<1048576x16xf32, #tpu.memory_space<hbm>> -> memref<1048576x16xf32, #tpu.memory_space<hbm>>
    tpu.enqueue_indirect_dma source(%dma_start3A_31 : memref<1048576x16xf32, #tpu.memory_space<hbm>>) target(%arg12 : memref<96x16xf32, #tpu.memory_space<vmem>>) offsets(%dma_start3A_28 : memref<96xi32, #tpu.memory_space<vmem>>) semaphore(%arg22 : memref<!tpu.dma_semaphore, #tpu.memory_space<semaphore_mem>>)
    %multiple_of3A_32 = arith.constant 400 : i32
    %multiple_of3A_33 = tpu.assume_multiple %multiple_of3A_32, 8 : i32
    %dma_start3A_34 = tpu.memref_slice %arg6[%multiple_of3A_33] : memref<25600xi32, #tpu.memory_space<vmem>> -> memref<104xi32, #tpu.memory_space<vmem>>
    %dma_start3A_35 = arith.constant 0 : i32
    %dma_start3A_36 = arith.constant 0 : i32
    %dma_start3A_37 = tpu.memref_slice %arg3[%dma_start3A_35, %dma_start3A_36] : memref<1048576x16xf32, #tpu.memory_space<hbm>> -> memref<1048576x16xf32, #tpu.memory_space<hbm>>
    tpu.enqueue_indirect_dma source(%dma_start3A_37 : memref<1048576x16xf32, #tpu.memory_space<hbm>>) target(%arg9 : memref<104x16xf32, #tpu.memory_space<vmem>>) offsets(%dma_start3A_34 : memref<104xi32, #tpu.memory_space<vmem>>) semaphore(%arg19 : memref<!tpu.dma_semaphore, #tpu.memory_space<semaphore_mem>>)
    %multiple_of3A_38 = arith.constant 504 : i32
    %multiple_of3A_39 = tpu.assume_multiple %multiple_of3A_38, 8 : i32
    %dma_start3A_40 = tpu.memref_slice %arg6[%multiple_of3A_39] : memref<25600xi32, #tpu.memory_space<vmem>> -> memref<96xi32, #tpu.memory_space<vmem>>
    %dma_start3A_41 = arith.constant 0 : i32
    %dma_start3A_42 = arith.constant 0 : i32
    %dma_start3A_43 = tpu.memref_slice %arg3[%dma_start3A_41, %dma_start3A_42] : memref<1048576x16xf32, #tpu.memory_space<hbm>> -> memref<1048576x16xf32, #tpu.memory_space<hbm>>
    tpu.enqueue_indirect_dma source(%dma_start3A_43 : memref<1048576x16xf32, #tpu.memory_space<hbm>>) target(%arg13 : memref<96x16xf32, #tpu.memory_space<vmem>>) offsets(%dma_start3A_40 : memref<96xi32, #tpu.memory_space<vmem>>) semaphore(%arg23 : memref<!tpu.dma_semaphore, #tpu.memory_space<semaphore_mem>>)
    %multiple_of3A_44 = arith.constant 600 : i32
    %multiple_of3A_45 = tpu.assume_multiple %multiple_of3A_44, 8 : i32
    %dma_start3A_46 = tpu.memref_slice %arg6[%multiple_of3A_45] : memref<25600xi32, #tpu.memory_space<vmem>> -> memref<104xi32, #tpu.memory_space<vmem>>
    %dma_start3A_47 = arith.constant 0 : i32
    %dma_start3A_48 = arith.constant 0 : i32
    %dma_start3A_49 = tpu.memref_slice %arg3[%dma_start3A_47, %dma_start3A_48] : memref<1048576x16xf32, #tpu.memory_space<hbm>> -> memref<1048576x16xf32, #tpu.memory_space<hbm>>
    tpu.enqueue_indirect_dma source(%dma_start3A_49 : memref<1048576x16xf32, #tpu.memory_space<hbm>>) target(%arg10 : memref<104x16xf32, #tpu.memory_space<vmem>>) offsets(%dma_start3A_46 : memref<104xi32, #tpu.memory_space<vmem>>) semaphore(%arg20 : memref<!tpu.dma_semaphore, #tpu.memory_space<semaphore_mem>>)
    %multiple_of3A_50 = arith.constant 704 : i32
    %multiple_of3A_51 = tpu.assume_multiple %multiple_of3A_50, 8 : i32
    %dma_start3A_52 = tpu.memref_slice %arg6[%multiple_of3A_51] : memref<25600xi32, #tpu.memory_space<vmem>> -> memref<96xi32, #tpu.memory_space<vmem>>
    %dma_start3A_53 = arith.constant 0 : i32
    %dma_start3A_54 = arith.constant 0 : i32
    %dma_start3A_55 = tpu.memref_slice %arg3[%dma_start3A_53, %dma_start3A_54] : memref<1048576x16xf32, #tpu.memory_space<hbm>> -> memref<1048576x16xf32, #tpu.memory_space<hbm>>
    tpu.enqueue_indirect_dma source(%dma_start3A_55 : memref<1048576x16xf32, #tpu.memory_space<hbm>>) target(%arg14 : memref<96x16xf32, #tpu.memory_space<vmem>>) offsets(%dma_start3A_52 : memref<96xi32, #tpu.memory_space<vmem>>) semaphore(%arg24 : memref<!tpu.dma_semaphore, #tpu.memory_space<semaphore_mem>>)
    %get3A = arith.constant 0 : index
    %get3A_56 = tpu.vector_load %arg15[%get3A] {strides = array<i32>} : memref<16xf32, #tpu.memory_space<vmem>>, vector<16xf32>,
    %get3A_57 = vector.shape_cast %get3A_56 : vector<16xf32> to vector<16xf32>
    %broadcast_in_dim3A = arith.constant 0.000000e+00 : f32
    %broadcast_in_dim3A_58 = vector.broadcast %broadcast_in_dim3A : f32 to vector<16xf32>
    %scan3A_59 = arith.constant 0 : i32
    %scan3A_60 = arith.constant 5.000000e-03 : f32
    %scan3A_61 = arith.constant 0 : i32
    %scan3A_62 = arith.constant 32 : i32
    %scan3A_63 = arith.addi %scan3A_61, %scan3A_62 : i32
    %scan3A_64 = arith.constant 1 : i32
    scf.for %scan3A_66 = %scan3A_61 to %scan3A_63 step %scan3A_64  : i32 {
      %mul3A_67 = arith.constant 4 : i32
      %mul3A_68 = arith.muli %scan3A_66, %mul3A_67 : i32
      %add3A_69 = arith.constant 0 : i32
      %add3A_70 = arith.addi %mul3A_68, %add3A_69 : i32
      %dma_wait3A = arith.constant 0 : i32
      %dma_wait3A_71 = tpu.memref_slice %arg6[%dma_wait3A] : memref<25600xi32, #tpu.memory_space<vmem>> -> memref<104xi32, #tpu.memory_space<vmem>>
      %dma_wait3A_72 = arith.constant 0 : i32
      %dma_wait3A_73 = arith.constant 0 : i32
      %dma_wait3A_74 = tpu.memref_slice %arg3[%dma_wait3A_72, %dma_wait3A_73] : memref<1048576x16xf32, #tpu.memory_space<hbm>> -> memref<1048576x16xf32, #tpu.memory_space<hbm>>
      tpu.wait_indirect_dma semaphore(%arg17 : memref<!tpu.dma_semaphore, #tpu.memory_space<semaphore_mem>>) src(%dma_wait3A_74 : memref<1048576x16xf32, #tpu.memory_space<hbm>>) dst(%arg7 : memref<104x16xf32, #tpu.memory_space<vmem>>)
      %dma_wait3A_75 = arith.constant 0 : i32
      %dma_wait3A_76 = tpu.memref_slice %arg6[%dma_wait3A_75] : memref<25600xi32, #tpu.memory_space<vmem>> -> memref<96xi32, #tpu.memory_space<vmem>>
      %dma_wait3A_77 = arith.constant 0 : i32
      %dma_wait3A_78 = arith.constant 0 : i32
      %dma_wait3A_79 = tpu.memref_slice %arg3[%dma_wait3A_77, %dma_wait3A_78] : memref<1048576x16xf32, #tpu.memory_space<hbm>> -> memref<1048576x16xf32, #tpu.memory_space<hbm>>
      tpu.wait_indirect_dma semaphore(%arg21 : memref<!tpu.dma_semaphore, #tpu.memory_space<semaphore_mem>>) src(%dma_wait3A_79 : memref<1048576x16xf32, #tpu.memory_space<hbm>>) dst(%arg11 : memref<96x16xf32, #tpu.memory_space<vmem>>)
      %get3A_80 = arith.constant 0 : i32
      %get3A_81 = arith.index_cast %get3A_80 : i32 to index
      %get3A_82 = arith.constant 0 : index
      %get3A_83 = tpu.vector_load %arg7[%get3A_81, %get3A_82] {strides = array<i32>} : memref<104x16xf32, #tpu.memory_space<vmem>>, vector<1x16xf32>,
      %get3A_84 = vector.shape_cast %get3A_83 : vector<1x16xf32> to vector<16xf32>
      %add3A_85 = arith.addf %broadcast_in_dim3A_58, %get3A_84 : vector<16xf32>
      %get3A_86 = arith.constant 1 : i32
      %get3A_87 = arith.index_cast %get3A_86 : i32 to index
      %get3A_88 = arith.constant 0 : index
      %get3A_89 = tpu.vector_load %arg7[%get3A_87, %get3A_88] {strides = array<i32>} : memref<104x16xf32, #tpu.memory_space<vmem>>, vector<1x16xf32>,
      %get3A_90 = vector.shape_cast %get3A_89 : vector<1x16xf32> to vector<16xf32>
      %add3A_91 = arith.addf %broadcast_in_dim3A_58, %get3A_90 : vector<16xf32>
      %get3A_92 = arith.constant 2 : i32
      %get3A_93 = arith.index_cast %get3A_92 : i32 to index
      %get3A_94 = arith.constant 0 : index
      %get3A_95 = tpu.vector_load %arg7[%get3A_93, %get3A_94] {strides = array<i32>} : memref<104x16xf32, #tpu.memory_space<vmem>>, vector<1x16xf32>,
      %get3A_96 = vector.shape_cast %get3A_95 : vector<1x16xf32> to vector<16xf32>
      %add3A_97 = arith.addf %broadcast_in_dim3A_58, %get3A_96 : vector<16xf32>
      %get3A_98 = arith.constant 3 : i32
      %get3A_99 = arith.index_cast %get3A_98 : i32 to index
      %get3A_100 = arith.constant 0 : index
      %get3A_101 = tpu.vector_load %arg7[%get3A_99, %get3A_100] {strides = array<i32>} : memref<104x16xf32, #tpu.memory_space<vmem>>, vector<1x16xf32>,
      %get3A_102 = vector.shape_cast %get3A_101 : vector<1x16xf32> to vector<16xf32>
      %add3A_103 = arith.addf %broadcast_in_dim3A_58, %get3A_102 : vector<16xf32>
      %get3A_104 = arith.constant 4 : i32
      %get3A_105 = arith.index_cast %get3A_104 : i32 to index
      %get3A_106 = arith.constant 0 : index
      %get3A_107 = tpu.vector_load %arg7[%get3A_105, %get3A_106] {strides = array<i32>} : memref<104x16xf32, #tpu.memory_space<vmem>>, vector<1x16xf32>,
      %get3A_108 = vector.shape_cast %get3A_107 : vector<1x16xf32> to vector<16xf32>
      %add3A_109 = arith.addf %add3A_85, %get3A_108 : vector<16xf32>
      %get3A_110 = arith.constant 5 : i32
      %get3A_111 = arith.index_cast %get3A_110 : i32 to index
      %get3A_112 = arith.constant 0 : index
      %get3A_113 = tpu.vector_load %arg7[%get3A_111, %get3A_112] {strides = array<i32>} : memref<104x16xf32, #tpu.memory_space<vmem>>, vector<1x16xf32>,
      %get3A_114 = vector.shape_cast %get3A_113 : vector<1x16xf32> to vector<16xf32>
      %add3A_115 = arith.addf %add3A_91, %get3A_114 : vector<16xf32>
      %get3A_116 = arith.constant 6 : i32
      %get3A_117 = arith.index_cast %get3A_116 : i32 to index
      %get3A_118 = arith.constant 0 : index
      %get3A_119 = tpu.vector_load %arg7[%get3A_117, %get3A_118] {strides = array<i32>} : memref<104x16xf32, #tpu.memory_space<vmem>>, vector<1x16xf32>,
      %get3A_120 = vector.shape_cast %get3A_119 : vector<1x16xf32> to vector<16xf32>
      %add3A_121 = arith.addf %add3A_97, %get3A_120 : vector<16xf32>
      %get3A_122 = arith.constant 7 : i32
      %get3A_123 = arith.index_cast %get3A_122 : i32 to index
      %get3A_124 = arith.constant 0 : index
      %get3A_125 = tpu.vector_load %arg7[%get3A_123, %get3A_124] {strides = array<i32>} : memref<104x16xf32, #tpu.memory_space<vmem>>, vector<1x16xf32>,
      %get3A_126 = vector.shape_cast %get3A_125 : vector<1x16xf32> to vector<16xf32>
      %add3A_127 = arith.addf %add3A_103, %get3A_126 : vector<16xf32>
      %get3A_128 = arith.constant 8 : i32
      %get3A_129 = arith.index_cast %get3A_128 : i32 to index
      %get3A_130 = arith.constant 0 : index
      %get3A_131 = tpu.vector_load %arg7[%get3A_129, %get3A_130] {strides = array<i32>} : memref<104x16xf32, #tpu.memory_space<vmem>>, vector<1x16xf32>,
      %get3A_132 = vector.shape_cast %get3A_131 : vector<1x16xf32> to vector<16xf32>
      %add3A_133 = arith.addf %add3A_109, %get3A_132 : vector<16xf32>
      %get3A_134 = arith.constant 9 : i32
      %get3A_135 = arith.index_cast %get3A_134 : i32 to index
      %get3A_136 = arith.constant 0 : index
      %get3A_137 = tpu.vector_load %arg7[%get3A_135, %get3A_136] {strides = array<i32>} : memref<104x16xf32, #tpu.memory_space<vmem>>, vector<1x16xf32>,
      %get3A_138 = vector.shape_cast %get3A_137 : vector<1x16xf32> to vector<16xf32>
      %add3A_139 = arith.addf %add3A_115, %get3A_138 : vector<16xf32>
      %get3A_140 = arith.constant 10 : i32
      %get3A_141 = arith.index_cast %get3A_140 : i32 to index
      %get3A_142 = arith.constant 0 : index
      %get3A_143 = tpu.vector_load %arg7[%get3A_141, %get3A_142] {strides = array<i32>} : memref<104x16xf32, #tpu.memory_space<vmem>>, vector<1x16xf32>,
      %get3A_144 = vector.shape_cast %get3A_143 : vector<1x16xf32> to vector<16xf32>
      %add3A_145 = arith.addf %add3A_121, %get3A_144 : vector<16xf32>
      %get3A_146 = arith.constant 11 : i32
      %get3A_147 = arith.index_cast %get3A_146 : i32 to index
      %get3A_148 = arith.constant 0 : index
      %get3A_149 = tpu.vector_load %arg7[%get3A_147, %get3A_148] {strides = array<i32>} : memref<104x16xf32, #tpu.memory_space<vmem>>, vector<1x16xf32>,
      %get3A_150 = vector.shape_cast %get3A_149 : vector<1x16xf32> to vector<16xf32>
      %add3A_151 = arith.addf %add3A_127, %get3A_150 : vector<16xf32>
      %get3A_152 = arith.constant 12 : i32
      %get3A_153 = arith.index_cast %get3A_152 : i32 to index
      %get3A_154 = arith.constant 0 : index
      %get3A_155 = tpu.vector_load %arg7[%get3A_153, %get3A_154] {strides = array<i32>} : memref<104x16xf32, #tpu.memory_space<vmem>>, vector<1x16xf32>,
      %get3A_156 = vector.shape_cast %get3A_155 : vector<1x16xf32> to vector<16xf32>
      %add3A_157 = arith.addf %add3A_133, %get3A_156 : vector<16xf32>
      %get3A_158 = arith.constant 13 : i32
      %get3A_159 = arith.index_cast %get3A_158 : i32 to index
      %get3A_160 = arith.constant 0 : index
      %get3A_161 = tpu.vector_load %arg7[%get3A_159, %get3A_160] {strides = array<i32>} : memref<104x16xf32, #tpu.memory_space<vmem>>, vector<1x16xf32>,
      %get3A_162 = vector.shape_cast %get3A_161 : vector<1x16xf32> to vector<16xf32>
      %add3A_163 = arith.addf %add3A_139, %get3A_162 : vector<16xf32>
      %get3A_164 = arith.constant 14 : i32
      %get3A_165 = arith.index_cast %get3A_164 : i32 to index
      %get3A_166 = arith.constant 0 : index
      %get3A_167 = tpu.vector_load %arg7[%get3A_165, %get3A_166] {strides = array<i32>} : memref<104x16xf32, #tpu.memory_space<vmem>>, vector<1x16xf32>,
      %get3A_168 = vector.shape_cast %get3A_167 : vector<1x16xf32> to vector<16xf32>
      %add3A_169 = arith.addf %add3A_145, %get3A_168 : vector<16xf32>
      %get3A_170 = arith.constant 15 : i32
      %get3A_171 = arith.index_cast %get3A_170 : i32 to index
      %get3A_172 = arith.constant 0 : index
      %get3A_173 = tpu.vector_load %arg7[%get3A_171, %get3A_172] {strides = array<i32>} : memref<104x16xf32, #tpu.memory_space<vmem>>, vector<1x16xf32>,
      %get3A_174 = vector.shape_cast %get3A_173 : vector<1x16xf32> to vector<16xf32>
      %add3A_175 = arith.addf %add3A_151, %get3A_174 : vector<16xf32>
      %get3A_176 = arith.constant 16 : i32
      %get3A_177 = arith.index_cast %get3A_176 : i32 to index
      %get3A_178 = arith.constant 0 : index
      %get3A_179 = tpu.vector_load %arg7[%get3A_177, %get3A_178] {strides = array<i32>} : memref<104x16xf32, #tpu.memory_space<vmem>>, vector<1x16xf32>,
      %get3A_180 = vector.shape_cast %get3A_179 : vector<1x16xf32> to vector<16xf32>
      %add3A_181 = arith.addf %add3A_157, %get3A_180 : vector<16xf32>
      %get3A_182 = arith.constant 17 : i32
      %get3A_183 = arith.index_cast %get3A_182 : i32 to index
      %get3A_184 = arith.constant 0 : index
      %get3A_185 = tpu.vector_load %arg7[%get3A_183, %get3A_184] {strides = array<i32>} : memref<104x16xf32, #tpu.memory_space<vmem>>, vector<1x16xf32>,
      %get3A_186 = vector.shape_cast %get3A_185 : vector<1x16xf32> to vector<16xf32>
      %add3A_187 = arith.addf %add3A_163, %get3A_186 : vector<16xf32>
      %get3A_188 = arith.constant 18 : i32
      %get3A_189 = arith.index_cast %get3A_188 : i32 to index
      %get3A_190 = arith.constant 0 : index
      %get3A_191 = tpu.vector_load %arg7[%get3A_189, %get3A_190] {strides = array<i32>} : memref<104x16xf32, #tpu.memory_space<vmem>>, vector<1x16xf32>,
      %get3A_192 = vector.shape_cast %get3A_191 : vector<1x16xf32> to vector<16xf32>
      %add3A_193 = arith.addf %add3A_169, %get3A_192 : vector<16xf32>
      %get3A_194 = arith.constant 19 : i32
      %get3A_195 = arith.index_cast %get3A_194 : i32 to index
      %get3A_196 = arith.constant 0 : index
      %get3A_197 = tpu.vector_load %arg7[%get3A_195, %get3A_196] {strides = array<i32>} : memref<104x16xf32, #tpu.memory_space<vmem>>, vector<1x16xf32>,
      %get3A_198 = vector.shape_cast %get3A_197 : vector<1x16xf32> to vector<16xf32>
      %add3A_199 = arith.addf %add3A_175, %get3A_198 : vector<16xf32>
      %get3A_200 = arith.constant 20 : i32
      %get3A_201 = arith.index_cast %get3A_200 : i32 to index
      %get3A_202 = arith.constant 0 : index
      %get3A_203 = tpu.vector_load %arg7[%get3A_201, %get3A_202] {strides = array<i32>} : memref<104x16xf32, #tpu.memory_space<vmem>>, vector<1x16xf32>,
      %get3A_204 = vector.shape_cast %get3A_203 : vector<1x16xf32> to vector<16xf32>
      %add3A_205 = arith.addf %add3A_181, %get3A_204 : vector<16xf32>
      %get3A_206 = arith.constant 21 : i32
      %get3A_207 = arith.index_cast %get3A_206 : i32 to index
      %get3A_208 = arith.constant 0 : index
      %get3A_209 = tpu.vector_load %arg7[%get3A_207, %get3A_208] {strides = array<i32>} : memref<104x16xf32, #tpu.memory_space<vmem>>, vector<1x16xf32>,
      %get3A_210 = vector.shape_cast %get3A_209 : vector<1x16xf32> to vector<16xf32>
      %add3A_211 = arith.addf %add3A_187, %get3A_210 : vector<16xf32>
      %get3A_212 = arith.constant 22 : i32
      %get3A_213 = arith.index_cast %get3A_212 : i32 to index
      %get3A_214 = arith.constant 0 : index
      %get3A_215 = tpu.vector_load %arg7[%get3A_213, %get3A_214] {strides = array<i32>} : memref<104x16xf32, #tpu.memory_space<vmem>>, vector<1x16xf32>,
      %get3A_216 = vector.shape_cast %get3A_215 : vector<1x16xf32> to vector<16xf32>
      %add3A_217 = arith.addf %add3A_193, %get3A_216 : vector<16xf32>
      %get3A_218 = arith.constant 23 : i32
      %get3A_219 = arith.index_cast %get3A_218 : i32 to index
      %get3A_220 = arith.constant 0 : index
      %get3A_221 = tpu.vector_load %arg7[%get3A_219, %get3A_220] {strides = array<i32>} : memref<104x16xf32, #tpu.memory_space<vmem>>, vector<1x16xf32>,
      %get3A_222 = vector.shape_cast %get3A_221 : vector<1x16xf32> to vector<16xf32>
      %add3A_223 = arith.addf %add3A_199, %get3A_222 : vector<16xf32>
      %get3A_224 = arith.constant 24 : i32
      %get3A_225 = arith.index_cast %get3A_224 : i32 to index
      %get3A_226 = arith.constant 0 : index
      %get3A_227 = tpu.vector_load %arg7[%get3A_225, %get3A_226] {strides = array<i32>} : memref<104x16xf32, #tpu.memory_space<vmem>>, vector<1x16xf32>,
      %get3A_228 = vector.shape_cast %get3A_227 : vector<1x16xf32> to vector<16xf32>
      %add3A_229 = arith.addf %add3A_205, %get3A_228 : vector<16xf32>
      %get3A_230 = arith.constant 25 : i32
      %get3A_231 = arith.index_cast %get3A_230 : i32 to index
      %get3A_232 = arith.constant 0 : index
      %get3A_233 = tpu.vector_load %arg7[%get3A_231, %get3A_232] {strides = array<i32>} : memref<104x16xf32, #tpu.memory_space<vmem>>, vector<1x16xf32>,
      %get3A_234 = vector.shape_cast %get3A_233 : vector<1x16xf32> to vector<16xf32>
      %add3A_235 = arith.addf %add3A_211, %get3A_234 : vector<16xf32>
      %get3A_236 = arith.constant 26 : i32
      %get3A_237 = arith.index_cast %get3A_236 : i32 to index
      %get3A_238 = arith.constant 0 : index
      %get3A_239 = tpu.vector_load %arg7[%get3A_237, %get3A_238] {strides = array<i32>} : memref<104x16xf32, #tpu.memory_space<vmem>>, vector<1x16xf32>,
      %get3A_240 = vector.shape_cast %get3A_239 : vector<1x16xf32> to vector<16xf32>
      %add3A_241 = arith.addf %add3A_217, %get3A_240 : vector<16xf32>
      %get3A_242 = arith.constant 27 : i32
      %get3A_243 = arith.index_cast %get3A_242 : i32 to index
      %get3A_244 = arith.constant 0 : index
      %get3A_245 = tpu.vector_load %arg7[%get3A_243, %get3A_244] {strides = array<i32>} : memref<104x16xf32, #tpu.memory_space<vmem>>, vector<1x16xf32>,
      %get3A_246 = vector.shape_cast %get3A_245 : vector<1x16xf32> to vector<16xf32>
      %add3A_247 = arith.addf %add3A_223, %get3A_246 : vector<16xf32>
      %get3A_248 = arith.constant 28 : i32
      %get3A_249 = arith.index_cast %get3A_248 : i32 to index
      %get3A_250 = arith.constant 0 : index
      %get3A_251 = tpu.vector_load %arg7[%get3A_249, %get3A_250] {strides = array<i32>} : memref<104x16xf32, #tpu.memory_space<vmem>>, vector<1x16xf32>,
      %get3A_252 = vector.shape_cast %get3A_251 : vector<1x16xf32> to vector<16xf32>
      %add3A_253 = arith.addf %add3A_229, %get3A_252 : vector<16xf32>
      %get3A_254 = arith.constant 29 : i32
      %get3A_255 = arith.index_cast %get3A_254 : i32 to index
      %get3A_256 = arith.constant 0 : index
      %get3A_257 = tpu.vector_load %arg7[%get3A_255, %get3A_256] {strides = array<i32>} : memref<104x16xf32, #tpu.memory_space<vmem>>, vector<1x16xf32>,
      %get3A_258 = vector.shape_cast %get3A_257 : vector<1x16xf32> to vector<16xf32>
      %add3A_259 = arith.addf %add3A_235, %get3A_258 : vector<16xf32>
      %get3A_260 = arith.constant 30 : i32
      %get3A_261 = arith.index_cast %get3A_260 : i32 to index
      %get3A_262 = arith.constant 0 : index
      %get3A_263 = tpu.vector_load %arg7[%get3A_261, %get3A_262] {strides = array<i32>} : memref<104x16xf32, #tpu.memory_space<vmem>>, vector<1x16xf32>,
      %get3A_264 = vector.shape_cast %get3A_263 : vector<1x16xf32> to vector<16xf32>
      %add3A_265 = arith.addf %add3A_241, %get3A_264 : vector<16xf32>
      %get3A_266 = arith.constant 31 : i32
      %get3A_267 = arith.index_cast %get3A_266 : i32 to index
      %get3A_268 = arith.constant 0 : index
      %get3A_269 = tpu.vector_load %arg7[%get3A_267, %get3A_268] {strides = array<i32>} : memref<104x16xf32, #tpu.memory_space<vmem>>, vector<1x16xf32>,
      %get3A_270 = vector.shape_cast %get3A_269 : vector<1x16xf32> to vector<16xf32>
      %add3A_271 = arith.addf %add3A_247, %get3A_270 : vector<16xf32>
      %get3A_272 = arith.constant 32 : i32
      %get3A_273 = arith.index_cast %get3A_272 : i32 to index
      %get3A_274 = arith.constant 0 : index
      %get3A_275 = tpu.vector_load %arg7[%get3A_273, %get3A_274] {strides = array<i32>} : memref<104x16xf32, #tpu.memory_space<vmem>>, vector<1x16xf32>,
      %get3A_276 = vector.shape_cast %get3A_275 : vector<1x16xf32> to vector<16xf32>
      %add3A_277 = arith.addf %add3A_253, %get3A_276 : vector<16xf32>
      %get3A_278 = arith.constant 33 : i32
      %get3A_279 = arith.index_cast %get3A_278 : i32 to index
      %get3A_280 = arith.constant 0 : index
      %get3A_281 = tpu.vector_load %arg7[%get3A_279, %get3A_280] {strides = array<i32>} : memref<104x16xf32, #tpu.memory_space<vmem>>, vector<1x16xf32>,
      %get3A_282 = vector.shape_cast %get3A_281 : vector<1x16xf32> to vector<16xf32>
      %add3A_283 = arith.addf %add3A_259, %get3A_282 : vector<16xf32>
      %get3A_284 = arith.constant 34 : i32
      %get3A_285 = arith.index_cast %get3A_284 : i32 to index
      %get3A_286 = arith.constant 0 : index
      %get3A_287 = tpu.vector_load %arg7[%get3A_285, %get3A_286] {strides = array<i32>} : memref<104x16xf32, #tpu.memory_space<vmem>>, vector<1x16xf32>,
      %get3A_288 = vector.shape_cast %get3A_287 : vector<1x16xf32> to vector<16xf32>
      %add3A_289 = arith.addf %add3A_265, %get3A_288 : vector<16xf32>
      %get3A_290 = arith.constant 35 : i32
      %get3A_291 = arith.index_cast %get3A_290 : i32 to index
      %get3A_292 = arith.constant 0 : index
      %get3A_293 = tpu.vector_load %arg7[%get3A_291, %get3A_292] {strides = array<i32>} : memref<104x16xf32, #tpu.memory_space<vmem>>, vector<1x16xf32>,
      %get3A_294 = vector.shape_cast %get3A_293 : vector<1x16xf32> to vector<16xf32>
      %add3A_295 = arith.addf %add3A_271, %get3A_294 : vector<16xf32>
      %get3A_296 = arith.constant 36 : i32
      %get3A_297 = arith.index_cast %get3A_296 : i32 to index
      %get3A_298 = arith.constant 0 : index
      %get3A_299 = tpu.vector_load %arg7[%get3A_297, %get3A_298] {strides = array<i32>} : memref<104x16xf32, #tpu.memory_space<vmem>>, vector<1x16xf32>,
      %get3A_300 = vector.shape_cast %get3A_299 : vector<1x16xf32> to vector<16xf32>
      %add3A_301 = arith.addf %add3A_277, %get3A_300 : vector<16xf32>
      %get3A_302 = arith.constant 37 : i32
      %get3A_303 = arith.index_cast %get3A_302 : i32 to index
      %get3A_304 = arith.constant 0 : index
      %get3A_305 = tpu.vector_load %arg7[%get3A_303, %get3A_304] {strides = array<i32>} : memref<104x16xf32, #tpu.memory_space<vmem>>, vector<1x16xf32>,
      %get3A_306 = vector.shape_cast %get3A_305 : vector<1x16xf32> to vector<16xf32>
      %add3A_307 = arith.addf %add3A_283, %get3A_306 : vector<16xf32>
      %get3A_308 = arith.constant 38 : i32
      %get3A_309 = arith.index_cast %get3A_308 : i32 to index
      %get3A_310 = arith.constant 0 : index
      %get3A_311 = tpu.vector_load %arg7[%get3A_309, %get3A_310] {strides = array<i32>} : memref<104x16xf32, #tpu.memory_space<vmem>>, vector<1x16xf32>,
      %get3A_312 = vector.shape_cast %get3A_311 : vector<1x16xf32> to vector<16xf32>
      %add3A_313 = arith.addf %add3A_289, %get3A_312 : vector<16xf32>
      %get3A_314 = arith.constant 39 : i32
      %get3A_315 = arith.index_cast %get3A_314 : i32 to index
      %get3A_316 = arith.constant 0 : index
      %get3A_317 = tpu.vector_load %arg7[%get3A_315, %get3A_316] {strides = array<i32>} : memref<104x16xf32, #tpu.memory_space<vmem>>, vector<1x16xf32>,
      %get3A_318 = vector.shape_cast %get3A_317 : vector<1x16xf32> to vector<16xf32>
      %add3A_319 = arith.addf %add3A_295, %get3A_318 : vector<16xf32>
      %get3A_320 = arith.constant 40 : i32
      %get3A_321 = arith.index_cast %get3A_320 : i32 to index
      %get3A_322 = arith.constant 0 : index
      %get3A_323 = tpu.vector_load %arg7[%get3A_321, %get3A_322] {strides = array<i32>} : memref<104x16xf32, #tpu.memory_space<vmem>>, vector<1x16xf32>,
      %get3A_324 = vector.shape_cast %get3A_323 : vector<1x16xf32> to vector<16xf32>
      %add3A_325 = arith.addf %add3A_301, %get3A_324 : vector<16xf32>
      %get3A_326 = arith.constant 41 : i32
      %get3A_327 = arith.index_cast %get3A_326 : i32 to index
      %get3A_328 = arith.constant 0 : index
      %get3A_329 = tpu.vector_load %arg7[%get3A_327, %get3A_328] {strides = array<i32>} : memref<104x16xf32, #tpu.memory_space<vmem>>, vector<1x16xf32>,
      %get3A_330 = vector.shape_cast %get3A_329 : vector<1x16xf32> to vector<16xf32>
      %add3A_331 = arith.addf %add3A_307, %get3A_330 : vector<16xf32>
      %get3A_332 = arith.constant 42 : i32
      %get3A_333 = arith.index_cast %get3A_332 : i32 to index
      %get3A_334 = arith.constant 0 : index
      %get3A_335 = tpu.vector_load %arg7[%get3A_333, %get3A_334] {strides = array<i32>} : memref<104x16xf32, #tpu.memory_space<vmem>>, vector<1x16xf32>,
      %get3A_336 = vector.shape_cast %get3A_335 : vector<1x16xf32> to vector<16xf32>
      %add3A_337 = arith.addf %add3A_313, %get3A_336 : vector<16xf32>
      %get3A_338 = arith.constant 43 : i32
      %get3A_339 = arith.index_cast %get3A_338 : i32 to index
      %get3A_340 = arith.constant 0 : index
      %get3A_341 = tpu.vector_load %arg7[%get3A_339, %get3A_340] {strides = array<i32>} : memref<104x16xf32, #tpu.memory_space<vmem>>, vector<1x16xf32>,
      %get3A_342 = vector.shape_cast %get3A_341 : vector<1x16xf32> to vector<16xf32>
      %add3A_343 = arith.addf %add3A_319, %get3A_342 : vector<16xf32>
      %get3A_344 = arith.constant 44 : i32
      %get3A_345 = arith.index_cast %get3A_344 : i32 to index
      %get3A_346 = arith.constant 0 : index
      %get3A_347 = tpu.vector_load %arg7[%get3A_345, %get3A_346] {strides = array<i32>} : memref<104x16xf32, #tpu.memory_space<vmem>>, vector<1x16xf32>,
      %get3A_348 = vector.shape_cast %get3A_347 : vector<1x16xf32> to vector<16xf32>
      %add3A_349 = arith.addf %add3A_325, %get3A_348 : vector<16xf32>
      %get3A_350 = arith.constant 45 : i32
      %get3A_351 = arith.index_cast %get3A_350 : i32 to index
      %get3A_352 = arith.constant 0 : index
      %get3A_353 = tpu.vector_load %arg7[%get3A_351, %get3A_352] {strides = array<i32>} : memref<104x16xf32, #tpu.memory_space<vmem>>, vector<1x16xf32>,
      %get3A_354 = vector.shape_cast %get3A_353 : vector<1x16xf32> to vector<16xf32>
      %add3A_355 = arith.addf %add3A_331, %get3A_354 : vector<16xf32>
      %get3A_356 = arith.constant 46 : i32
      %get3A_357 = arith.index_cast %get3A_356 : i32 to index
      %get3A_358 = arith.constant 0 : index
      %get3A_359 = tpu.vector_load %arg7[%get3A_357, %get3A_358] {strides = array<i32>} : memref<104x16xf32, #tpu.memory_space<vmem>>, vector<1x16xf32>,
      %get3A_360 = vector.shape_cast %get3A_359 : vector<1x16xf32> to vector<16xf32>
      %add3A_361 = arith.addf %add3A_337, %get3A_360 : vector<16xf32>
      %get3A_362 = arith.constant 47 : i32
      %get3A_363 = arith.index_cast %get3A_362 : i32 to index
      %get3A_364 = arith.constant 0 : index
      %get3A_365 = tpu.vector_load %arg7[%get3A_363, %get3A_364] {strides = array<i32>} : memref<104x16xf32, #tpu.memory_space<vmem>>, vector<1x16xf32>,
      %get3A_366 = vector.shape_cast %get3A_365 : vector<1x16xf32> to vector<16xf32>
      %add3A_367 = arith.addf %add3A_343, %get3A_366 : vector<16xf32>
      %get3A_368 = arith.constant 48 : i32
      %get3A_369 = arith.index_cast %get3A_368 : i32 to index
      %get3A_370 = arith.constant 0 : index
      %get3A_371 = tpu.vector_load %arg7[%get3A_369, %get3A_370] {strides = array<i32>} : memref<104x16xf32, #tpu.memory_space<vmem>>, vector<1x16xf32>,
      %get3A_372 = vector.shape_cast %get3A_371 : vector<1x16xf32> to vector<16xf32>
      %add3A_373 = arith.addf %add3A_349, %get3A_372 : vector<16xf32>
      %get3A_374 = arith.constant 49 : i32
      %get3A_375 = arith.index_cast %get3A_374 : i32 to index
      %get3A_376 = arith.constant 0 : index
      %get3A_377 = tpu.vector_load %arg7[%get3A_375, %get3A_376] {strides = array<i32>} : memref<104x16xf32, #tpu.memory_space<vmem>>, vector<1x16xf32>,
      %get3A_378 = vector.shape_cast %get3A_377 : vector<1x16xf32> to vector<16xf32>
      %add3A_379 = arith.addf %add3A_355, %get3A_378 : vector<16xf32>
      %get3A_380 = arith.constant 50 : i32
      %get3A_381 = arith.index_cast %get3A_380 : i32 to index
      %get3A_382 = arith.constant 0 : index
      %get3A_383 = tpu.vector_load %arg7[%get3A_381, %get3A_382] {strides = array<i32>} : memref<104x16xf32, #tpu.memory_space<vmem>>, vector<1x16xf32>,
      %get3A_384 = vector.shape_cast %get3A_383 : vector<1x16xf32> to vector<16xf32>
      %add3A_385 = arith.addf %add3A_361, %get3A_384 : vector<16xf32>
      %get3A_386 = arith.constant 51 : i32
      %get3A_387 = arith.index_cast %get3A_386 : i32 to index
      %get3A_388 = arith.constant 0 : index
      %get3A_389 = tpu.vector_load %arg7[%get3A_387, %get3A_388] {strides = array<i32>} : memref<104x16xf32, #tpu.memory_space<vmem>>, vector<1x16xf32>,
      %get3A_390 = vector.shape_cast %get3A_389 : vector<1x16xf32> to vector<16xf32>
      %add3A_391 = arith.addf %add3A_367, %get3A_390 : vector<16xf32>
      %get3A_392 = arith.constant 52 : i32
      %get3A_393 = arith.index_cast %get3A_392 : i32 to index
      %get3A_394 = arith.constant 0 : index
      %get3A_395 = tpu.vector_load %arg7[%get3A_393, %get3A_394] {strides = array<i32>} : memref<104x16xf32, #tpu.memory_space<vmem>>, vector<1x16xf32>,
      %get3A_396 = vector.shape_cast %get3A_395 : vector<1x16xf32> to vector<16xf32>
      %add3A_397 = arith.addf %add3A_373, %get3A_396 : vector<16xf32>
      %get3A_398 = arith.constant 53 : i32
      %get3A_399 = arith.index_cast %get3A_398 : i32 to index
      %get3A_400 = arith.constant 0 : index
      %get3A_401 = tpu.vector_load %arg7[%get3A_399, %get3A_400] {strides = array<i32>} : memref<104x16xf32, #tpu.memory_space<vmem>>, vector<1x16xf32>,
      %get3A_402 = vector.shape_cast %get3A_401 : vector<1x16xf32> to vector<16xf32>
      %add3A_403 = arith.addf %add3A_379, %get3A_402 : vector<16xf32>
      %get3A_404 = arith.constant 54 : i32
      %get3A_405 = arith.index_cast %get3A_404 : i32 to index
      %get3A_406 = arith.constant 0 : index
      %get3A_407 = tpu.vector_load %arg7[%get3A_405, %get3A_406] {strides = array<i32>} : memref<104x16xf32, #tpu.memory_space<vmem>>, vector<1x16xf32>,
      %get3A_408 = vector.shape_cast %get3A_407 : vector<1x16xf32> to vector<16xf32>
      %add3A_409 = arith.addf %add3A_385, %get3A_408 : vector<16xf32>
      %get3A_410 = arith.constant 55 : i32
      %get3A_411 = arith.index_cast %get3A_410 : i32 to index
      %get3A_412 = arith.constant 0 : index
      %get3A_413 = tpu.vector_load %arg7[%get3A_411, %get3A_412] {strides = array<i32>} : memref<104x16xf32, #tpu.memory_space<vmem>>, vector<1x16xf32>,
      %get3A_414 = vector.shape_cast %get3A_413 : vector<1x16xf32> to vector<16xf32>
      %add3A_415 = arith.addf %add3A_391, %get3A_414 : vector<16xf32>
      %get3A_416 = arith.constant 56 : i32
      %get3A_417 = arith.index_cast %get3A_416 : i32 to index
      %get3A_418 = arith.constant 0 : index
      %get3A_419 = tpu.vector_load %arg7[%get3A_417, %get3A_418] {strides = array<i32>} : memref<104x16xf32, #tpu.memory_space<vmem>>, vector<1x16xf32>,
      %get3A_420 = vector.shape_cast %get3A_419 : vector<1x16xf32> to vector<16xf32>
      %add3A_421 = arith.addf %add3A_397, %get3A_420 : vector<16xf32>
      %get3A_422 = arith.constant 57 : i32
      %get3A_423 = arith.index_cast %get3A_422 : i32 to index
      %get3A_424 = arith.constant 0 : index
      %get3A_425 = tpu.vector_load %arg7[%get3A_423, %get3A_424] {strides = array<i32>} : memref<104x16xf32, #tpu.memory_space<vmem>>, vector<1x16xf32>,
      %get3A_426 = vector.shape_cast %get3A_425 : vector<1x16xf32> to vector<16xf32>
      %add3A_427 = arith.addf %add3A_403, %get3A_426 : vector<16xf32>
      %get3A_428 = arith.constant 58 : i32
      %get3A_429 = arith.index_cast %get3A_428 : i32 to index
      %get3A_430 = arith.constant 0 : index
      %get3A_431 = tpu.vector_load %arg7[%get3A_429, %get3A_430] {strides = array<i32>} : memref<104x16xf32, #tpu.memory_space<vmem>>, vector<1x16xf32>,
      %get3A_432 = vector.shape_cast %get3A_431 : vector<1x16xf32> to vector<16xf32>
      %add3A_433 = arith.addf %add3A_409, %get3A_432 : vector<16xf32>
      %get3A_434 = arith.constant 59 : i32
      %get3A_435 = arith.index_cast %get3A_434 : i32 to index
      %get3A_436 = arith.constant 0 : index
      %get3A_437 = tpu.vector_load %arg7[%get3A_435, %get3A_436] {strides = array<i32>} : memref<104x16xf32, #tpu.memory_space<vmem>>, vector<1x16xf32>,
      %get3A_438 = vector.shape_cast %get3A_437 : vector<1x16xf32> to vector<16xf32>
      %add3A_439 = arith.addf %add3A_415, %get3A_438 : vector<16xf32>
      %get3A_440 = arith.constant 60 : i32
      %get3A_441 = arith.index_cast %get3A_440 : i32 to index
      %get3A_442 = arith.constant 0 : index
      %get3A_443 = tpu.vector_load %arg7[%get3A_441, %get3A_442] {strides = array<i32>} : memref<104x16xf32, #tpu.memory_space<vmem>>, vector<1x16xf32>,
      %get3A_444 = vector.shape_cast %get3A_443 : vector<1x16xf32> to vector<16xf32>
      %add3A_445 = arith.addf %add3A_421, %get3A_444 : vector<16xf32>
      %get3A_446 = arith.constant 61 : i32
      %get3A_447 = arith.index_cast %get3A_446 : i32 to index
      %get3A_448 = arith.constant 0 : index
      %get3A_449 = tpu.vector_load %arg7[%get3A_447, %get3A_448] {strides = array<i32>} : memref<104x16xf32, #tpu.memory_space<vmem>>, vector<1x16xf32>,
      %get3A_450 = vector.shape_cast %get3A_449 : vector<1x16xf32> to vector<16xf32>
      %add3A_451 = arith.addf %add3A_427, %get3A_450 : vector<16xf32>
      %get3A_452 = arith.constant 62 : i32
      %get3A_453 = arith.index_cast %get3A_452 : i32 to index
      %get3A_454 = arith.constant 0 : index
      %get3A_455 = tpu.vector_load %arg7[%get3A_453, %get3A_454] {strides = array<i32>} : memref<104x16xf32, #tpu.memory_space<vmem>>, vector<1x16xf32>,
      %get3A_456 = vector.shape_cast %get3A_455 : vector<1x16xf32> to vector<16xf32>
      %add3A_457 = arith.addf %add3A_433, %get3A_456 : vector<16xf32>
      %get3A_458 = arith.constant 63 : i32
      %get3A_459 = arith.index_cast %get3A_458 : i32 to index
      %get3A_460 = arith.constant 0 : index
      %get3A_461 = tpu.vector_load %arg7[%get3A_459, %get3A_460] {strides = array<i32>} : memref<104x16xf32, #tpu.memory_space<vmem>>, vector<1x16xf32>,
      %get3A_462 = vector.shape_cast %get3A_461 : vector<1x16xf32> to vector<16xf32>
      %add3A_463 = arith.addf %add3A_439, %get3A_462 : vector<16xf32>
      %get3A_464 = arith.constant 64 : i32
      %get3A_465 = arith.index_cast %get3A_464 : i32 to index
      %get3A_466 = arith.constant 0 : index
      %get3A_467 = tpu.vector_load %arg7[%get3A_465, %get3A_466] {strides = array<i32>} : memref<104x16xf32, #tpu.memory_space<vmem>>, vector<1x16xf32>,
      %get3A_468 = vector.shape_cast %get3A_467 : vector<1x16xf32> to vector<16xf32>
      %add3A_469 = arith.addf %add3A_445, %get3A_468 : vector<16xf32>
      %get3A_470 = arith.constant 65 : i32
      %get3A_471 = arith.index_cast %get3A_470 : i32 to index
      %get3A_472 = arith.constant 0 : index
      %get3A_473 = tpu.vector_load %arg7[%get3A_471, %get3A_472] {strides = array<i32>} : memref<104x16xf32, #tpu.memory_space<vmem>>, vector<1x16xf32>,
      %get3A_474 = vector.shape_cast %get3A_473 : vector<1x16xf32> to vector<16xf32>
      %add3A_475 = arith.addf %add3A_451, %get3A_474 : vector<16xf32>
      %get3A_476 = arith.constant 66 : i32
      %get3A_477 = arith.index_cast %get3A_476 : i32 to index
      %get3A_478 = arith.constant 0 : index
      %get3A_479 = tpu.vector_load %arg7[%get3A_477, %get3A_478] {strides = array<i32>} : memref<104x16xf32, #tpu.memory_space<vmem>>, vector<1x16xf32>,
      %get3A_480 = vector.shape_cast %get3A_479 : vector<1x16xf32> to vector<16xf32>
      %add3A_481 = arith.addf %add3A_457, %get3A_480 : vector<16xf32>
      %get3A_482 = arith.constant 67 : i32
      %get3A_483 = arith.index_cast %get3A_482 : i32 to index
      %get3A_484 = arith.constant 0 : index
      %get3A_485 = tpu.vector_load %arg7[%get3A_483, %get3A_484] {strides = array<i32>} : memref<104x16xf32, #tpu.memory_space<vmem>>, vector<1x16xf32>,
      %get3A_486 = vector.shape_cast %get3A_485 : vector<1x16xf32> to vector<16xf32>
      %add3A_487 = arith.addf %add3A_463, %get3A_486 : vector<16xf32>
      %get3A_488 = arith.constant 68 : i32
      %get3A_489 = arith.index_cast %get3A_488 : i32 to index
      %get3A_490 = arith.constant 0 : index
      %get3A_491 = tpu.vector_load %arg7[%get3A_489, %get3A_490] {strides = array<i32>} : memref<104x16xf32, #tpu.memory_space<vmem>>, vector<1x16xf32>,
      %get3A_492 = vector.shape_cast %get3A_491 : vector<1x16xf32> to vector<16xf32>
      %add3A_493 = arith.addf %add3A_469, %get3A_492 : vector<16xf32>
      %get3A_494 = arith.constant 69 : i32
      %get3A_495 = arith.index_cast %get3A_494 : i32 to index
      %get3A_496 = arith.constant 0 : index
      %get3A_497 = tpu.vector_load %arg7[%get3A_495, %get3A_496] {strides = array<i32>} : memref<104x16xf32, #tpu.memory_space<vmem>>, vector<1x16xf32>,
      %get3A_498 = vector.shape_cast %get3A_497 : vector<1x16xf32> to vector<16xf32>
      %add3A_499 = arith.addf %add3A_475, %get3A_498 : vector<16xf32>
      %get3A_500 = arith.constant 70 : i32
      %get3A_501 = arith.index_cast %get3A_500 : i32 to index
      %get3A_502 = arith.constant 0 : index
      %get3A_503 = tpu.vector_load %arg7[%get3A_501, %get3A_502] {strides = array<i32>} : memref<104x16xf32, #tpu.memory_space<vmem>>, vector<1x16xf32>,
      %get3A_504 = vector.shape_cast %get3A_503 : vector<1x16xf32> to vector<16xf32>
      %add3A_505 = arith.addf %add3A_481, %get3A_504 : vector<16xf32>
      %get3A_506 = arith.constant 71 : i32
      %get3A_507 = arith.index_cast %get3A_506 : i32 to index
      %get3A_508 = arith.constant 0 : index
      %get3A_509 = tpu.vector_load %arg7[%get3A_507, %get3A_508] {strides = array<i32>} : memref<104x16xf32, #tpu.memory_space<vmem>>, vector<1x16xf32>,
      %get3A_510 = vector.shape_cast %get3A_509 : vector<1x16xf32> to vector<16xf32>
      %add3A_511 = arith.addf %add3A_487, %get3A_510 : vector<16xf32>
      %get3A_512 = arith.constant 72 : i32
      %get3A_513 = arith.index_cast %get3A_512 : i32 to index
      %get3A_514 = arith.constant 0 : index
      %get3A_515 = tpu.vector_load %arg7[%get3A_513, %get3A_514] {strides = array<i32>} : memref<104x16xf32, #tpu.memory_space<vmem>>, vector<1x16xf32>,
      %get3A_516 = vector.shape_cast %get3A_515 : vector<1x16xf32> to vector<16xf32>
      %add3A_517 = arith.addf %add3A_493, %get3A_516 : vector<16xf32>
      %get3A_518 = arith.constant 73 : i32
      %get3A_519 = arith.index_cast %get3A_518 : i32 to index
      %get3A_520 = arith.constant 0 : index
      %get3A_521 = tpu.vector_load %arg7[%get3A_519, %get3A_520] {strides = array<i32>} : memref<104x16xf32, #tpu.memory_space<vmem>>, vector<1x16xf32>,
      %get3A_522 = vector.shape_cast %get3A_521 : vector<1x16xf32> to vector<16xf32>
      %add3A_523 = arith.addf %add3A_499, %get3A_522 : vector<16xf32>
      %get3A_524 = arith.constant 74 : i32
      %get3A_525 = arith.index_cast %get3A_524 : i32 to index
      %get3A_526 = arith.constant 0 : index
      %get3A_527 = tpu.vector_load %arg7[%get3A_525, %get3A_526] {strides = array<i32>} : memref<104x16xf32, #tpu.memory_space<vmem>>, vector<1x16xf32>,
      %get3A_528 = vector.shape_cast %get3A_527 : vector<1x16xf32> to vector<16xf32>
      %add3A_529 = arith.addf %add3A_505, %get3A_528 : vector<16xf32>
      %get3A_530 = arith.constant 75 : i32
      %get3A_531 = arith.index_cast %get3A_530 : i32 to index
      %get3A_532 = arith.constant 0 : index
      %get3A_533 = tpu.vector_load %arg7[%get3A_531, %get3A_532] {strides = array<i32>} : memref<104x16xf32, #tpu.memory_space<vmem>>, vector<1x16xf32>,
      %get3A_534 = vector.shape_cast %get3A_533 : vector<1x16xf32> to vector<16xf32>
      %add3A_535 = arith.addf %add3A_511, %get3A_534 : vector<16xf32>
      %get3A_536 = arith.constant 76 : i32
      %get3A_537 = arith.index_cast %get3A_536 : i32 to index
      %get3A_538 = arith.constant 0 : index
      %get3A_539 = tpu.vector_load %arg7[%get3A_537, %get3A_538] {strides = array<i32>} : memref<104x16xf32, #tpu.memory_space<vmem>>, vector<1x16xf32>,
      %get3A_540 = vector.shape_cast %get3A_539 : vector<1x16xf32> to vector<16xf32>
      %add3A_541 = arith.addf %add3A_517, %get3A_540 : vector<16xf32>
      %get3A_542 = arith.constant 77 : i32
      %get3A_543 = arith.index_cast %get3A_542 : i32 to index
      %get3A_544 = arith.constant 0 : index
      %get3A_545 = tpu.vector_load %arg7[%get3A_543, %get3A_544] {strides = array<i32>} : memref<104x16xf32, #tpu.memory_space<vmem>>, vector<1x16xf32>,
      %get3A_546 = vector.shape_cast %get3A_545 : vector<1x16xf32> to vector<16xf32>
      %add3A_547 = arith.addf %add3A_523, %get3A_546 : vector<16xf32>
      %get3A_548 = arith.constant 78 : i32
      %get3A_549 = arith.index_cast %get3A_548 : i32 to index
      %get3A_550 = arith.constant 0 : index
      %get3A_551 = tpu.vector_load %arg7[%get3A_549, %get3A_550] {strides = array<i32>} : memref<104x16xf32, #tpu.memory_space<vmem>>, vector<1x16xf32>,
      %get3A_552 = vector.shape_cast %get3A_551 : vector<1x16xf32> to vector<16xf32>
      %add3A_553 = arith.addf %add3A_529, %get3A_552 : vector<16xf32>
      %get3A_554 = arith.constant 79 : i32
      %get3A_555 = arith.index_cast %get3A_554 : i32 to index
      %get3A_556 = arith.constant 0 : index
      %get3A_557 = tpu.vector_load %arg7[%get3A_555, %get3A_556] {strides = array<i32>} : memref<104x16xf32, #tpu.memory_space<vmem>>, vector<1x16xf32>,
      %get3A_558 = vector.shape_cast %get3A_557 : vector<1x16xf32> to vector<16xf32>
      %add3A_559 = arith.addf %add3A_535, %get3A_558 : vector<16xf32>
      %get3A_560 = arith.constant 80 : i32
      %get3A_561 = arith.index_cast %get3A_560 : i32 to index
      %get3A_562 = arith.constant 0 : index
      %get3A_563 = tpu.vector_load %arg7[%get3A_561, %get3A_562] {strides = array<i32>} : memref<104x16xf32, #tpu.memory_space<vmem>>, vector<1x16xf32>,
      %get3A_564 = vector.shape_cast %get3A_563 : vector<1x16xf32> to vector<16xf32>
      %add3A_565 = arith.addf %add3A_541, %get3A_564 : vector<16xf32>
      %get3A_566 = arith.constant 81 : i32
      %get3A_567 = arith.index_cast %get3A_566 : i32 to index
      %get3A_568 = arith.constant 0 : index
      %get3A_569 = tpu.vector_load %arg7[%get3A_567, %get3A_568] {strides = array<i32>} : memref<104x16xf32, #tpu.memory_space<vmem>>, vector<1x16xf32>,
      %get3A_570 = vector.shape_cast %get3A_569 : vector<1x16xf32> to vector<16xf32>
      %add3A_571 = arith.addf %add3A_547, %get3A_570 : vector<16xf32>
      %get3A_572 = arith.constant 82 : i32
      %get3A_573 = arith.index_cast %get3A_572 : i32 to index
      %get3A_574 = arith.constant 0 : index
      %get3A_575 = tpu.vector_load %arg7[%get3A_573, %get3A_574] {strides = array<i32>} : memref<104x16xf32, #tpu.memory_space<vmem>>, vector<1x16xf32>,
      %get3A_576 = vector.shape_cast %get3A_575 : vector<1x16xf32> to vector<16xf32>
      %add3A_577 = arith.addf %add3A_553, %get3A_576 : vector<16xf32>
      %get3A_578 = arith.constant 83 : i32
      %get3A_579 = arith.index_cast %get3A_578 : i32 to index
      %get3A_580 = arith.constant 0 : index
      %get3A_581 = tpu.vector_load %arg7[%get3A_579, %get3A_580] {strides = array<i32>} : memref<104x16xf32, #tpu.memory_space<vmem>>, vector<1x16xf32>,
      %get3A_582 = vector.shape_cast %get3A_581 : vector<1x16xf32> to vector<16xf32>
      %add3A_583 = arith.addf %add3A_559, %get3A_582 : vector<16xf32>
      %get3A_584 = arith.constant 84 : i32
      %get3A_585 = arith.index_cast %get3A_584 : i32 to index
      %get3A_586 = arith.constant 0 : index
      %get3A_587 = tpu.vector_load %arg7[%get3A_585, %get3A_586] {strides = array<i32>} : memref<104x16xf32, #tpu.memory_space<vmem>>, vector<1x16xf32>,
      %get3A_588 = vector.shape_cast %get3A_587 : vector<1x16xf32> to vector<16xf32>
      %add3A_589 = arith.addf %add3A_565, %get3A_588 : vector<16xf32>
      %get3A_590 = arith.constant 85 : i32
      %get3A_591 = arith.index_cast %get3A_590 : i32 to index
      %get3A_592 = arith.constant 0 : index
      %get3A_593 = tpu.vector_load %arg7[%get3A_591, %get3A_592] {strides = array<i32>} : memref<104x16xf32, #tpu.memory_space<vmem>>, vector<1x16xf32>,
      %get3A_594 = vector.shape_cast %get3A_593 : vector<1x16xf32> to vector<16xf32>
      %add3A_595 = arith.addf %add3A_571, %get3A_594 : vector<16xf32>
      %get3A_596 = arith.constant 86 : i32
      %get3A_597 = arith.index_cast %get3A_596 : i32 to index
      %get3A_598 = arith.constant 0 : index
      %get3A_599 = tpu.vector_load %arg7[%get3A_597, %get3A_598] {strides = array<i32>} : memref<104x16xf32, #tpu.memory_space<vmem>>, vector<1x16xf32>,
      %get3A_600 = vector.shape_cast %get3A_599 : vector<1x16xf32> to vector<16xf32>
      %add3A_601 = arith.addf %add3A_577, %get3A_600 : vector<16xf32>
      %get3A_602 = arith.constant 87 : i32
      %get3A_603 = arith.index_cast %get3A_602 : i32 to index
      %get3A_604 = arith.constant 0 : index
      %get3A_605 = tpu.vector_load %arg7[%get3A_603, %get3A_604] {strides = array<i32>} : memref<104x16xf32, #tpu.memory_space<vmem>>, vector<1x16xf32>,
      %get3A_606 = vector.shape_cast %get3A_605 : vector<1x16xf32> to vector<16xf32>
      %add3A_607 = arith.addf %add3A_583, %get3A_606 : vector<16xf32>
      %get3A_608 = arith.constant 88 : i32
      %get3A_609 = arith.index_cast %get3A_608 : i32 to index
      %get3A_610 = arith.constant 0 : index
      %get3A_611 = tpu.vector_load %arg7[%get3A_609, %get3A_610] {strides = array<i32>} : memref<104x16xf32, #tpu.memory_space<vmem>>, vector<1x16xf32>,
      %get3A_612 = vector.shape_cast %get3A_611 : vector<1x16xf32> to vector<16xf32>
      %add3A_613 = arith.addf %add3A_589, %get3A_612 : vector<16xf32>
      %get3A_614 = arith.constant 89 : i32
      %get3A_615 = arith.index_cast %get3A_614 : i32 to index
      %get3A_616 = arith.constant 0 : index
      %get3A_617 = tpu.vector_load %arg7[%get3A_615, %get3A_616] {strides = array<i32>} : memref<104x16xf32, #tpu.memory_space<vmem>>, vector<1x16xf32>,
      %get3A_618 = vector.shape_cast %get3A_617 : vector<1x16xf32> to vector<16xf32>
      %add3A_619 = arith.addf %add3A_595, %get3A_618 : vector<16xf32>
      %get3A_620 = arith.constant 90 : i32
      %get3A_621 = arith.index_cast %get3A_620 : i32 to index
      %get3A_622 = arith.constant 0 : index
      %get3A_623 = tpu.vector_load %arg7[%get3A_621, %get3A_622] {strides = array<i32>} : memref<104x16xf32, #tpu.memory_space<vmem>>, vector<1x16xf32>,
      %get3A_624 = vector.shape_cast %get3A_623 : vector<1x16xf32> to vector<16xf32>
      %add3A_625 = arith.addf %add3A_601, %get3A_624 : vector<16xf32>
      %get3A_626 = arith.constant 91 : i32
      %get3A_627 = arith.index_cast %get3A_626 : i32 to index
      %get3A_628 = arith.constant 0 : index
      %get3A_629 = tpu.vector_load %arg7[%get3A_627, %get3A_628] {strides = array<i32>} : memref<104x16xf32, #tpu.memory_space<vmem>>, vector<1x16xf32>,
      %get3A_630 = vector.shape_cast %get3A_629 : vector<1x16xf32> to vector<16xf32>
      %add3A_631 = arith.addf %add3A_607, %get3A_630 : vector<16xf32>
      %get3A_632 = arith.constant 92 : i32
      %get3A_633 = arith.index_cast %get3A_632 : i32 to index
      %get3A_634 = arith.constant 0 : index
      %get3A_635 = tpu.vector_load %arg7[%get3A_633, %get3A_634] {strides = array<i32>} : memref<104x16xf32, #tpu.memory_space<vmem>>, vector<1x16xf32>,
      %get3A_636 = vector.shape_cast %get3A_635 : vector<1x16xf32> to vector<16xf32>
      %add3A_637 = arith.addf %add3A_613, %get3A_636 : vector<16xf32>
      %get3A_638 = arith.constant 93 : i32
      %get3A_639 = arith.index_cast %get3A_638 : i32 to index
      %get3A_640 = arith.constant 0 : index
      %get3A_641 = tpu.vector_load %arg7[%get3A_639, %get3A_640] {strides = array<i32>} : memref<104x16xf32, #tpu.memory_space<vmem>>, vector<1x16xf32>,
      %get3A_642 = vector.shape_cast %get3A_641 : vector<1x16xf32> to vector<16xf32>
      %add3A_643 = arith.addf %add3A_619, %get3A_642 : vector<16xf32>
      %get3A_644 = arith.constant 94 : i32
      %get3A_645 = arith.index_cast %get3A_644 : i32 to index
      %get3A_646 = arith.constant 0 : index
      %get3A_647 = tpu.vector_load %arg7[%get3A_645, %get3A_646] {strides = array<i32>} : memref<104x16xf32, #tpu.memory_space<vmem>>, vector<1x16xf32>,
      %get3A_648 = vector.shape_cast %get3A_647 : vector<1x16xf32> to vector<16xf32>
      %add3A_649 = arith.addf %add3A_625, %get3A_648 : vector<16xf32>
      %get3A_650 = arith.constant 95 : i32
      %get3A_651 = arith.index_cast %get3A_650 : i32 to index
      %get3A_652 = arith.constant 0 : index
      %get3A_653 = tpu.vector_load %arg7[%get3A_651, %get3A_652] {strides = array<i32>} : memref<104x16xf32, #tpu.memory_space<vmem>>, vector<1x16xf32>,
      %get3A_654 = vector.shape_cast %get3A_653 : vector<1x16xf32> to vector<16xf32>
      %add3A_655 = arith.addf %add3A_631, %get3A_654 : vector<16xf32>
      %get3A_656 = arith.constant 96 : i32
      %get3A_657 = arith.index_cast %get3A_656 : i32 to index
      %get3A_658 = arith.constant 0 : index
      %get3A_659 = tpu.vector_load %arg7[%get3A_657, %get3A_658] {strides = array<i32>} : memref<104x16xf32, #tpu.memory_space<vmem>>, vector<1x16xf32>,
      %get3A_660 = vector.shape_cast %get3A_659 : vector<1x16xf32> to vector<16xf32>
      %add3A_661 = arith.addf %add3A_637, %get3A_660 : vector<16xf32>
      %get3A_662 = arith.constant 97 : i32
      %get3A_663 = arith.index_cast %get3A_662 : i32 to index
      %get3A_664 = arith.constant 0 : index
      %get3A_665 = tpu.vector_load %arg7[%get3A_663, %get3A_664] {strides = array<i32>} : memref<104x16xf32, #tpu.memory_space<vmem>>, vector<1x16xf32>,
      %get3A_666 = vector.shape_cast %get3A_665 : vector<1x16xf32> to vector<16xf32>
      %add3A_667 = arith.addf %add3A_643, %get3A_666 : vector<16xf32>
      %get3A_668 = arith.constant 98 : i32
      %get3A_669 = arith.index_cast %get3A_668 : i32 to index
      %get3A_670 = arith.constant 0 : index
      %get3A_671 = tpu.vector_load %arg7[%get3A_669, %get3A_670] {strides = array<i32>} : memref<104x16xf32, #tpu.memory_space<vmem>>, vector<1x16xf32>,
      %get3A_672 = vector.shape_cast %get3A_671 : vector<1x16xf32> to vector<16xf32>
      %add3A_673 = arith.addf %add3A_649, %get3A_672 : vector<16xf32>
      %get3A_674 = arith.constant 99 : i32
      %get3A_675 = arith.index_cast %get3A_674 : i32 to index
      %get3A_676 = arith.constant 0 : index
      %get3A_677 = tpu.vector_load %arg7[%get3A_675, %get3A_676] {strides = array<i32>} : memref<104x16xf32, #tpu.memory_space<vmem>>, vector<1x16xf32>,
      %get3A_678 = vector.shape_cast %get3A_677 : vector<1x16xf32> to vector<16xf32>
      %add3A_679 = arith.addf %add3A_655, %get3A_678 : vector<16xf32>
      %get3A_680 = arith.constant 100 : i32
      %get3A_681 = arith.index_cast %get3A_680 : i32 to index
      %get3A_682 = arith.constant 0 : index
      %get3A_683 = tpu.vector_load %arg7[%get3A_681, %get3A_682] {strides = array<i32>} : memref<104x16xf32, #tpu.memory_space<vmem>>, vector<1x16xf32>,
      %get3A_684 = vector.shape_cast %get3A_683 : vector<1x16xf32> to vector<16xf32>
      %add3A_685 = arith.addf %add3A_661, %get3A_684 : vector<16xf32>
      %get3A_686 = arith.constant 101 : i32
      %get3A_687 = arith.index_cast %get3A_686 : i32 to index
      %get3A_688 = arith.constant 0 : index
      %get3A_689 = tpu.vector_load %arg7[%get3A_687, %get3A_688] {strides = array<i32>} : memref<104x16xf32, #tpu.memory_space<vmem>>, vector<1x16xf32>,
      %get3A_690 = vector.shape_cast %get3A_689 : vector<1x16xf32> to vector<16xf32>
      %add3A_691 = arith.addf %add3A_667, %get3A_690 : vector<16xf32>
      %get3A_692 = arith.constant 102 : i32
      %get3A_693 = arith.index_cast %get3A_692 : i32 to index
      %get3A_694 = arith.constant 0 : index
      %get3A_695 = tpu.vector_load %arg7[%get3A_693, %get3A_694] {strides = array<i32>} : memref<104x16xf32, #tpu.memory_space<vmem>>, vector<1x16xf32>,
      %get3A_696 = vector.shape_cast %get3A_695 : vector<1x16xf32> to vector<16xf32>
      %add3A_697 = arith.addf %add3A_673, %get3A_696 : vector<16xf32>
      %get3A_698 = arith.constant 103 : i32
      %get3A_699 = arith.index_cast %get3A_698 : i32 to index
      %get3A_700 = arith.constant 0 : index
      %get3A_701 = tpu.vector_load %arg7[%get3A_699, %get3A_700] {strides = array<i32>} : memref<104x16xf32, #tpu.memory_space<vmem>>, vector<1x16xf32>,
      %get3A_702 = vector.shape_cast %get3A_701 : vector<1x16xf32> to vector<16xf32>
      %add3A_703 = arith.addf %add3A_679, %get3A_702 : vector<16xf32>
      %get3A_704 = arith.constant 0 : i32
      %get3A_705 = arith.index_cast %get3A_704 : i32 to index
      %get3A_706 = arith.constant 0 : index
      %get3A_707 = tpu.vector_load %arg11[%get3A_705, %get3A_706] {strides = array<i32>} : memref<96x16xf32, #tpu.memory_space<vmem>>, vector<1x16xf32>,
      %get3A_708 = vector.shape_cast %get3A_707 : vector<1x16xf32> to vector<16xf32>
      %add3A_709 = arith.addf %add3A_685, %get3A_708 : vector<16xf32>
      %get3A_710 = arith.constant 1 : i32
      %get3A_711 = arith.index_cast %get3A_710 : i32 to index
      %get3A_712 = arith.constant 0 : index
      %get3A_713 = tpu.vector_load %arg11[%get3A_711, %get3A_712] {strides = array<i32>} : memref<96x16xf32, #tpu.memory_space<vmem>>, vector<1x16xf32>,
      %get3A_714 = vector.shape_cast %get3A_713 : vector<1x16xf32> to vector<16xf32>
      %add3A_715 = arith.addf %add3A_691, %get3A_714 : vector<16xf32>
      %get3A_716 = arith.constant 2 : i32
      %get3A_717 = arith.index_cast %get3A_716 : i32 to index
      %get3A_718 = arith.constant 0 : index
      %get3A_719 = tpu.vector_load %arg11[%get3A_717, %get3A_718] {strides = array<i32>} : memref<96x16xf32, #tpu.memory_space<vmem>>, vector<1x16xf32>,
      %get3A_720 = vector.shape_cast %get3A_719 : vector<1x16xf32> to vector<16xf32>
      %add3A_721 = arith.addf %add3A_697, %get3A_720 : vector<16xf32>
      %get3A_722 = arith.constant 3 : i32
      %get3A_723 = arith.index_cast %get3A_722 : i32 to index
      %get3A_724 = arith.constant 0 : index
      %get3A_725 = tpu.vector_load %arg11[%get3A_723, %get3A_724] {strides = array<i32>} : memref<96x16xf32, #tpu.memory_space<vmem>>, vector<1x16xf32>,
      %get3A_726 = vector.shape_cast %get3A_725 : vector<1x16xf32> to vector<16xf32>
      %add3A_727 = arith.addf %add3A_703, %get3A_726 : vector<16xf32>
      %get3A_728 = arith.constant 4 : i32
      %get3A_729 = arith.index_cast %get3A_728 : i32 to index
      %get3A_730 = arith.constant 0 : index
      %get3A_731 = tpu.vector_load %arg11[%get3A_729, %get3A_730] {strides = array<i32>} : memref<96x16xf32, #tpu.memory_space<vmem>>, vector<1x16xf32>,
      %get3A_732 = vector.shape_cast %get3A_731 : vector<1x16xf32> to vector<16xf32>
      %add3A_733 = arith.addf %add3A_709, %get3A_732 : vector<16xf32>
      %get3A_734 = arith.constant 5 : i32
      %get3A_735 = arith.index_cast %get3A_734 : i32 to index
      %get3A_736 = arith.constant 0 : index
      %get3A_737 = tpu.vector_load %arg11[%get3A_735, %get3A_736] {strides = array<i32>} : memref<96x16xf32, #tpu.memory_space<vmem>>, vector<1x16xf32>,
      %get3A_738 = vector.shape_cast %get3A_737 : vector<1x16xf32> to vector<16xf32>
      %add3A_739 = arith.addf %add3A_715, %get3A_738 : vector<16xf32>
      %get3A_740 = arith.constant 6 : i32
      %get3A_741 = arith.index_cast %get3A_740 : i32 to index
      %get3A_742 = arith.constant 0 : index
      %get3A_743 = tpu.vector_load %arg11[%get3A_741, %get3A_742] {strides = array<i32>} : memref<96x16xf32, #tpu.memory_space<vmem>>, vector<1x16xf32>,
      %get3A_744 = vector.shape_cast %get3A_743 : vector<1x16xf32> to vector<16xf32>
      %add3A_745 = arith.addf %add3A_721, %get3A_744 : vector<16xf32>
      %get3A_746 = arith.constant 7 : i32
      %get3A_747 = arith.index_cast %get3A_746 : i32 to index
      %get3A_748 = arith.constant 0 : index
      %get3A_749 = tpu.vector_load %arg11[%get3A_747, %get3A_748] {strides = array<i32>} : memref<96x16xf32, #tpu.memory_space<vmem>>, vector<1x16xf32>,
      %get3A_750 = vector.shape_cast %get3A_749 : vector<1x16xf32> to vector<16xf32>
      %add3A_751 = arith.addf %add3A_727, %get3A_750 : vector<16xf32>
      %get3A_752 = arith.constant 8 : i32
      %get3A_753 = arith.index_cast %get3A_752 : i32 to index
      %get3A_754 = arith.constant 0 : index
      %get3A_755 = tpu.vector_load %arg11[%get3A_753, %get3A_754] {strides = array<i32>} : memref<96x16xf32, #tpu.memory_space<vmem>>, vector<1x16xf32>,
      %get3A_756 = vector.shape_cast %get3A_755 : vector<1x16xf32> to vector<16xf32>
      %add3A_757 = arith.addf %add3A_733, %get3A_756 : vector<16xf32>
      %get3A_758 = arith.constant 9 : i32
      %get3A_759 = arith.index_cast %get3A_758 : i32 to index
      %get3A_760 = arith.constant 0 : index
      %get3A_761 = tpu.vector_load %arg11[%get3A_759, %get3A_760] {strides = array<i32>} : memref<96x16xf32, #tpu.memory_space<vmem>>, vector<1x16xf32>,
      %get3A_762 = vector.shape_cast %get3A_761 : vector<1x16xf32> to vector<16xf32>
      %add3A_763 = arith.addf %add3A_739, %get3A_762 : vector<16xf32>
      %get3A_764 = arith.constant 10 : i32
      %get3A_765 = arith.index_cast %get3A_764 : i32 to index
      %get3A_766 = arith.constant 0 : index
      %get3A_767 = tpu.vector_load %arg11[%get3A_765, %get3A_766] {strides = array<i32>} : memref<96x16xf32, #tpu.memory_space<vmem>>, vector<1x16xf32>,
      %get3A_768 = vector.shape_cast %get3A_767 : vector<1x16xf32> to vector<16xf32>
      %add3A_769 = arith.addf %add3A_745, %get3A_768 : vector<16xf32>
      %get3A_770 = arith.constant 11 : i32
      %get3A_771 = arith.index_cast %get3A_770 : i32 to index
      %get3A_772 = arith.constant 0 : index
      %get3A_773 = tpu.vector_load %arg11[%get3A_771, %get3A_772] {strides = array<i32>} : memref<96x16xf32, #tpu.memory_space<vmem>>, vector<1x16xf32>,
      %get3A_774 = vector.shape_cast %get3A_773 : vector<1x16xf32> to vector<16xf32>
      %add3A_775 = arith.addf %add3A_751, %get3A_774 : vector<16xf32>
      %get3A_776 = arith.constant 12 : i32
      %get3A_777 = arith.index_cast %get3A_776 : i32 to index
      %get3A_778 = arith.constant 0 : index
      %get3A_779 = tpu.vector_load %arg11[%get3A_777, %get3A_778] {strides = array<i32>} : memref<96x16xf32, #tpu.memory_space<vmem>>, vector<1x16xf32>,
      %get3A_780 = vector.shape_cast %get3A_779 : vector<1x16xf32> to vector<16xf32>
      %add3A_781 = arith.addf %add3A_757, %get3A_780 : vector<16xf32>
      %get3A_782 = arith.constant 13 : i32
      %get3A_783 = arith.index_cast %get3A_782 : i32 to index
      %get3A_784 = arith.constant 0 : index
      %get3A_785 = tpu.vector_load %arg11[%get3A_783, %get3A_784] {strides = array<i32>} : memref<96x16xf32, #tpu.memory_space<vmem>>, vector<1x16xf32>,
      %get3A_786 = vector.shape_cast %get3A_785 : vector<1x16xf32> to vector<16xf32>
      %add3A_787 = arith.addf %add3A_763, %get3A_786 : vector<16xf32>
      %get3A_788 = arith.constant 14 : i32
      %get3A_789 = arith.index_cast %get3A_788 : i32 to index
      %get3A_790 = arith.constant 0 : index
      %get3A_791 = tpu.vector_load %arg11[%get3A_789, %get3A_790] {strides = array<i32>} : memref<96x16xf32, #tpu.memory_space<vmem>>, vector<1x16xf32>,
      %get3A_792 = vector.shape_cast %get3A_791 : vector<1x16xf32> to vector<16xf32>
      %add3A_793 = arith.addf %add3A_769, %get3A_792 : vector<16xf32>
      %get3A_794 = arith.constant 15 : i32
      %get3A_795 = arith.index_cast %get3A_794 : i32 to index
      %get3A_796 = arith.constant 0 : index
      %get3A_797 = tpu.vector_load %arg11[%get3A_795, %get3A_796] {strides = array<i32>} : memref<96x16xf32, #tpu.memory_space<vmem>>, vector<1x16xf32>,
      %get3A_798 = vector.shape_cast %get3A_797 : vector<1x16xf32> to vector<16xf32>
      %add3A_799 = arith.addf %add3A_775, %get3A_798 : vector<16xf32>
      %get3A_800 = arith.constant 16 : i32
      %get3A_801 = arith.index_cast %get3A_800 : i32 to index
      %get3A_802 = arith.constant 0 : index
      %get3A_803 = tpu.vector_load %arg11[%get3A_801, %get3A_802] {strides = array<i32>} : memref<96x16xf32, #tpu.memory_space<vmem>>, vector<1x16xf32>,
      %get3A_804 = vector.shape_cast %get3A_803 : vector<1x16xf32> to vector<16xf32>
      %add3A_805 = arith.addf %add3A_781, %get3A_804 : vector<16xf32>
      %get3A_806 = arith.constant 17 : i32
      %get3A_807 = arith.index_cast %get3A_806 : i32 to index
      %get3A_808 = arith.constant 0 : index
      %get3A_809 = tpu.vector_load %arg11[%get3A_807, %get3A_808] {strides = array<i32>} : memref<96x16xf32, #tpu.memory_space<vmem>>, vector<1x16xf32>,
      %get3A_810 = vector.shape_cast %get3A_809 : vector<1x16xf32> to vector<16xf32>
      %add3A_811 = arith.addf %add3A_787, %get3A_810 : vector<16xf32>
      %get3A_812 = arith.constant 18 : i32
      %get3A_813 = arith.index_cast %get3A_812 : i32 to index
      %get3A_814 = arith.constant 0 : index
      %get3A_815 = tpu.vector_load %arg11[%get3A_813, %get3A_814] {strides = array<i32>} : memref<96x16xf32, #tpu.memory_space<vmem>>, vector<1x16xf32>,
      %get3A_816 = vector.shape_cast %get3A_815 : vector<1x16xf32> to vector<16xf32>
      %add3A_817 = arith.addf %add3A_793, %get3A_816 : vector<16xf32>
      %get3A_818 = arith.constant 19 : i32
      %get3A_819 = arith.index_cast %get3A_818 : i32 to index
      %get3A_820 = arith.constant 0 : index
      %get3A_821 = tpu.vector_load %arg11[%get3A_819, %get3A_820] {strides = array<i32>} : memref<96x16xf32, #tpu.memory_space<vmem>>, vector<1x16xf32>,
      %get3A_822 = vector.shape_cast %get3A_821 : vector<1x16xf32> to vector<16xf32>
      %add3A_823 = arith.addf %add3A_799, %get3A_822 : vector<16xf32>
      %get3A_824 = arith.constant 20 : i32
      %get3A_825 = arith.index_cast %get3A_824 : i32 to index
      %get3A_826 = arith.constant 0 : index
      %get3A_827 = tpu.vector_load %arg11[%get3A_825, %get3A_826] {strides = array<i32>} : memref<96x16xf32, #tpu.memory_space<vmem>>, vector<1x16xf32>,
      %get3A_828 = vector.shape_cast %get3A_827 : vector<1x16xf32> to vector<16xf32>
      %add3A_829 = arith.addf %add3A_805, %get3A_828 : vector<16xf32>
      %get3A_830 = arith.constant 21 : i32
      %get3A_831 = arith.index_cast %get3A_830 : i32 to index
      %get3A_832 = arith.constant 0 : index
      %get3A_833 = tpu.vector_load %arg11[%get3A_831, %get3A_832] {strides = array<i32>} : memref<96x16xf32, #tpu.memory_space<vmem>>, vector<1x16xf32>,
      %get3A_834 = vector.shape_cast %get3A_833 : vector<1x16xf32> to vector<16xf32>
      %add3A_835 = arith.addf %add3A_811, %get3A_834 : vector<16xf32>
      %get3A_836 = arith.constant 22 : i32
      %get3A_837 = arith.index_cast %get3A_836 : i32 to index
      %get3A_838 = arith.constant 0 : index
      %get3A_839 = tpu.vector_load %arg11[%get3A_837, %get3A_838] {strides = array<i32>} : memref<96x16xf32, #tpu.memory_space<vmem>>, vector<1x16xf32>,
      %get3A_840 = vector.shape_cast %get3A_839 : vector<1x16xf32> to vector<16xf32>
      %add3A_841 = arith.addf %add3A_817, %get3A_840 : vector<16xf32>
      %get3A_842 = arith.constant 23 : i32
      %get3A_843 = arith.index_cast %get3A_842 : i32 to index
      %get3A_844 = arith.constant 0 : index
      %get3A_845 = tpu.vector_load %arg11[%get3A_843, %get3A_844] {strides = array<i32>} : memref<96x16xf32, #tpu.memory_space<vmem>>, vector<1x16xf32>,
      %get3A_846 = vector.shape_cast %get3A_845 : vector<1x16xf32> to vector<16xf32>
      %add3A_847 = arith.addf %add3A_823, %get3A_846 : vector<16xf32>
      %get3A_848 = arith.constant 24 : i32
      %get3A_849 = arith.index_cast %get3A_848 : i32 to index
      %get3A_850 = arith.constant 0 : index
      %get3A_851 = tpu.vector_load %arg11[%get3A_849, %get3A_850] {strides = array<i32>} : memref<96x16xf32, #tpu.memory_space<vmem>>, vector<1x16xf32>,
      %get3A_852 = vector.shape_cast %get3A_851 : vector<1x16xf32> to vector<16xf32>
      %add3A_853 = arith.addf %add3A_829, %get3A_852 : vector<16xf32>
      %get3A_854 = arith.constant 25 : i32
      %get3A_855 = arith.index_cast %get3A_854 : i32 to index
      %get3A_856 = arith.constant 0 : index
      %get3A_857 = tpu.vector_load %arg11[%get3A_855, %get3A_856] {strides = array<i32>} : memref<96x16xf32, #tpu.memory_space<vmem>>, vector<1x16xf32>,
      %get3A_858 = vector.shape_cast %get3A_857 : vector<1x16xf32> to vector<16xf32>
      %add3A_859 = arith.addf %add3A_835, %get3A_858 : vector<16xf32>
      %get3A_860 = arith.constant 26 : i32
      %get3A_861 = arith.index_cast %get3A_860 : i32 to index
      %get3A_862 = arith.constant 0 : index
      %get3A_863 = tpu.vector_load %arg11[%get3A_861, %get3A_862] {strides = array<i32>} : memref<96x16xf32, #tpu.memory_space<vmem>>, vector<1x16xf32>,
      %get3A_864 = vector.shape_cast %get3A_863 : vector<1x16xf32> to vector<16xf32>
      %add3A_865 = arith.addf %add3A_841, %get3A_864 : vector<16xf32>
      %get3A_866 = arith.constant 27 : i32
      %get3A_867 = arith.index_cast %get3A_866 : i32 to index
      %get3A_868 = arith.constant 0 : index
      %get3A_869 = tpu.vector_load %arg11[%get3A_867, %get3A_868] {strides = array<i32>} : memref<96x16xf32, #tpu.memory_space<vmem>>, vector<1x16xf32>,
      %get3A_870 = vector.shape_cast %get3A_869 : vector<1x16xf32> to vector<16xf32>
      %add3A_871 = arith.addf %add3A_847, %get3A_870 : vector<16xf32>
      %get3A_872 = arith.constant 28 : i32
      %get3A_873 = arith.index_cast %get3A_872 : i32 to index
      %get3A_874 = arith.constant 0 : index
      %get3A_875 = tpu.vector_load %arg11[%get3A_873, %get3A_874] {strides = array<i32>} : memref<96x16xf32, #tpu.memory_space<vmem>>, vector<1x16xf32>,
      %get3A_876 = vector.shape_cast %get3A_875 : vector<1x16xf32> to vector<16xf32>
      %add3A_877 = arith.addf %add3A_853, %get3A_876 : vector<16xf32>
      %get3A_878 = arith.constant 29 : i32
      %get3A_879 = arith.index_cast %get3A_878 : i32 to index
      %get3A_880 = arith.constant 0 : index
      %get3A_881 = tpu.vector_load %arg11[%get3A_879, %get3A_880] {strides = array<i32>} : memref<96x16xf32, #tpu.memory_space<vmem>>, vector<1x16xf32>,
      %get3A_882 = vector.shape_cast %get3A_881 : vector<1x16xf32> to vector<16xf32>
      %add3A_883 = arith.addf %add3A_859, %get3A_882 : vector<16xf32>
      %get3A_884 = arith.constant 30 : i32
      %get3A_885 = arith.index_cast %get3A_884 : i32 to index
      %get3A_886 = arith.constant 0 : index
      %get3A_887 = tpu.vector_load %arg11[%get3A_885, %get3A_886] {strides = array<i32>} : memref<96x16xf32, #tpu.memory_space<vmem>>, vector<1x16xf32>,
      %get3A_888 = vector.shape_cast %get3A_887 : vector<1x16xf32> to vector<16xf32>
      %add3A_889 = arith.addf %add3A_865, %get3A_888 : vector<16xf32>
      %get3A_890 = arith.constant 31 : i32
      %get3A_891 = arith.index_cast %get3A_890 : i32 to index
      %get3A_892 = arith.constant 0 : index
      %get3A_893 = tpu.vector_load %arg11[%get3A_891, %get3A_892] {strides = array<i32>} : memref<96x16xf32, #tpu.memory_space<vmem>>, vector<1x16xf32>,
      %get3A_894 = vector.shape_cast %get3A_893 : vector<1x16xf32> to vector<16xf32>
      %add3A_895 = arith.addf %add3A_871, %get3A_894 : vector<16xf32>
      %get3A_896 = arith.constant 32 : i32
      %get3A_897 = arith.index_cast %get3A_896 : i32 to index
      %get3A_898 = arith.constant 0 : index
      %get3A_899 = tpu.vector_load %arg11[%get3A_897, %get3A_898] {strides = array<i32>} : memref<96x16xf32, #tpu.memory_space<vmem>>, vector<1x16xf32>,
      %get3A_900 = vector.shape_cast %get3A_899 : vector<1x16xf32> to vector<16xf32>
      %add3A_901 = arith.addf %add3A_877, %get3A_900 : vector<16xf32>
      %get3A_902 = arith.constant 33 : i32
      %get3A_903 = arith.index_cast %get3A_902 : i32 to index
      %get3A_904 = arith.constant 0 : index
      %get3A_905 = tpu.vector_load %arg11[%get3A_903, %get3A_904] {strides = array<i32>} : memref<96x16xf32, #tpu.memory_space<vmem>>, vector<1x16xf32>,
      %get3A_906 = vector.shape_cast %get3A_905 : vector<1x16xf32> to vector<16xf32>
      %add3A_907 = arith.addf %add3A_883, %get3A_906 : vector<16xf32>
      %get3A_908 = arith.constant 34 : i32
      %get3A_909 = arith.index_cast %get3A_908 : i32 to index
      %get3A_910 = arith.constant 0 : index
      %get3A_911 = tpu.vector_load %arg11[%get3A_909, %get3A_910] {strides = array<i32>} : memref<96x16xf32, #tpu.memory_space<vmem>>, vector<1x16xf32>,
      %get3A_912 = vector.shape_cast %get3A_911 : vector<1x16xf32> to vector<16xf32>
      %add3A_913 = arith.addf %add3A_889, %get3A_912 : vector<16xf32>
      %get3A_914 = arith.constant 35 : i32
      %get3A_915 = arith.index_cast %get3A_914 : i32 to index
      %get3A_916 = arith.constant 0 : index
      %get3A_917 = tpu.vector_load %arg11[%get3A_915, %get3A_916] {strides = array<i32>} : memref<96x16xf32, #tpu.memory_space<vmem>>, vector<1x16xf32>,
      %get3A_918 = vector.shape_cast %get3A_917 : vector<1x16xf32> to vector<16xf32>
      %add3A_919 = arith.addf %add3A_895, %get3A_918 : vector<16xf32>
      %get3A_920 = arith.constant 36 : i32
      %get3A_921 = arith.index_cast %get3A_920 : i32 to index
      %get3A_922 = arith.constant 0 : index
      %get3A_923 = tpu.vector_load %arg11[%get3A_921, %get3A_922] {strides = array<i32>} : memref<96x16xf32, #tpu.memory_space<vmem>>, vector<1x16xf32>,
      %get3A_924 = vector.shape_cast %get3A_923 : vector<1x16xf32> to vector<16xf32>
      %add3A_925 = arith.addf %add3A_901, %get3A_924 : vector<16xf32>
      %get3A_926 = arith.constant 37 : i32
      %get3A_927 = arith.index_cast %get3A_926 : i32 to index
      %get3A_928 = arith.constant 0 : index
      %get3A_929 = tpu.vector_load %arg11[%get3A_927, %get3A_928] {strides = array<i32>} : memref<96x16xf32, #tpu.memory_space<vmem>>, vector<1x16xf32>,
      %get3A_930 = vector.shape_cast %get3A_929 : vector<1x16xf32> to vector<16xf32>
      %add3A_931 = arith.addf %add3A_907, %get3A_930 : vector<16xf32>
      %get3A_932 = arith.constant 38 : i32
      %get3A_933 = arith.index_cast %get3A_932 : i32 to index
      %get3A_934 = arith.constant 0 : index
      %get3A_935 = tpu.vector_load %arg11[%get3A_933, %get3A_934] {strides = array<i32>} : memref<96x16xf32, #tpu.memory_space<vmem>>, vector<1x16xf32>,
      %get3A_936 = vector.shape_cast %get3A_935 : vector<1x16xf32> to vector<16xf32>
      %add3A_937 = arith.addf %add3A_913, %get3A_936 : vector<16xf32>
      %get3A_938 = arith.constant 39 : i32
      %get3A_939 = arith.index_cast %get3A_938 : i32 to index
      %get3A_940 = arith.constant 0 : index
      %get3A_941 = tpu.vector_load %arg11[%get3A_939, %get3A_940] {strides = array<i32>} : memref<96x16xf32, #tpu.memory_space<vmem>>, vector<1x16xf32>,
      %get3A_942 = vector.shape_cast %get3A_941 : vector<1x16xf32> to vector<16xf32>
      %add3A_943 = arith.addf %add3A_919, %get3A_942 : vector<16xf32>
      %get3A_944 = arith.constant 40 : i32
      %get3A_945 = arith.index_cast %get3A_944 : i32 to index
      %get3A_946 = arith.constant 0 : index
      %get3A_947 = tpu.vector_load %arg11[%get3A_945, %get3A_946] {strides = array<i32>} : memref<96x16xf32, #tpu.memory_space<vmem>>, vector<1x16xf32>,
      %get3A_948 = vector.shape_cast %get3A_947 : vector<1x16xf32> to vector<16xf32>
      %add3A_949 = arith.addf %add3A_925, %get3A_948 : vector<16xf32>
      %get3A_950 = arith.constant 41 : i32
      %get3A_951 = arith.index_cast %get3A_950 : i32 to index
      %get3A_952 = arith.constant 0 : index
      %get3A_953 = tpu.vector_load %arg11[%get3A_951, %get3A_952] {strides = array<i32>} : memref<96x16xf32, #tpu.memory_space<vmem>>, vector<1x16xf32>,
      %get3A_954 = vector.shape_cast %get3A_953 : vector<1x16xf32> to vector<16xf32>
      %add3A_955 = arith.addf %add3A_931, %get3A_954 : vector<16xf32>
      %get3A_956 = arith.constant 42 : i32
      %get3A_957 = arith.index_cast %get3A_956 : i32 to index
      %get3A_958 = arith.constant 0 : index
      %get3A_959 = tpu.vector_load %arg11[%get3A_957, %get3A_958] {strides = array<i32>} : memref<96x16xf32, #tpu.memory_space<vmem>>, vector<1x16xf32>,
      %get3A_960 = vector.shape_cast %get3A_959 : vector<1x16xf32> to vector<16xf32>
      %add3A_961 = arith.addf %add3A_937, %get3A_960 : vector<16xf32>
      %get3A_962 = arith.constant 43 : i32
      %get3A_963 = arith.index_cast %get3A_962 : i32 to index
      %get3A_964 = arith.constant 0 : index
      %get3A_965 = tpu.vector_load %arg11[%get3A_963, %get3A_964] {strides = array<i32>} : memref<96x16xf32, #tpu.memory_space<vmem>>, vector<1x16xf32>,
      %get3A_966 = vector.shape_cast %get3A_965 : vector<1x16xf32> to vector<16xf32>
      %add3A_967 = arith.addf %add3A_943, %get3A_966 : vector<16xf32>
      %get3A_968 = arith.constant 44 : i32
      %get3A_969 = arith.index_cast %get3A_968 : i32 to index
      %get3A_970 = arith.constant 0 : index
      %get3A_971 = tpu.vector_load %arg11[%get3A_969, %get3A_970] {strides = array<i32>} : memref<96x16xf32, #tpu.memory_space<vmem>>, vector<1x16xf32>,
      %get3A_972 = vector.shape_cast %get3A_971 : vector<1x16xf32> to vector<16xf32>
      %add3A_973 = arith.addf %add3A_949, %get3A_972 : vector<16xf32>
      %get3A_974 = arith.constant 45 : i32
      %get3A_975 = arith.index_cast %get3A_974 : i32 to index
      %get3A_976 = arith.constant 0 : index
      %get3A_977 = tpu.vector_load %arg11[%get3A_975, %get3A_976] {strides = array<i32>} : memref<96x16xf32, #tpu.memory_space<vmem>>, vector<1x16xf32>,
      %get3A_978 = vector.shape_cast %get3A_977 : vector<1x16xf32> to vector<16xf32>
      %add3A_979 = arith.addf %add3A_955, %get3A_978 : vector<16xf32>
      %get3A_980 = arith.constant 46 : i32
      %get3A_981 = arith.index_cast %get3A_980 : i32 to index
      %get3A_982 = arith.constant 0 : index
      %get3A_983 = tpu.vector_load %arg11[%get3A_981, %get3A_982] {strides = array<i32>} : memref<96x16xf32, #tpu.memory_space<vmem>>, vector<1x16xf32>,
      %get3A_984 = vector.shape_cast %get3A_983 : vector<1x16xf32> to vector<16xf32>
      %add3A_985 = arith.addf %add3A_961, %get3A_984 : vector<16xf32>
      %get3A_986 = arith.constant 47 : i32
      %get3A_987 = arith.index_cast %get3A_986 : i32 to index
      %get3A_988 = arith.constant 0 : index
      %get3A_989 = tpu.vector_load %arg11[%get3A_987, %get3A_988] {strides = array<i32>} : memref<96x16xf32, #tpu.memory_space<vmem>>, vector<1x16xf32>,
      %get3A_990 = vector.shape_cast %get3A_989 : vector<1x16xf32> to vector<16xf32>
      %add3A_991 = arith.addf %add3A_967, %get3A_990 : vector<16xf32>
      %get3A_992 = arith.constant 48 : i32
      %get3A_993 = arith.index_cast %get3A_992 : i32 to index
      %get3A_994 = arith.constant 0 : index
      %get3A_995 = tpu.vector_load %arg11[%get3A_993, %get3A_994] {strides = array<i32>} : memref<96x16xf32, #tpu.memory_space<vmem>>, vector<1x16xf32>,
      %get3A_996 = vector.shape_cast %get3A_995 : vector<1x16xf32> to vector<16xf32>
      %add3A_997 = arith.addf %add3A_973, %get3A_996 : vector<16xf32>
      %get3A_998 = arith.constant 49 : i32
      %get3A_999 = arith.index_cast %get3A_998 : i32 to index
      %get3A_1000 = arith.constant 0 : index
      %get3A_1001 = tpu.vector_load %arg11[%get3A_999, %get3A_1000] {strides = array<i32>} : memref<96x16xf32, #tpu.memory_space<vmem>>, vector<1x16xf32>,
      %get3A_1002 = vector.shape_cast %get3A_1001 : vector<1x16xf32> to vector<16xf32>
      %add3A_1003 = arith.addf %add3A_979, %get3A_1002 : vector<16xf32>
      %get3A_1004 = arith.constant 50 : i32
      %get3A_1005 = arith.index_cast %get3A_1004 : i32 to index
      %get3A_1006 = arith.constant 0 : index
      %get3A_1007 = tpu.vector_load %arg11[%get3A_1005, %get3A_1006] {strides = array<i32>} : memref<96x16xf32, #tpu.memory_space<vmem>>, vector<1x16xf32>,
      %get3A_1008 = vector.shape_cast %get3A_1007 : vector<1x16xf32> to vector<16xf32>
      %add3A_1009 = arith.addf %add3A_985, %get3A_1008 : vector<16xf32>
      %get3A_1010 = arith.constant 51 : i32
      %get3A_1011 = arith.index_cast %get3A_1010 : i32 to index
      %get3A_1012 = arith.constant 0 : index
      %get3A_1013 = tpu.vector_load %arg11[%get3A_1011, %get3A_1012] {strides = array<i32>} : memref<96x16xf32, #tpu.memory_space<vmem>>, vector<1x16xf32>,
      %get3A_1014 = vector.shape_cast %get3A_1013 : vector<1x16xf32> to vector<16xf32>
      %add3A_1015 = arith.addf %add3A_991, %get3A_1014 : vector<16xf32>
      %get3A_1016 = arith.constant 52 : i32
      %get3A_1017 = arith.index_cast %get3A_1016 : i32 to index
      %get3A_1018 = arith.constant 0 : index
      %get3A_1019 = tpu.vector_load %arg11[%get3A_1017, %get3A_1018] {strides = array<i32>} : memref<96x16xf32, #tpu.memory_space<vmem>>, vector<1x16xf32>,
      %get3A_1020 = vector.shape_cast %get3A_1019 : vector<1x16xf32> to vector<16xf32>
      %add3A_1021 = arith.addf %add3A_997, %get3A_1020 : vector<16xf32>
      %get3A_1022 = arith.constant 53 : i32
      %get3A_1023 = arith.index_cast %get3A_1022 : i32 to index
      %get3A_1024 = arith.constant 0 : index
      %get3A_1025 = tpu.vector_load %arg11[%get3A_1023, %get3A_1024] {strides = array<i32>} : memref<96x16xf32, #tpu.memory_space<vmem>>, vector<1x16xf32>,
      %get3A_1026 = vector.shape_cast %get3A_1025 : vector<1x16xf32> to vector<16xf32>
      %add3A_1027 = arith.addf %add3A_1003, %get3A_1026 : vector<16xf32>
      %get3A_1028 = arith.constant 54 : i32
      %get3A_1029 = arith.index_cast %get3A_1028 : i32 to index
      %get3A_1030 = arith.constant 0 : index
      %get3A_1031 = tpu.vector_load %arg11[%get3A_1029, %get3A_1030] {strides = array<i32>} : memref<96x16xf32, #tpu.memory_space<vmem>>, vector<1x16xf32>,
      %get3A_1032 = vector.shape_cast %get3A_1031 : vector<1x16xf32> to vector<16xf32>
      %add3A_1033 = arith.addf %add3A_1009, %get3A_1032 : vector<16xf32>
      %get3A_1034 = arith.constant 55 : i32
      %get3A_1035 = arith.index_cast %get3A_1034 : i32 to index
      %get3A_1036 = arith.constant 0 : index
      %get3A_1037 = tpu.vector_load %arg11[%get3A_1035, %get3A_1036] {strides = array<i32>} : memref<96x16xf32, #tpu.memory_space<vmem>>, vector<1x16xf32>,
      %get3A_1038 = vector.shape_cast %get3A_1037 : vector<1x16xf32> to vector<16xf32>
      %add3A_1039 = arith.addf %add3A_1015, %get3A_1038 : vector<16xf32>
      %get3A_1040 = arith.constant 56 : i32
      %get3A_1041 = arith.index_cast %get3A_1040 : i32 to index
      %get3A_1042 = arith.constant 0 : index
      %get3A_1043 = tpu.vector_load %arg11[%get3A_1041, %get3A_1042] {strides = array<i32>} : memref<96x16xf32, #tpu.memory_space<vmem>>, vector<1x16xf32>,
      %get3A_1044 = vector.shape_cast %get3A_1043 : vector<1x16xf32> to vector<16xf32>
      %add3A_1045 = arith.addf %add3A_1021, %get3A_1044 : vector<16xf32>
      %get3A_1046 = arith.constant 57 : i32
      %get3A_1047 = arith.index_cast %get3A_1046 : i32 to index
      %get3A_1048 = arith.constant 0 : index
      %get3A_1049 = tpu.vector_load %arg11[%get3A_1047, %get3A_1048] {strides = array<i32>} : memref<96x16xf32, #tpu.memory_space<vmem>>, vector<1x16xf32>,
      %get3A_1050 = vector.shape_cast %get3A_1049 : vector<1x16xf32> to vector<16xf32>
      %add3A_1051 = arith.addf %add3A_1027, %get3A_1050 : vector<16xf32>
      %get3A_1052 = arith.constant 58 : i32
      %get3A_1053 = arith.index_cast %get3A_1052 : i32 to index
      %get3A_1054 = arith.constant 0 : index
      %get3A_1055 = tpu.vector_load %arg11[%get3A_1053, %get3A_1054] {strides = array<i32>} : memref<96x16xf32, #tpu.memory_space<vmem>>, vector<1x16xf32>,
      %get3A_1056 = vector.shape_cast %get3A_1055 : vector<1x16xf32> to vector<16xf32>
      %add3A_1057 = arith.addf %add3A_1033, %get3A_1056 : vector<16xf32>
      %get3A_1058 = arith.constant 59 : i32
      %get3A_1059 = arith.index_cast %get3A_1058 : i32 to index
      %get3A_1060 = arith.constant 0 : index
      %get3A_1061 = tpu.vector_load %arg11[%get3A_1059, %get3A_1060] {strides = array<i32>} : memref<96x16xf32, #tpu.memory_space<vmem>>, vector<1x16xf32>,
      %get3A_1062 = vector.shape_cast %get3A_1061 : vector<1x16xf32> to vector<16xf32>
      %add3A_1063 = arith.addf %add3A_1039, %get3A_1062 : vector<16xf32>
      %get3A_1064 = arith.constant 60 : i32
      %get3A_1065 = arith.index_cast %get3A_1064 : i32 to index
      %get3A_1066 = arith.constant 0 : index
      %get3A_1067 = tpu.vector_load %arg11[%get3A_1065, %get3A_1066] {strides = array<i32>} : memref<96x16xf32, #tpu.memory_space<vmem>>, vector<1x16xf32>,
      %get3A_1068 = vector.shape_cast %get3A_1067 : vector<1x16xf32> to vector<16xf32>
      %add3A_1069 = arith.addf %add3A_1045, %get3A_1068 : vector<16xf32>
      %get3A_1070 = arith.constant 61 : i32
      %get3A_1071 = arith.index_cast %get3A_1070 : i32 to index
      %get3A_1072 = arith.constant 0 : index
      %get3A_1073 = tpu.vector_load %arg11[%get3A_1071, %get3A_1072] {strides = array<i32>} : memref<96x16xf32, #tpu.memory_space<vmem>>, vector<1x16xf32>,
      %get3A_1074 = vector.shape_cast %get3A_1073 : vector<1x16xf32> to vector<16xf32>
      %add3A_1075 = arith.addf %add3A_1051, %get3A_1074 : vector<16xf32>
      %get3A_1076 = arith.constant 62 : i32
      %get3A_1077 = arith.index_cast %get3A_1076 : i32 to index
      %get3A_1078 = arith.constant 0 : index
      %get3A_1079 = tpu.vector_load %arg11[%get3A_1077, %get3A_1078] {strides = array<i32>} : memref<96x16xf32, #tpu.memory_space<vmem>>, vector<1x16xf32>,
      %get3A_1080 = vector.shape_cast %get3A_1079 : vector<1x16xf32> to vector<16xf32>
      %add3A_1081 = arith.addf %add3A_1057, %get3A_1080 : vector<16xf32>
      %get3A_1082 = arith.constant 63 : i32
      %get3A_1083 = arith.index_cast %get3A_1082 : i32 to index
      %get3A_1084 = arith.constant 0 : index
      %get3A_1085 = tpu.vector_load %arg11[%get3A_1083, %get3A_1084] {strides = array<i32>} : memref<96x16xf32, #tpu.memory_space<vmem>>, vector<1x16xf32>,
      %get3A_1086 = vector.shape_cast %get3A_1085 : vector<1x16xf32> to vector<16xf32>
      %add3A_1087 = arith.addf %add3A_1063, %get3A_1086 : vector<16xf32>
      %get3A_1088 = arith.constant 64 : i32
      %get3A_1089 = arith.index_cast %get3A_1088 : i32 to index
      %get3A_1090 = arith.constant 0 : index
      %get3A_1091 = tpu.vector_load %arg11[%get3A_1089, %get3A_1090] {strides = array<i32>} : memref<96x16xf32, #tpu.memory_space<vmem>>, vector<1x16xf32>,
      %get3A_1092 = vector.shape_cast %get3A_1091 : vector<1x16xf32> to vector<16xf32>
      %add3A_1093 = arith.addf %add3A_1069, %get3A_1092 : vector<16xf32>
      %get3A_1094 = arith.constant 65 : i32
      %get3A_1095 = arith.index_cast %get3A_1094 : i32 to index
      %get3A_1096 = arith.constant 0 : index
      %get3A_1097 = tpu.vector_load %arg11[%get3A_1095, %get3A_1096] {strides = array<i32>} : memref<96x16xf32, #tpu.memory_space<vmem>>, vector<1x16xf32>,
      %get3A_1098 = vector.shape_cast %get3A_1097 : vector<1x16xf32> to vector<16xf32>
      %add3A_1099 = arith.addf %add3A_1075, %get3A_1098 : vector<16xf32>
      %get3A_1100 = arith.constant 66 : i32
      %get3A_1101 = arith.index_cast %get3A_1100 : i32 to index
      %get3A_1102 = arith.constant 0 : index
      %get3A_1103 = tpu.vector_load %arg11[%get3A_1101, %get3A_1102] {strides = array<i32>} : memref<96x16xf32, #tpu.memory_space<vmem>>, vector<1x16xf32>,
      %get3A_1104 = vector.shape_cast %get3A_1103 : vector<1x16xf32> to vector<16xf32>
      %add3A_1105 = arith.addf %add3A_1081, %get3A_1104 : vector<16xf32>
      %get3A_1106 = arith.constant 67 : i32
      %get3A_1107 = arith.index_cast %get3A_1106 : i32 to index
      %get3A_1108 = arith.constant 0 : index
      %get3A_1109 = tpu.vector_load %arg11[%get3A_1107, %get3A_1108] {strides = array<i32>} : memref<96x16xf32, #tpu.memory_space<vmem>>, vector<1x16xf32>,
      %get3A_1110 = vector.shape_cast %get3A_1109 : vector<1x16xf32> to vector<16xf32>
      %add3A_1111 = arith.addf %add3A_1087, %get3A_1110 : vector<16xf32>
      %get3A_1112 = arith.constant 68 : i32
      %get3A_1113 = arith.index_cast %get3A_1112 : i32 to index
      %get3A_1114 = arith.constant 0 : index
      %get3A_1115 = tpu.vector_load %arg11[%get3A_1113, %get3A_1114] {strides = array<i32>} : memref<96x16xf32, #tpu.memory_space<vmem>>, vector<1x16xf32>,
      %get3A_1116 = vector.shape_cast %get3A_1115 : vector<1x16xf32> to vector<16xf32>
      %add3A_1117 = arith.addf %add3A_1093, %get3A_1116 : vector<16xf32>
      %get3A_1118 = arith.constant 69 : i32
      %get3A_1119 = arith.index_cast %get3A_1118 : i32 to index
      %get3A_1120 = arith.constant 0 : index
      %get3A_1121 = tpu.vector_load %arg11[%get3A_1119, %get3A_1120] {strides = array<i32>} : memref<96x16xf32, #tpu.memory_space<vmem>>, vector<1x16xf32>,
      %get3A_1122 = vector.shape_cast %get3A_1121 : vector<1x16xf32> to vector<16xf32>
      %add3A_1123 = arith.addf %add3A_1099, %get3A_1122 : vector<16xf32>
      %get3A_1124 = arith.constant 70 : i32
      %get3A_1125 = arith.index_cast %get3A_1124 : i32 to index
      %get3A_1126 = arith.constant 0 : index
      %get3A_1127 = tpu.vector_load %arg11[%get3A_1125, %get3A_1126] {strides = array<i32>} : memref<96x16xf32, #tpu.memory_space<vmem>>, vector<1x16xf32>,
      %get3A_1128 = vector.shape_cast %get3A_1127 : vector<1x16xf32> to vector<16xf32>
      %add3A_1129 = arith.addf %add3A_1105, %get3A_1128 : vector<16xf32>
      %get3A_1130 = arith.constant 71 : i32
      %get3A_1131 = arith.index_cast %get3A_1130 : i32 to index
      %get3A_1132 = arith.constant 0 : index
      %get3A_1133 = tpu.vector_load %arg11[%get3A_1131, %get3A_1132] {strides = array<i32>} : memref<96x16xf32, #tpu.memory_space<vmem>>, vector<1x16xf32>,
      %get3A_1134 = vector.shape_cast %get3A_1133 : vector<1x16xf32> to vector<16xf32>
      %add3A_1135 = arith.addf %add3A_1111, %get3A_1134 : vector<16xf32>
      %get3A_1136 = arith.constant 72 : i32
      %get3A_1137 = arith.index_cast %get3A_1136 : i32 to index
      %get3A_1138 = arith.constant 0 : index
      %get3A_1139 = tpu.vector_load %arg11[%get3A_1137, %get3A_1138] {strides = array<i32>} : memref<96x16xf32, #tpu.memory_space<vmem>>, vector<1x16xf32>,
      %get3A_1140 = vector.shape_cast %get3A_1139 : vector<1x16xf32> to vector<16xf32>
      %add3A_1141 = arith.addf %add3A_1117, %get3A_1140 : vector<16xf32>
      %get3A_1142 = arith.constant 73 : i32
      %get3A_1143 = arith.index_cast %get3A_1142 : i32 to index
      %get3A_1144 = arith.constant 0 : index
      %get3A_1145 = tpu.vector_load %arg11[%get3A_1143, %get3A_1144] {strides = array<i32>} : memref<96x16xf32, #tpu.memory_space<vmem>>, vector<1x16xf32>,
      %get3A_1146 = vector.shape_cast %get3A_1145 : vector<1x16xf32> to vector<16xf32>
      %add3A_1147 = arith.addf %add3A_1123, %get3A_1146 : vector<16xf32>
      %get3A_1148 = arith.constant 74 : i32
      %get3A_1149 = arith.index_cast %get3A_1148 : i32 to index
      %get3A_1150 = arith.constant 0 : index
      %get3A_1151 = tpu.vector_load %arg11[%get3A_1149, %get3A_1150] {strides = array<i32>} : memref<96x16xf32, #tpu.memory_space<vmem>>, vector<1x16xf32>,
      %get3A_1152 = vector.shape_cast %get3A_1151 : vector<1x16xf32> to vector<16xf32>
      %add3A_1153 = arith.addf %add3A_1129, %get3A_1152 : vector<16xf32>
      %get3A_1154 = arith.constant 75 : i32
      %get3A_1155 = arith.index_cast %get3A_1154 : i32 to index
      %get3A_1156 = arith.constant 0 : index
      %get3A_1157 = tpu.vector_load %arg11[%get3A_1155, %get3A_1156] {strides = array<i32>} : memref<96x16xf32, #tpu.memory_space<vmem>>, vector<1x16xf32>,
      %get3A_1158 = vector.shape_cast %get3A_1157 : vector<1x16xf32> to vector<16xf32>
      %add3A_1159 = arith.addf %add3A_1135, %get3A_1158 : vector<16xf32>
      %get3A_1160 = arith.constant 76 : i32
      %get3A_1161 = arith.index_cast %get3A_1160 : i32 to index
      %get3A_1162 = arith.constant 0 : index
      %get3A_1163 = tpu.vector_load %arg11[%get3A_1161, %get3A_1162] {strides = array<i32>} : memref<96x16xf32, #tpu.memory_space<vmem>>, vector<1x16xf32>,
      %get3A_1164 = vector.shape_cast %get3A_1163 : vector<1x16xf32> to vector<16xf32>
      %add3A_1165 = arith.addf %add3A_1141, %get3A_1164 : vector<16xf32>
      %get3A_1166 = arith.constant 77 : i32
      %get3A_1167 = arith.index_cast %get3A_1166 : i32 to index
      %get3A_1168 = arith.constant 0 : index
      %get3A_1169 = tpu.vector_load %arg11[%get3A_1167, %get3A_1168] {strides = array<i32>} : memref<96x16xf32, #tpu.memory_space<vmem>>, vector<1x16xf32>,
      %get3A_1170 = vector.shape_cast %get3A_1169 : vector<1x16xf32> to vector<16xf32>
      %add3A_1171 = arith.addf %add3A_1147, %get3A_1170 : vector<16xf32>
      %get3A_1172 = arith.constant 78 : i32
      %get3A_1173 = arith.index_cast %get3A_1172 : i32 to index
      %get3A_1174 = arith.constant 0 : index
      %get3A_1175 = tpu.vector_load %arg11[%get3A_1173, %get3A_1174] {strides = array<i32>} : memref<96x16xf32, #tpu.memory_space<vmem>>, vector<1x16xf32>,
      %get3A_1176 = vector.shape_cast %get3A_1175 : vector<1x16xf32> to vector<16xf32>
      %add3A_1177 = arith.addf %add3A_1153, %get3A_1176 : vector<16xf32>
      %get3A_1178 = arith.constant 79 : i32
      %get3A_1179 = arith.index_cast %get3A_1178 : i32 to index
      %get3A_1180 = arith.constant 0 : index
      %get3A_1181 = tpu.vector_load %arg11[%get3A_1179, %get3A_1180] {strides = array<i32>} : memref<96x16xf32, #tpu.memory_space<vmem>>, vector<1x16xf32>,
      %get3A_1182 = vector.shape_cast %get3A_1181 : vector<1x16xf32> to vector<16xf32>
      %add3A_1183 = arith.addf %add3A_1159, %get3A_1182 : vector<16xf32>
      %get3A_1184 = arith.constant 80 : i32
      %get3A_1185 = arith.index_cast %get3A_1184 : i32 to index
      %get3A_1186 = arith.constant 0 : index
      %get3A_1187 = tpu.vector_load %arg11[%get3A_1185, %get3A_1186] {strides = array<i32>} : memref<96x16xf32, #tpu.memory_space<vmem>>, vector<1x16xf32>,
      %get3A_1188 = vector.shape_cast %get3A_1187 : vector<1x16xf32> to vector<16xf32>
      %add3A_1189 = arith.addf %add3A_1165, %get3A_1188 : vector<16xf32>
      %get3A_1190 = arith.constant 81 : i32
      %get3A_1191 = arith.index_cast %get3A_1190 : i32 to index
      %get3A_1192 = arith.constant 0 : index
      %get3A_1193 = tpu.vector_load %arg11[%get3A_1191, %get3A_1192] {strides = array<i32>} : memref<96x16xf32, #tpu.memory_space<vmem>>, vector<1x16xf32>,
      %get3A_1194 = vector.shape_cast %get3A_1193 : vector<1x16xf32> to vector<16xf32>
      %add3A_1195 = arith.addf %add3A_1171, %get3A_1194 : vector<16xf32>
      %get3A_1196 = arith.constant 82 : i32
      %get3A_1197 = arith.index_cast %get3A_1196 : i32 to index
      %get3A_1198 = arith.constant 0 : index
      %get3A_1199 = tpu.vector_load %arg11[%get3A_1197, %get3A_1198] {strides = array<i32>} : memref<96x16xf32, #tpu.memory_space<vmem>>, vector<1x16xf32>,
      %get3A_1200 = vector.shape_cast %get3A_1199 : vector<1x16xf32> to vector<16xf32>
      %add3A_1201 = arith.addf %add3A_1177, %get3A_1200 : vector<16xf32>
      %get3A_1202 = arith.constant 83 : i32
      %get3A_1203 = arith.index_cast %get3A_1202 : i32 to index
      %get3A_1204 = arith.constant 0 : index
      %get3A_1205 = tpu.vector_load %arg11[%get3A_1203, %get3A_1204] {strides = array<i32>} : memref<96x16xf32, #tpu.memory_space<vmem>>, vector<1x16xf32>,
      %get3A_1206 = vector.shape_cast %get3A_1205 : vector<1x16xf32> to vector<16xf32>
      %add3A_1207 = arith.addf %add3A_1183, %get3A_1206 : vector<16xf32>
      %get3A_1208 = arith.constant 84 : i32
      %get3A_1209 = arith.index_cast %get3A_1208 : i32 to index
      %get3A_1210 = arith.constant 0 : index
      %get3A_1211 = tpu.vector_load %arg11[%get3A_1209, %get3A_1210] {strides = array<i32>} : memref<96x16xf32, #tpu.memory_space<vmem>>, vector<1x16xf32>,
      %get3A_1212 = vector.shape_cast %get3A_1211 : vector<1x16xf32> to vector<16xf32>
      %add3A_1213 = arith.addf %add3A_1189, %get3A_1212 : vector<16xf32>
      %get3A_1214 = arith.constant 85 : i32
      %get3A_1215 = arith.index_cast %get3A_1214 : i32 to index
      %get3A_1216 = arith.constant 0 : index
      %get3A_1217 = tpu.vector_load %arg11[%get3A_1215, %get3A_1216] {strides = array<i32>} : memref<96x16xf32, #tpu.memory_space<vmem>>, vector<1x16xf32>,
      %get3A_1218 = vector.shape_cast %get3A_1217 : vector<1x16xf32> to vector<16xf32>
      %add3A_1219 = arith.addf %add3A_1195, %get3A_1218 : vector<16xf32>
      %get3A_1220 = arith.constant 86 : i32
      %get3A_1221 = arith.index_cast %get3A_1220 : i32 to index
      %get3A_1222 = arith.constant 0 : index
      %get3A_1223 = tpu.vector_load %arg11[%get3A_1221, %get3A_1222] {strides = array<i32>} : memref<96x16xf32, #tpu.memory_space<vmem>>, vector<1x16xf32>,
      %get3A_1224 = vector.shape_cast %get3A_1223 : vector<1x16xf32> to vector<16xf32>
      %add3A_1225 = arith.addf %add3A_1201, %get3A_1224 : vector<16xf32>
      %get3A_1226 = arith.constant 87 : i32
      %get3A_1227 = arith.index_cast %get3A_1226 : i32 to index
      %get3A_1228 = arith.constant 0 : index
      %get3A_1229 = tpu.vector_load %arg11[%get3A_1227, %get3A_1228] {strides = array<i32>} : memref<96x16xf32, #tpu.memory_space<vmem>>, vector<1x16xf32>,
      %get3A_1230 = vector.shape_cast %get3A_1229 : vector<1x16xf32> to vector<16xf32>
      %add3A_1231 = arith.addf %add3A_1207, %get3A_1230 : vector<16xf32>
      %get3A_1232 = arith.constant 88 : i32
      %get3A_1233 = arith.index_cast %get3A_1232 : i32 to index
      %get3A_1234 = arith.constant 0 : index
      %get3A_1235 = tpu.vector_load %arg11[%get3A_1233, %get3A_1234] {strides = array<i32>} : memref<96x16xf32, #tpu.memory_space<vmem>>, vector<1x16xf32>,
      %get3A_1236 = vector.shape_cast %get3A_1235 : vector<1x16xf32> to vector<16xf32>
      %add3A_1237 = arith.addf %add3A_1213, %get3A_1236 : vector<16xf32>
      %get3A_1238 = arith.constant 89 : i32
      %get3A_1239 = arith.index_cast %get3A_1238 : i32 to index
      %get3A_1240 = arith.constant 0 : index
      %get3A_1241 = tpu.vector_load %arg11[%get3A_1239, %get3A_1240] {strides = array<i32>} : memref<96x16xf32, #tpu.memory_space<vmem>>, vector<1x16xf32>,
      %get3A_1242 = vector.shape_cast %get3A_1241 : vector<1x16xf32> to vector<16xf32>
      %add3A_1243 = arith.addf %add3A_1219, %get3A_1242 : vector<16xf32>
      %get3A_1244 = arith.constant 90 : i32
      %get3A_1245 = arith.index_cast %get3A_1244 : i32 to index
      %get3A_1246 = arith.constant 0 : index
      %get3A_1247 = tpu.vector_load %arg11[%get3A_1245, %get3A_1246] {strides = array<i32>} : memref<96x16xf32, #tpu.memory_space<vmem>>, vector<1x16xf32>,
      %get3A_1248 = vector.shape_cast %get3A_1247 : vector<1x16xf32> to vector<16xf32>
      %add3A_1249 = arith.addf %add3A_1225, %get3A_1248 : vector<16xf32>
      %get3A_1250 = arith.constant 91 : i32
      %get3A_1251 = arith.index_cast %get3A_1250 : i32 to index
      %get3A_1252 = arith.constant 0 : index
      %get3A_1253 = tpu.vector_load %arg11[%get3A_1251, %get3A_1252] {strides = array<i32>} : memref<96x16xf32, #tpu.memory_space<vmem>>, vector<1x16xf32>,
      %get3A_1254 = vector.shape_cast %get3A_1253 : vector<1x16xf32> to vector<16xf32>
      %add3A_1255 = arith.addf %add3A_1231, %get3A_1254 : vector<16xf32>
      %get3A_1256 = arith.constant 92 : i32
      %get3A_1257 = arith.index_cast %get3A_1256 : i32 to index
      %get3A_1258 = arith.constant 0 : index
      %get3A_1259 = tpu.vector_load %arg11[%get3A_1257, %get3A_1258] {strides = array<i32>} : memref<96x16xf32, #tpu.memory_space<vmem>>, vector<1x16xf32>,
      %get3A_1260 = vector.shape_cast %get3A_1259 : vector<1x16xf32> to vector<16xf32>
      %add3A_1261 = arith.addf %add3A_1237, %get3A_1260 : vector<16xf32>
      %get3A_1262 = arith.constant 93 : i32
      %get3A_1263 = arith.index_cast %get3A_1262 : i32 to index
      %get3A_1264 = arith.constant 0 : index
      %get3A_1265 = tpu.vector_load %arg11[%get3A_1263, %get3A_1264] {strides = array<i32>} : memref<96x16xf32, #tpu.memory_space<vmem>>, vector<1x16xf32>,
      %get3A_1266 = vector.shape_cast %get3A_1265 : vector<1x16xf32> to vector<16xf32>
      %add3A_1267 = arith.addf %add3A_1243, %get3A_1266 : vector<16xf32>
      %get3A_1268 = arith.constant 94 : i32
      %get3A_1269 = arith.index_cast %get3A_1268 : i32 to index
      %get3A_1270 = arith.constant 0 : index
      %get3A_1271 = tpu.vector_load %arg11[%get3A_1269, %get3A_1270] {strides = array<i32>} : memref<96x16xf32, #tpu.memory_space<vmem>>, vector<1x16xf32>,
      %get3A_1272 = vector.shape_cast %get3A_1271 : vector<1x16xf32> to vector<16xf32>
      %add3A_1273 = arith.addf %add3A_1249, %get3A_1272 : vector<16xf32>
      %get3A_1274 = arith.constant 95 : i32
      %get3A_1275 = arith.index_cast %get3A_1274 : i32 to index
      %get3A_1276 = arith.constant 0 : index
      %get3A_1277 = tpu.vector_load %arg11[%get3A_1275, %get3A_1276] {strides = array<i32>} : memref<96x16xf32, #tpu.memory_space<vmem>>, vector<1x16xf32>,
      %get3A_1278 = vector.shape_cast %get3A_1277 : vector<1x16xf32> to vector<16xf32>
      %add3A_1279 = arith.addf %add3A_1255, %get3A_1278 : vector<16xf32>
      %add3A_1280 = arith.addf %add3A_1261, %add3A_1267 : vector<16xf32>
      %add3A_1281 = arith.addf %add3A_1273, %add3A_1279 : vector<16xf32>
      %add3A_1282 = arith.addf %add3A_1280, %add3A_1281 : vector<16xf32>
      %add3A_1283 = arith.constant 4 : i32
      %add3A_1284 = arith.addi %add3A_70, %add3A_1283 : i32
      %lt3A = arith.constant 128 : i32
      %lt3A_1285 = arith.cmpi slt, %add3A_1284, %lt3A : i32
      %convert_element_type3A = arith.extui %lt3A_1285 : i1 to i32
      %cond3A = arith.constant 0 : i32
      %cond3A_1286 = arith.cmpi ne, %convert_element_type3A, %cond3A : i32
      scf.if %cond3A_1286 {
        %add3A_4990 = arith.constant 4 : i32
        %add3A_4991 = arith.addi %add3A_70, %add3A_4990 : i32
        %mul3A_4992 = arith.constant 200 : i32
        %mul3A_4993 = arith.muli %add3A_4991, %mul3A_4992 : i32
        %multiple_of3A_4994 = tpu.assume_multiple %mul3A_4993, 8 : i32
        %dma_start3A_4995 = tpu.memref_slice %arg6[%multiple_of3A_4994] : memref<25600xi32, #tpu.memory_space<vmem>> -> memref<104xi32, #tpu.memory_space<vmem>>
        %dma_start3A_4996 = arith.constant 0 : i32
        %dma_start3A_4997 = arith.constant 0 : i32
        %dma_start3A_4998 = tpu.memref_slice %arg3[%dma_start3A_4996, %dma_start3A_4997] : memref<1048576x16xf32, #tpu.memory_space<hbm>> -> memref<1048576x16xf32, #tpu.memory_space<hbm>>
        tpu.enqueue_indirect_dma source(%dma_start3A_4998 : memref<1048576x16xf32, #tpu.memory_space<hbm>>) target(%arg7 : memref<104x16xf32, #tpu.memory_space<vmem>>) offsets(%dma_start3A_4995 : memref<104xi32, #tpu.memory_space<vmem>>) semaphore(%arg17 : memref<!tpu.dma_semaphore, #tpu.memory_space<semaphore_mem>>)
        %mul3A_4999 = arith.constant 200 : i32
        %mul3A_5000 = arith.muli %add3A_4991, %mul3A_4999 : i32
        %add3A_5001 = arith.constant 104 : i32
        %add3A_5002 = arith.addi %mul3A_5000, %add3A_5001 : i32
        %multiple_of3A_5003 = tpu.assume_multiple %add3A_5002, 8 : i32
        %dma_start3A_5004 = tpu.memref_slice %arg6[%multiple_of3A_5003] : memref<25600xi32, #tpu.memory_space<vmem>> -> memref<96xi32, #tpu.memory_space<vmem>>
        %dma_start3A_5005 = arith.constant 0 : i32
        %dma_start3A_5006 = arith.constant 0 : i32
        %dma_start3A_5007 = tpu.memref_slice %arg3[%dma_start3A_5005, %dma_start3A_5006] : memref<1048576x16xf32, #tpu.memory_space<hbm>> -> memref<1048576x16xf32, #tpu.memory_space<hbm>>
        tpu.enqueue_indirect_dma source(%dma_start3A_5007 : memref<1048576x16xf32, #tpu.memory_space<hbm>>) target(%arg11 : memref<96x16xf32, #tpu.memory_space<vmem>>) offsets(%dma_start3A_5004 : memref<96xi32, #tpu.memory_space<vmem>>) semaphore(%arg21 : memref<!tpu.dma_semaphore, #tpu.memory_space<semaphore_mem>>)
      } else {
      }
      %mul3A_1287 = vector.broadcast %scan3A_60 : f32 to vector<16xf32>
      %mul3A_1288 = arith.mulf %add3A_1282, %mul3A_1287 : vector<16xf32>
      %add3A_1289 = arith.addf %get3A_57, %mul3A_1288 : vector<16xf32>
      %swap3A = arith.index_cast %add3A_70 : i32 to index
      %swap3A_1290 = arith.constant 0 : index
      %swap3A_1291 = tpu.vector_load %arg16[%swap3A, %swap3A_1290] {strides = array<i32>} : memref<128x16xf32, #tpu.memory_space<vmem>>, vector<1x16xf32>,
      %swap3A_1292 = vector.shape_cast %swap3A_1291 : vector<1x16xf32> to vector<16xf32>
      %swap3A_1293 = vector.shape_cast %add3A_1289 : vector<16xf32> to vector<1x16xf32>
      tpu.vector_store %arg16[%swap3A, %swap3A_1290], %swap3A_1293 {strides = array<i32>} : memref<128x16xf32, #tpu.memory_space<vmem>>, vector<1x16xf32>,
      %mul3A_1294 = arith.constant 4 : i32
      %mul3A_1295 = arith.muli %scan3A_66, %mul3A_1294 : i32
      %add3A_1296 = arith.constant 1 : i32
      %add3A_1297 = arith.addi %mul3A_1295, %add3A_1296 : i32
      %dma_wait3A_1298 = arith.constant 0 : i32
      %dma_wait3A_1299 = tpu.memref_slice %arg6[%dma_wait3A_1298] : memref<25600xi32, #tpu.memory_space<vmem>> -> memref<104xi32, #tpu.memory_space<vmem>>
      %dma_wait3A_1300 = arith.constant 0 : i32
      %dma_wait3A_1301 = arith.constant 0 : i32
      %dma_wait3A_1302 = tpu.memref_slice %arg3[%dma_wait3A_1300, %dma_wait3A_1301] : memref<1048576x16xf32, #tpu.memory_space<hbm>> -> memref<1048576x16xf32, #tpu.memory_space<hbm>>
      tpu.wait_indirect_dma semaphore(%arg18 : memref<!tpu.dma_semaphore, #tpu.memory_space<semaphore_mem>>) src(%dma_wait3A_1302 : memref<1048576x16xf32, #tpu.memory_space<hbm>>) dst(%arg8 : memref<104x16xf32, #tpu.memory_space<vmem>>)
      %dma_wait3A_1303 = arith.constant 0 : i32
      %dma_wait3A_1304 = tpu.memref_slice %arg6[%dma_wait3A_1303] : memref<25600xi32, #tpu.memory_space<vmem>> -> memref<96xi32, #tpu.memory_space<vmem>>
      %dma_wait3A_1305 = arith.constant 0 : i32
      %dma_wait3A_1306 = arith.constant 0 : i32
      %dma_wait3A_1307 = tpu.memref_slice %arg3[%dma_wait3A_1305, %dma_wait3A_1306] : memref<1048576x16xf32, #tpu.memory_space<hbm>> -> memref<1048576x16xf32, #tpu.memory_space<hbm>>
      tpu.wait_indirect_dma semaphore(%arg22 : memref<!tpu.dma_semaphore, #tpu.memory_space<semaphore_mem>>) src(%dma_wait3A_1307 : memref<1048576x16xf32, #tpu.memory_space<hbm>>) dst(%arg12 : memref<96x16xf32, #tpu.memory_space<vmem>>)
      %get3A_1308 = arith.constant 0 : i32
      %get3A_1309 = arith.index_cast %get3A_1308 : i32 to index
      %get3A_1310 = arith.constant 0 : index
      %get3A_1311 = tpu.vector_load %arg8[%get3A_1309, %get3A_1310] {strides = array<i32>} : memref<104x16xf32, #tpu.memory_space<vmem>>, vector<1x16xf32>,
      %get3A_1312 = vector.shape_cast %get3A_1311 : vector<1x16xf32> to vector<16xf32>
      %add3A_1313 = arith.addf %broadcast_in_dim3A_58, %get3A_1312 : vector<16xf32>
      %get3A_1314 = arith.constant 1 : i32
      %get3A_1315 = arith.index_cast %get3A_1314 : i32 to index
      %get3A_1316 = arith.constant 0 : index
      %get3A_1317 = tpu.vector_load %arg8[%get3A_1315, %get3A_1316] {strides = array<i32>} : memref<104x16xf32, #tpu.memory_space<vmem>>, vector<1x16xf32>,
      %get3A_1318 = vector.shape_cast %get3A_1317 : vector<1x16xf32> to vector<16xf32>
      %add3A_1319 = arith.addf %broadcast_in_dim3A_58, %get3A_1318 : vector<16xf32>
      %get3A_1320 = arith.constant 2 : i32
      %get3A_1321 = arith.index_cast %get3A_1320 : i32 to index
      %get3A_1322 = arith.constant 0 : index
      %get3A_1323 = tpu.vector_load %arg8[%get3A_1321, %get3A_1322] {strides = array<i32>} : memref<104x16xf32, #tpu.memory_space<vmem>>, vector<1x16xf32>,
      %get3A_1324 = vector.shape_cast %get3A_1323 : vector<1x16xf32> to vector<16xf32>
      %add3A_1325 = arith.addf %broadcast_in_dim3A_58, %get3A_1324 : vector<16xf32>
      %get3A_1326 = arith.constant 3 : i32
      %get3A_1327 = arith.index_cast %get3A_1326 : i32 to index
      %get3A_1328 = arith.constant 0 : index
      %get3A_1329 = tpu.vector_load %arg8[%get3A_1327, %get3A_1328] {strides = array<i32>} : memref<104x16xf32, #tpu.memory_space<vmem>>, vector<1x16xf32>,
      %get3A_1330 = vector.shape_cast %get3A_1329 : vector<1x16xf32> to vector<16xf32>
      %add3A_1331 = arith.addf %broadcast_in_dim3A_58, %get3A_1330 : vector<16xf32>
      %get3A_1332 = arith.constant 4 : i32
      %get3A_1333 = arith.index_cast %get3A_1332 : i32 to index
      %get3A_1334 = arith.constant 0 : index
      %get3A_1335 = tpu.vector_load %arg8[%get3A_1333, %get3A_1334] {strides = array<i32>} : memref<104x16xf32, #tpu.memory_space<vmem>>, vector<1x16xf32>,
      %get3A_1336 = vector.shape_cast %get3A_1335 : vector<1x16xf32> to vector<16xf32>
      %add3A_1337 = arith.addf %add3A_1313, %get3A_1336 : vector<16xf32>
      %get3A_1338 = arith.constant 5 : i32
      %get3A_1339 = arith.index_cast %get3A_1338 : i32 to index
      %get3A_1340 = arith.constant 0 : index
      %get3A_1341 = tpu.vector_load %arg8[%get3A_1339, %get3A_1340] {strides = array<i32>} : memref<104x16xf32, #tpu.memory_space<vmem>>, vector<1x16xf32>,
      %get3A_1342 = vector.shape_cast %get3A_1341 : vector<1x16xf32> to vector<16xf32>
      %add3A_1343 = arith.addf %add3A_1319, %get3A_1342 : vector<16xf32>
      %get3A_1344 = arith.constant 6 : i32
      %get3A_1345 = arith.index_cast %get3A_1344 : i32 to index
      %get3A_1346 = arith.constant 0 : index
      %get3A_1347 = tpu.vector_load %arg8[%get3A_1345, %get3A_1346] {strides = array<i32>} : memref<104x16xf32, #tpu.memory_space<vmem>>, vector<1x16xf32>,
      %get3A_1348 = vector.shape_cast %get3A_1347 : vector<1x16xf32> to vector<16xf32>
      %add3A_1349 = arith.addf %add3A_1325, %get3A_1348 : vector<16xf32>
      %get3A_1350 = arith.constant 7 : i32
      %get3A_1351 = arith.index_cast %get3A_1350 : i32 to index
      %get3A_1352 = arith.constant 0 : index
      %get3A_1353 = tpu.vector_load %arg8[%get3A_1351, %get3A_1352] {strides = array<i32>} : memref<104x16xf32, #tpu.memory_space<vmem>>, vector<1x16xf32>,
      %get3A_1354 = vector.shape_cast %get3A_1353 : vector<1x16xf32> to vector<16xf32>
      %add3A_1355 = arith.addf %add3A_1331, %get3A_1354 : vector<16xf32>
      %get3A_1356 = arith.constant 8 : i32
      %get3A_1357 = arith.index_cast %get3A_1356 : i32 to index
      %get3A_1358 = arith.constant 0 : index
      %get3A_1359 = tpu.vector_load %arg8[%get3A_1357, %get3A_1358] {strides = array<i32>} : memref<104x16xf32, #tpu.memory_space<vmem>>, vector<1x16xf32>,
      %get3A_1360 = vector.shape_cast %get3A_1359 : vector<1x16xf32> to vector<16xf32>
      %add3A_1361 = arith.addf %add3A_1337, %get3A_1360 : vector<16xf32>
      %get3A_1362 = arith.constant 9 : i32
      %get3A_1363 = arith.index_cast %get3A_1362 : i32 to index
      %get3A_1364 = arith.constant 0 : index
      %get3A_1365 = tpu.vector_load %arg8[%get3A_1363, %get3A_1364] {strides = array<i32>} : memref<104x16xf32, #tpu.memory_space<vmem>>, vector<1x16xf32>,
      %get3A_1366 = vector.shape_cast %get3A_1365 : vector<1x16xf32> to vector<16xf32>
      %add3A_1367 = arith.addf %add3A_1343, %get3A_1366 : vector<16xf32>
      %get3A_1368 = arith.constant 10 : i32
      %get3A_1369 = arith.index_cast %get3A_1368 : i32 to index
      %get3A_1370 = arith.constant 0 : index
      %get3A_1371 = tpu.vector_load %arg8[%get3A_1369, %get3A_1370] {strides = array<i32>} : memref<104x16xf32, #tpu.memory_space<vmem>>, vector<1x16xf32>,
      %get3A_1372 = vector.shape_cast %get3A_1371 : vector<1x16xf32> to vector<16xf32>
      %add3A_1373 = arith.addf %add3A_1349, %get3A_1372 : vector<16xf32>
      %get3A_1374 = arith.constant 11 : i32
      %get3A_1375 = arith.index_cast %get3A_1374 : i32 to index
      %get3A_1376 = arith.constant 0 : index
      %get3A_1377 = tpu.vector_load %arg8[%get3A_1375, %get3A_1376] {strides = array<i32>} : memref<104x16xf32, #tpu.memory_space<vmem>>, vector<1x16xf32>,
      %get3A_1378 = vector.shape_cast %get3A_1377 : vector<1x16xf32> to vector<16xf32>
      %add3A_1379 = arith.addf %add3A_1355, %get3A_1378 : vector<16xf32>
      %get3A_1380 = arith.constant 12 : i32
      %get3A_1381 = arith.index_cast %get3A_1380 : i32 to index
      %get3A_1382 = arith.constant 0 : index
      %get3A_1383 = tpu.vector_load %arg8[%get3A_1381, %get3A_1382] {strides = array<i32>} : memref<104x16xf32, #tpu.memory_space<vmem>>, vector<1x16xf32>,
      %get3A_1384 = vector.shape_cast %get3A_1383 : vector<1x16xf32> to vector<16xf32>
      %add3A_1385 = arith.addf %add3A_1361, %get3A_1384 : vector<16xf32>
      %get3A_1386 = arith.constant 13 : i32
      %get3A_1387 = arith.index_cast %get3A_1386 : i32 to index
      %get3A_1388 = arith.constant 0 : index
      %get3A_1389 = tpu.vector_load %arg8[%get3A_1387, %get3A_1388] {strides = array<i32>} : memref<104x16xf32, #tpu.memory_space<vmem>>, vector<1x16xf32>,
      %get3A_1390 = vector.shape_cast %get3A_1389 : vector<1x16xf32> to vector<16xf32>
      %add3A_1391 = arith.addf %add3A_1367, %get3A_1390 : vector<16xf32>
      %get3A_1392 = arith.constant 14 : i32
      %get3A_1393 = arith.index_cast %get3A_1392 : i32 to index
      %get3A_1394 = arith.constant 0 : index
      %get3A_1395 = tpu.vector_load %arg8[%get3A_1393, %get3A_1394] {strides = array<i32>} : memref<104x16xf32, #tpu.memory_space<vmem>>, vector<1x16xf32>,
      %get3A_1396 = vector.shape_cast %get3A_1395 : vector<1x16xf32> to vector<16xf32>
      %add3A_1397 = arith.addf %add3A_1373, %get3A_1396 : vector<16xf32>
      %get3A_1398 = arith.constant 15 : i32
      %get3A_1399 = arith.index_cast %get3A_1398 : i32 to index
      %get3A_1400 = arith.constant 0 : index
      %get3A_1401 = tpu.vector_load %arg8[%get3A_1399, %get3A_1400] {strides = array<i32>} : memref<104x16xf32, #tpu.memory_space<vmem>>, vector<1x16xf32>,
      %get3A_1402 = vector.shape_cast %get3A_1401 : vector<1x16xf32> to vector<16xf32>
      %add3A_1403 = arith.addf %add3A_1379, %get3A_1402 : vector<16xf32>
      %get3A_1404 = arith.constant 16 : i32
      %get3A_1405 = arith.index_cast %get3A_1404 : i32 to index
      %get3A_1406 = arith.constant 0 : index
      %get3A_1407 = tpu.vector_load %arg8[%get3A_1405, %get3A_1406] {strides = array<i32>} : memref<104x16xf32, #tpu.memory_space<vmem>>, vector<1x16xf32>,
      %get3A_1408 = vector.shape_cast %get3A_1407 : vector<1x16xf32> to vector<16xf32>
      %add3A_1409 = arith.addf %add3A_1385, %get3A_1408 : vector<16xf32>
      %get3A_1410 = arith.constant 17 : i32
      %get3A_1411 = arith.index_cast %get3A_1410 : i32 to index
      %get3A_1412 = arith.constant 0 : index
      %get3A_1413 = tpu.vector_load %arg8[%get3A_1411, %get3A_1412] {strides = array<i32>} : memref<104x16xf32, #tpu.memory_space<vmem>>, vector<1x16xf32>,
      %get3A_1414 = vector.shape_cast %get3A_1413 : vector<1x16xf32> to vector<16xf32>
      %add3A_1415 = arith.addf %add3A_1391, %get3A_1414 : vector<16xf32>
      %get3A_1416 = arith.constant 18 : i32
      %get3A_1417 = arith.index_cast %get3A_1416 : i32 to index
      %get3A_1418 = arith.constant 0 : index
      %get3A_1419 = tpu.vector_load %arg8[%get3A_1417, %get3A_1418] {strides = array<i32>} : memref<104x16xf32, #tpu.memory_space<vmem>>, vector<1x16xf32>,
      %get3A_1420 = vector.shape_cast %get3A_1419 : vector<1x16xf32> to vector<16xf32>
      %add3A_1421 = arith.addf %add3A_1397, %get3A_1420 : vector<16xf32>
      %get3A_1422 = arith.constant 19 : i32
      %get3A_1423 = arith.index_cast %get3A_1422 : i32 to index
      %get3A_1424 = arith.constant 0 : index
      %get3A_1425 = tpu.vector_load %arg8[%get3A_1423, %get3A_1424] {strides = array<i32>} : memref<104x16xf32, #tpu.memory_space<vmem>>, vector<1x16xf32>,
      %get3A_1426 = vector.shape_cast %get3A_1425 : vector<1x16xf32> to vector<16xf32>
      %add3A_1427 = arith.addf %add3A_1403, %get3A_1426 : vector<16xf32>
      %get3A_1428 = arith.constant 20 : i32
      %get3A_1429 = arith.index_cast %get3A_1428 : i32 to index
      %get3A_1430 = arith.constant 0 : index
      %get3A_1431 = tpu.vector_load %arg8[%get3A_1429, %get3A_1430] {strides = array<i32>} : memref<104x16xf32, #tpu.memory_space<vmem>>, vector<1x16xf32>,
      %get3A_1432 = vector.shape_cast %get3A_1431 : vector<1x16xf32> to vector<16xf32>
      %add3A_1433 = arith.addf %add3A_1409, %get3A_1432 : vector<16xf32>
      %get3A_1434 = arith.constant 21 : i32
      %get3A_1435 = arith.index_cast %get3A_1434 : i32 to index
      %get3A_1436 = arith.constant 0 : index
      %get3A_1437 = tpu.vector_load %arg8[%get3A_1435, %get3A_1436] {strides = array<i32>} : memref<104x16xf32, #tpu.memory_space<vmem>>, vector<1x16xf32>,
      %get3A_1438 = vector.shape_cast %get3A_1437 : vector<1x16xf32> to vector<16xf32>
      %add3A_1439 = arith.addf %add3A_1415, %get3A_1438 : vector<16xf32>
      %get3A_1440 = arith.constant 22 : i32
      %get3A_1441 = arith.index_cast %get3A_1440 : i32 to index
      %get3A_1442 = arith.constant 0 : index
      %get3A_1443 = tpu.vector_load %arg8[%get3A_1441, %get3A_1442] {strides = array<i32>} : memref<104x16xf32, #tpu.memory_space<vmem>>, vector<1x16xf32>,
      %get3A_1444 = vector.shape_cast %get3A_1443 : vector<1x16xf32> to vector<16xf32>
      %add3A_1445 = arith.addf %add3A_1421, %get3A_1444 : vector<16xf32>
      %get3A_1446 = arith.constant 23 : i32
      %get3A_1447 = arith.index_cast %get3A_1446 : i32 to index
      %get3A_1448 = arith.constant 0 : index
      %get3A_1449 = tpu.vector_load %arg8[%get3A_1447, %get3A_1448] {strides = array<i32>} : memref<104x16xf32, #tpu.memory_space<vmem>>, vector<1x16xf32>,
      %get3A_1450 = vector.shape_cast %get3A_1449 : vector<1x16xf32> to vector<16xf32>
      %add3A_1451 = arith.addf %add3A_1427, %get3A_1450 : vector<16xf32>
      %get3A_1452 = arith.constant 24 : i32
      %get3A_1453 = arith.index_cast %get3A_1452 : i32 to index
      %get3A_1454 = arith.constant 0 : index
      %get3A_1455 = tpu.vector_load %arg8[%get3A_1453, %get3A_1454] {strides = array<i32>} : memref<104x16xf32, #tpu.memory_space<vmem>>, vector<1x16xf32>,
      %get3A_1456 = vector.shape_cast %get3A_1455 : vector<1x16xf32> to vector<16xf32>
      %add3A_1457 = arith.addf %add3A_1433, %get3A_1456 : vector<16xf32>
      %get3A_1458 = arith.constant 25 : i32
      %get3A_1459 = arith.index_cast %get3A_1458 : i32 to index
      %get3A_1460 = arith.constant 0 : index
      %get3A_1461 = tpu.vector_load %arg8[%get3A_1459, %get3A_1460] {strides = array<i32>} : memref<104x16xf32, #tpu.memory_space<vmem>>, vector<1x16xf32>,
      %get3A_1462 = vector.shape_cast %get3A_1461 : vector<1x16xf32> to vector<16xf32>
      %add3A_1463 = arith.addf %add3A_1439, %get3A_1462 : vector<16xf32>
      %get3A_1464 = arith.constant 26 : i32
      %get3A_1465 = arith.index_cast %get3A_1464 : i32 to index
      %get3A_1466 = arith.constant 0 : index
      %get3A_1467 = tpu.vector_load %arg8[%get3A_1465, %get3A_1466] {strides = array<i32>} : memref<104x16xf32, #tpu.memory_space<vmem>>, vector<1x16xf32>,
      %get3A_1468 = vector.shape_cast %get3A_1467 : vector<1x16xf32> to vector<16xf32>
      %add3A_1469 = arith.addf %add3A_1445, %get3A_1468 : vector<16xf32>
      %get3A_1470 = arith.constant 27 : i32
      %get3A_1471 = arith.index_cast %get3A_1470 : i32 to index
      %get3A_1472 = arith.constant 0 : index
      %get3A_1473 = tpu.vector_load %arg8[%get3A_1471, %get3A_1472] {strides = array<i32>} : memref<104x16xf32, #tpu.memory_space<vmem>>, vector<1x16xf32>,
      %get3A_1474 = vector.shape_cast %get3A_1473 : vector<1x16xf32> to vector<16xf32>
      %add3A_1475 = arith.addf %add3A_1451, %get3A_1474 : vector<16xf32>
      %get3A_1476 = arith.constant 28 : i32
      %get3A_1477 = arith.index_cast %get3A_1476 : i32 to index
      %get3A_1478 = arith.constant 0 : index
      %get3A_1479 = tpu.vector_load %arg8[%get3A_1477, %get3A_1478] {strides = array<i32>} : memref<104x16xf32, #tpu.memory_space<vmem>>, vector<1x16xf32>,
      %get3A_1480 = vector.shape_cast %get3A_1479 : vector<1x16xf32> to vector<16xf32>
      %add3A_1481 = arith.addf %add3A_1457, %get3A_1480 : vector<16xf32>
      %get3A_1482 = arith.constant 29 : i32
      %get3A_1483 = arith.index_cast %get3A_1482 : i32 to index
      %get3A_1484 = arith.constant 0 : index
      %get3A_1485 = tpu.vector_load %arg8[%get3A_1483, %get3A_1484] {strides = array<i32>} : memref<104x16xf32, #tpu.memory_space<vmem>>, vector<1x16xf32>,
      %get3A_1486 = vector.shape_cast %get3A_1485 : vector<1x16xf32> to vector<16xf32>
      %add3A_1487 = arith.addf %add3A_1463, %get3A_1486 : vector<16xf32>
      %get3A_1488 = arith.constant 30 : i32
      %get3A_1489 = arith.index_cast %get3A_1488 : i32 to index
      %get3A_1490 = arith.constant 0 : index
      %get3A_1491 = tpu.vector_load %arg8[%get3A_1489, %get3A_1490] {strides = array<i32>} : memref<104x16xf32, #tpu.memory_space<vmem>>, vector<1x16xf32>,
      %get3A_1492 = vector.shape_cast %get3A_1491 : vector<1x16xf32> to vector<16xf32>
      %add3A_1493 = arith.addf %add3A_1469, %get3A_1492 : vector<16xf32>
      %get3A_1494 = arith.constant 31 : i32
      %get3A_1495 = arith.index_cast %get3A_1494 : i32 to index
      %get3A_1496 = arith.constant 0 : index
      %get3A_1497 = tpu.vector_load %arg8[%get3A_1495, %get3A_1496] {strides = array<i32>} : memref<104x16xf32, #tpu.memory_space<vmem>>, vector<1x16xf32>,
      %get3A_1498 = vector.shape_cast %get3A_1497 : vector<1x16xf32> to vector<16xf32>
      %add3A_1499 = arith.addf %add3A_1475, %get3A_1498 : vector<16xf32>
      %get3A_1500 = arith.constant 32 : i32
      %get3A_1501 = arith.index_cast %get3A_1500 : i32 to index
      %get3A_1502 = arith.constant 0 : index
      %get3A_1503 = tpu.vector_load %arg8[%get3A_1501, %get3A_1502] {strides = array<i32>} : memref<104x16xf32, #tpu.memory_space<vmem>>, vector<1x16xf32>,
      %get3A_1504 = vector.shape_cast %get3A_1503 : vector<1x16xf32> to vector<16xf32>
      %add3A_1505 = arith.addf %add3A_1481, %get3A_1504 : vector<16xf32>
      %get3A_1506 = arith.constant 33 : i32
      %get3A_1507 = arith.index_cast %get3A_1506 : i32 to index
      %get3A_1508 = arith.constant 0 : index
      %get3A_1509 = tpu.vector_load %arg8[%get3A_1507, %get3A_1508] {strides = array<i32>} : memref<104x16xf32, #tpu.memory_space<vmem>>, vector<1x16xf32>,
      %get3A_1510 = vector.shape_cast %get3A_1509 : vector<1x16xf32> to vector<16xf32>
      %add3A_1511 = arith.addf %add3A_1487, %get3A_1510 : vector<16xf32>
      %get3A_1512 = arith.constant 34 : i32
      %get3A_1513 = arith.index_cast %get3A_1512 : i32 to index
      %get3A_1514 = arith.constant 0 : index
      %get3A_1515 = tpu.vector_load %arg8[%get3A_1513, %get3A_1514] {strides = array<i32>} : memref<104x16xf32, #tpu.memory_space<vmem>>, vector<1x16xf32>,
      %get3A_1516 = vector.shape_cast %get3A_1515 : vector<1x16xf32> to vector<16xf32>
      %add3A_1517 = arith.addf %add3A_1493, %get3A_1516 : vector<16xf32>
      %get3A_1518 = arith.constant 35 : i32
      %get3A_1519 = arith.index_cast %get3A_1518 : i32 to index
      %get3A_1520 = arith.constant 0 : index
      %get3A_1521 = tpu.vector_load %arg8[%get3A_1519, %get3A_1520] {strides = array<i32>} : memref<104x16xf32, #tpu.memory_space<vmem>>, vector<1x16xf32>,
      %get3A_1522 = vector.shape_cast %get3A_1521 : vector<1x16xf32> to vector<16xf32>
      %add3A_1523 = arith.addf %add3A_1499, %get3A_1522 : vector<16xf32>
      %get3A_1524 = arith.constant 36 : i32
      %get3A_1525 = arith.index_cast %get3A_1524 : i32 to index
      %get3A_1526 = arith.constant 0 : index
      %get3A_1527 = tpu.vector_load %arg8[%get3A_1525, %get3A_1526] {strides = array<i32>} : memref<104x16xf32, #tpu.memory_space<vmem>>, vector<1x16xf32>,
      %get3A_1528 = vector.shape_cast %get3A_1527 : vector<1x16xf32> to vector<16xf32>
      %add3A_1529 = arith.addf %add3A_1505, %get3A_1528 : vector<16xf32>
      %get3A_1530 = arith.constant 37 : i32
      %get3A_1531 = arith.index_cast %get3A_1530 : i32 to index
      %get3A_1532 = arith.constant 0 : index
      %get3A_1533 = tpu.vector_load %arg8[%get3A_1531, %get3A_1532] {strides = array<i32>} : memref<104x16xf32, #tpu.memory_space<vmem>>, vector<1x16xf32>,
      %get3A_1534 = vector.shape_cast %get3A_1533 : vector<1x16xf32> to vector<16xf32>
      %add3A_1535 = arith.addf %add3A_1511, %get3A_1534 : vector<16xf32>
      %get3A_1536 = arith.constant 38 : i32
      %get3A_1537 = arith.index_cast %get3A_1536 : i32 to index
      %get3A_1538 = arith.constant 0 : index
      %get3A_1539 = tpu.vector_load %arg8[%get3A_1537, %get3A_1538] {strides = array<i32>} : memref<104x16xf32, #tpu.memory_space<vmem>>, vector<1x16xf32>,
      %get3A_1540 = vector.shape_cast %get3A_1539 : vector<1x16xf32> to vector<16xf32>
      %add3A_1541 = arith.addf %add3A_1517, %get3A_1540 : vector<16xf32>
      %get3A_1542 = arith.constant 39 : i32
      %get3A_1543 = arith.index_cast %get3A_1542 : i32 to index
      %get3A_1544 = arith.constant 0 : index
      %get3A_1545 = tpu.vector_load %arg8[%get3A_1543, %get3A_1544] {strides = array<i32>} : memref<104x16xf32, #tpu.memory_space<vmem>>, vector<1x16xf32>,
      %get3A_1546 = vector.shape_cast %get3A_1545 : vector<1x16xf32> to vector<16xf32>
      %add3A_1547 = arith.addf %add3A_1523, %get3A_1546 : vector<16xf32>
      %get3A_1548 = arith.constant 40 : i32
      %get3A_1549 = arith.index_cast %get3A_1548 : i32 to index
      %get3A_1550 = arith.constant 0 : index
      %get3A_1551 = tpu.vector_load %arg8[%get3A_1549, %get3A_1550] {strides = array<i32>} : memref<104x16xf32, #tpu.memory_space<vmem>>, vector<1x16xf32>,
      %get3A_1552 = vector.shape_cast %get3A_1551 : vector<1x16xf32> to vector<16xf32>
      %add3A_1553 = arith.addf %add3A_1529, %get3A_1552 : vector<16xf32>
      %get3A_1554 = arith.constant 41 : i32
      %get3A_1555 = arith.index_cast %get3A_1554 : i32 to index
      %get3A_1556 = arith.constant 0 : index
      %get3A_1557 = tpu.vector_load %arg8[%get3A_1555, %get3A_1556] {strides = array<i32>} : memref<104x16xf32, #tpu.memory_space<vmem>>, vector<1x16xf32>,
      %get3A_1558 = vector.shape_cast %get3A_1557 : vector<1x16xf32> to vector<16xf32>
      %add3A_1559 = arith.addf %add3A_1535, %get3A_1558 : vector<16xf32>
      %get3A_1560 = arith.constant 42 : i32
      %get3A_1561 = arith.index_cast %get3A_1560 : i32 to index
      %get3A_1562 = arith.constant 0 : index
      %get3A_1563 = tpu.vector_load %arg8[%get3A_1561, %get3A_1562] {strides = array<i32>} : memref<104x16xf32, #tpu.memory_space<vmem>>, vector<1x16xf32>,
      %get3A_1564 = vector.shape_cast %get3A_1563 : vector<1x16xf32> to vector<16xf32>
      %add3A_1565 = arith.addf %add3A_1541, %get3A_1564 : vector<16xf32>
      %get3A_1566 = arith.constant 43 : i32
      %get3A_1567 = arith.index_cast %get3A_1566 : i32 to index
      %get3A_1568 = arith.constant 0 : index
      %get3A_1569 = tpu.vector_load %arg8[%get3A_1567, %get3A_1568] {strides = array<i32>} : memref<104x16xf32, #tpu.memory_space<vmem>>, vector<1x16xf32>,
      %get3A_1570 = vector.shape_cast %get3A_1569 : vector<1x16xf32> to vector<16xf32>
      %add3A_1571 = arith.addf %add3A_1547, %get3A_1570 : vector<16xf32>
      %get3A_1572 = arith.constant 44 : i32
      %get3A_1573 = arith.index_cast %get3A_1572 : i32 to index
      %get3A_1574 = arith.constant 0 : index
      %get3A_1575 = tpu.vector_load %arg8[%get3A_1573, %get3A_1574] {strides = array<i32>} : memref<104x16xf32, #tpu.memory_space<vmem>>, vector<1x16xf32>,
      %get3A_1576 = vector.shape_cast %get3A_1575 : vector<1x16xf32> to vector<16xf32>
      %add3A_1577 = arith.addf %add3A_1553, %get3A_1576 : vector<16xf32>
      %get3A_1578 = arith.constant 45 : i32
      %get3A_1579 = arith.index_cast %get3A_1578 : i32 to index
      %get3A_1580 = arith.constant 0 : index
      %get3A_1581 = tpu.vector_load %arg8[%get3A_1579, %get3A_1580] {strides = array<i32>} : memref<104x16xf32, #tpu.memory_space<vmem>>, vector<1x16xf32>,
      %get3A_1582 = vector.shape_cast %get3A_1581 : vector<1x16xf32> to vector<16xf32>
      %add3A_1583 = arith.addf %add3A_1559, %get3A_1582 : vector<16xf32>
      %get3A_1584 = arith.constant 46 : i32
      %get3A_1585 = arith.index_cast %get3A_1584 : i32 to index
      %get3A_1586 = arith.constant 0 : index
      %get3A_1587 = tpu.vector_load %arg8[%get3A_1585, %get3A_1586] {strides = array<i32>} : memref<104x16xf32, #tpu.memory_space<vmem>>, vector<1x16xf32>,
      %get3A_1588 = vector.shape_cast %get3A_1587 : vector<1x16xf32> to vector<16xf32>
      %add3A_1589 = arith.addf %add3A_1565, %get3A_1588 : vector<16xf32>
      %get3A_1590 = arith.constant 47 : i32
      %get3A_1591 = arith.index_cast %get3A_1590 : i32 to index
      %get3A_1592 = arith.constant 0 : index
      %get3A_1593 = tpu.vector_load %arg8[%get3A_1591, %get3A_1592] {strides = array<i32>} : memref<104x16xf32, #tpu.memory_space<vmem>>, vector<1x16xf32>,
      %get3A_1594 = vector.shape_cast %get3A_1593 : vector<1x16xf32> to vector<16xf32>
      %add3A_1595 = arith.addf %add3A_1571, %get3A_1594 : vector<16xf32>
      %get3A_1596 = arith.constant 48 : i32
      %get3A_1597 = arith.index_cast %get3A_1596 : i32 to index
      %get3A_1598 = arith.constant 0 : index
      %get3A_1599 = tpu.vector_load %arg8[%get3A_1597, %get3A_1598] {strides = array<i32>} : memref<104x16xf32, #tpu.memory_space<vmem>>, vector<1x16xf32>,
      %get3A_1600 = vector.shape_cast %get3A_1599 : vector<1x16xf32> to vector<16xf32>
      %add3A_1601 = arith.addf %add3A_1577, %get3A_1600 : vector<16xf32>
      %get3A_1602 = arith.constant 49 : i32
      %get3A_1603 = arith.index_cast %get3A_1602 : i32 to index
      %get3A_1604 = arith.constant 0 : index
      %get3A_1605 = tpu.vector_load %arg8[%get3A_1603, %get3A_1604] {strides = array<i32>} : memref<104x16xf32, #tpu.memory_space<vmem>>, vector<1x16xf32>,
      %get3A_1606 = vector.shape_cast %get3A_1605 : vector<1x16xf32> to vector<16xf32>
      %add3A_1607 = arith.addf %add3A_1583, %get3A_1606 : vector<16xf32>
      %get3A_1608 = arith.constant 50 : i32
      %get3A_1609 = arith.index_cast %get3A_1608 : i32 to index
      %get3A_1610 = arith.constant 0 : index
      %get3A_1611 = tpu.vector_load %arg8[%get3A_1609, %get3A_1610] {strides = array<i32>} : memref<104x16xf32, #tpu.memory_space<vmem>>, vector<1x16xf32>,
      %get3A_1612 = vector.shape_cast %get3A_1611 : vector<1x16xf32> to vector<16xf32>
      %add3A_1613 = arith.addf %add3A_1589, %get3A_1612 : vector<16xf32>
      %get3A_1614 = arith.constant 51 : i32
      %get3A_1615 = arith.index_cast %get3A_1614 : i32 to index
      %get3A_1616 = arith.constant 0 : index
      %get3A_1617 = tpu.vector_load %arg8[%get3A_1615, %get3A_1616] {strides = array<i32>} : memref<104x16xf32, #tpu.memory_space<vmem>>, vector<1x16xf32>,
      %get3A_1618 = vector.shape_cast %get3A_1617 : vector<1x16xf32> to vector<16xf32>
      %add3A_1619 = arith.addf %add3A_1595, %get3A_1618 : vector<16xf32>
      %get3A_1620 = arith.constant 52 : i32
      %get3A_1621 = arith.index_cast %get3A_1620 : i32 to index
      %get3A_1622 = arith.constant 0 : index
      %get3A_1623 = tpu.vector_load %arg8[%get3A_1621, %get3A_1622] {strides = array<i32>} : memref<104x16xf32, #tpu.memory_space<vmem>>, vector<1x16xf32>,
      %get3A_1624 = vector.shape_cast %get3A_1623 : vector<1x16xf32> to vector<16xf32>
      %add3A_1625 = arith.addf %add3A_1601, %get3A_1624 : vector<16xf32>
      %get3A_1626 = arith.constant 53 : i32
      %get3A_1627 = arith.index_cast %get3A_1626 : i32 to index
      %get3A_1628 = arith.constant 0 : index
      %get3A_1629 = tpu.vector_load %arg8[%get3A_1627, %get3A_1628] {strides = array<i32>} : memref<104x16xf32, #tpu.memory_space<vmem>>, vector<1x16xf32>,
      %get3A_1630 = vector.shape_cast %get3A_1629 : vector<1x16xf32> to vector<16xf32>
      %add3A_1631 = arith.addf %add3A_1607, %get3A_1630 : vector<16xf32>
      %get3A_1632 = arith.constant 54 : i32
      %get3A_1633 = arith.index_cast %get3A_1632 : i32 to index
      %get3A_1634 = arith.constant 0 : index
      %get3A_1635 = tpu.vector_load %arg8[%get3A_1633, %get3A_1634] {strides = array<i32>} : memref<104x16xf32, #tpu.memory_space<vmem>>, vector<1x16xf32>,
      %get3A_1636 = vector.shape_cast %get3A_1635 : vector<1x16xf32> to vector<16xf32>
      %add3A_1637 = arith.addf %add3A_1613, %get3A_1636 : vector<16xf32>
      %get3A_1638 = arith.constant 55 : i32
      %get3A_1639 = arith.index_cast %get3A_1638 : i32 to index
      %get3A_1640 = arith.constant 0 : index
      %get3A_1641 = tpu.vector_load %arg8[%get3A_1639, %get3A_1640] {strides = array<i32>} : memref<104x16xf32, #tpu.memory_space<vmem>>, vector<1x16xf32>,
      %get3A_1642 = vector.shape_cast %get3A_1641 : vector<1x16xf32> to vector<16xf32>
      %add3A_1643 = arith.addf %add3A_1619, %get3A_1642 : vector<16xf32>
      %get3A_1644 = arith.constant 56 : i32
      %get3A_1645 = arith.index_cast %get3A_1644 : i32 to index
      %get3A_1646 = arith.constant 0 : index
      %get3A_1647 = tpu.vector_load %arg8[%get3A_1645, %get3A_1646] {strides = array<i32>} : memref<104x16xf32, #tpu.memory_space<vmem>>, vector<1x16xf32>,
      %get3A_1648 = vector.shape_cast %get3A_1647 : vector<1x16xf32> to vector<16xf32>
      %add3A_1649 = arith.addf %add3A_1625, %get3A_1648 : vector<16xf32>
      %get3A_1650 = arith.constant 57 : i32
      %get3A_1651 = arith.index_cast %get3A_1650 : i32 to index
      %get3A_1652 = arith.constant 0 : index
      %get3A_1653 = tpu.vector_load %arg8[%get3A_1651, %get3A_1652] {strides = array<i32>} : memref<104x16xf32, #tpu.memory_space<vmem>>, vector<1x16xf32>,
      %get3A_1654 = vector.shape_cast %get3A_1653 : vector<1x16xf32> to vector<16xf32>
      %add3A_1655 = arith.addf %add3A_1631, %get3A_1654 : vector<16xf32>
      %get3A_1656 = arith.constant 58 : i32
      %get3A_1657 = arith.index_cast %get3A_1656 : i32 to index
      %get3A_1658 = arith.constant 0 : index
      %get3A_1659 = tpu.vector_load %arg8[%get3A_1657, %get3A_1658] {strides = array<i32>} : memref<104x16xf32, #tpu.memory_space<vmem>>, vector<1x16xf32>,
      %get3A_1660 = vector.shape_cast %get3A_1659 : vector<1x16xf32> to vector<16xf32>
      %add3A_1661 = arith.addf %add3A_1637, %get3A_1660 : vector<16xf32>
      %get3A_1662 = arith.constant 59 : i32
      %get3A_1663 = arith.index_cast %get3A_1662 : i32 to index
      %get3A_1664 = arith.constant 0 : index
      %get3A_1665 = tpu.vector_load %arg8[%get3A_1663, %get3A_1664] {strides = array<i32>} : memref<104x16xf32, #tpu.memory_space<vmem>>, vector<1x16xf32>,
      %get3A_1666 = vector.shape_cast %get3A_1665 : vector<1x16xf32> to vector<16xf32>
      %add3A_1667 = arith.addf %add3A_1643, %get3A_1666 : vector<16xf32>
      %get3A_1668 = arith.constant 60 : i32
      %get3A_1669 = arith.index_cast %get3A_1668 : i32 to index
      %get3A_1670 = arith.constant 0 : index
      %get3A_1671 = tpu.vector_load %arg8[%get3A_1669, %get3A_1670] {strides = array<i32>} : memref<104x16xf32, #tpu.memory_space<vmem>>, vector<1x16xf32>,
      %get3A_1672 = vector.shape_cast %get3A_1671 : vector<1x16xf32> to vector<16xf32>
      %add3A_1673 = arith.addf %add3A_1649, %get3A_1672 : vector<16xf32>
      %get3A_1674 = arith.constant 61 : i32
      %get3A_1675 = arith.index_cast %get3A_1674 : i32 to index
      %get3A_1676 = arith.constant 0 : index
      %get3A_1677 = tpu.vector_load %arg8[%get3A_1675, %get3A_1676] {strides = array<i32>} : memref<104x16xf32, #tpu.memory_space<vmem>>, vector<1x16xf32>,
      %get3A_1678 = vector.shape_cast %get3A_1677 : vector<1x16xf32> to vector<16xf32>
      %add3A_1679 = arith.addf %add3A_1655, %get3A_1678 : vector<16xf32>
      %get3A_1680 = arith.constant 62 : i32
      %get3A_1681 = arith.index_cast %get3A_1680 : i32 to index
      %get3A_1682 = arith.constant 0 : index
      %get3A_1683 = tpu.vector_load %arg8[%get3A_1681, %get3A_1682] {strides = array<i32>} : memref<104x16xf32, #tpu.memory_space<vmem>>, vector<1x16xf32>,
      %get3A_1684 = vector.shape_cast %get3A_1683 : vector<1x16xf32> to vector<16xf32>
      %add3A_1685 = arith.addf %add3A_1661, %get3A_1684 : vector<16xf32>
      %get3A_1686 = arith.constant 63 : i32
      %get3A_1687 = arith.index_cast %get3A_1686 : i32 to index
      %get3A_1688 = arith.constant 0 : index
      %get3A_1689 = tpu.vector_load %arg8[%get3A_1687, %get3A_1688] {strides = array<i32>} : memref<104x16xf32, #tpu.memory_space<vmem>>, vector<1x16xf32>,
      %get3A_1690 = vector.shape_cast %get3A_1689 : vector<1x16xf32> to vector<16xf32>
      %add3A_1691 = arith.addf %add3A_1667, %get3A_1690 : vector<16xf32>
      %get3A_1692 = arith.constant 64 : i32
      %get3A_1693 = arith.index_cast %get3A_1692 : i32 to index
      %get3A_1694 = arith.constant 0 : index
      %get3A_1695 = tpu.vector_load %arg8[%get3A_1693, %get3A_1694] {strides = array<i32>} : memref<104x16xf32, #tpu.memory_space<vmem>>, vector<1x16xf32>,
      %get3A_1696 = vector.shape_cast %get3A_1695 : vector<1x16xf32> to vector<16xf32>
      %add3A_1697 = arith.addf %add3A_1673, %get3A_1696 : vector<16xf32>
      %get3A_1698 = arith.constant 65 : i32
      %get3A_1699 = arith.index_cast %get3A_1698 : i32 to index
      %get3A_1700 = arith.constant 0 : index
      %get3A_1701 = tpu.vector_load %arg8[%get3A_1699, %get3A_1700] {strides = array<i32>} : memref<104x16xf32, #tpu.memory_space<vmem>>, vector<1x16xf32>,
      %get3A_1702 = vector.shape_cast %get3A_1701 : vector<1x16xf32> to vector<16xf32>
      %add3A_1703 = arith.addf %add3A_1679, %get3A_1702 : vector<16xf32>
      %get3A_1704 = arith.constant 66 : i32
      %get3A_1705 = arith.index_cast %get3A_1704 : i32 to index
      %get3A_1706 = arith.constant 0 : index
      %get3A_1707 = tpu.vector_load %arg8[%get3A_1705, %get3A_1706] {strides = array<i32>} : memref<104x16xf32, #tpu.memory_space<vmem>>, vector<1x16xf32>,
      %get3A_1708 = vector.shape_cast %get3A_1707 : vector<1x16xf32> to vector<16xf32>
      %add3A_1709 = arith.addf %add3A_1685, %get3A_1708 : vector<16xf32>
      %get3A_1710 = arith.constant 67 : i32
      %get3A_1711 = arith.index_cast %get3A_1710 : i32 to index
      %get3A_1712 = arith.constant 0 : index
      %get3A_1713 = tpu.vector_load %arg8[%get3A_1711, %get3A_1712] {strides = array<i32>} : memref<104x16xf32, #tpu.memory_space<vmem>>, vector<1x16xf32>,
      %get3A_1714 = vector.shape_cast %get3A_1713 : vector<1x16xf32> to vector<16xf32>
      %add3A_1715 = arith.addf %add3A_1691, %get3A_1714 : vector<16xf32>
      %get3A_1716 = arith.constant 68 : i32
      %get3A_1717 = arith.index_cast %get3A_1716 : i32 to index
      %get3A_1718 = arith.constant 0 : index
      %get3A_1719 = tpu.vector_load %arg8[%get3A_1717, %get3A_1718] {strides = array<i32>} : memref<104x16xf32, #tpu.memory_space<vmem>>, vector<1x16xf32>,
      %get3A_1720 = vector.shape_cast %get3A_1719 : vector<1x16xf32> to vector<16xf32>
      %add3A_1721 = arith.addf %add3A_1697, %get3A_1720 : vector<16xf32>
      %get3A_1722 = arith.constant 69 : i32
      %get3A_1723 = arith.index_cast %get3A_1722 : i32 to index
      %get3A_1724 = arith.constant 0 : index
      %get3A_1725 = tpu.vector_load %arg8[%get3A_1723, %get3A_1724] {strides = array<i32>} : memref<104x16xf32, #tpu.memory_space<vmem>>, vector<1x16xf32>,
      %get3A_1726 = vector.shape_cast %get3A_1725 : vector<1x16xf32> to vector<16xf32>
      %add3A_1727 = arith.addf %add3A_1703, %get3A_1726 : vector<16xf32>
      %get3A_1728 = arith.constant 70 : i32
      %get3A_1729 = arith.index_cast %get3A_1728 : i32 to index
      %get3A_1730 = arith.constant 0 : index
      %get3A_1731 = tpu.vector_load %arg8[%get3A_1729, %get3A_1730] {strides = array<i32>} : memref<104x16xf32, #tpu.memory_space<vmem>>, vector<1x16xf32>,
      %get3A_1732 = vector.shape_cast %get3A_1731 : vector<1x16xf32> to vector<16xf32>
      %add3A_1733 = arith.addf %add3A_1709, %get3A_1732 : vector<16xf32>
      %get3A_1734 = arith.constant 71 : i32
      %get3A_1735 = arith.index_cast %get3A_1734 : i32 to index
      %get3A_1736 = arith.constant 0 : index
      %get3A_1737 = tpu.vector_load %arg8[%get3A_1735, %get3A_1736] {strides = array<i32>} : memref<104x16xf32, #tpu.memory_space<vmem>>, vector<1x16xf32>,
      %get3A_1738 = vector.shape_cast %get3A_1737 : vector<1x16xf32> to vector<16xf32>
      %add3A_1739 = arith.addf %add3A_1715, %get3A_1738 : vector<16xf32>
      %get3A_1740 = arith.constant 72 : i32
      %get3A_1741 = arith.index_cast %get3A_1740 : i32 to index
      %get3A_1742 = arith.constant 0 : index
      %get3A_1743 = tpu.vector_load %arg8[%get3A_1741, %get3A_1742] {strides = array<i32>} : memref<104x16xf32, #tpu.memory_space<vmem>>, vector<1x16xf32>,
      %get3A_1744 = vector.shape_cast %get3A_1743 : vector<1x16xf32> to vector<16xf32>
      %add3A_1745 = arith.addf %add3A_1721, %get3A_1744 : vector<16xf32>
      %get3A_1746 = arith.constant 73 : i32
      %get3A_1747 = arith.index_cast %get3A_1746 : i32 to index
      %get3A_1748 = arith.constant 0 : index
      %get3A_1749 = tpu.vector_load %arg8[%get3A_1747, %get3A_1748] {strides = array<i32>} : memref<104x16xf32, #tpu.memory_space<vmem>>, vector<1x16xf32>,
      %get3A_1750 = vector.shape_cast %get3A_1749 : vector<1x16xf32> to vector<16xf32>
      %add3A_1751 = arith.addf %add3A_1727, %get3A_1750 : vector<16xf32>
      %get3A_1752 = arith.constant 74 : i32
      %get3A_1753 = arith.index_cast %get3A_1752 : i32 to index
      %get3A_1754 = arith.constant 0 : index
      %get3A_1755 = tpu.vector_load %arg8[%get3A_1753, %get3A_1754] {strides = array<i32>} : memref<104x16xf32, #tpu.memory_space<vmem>>, vector<1x16xf32>,
      %get3A_1756 = vector.shape_cast %get3A_1755 : vector<1x16xf32> to vector<16xf32>
      %add3A_1757 = arith.addf %add3A_1733, %get3A_1756 : vector<16xf32>
      %get3A_1758 = arith.constant 75 : i32
      %get3A_1759 = arith.index_cast %get3A_1758 : i32 to index
      %get3A_1760 = arith.constant 0 : index
      %get3A_1761 = tpu.vector_load %arg8[%get3A_1759, %get3A_1760] {strides = array<i32>} : memref<104x16xf32, #tpu.memory_space<vmem>>, vector<1x16xf32>,
      %get3A_1762 = vector.shape_cast %get3A_1761 : vector<1x16xf32> to vector<16xf32>
      %add3A_1763 = arith.addf %add3A_1739, %get3A_1762 : vector<16xf32>
      %get3A_1764 = arith.constant 76 : i32
      %get3A_1765 = arith.index_cast %get3A_1764 : i32 to index
      %get3A_1766 = arith.constant 0 : index
      %get3A_1767 = tpu.vector_load %arg8[%get3A_1765, %get3A_1766] {strides = array<i32>} : memref<104x16xf32, #tpu.memory_space<vmem>>, vector<1x16xf32>,
      %get3A_1768 = vector.shape_cast %get3A_1767 : vector<1x16xf32> to vector<16xf32>
      %add3A_1769 = arith.addf %add3A_1745, %get3A_1768 : vector<16xf32>
      %get3A_1770 = arith.constant 77 : i32
      %get3A_1771 = arith.index_cast %get3A_1770 : i32 to index
      %get3A_1772 = arith.constant 0 : index
      %get3A_1773 = tpu.vector_load %arg8[%get3A_1771, %get3A_1772] {strides = array<i32>} : memref<104x16xf32, #tpu.memory_space<vmem>>, vector<1x16xf32>,
      %get3A_1774 = vector.shape_cast %get3A_1773 : vector<1x16xf32> to vector<16xf32>
      %add3A_1775 = arith.addf %add3A_1751, %get3A_1774 : vector<16xf32>
      %get3A_1776 = arith.constant 78 : i32
      %get3A_1777 = arith.index_cast %get3A_1776 : i32 to index
      %get3A_1778 = arith.constant 0 : index
      %get3A_1779 = tpu.vector_load %arg8[%get3A_1777, %get3A_1778] {strides = array<i32>} : memref<104x16xf32, #tpu.memory_space<vmem>>, vector<1x16xf32>,
      %get3A_1780 = vector.shape_cast %get3A_1779 : vector<1x16xf32> to vector<16xf32>
      %add3A_1781 = arith.addf %add3A_1757, %get3A_1780 : vector<16xf32>
      %get3A_1782 = arith.constant 79 : i32
      %get3A_1783 = arith.index_cast %get3A_1782 : i32 to index
      %get3A_1784 = arith.constant 0 : index
      %get3A_1785 = tpu.vector_load %arg8[%get3A_1783, %get3A_1784] {strides = array<i32>} : memref<104x16xf32, #tpu.memory_space<vmem>>, vector<1x16xf32>,
      %get3A_1786 = vector.shape_cast %get3A_1785 : vector<1x16xf32> to vector<16xf32>
      %add3A_1787 = arith.addf %add3A_1763, %get3A_1786 : vector<16xf32>
      %get3A_1788 = arith.constant 80 : i32
      %get3A_1789 = arith.index_cast %get3A_1788 : i32 to index
      %get3A_1790 = arith.constant 0 : index
      %get3A_1791 = tpu.vector_load %arg8[%get3A_1789, %get3A_1790] {strides = array<i32>} : memref<104x16xf32, #tpu.memory_space<vmem>>, vector<1x16xf32>,
      %get3A_1792 = vector.shape_cast %get3A_1791 : vector<1x16xf32> to vector<16xf32>
      %add3A_1793 = arith.addf %add3A_1769, %get3A_1792 : vector<16xf32>
      %get3A_1794 = arith.constant 81 : i32
      %get3A_1795 = arith.index_cast %get3A_1794 : i32 to index
      %get3A_1796 = arith.constant 0 : index
      %get3A_1797 = tpu.vector_load %arg8[%get3A_1795, %get3A_1796] {strides = array<i32>} : memref<104x16xf32, #tpu.memory_space<vmem>>, vector<1x16xf32>,
      %get3A_1798 = vector.shape_cast %get3A_1797 : vector<1x16xf32> to vector<16xf32>
      %add3A_1799 = arith.addf %add3A_1775, %get3A_1798 : vector<16xf32>
      %get3A_1800 = arith.constant 82 : i32
      %get3A_1801 = arith.index_cast %get3A_1800 : i32 to index
      %get3A_1802 = arith.constant 0 : index
      %get3A_1803 = tpu.vector_load %arg8[%get3A_1801, %get3A_1802] {strides = array<i32>} : memref<104x16xf32, #tpu.memory_space<vmem>>, vector<1x16xf32>,
      %get3A_1804 = vector.shape_cast %get3A_1803 : vector<1x16xf32> to vector<16xf32>
      %add3A_1805 = arith.addf %add3A_1781, %get3A_1804 : vector<16xf32>
      %get3A_1806 = arith.constant 83 : i32
      %get3A_1807 = arith.index_cast %get3A_1806 : i32 to index
      %get3A_1808 = arith.constant 0 : index
      %get3A_1809 = tpu.vector_load %arg8[%get3A_1807, %get3A_1808] {strides = array<i32>} : memref<104x16xf32, #tpu.memory_space<vmem>>, vector<1x16xf32>,
      %get3A_1810 = vector.shape_cast %get3A_1809 : vector<1x16xf32> to vector<16xf32>
      %add3A_1811 = arith.addf %add3A_1787, %get3A_1810 : vector<16xf32>
      %get3A_1812 = arith.constant 84 : i32
      %get3A_1813 = arith.index_cast %get3A_1812 : i32 to index
      %get3A_1814 = arith.constant 0 : index
      %get3A_1815 = tpu.vector_load %arg8[%get3A_1813, %get3A_1814] {strides = array<i32>} : memref<104x16xf32, #tpu.memory_space<vmem>>, vector<1x16xf32>,
      %get3A_1816 = vector.shape_cast %get3A_1815 : vector<1x16xf32> to vector<16xf32>
      %add3A_1817 = arith.addf %add3A_1793, %get3A_1816 : vector<16xf32>
      %get3A_1818 = arith.constant 85 : i32
      %get3A_1819 = arith.index_cast %get3A_1818 : i32 to index
      %get3A_1820 = arith.constant 0 : index
      %get3A_1821 = tpu.vector_load %arg8[%get3A_1819, %get3A_1820] {strides = array<i32>} : memref<104x16xf32, #tpu.memory_space<vmem>>, vector<1x16xf32>,
      %get3A_1822 = vector.shape_cast %get3A_1821 : vector<1x16xf32> to vector<16xf32>
      %add3A_1823 = arith.addf %add3A_1799, %get3A_1822 : vector<16xf32>
      %get3A_1824 = arith.constant 86 : i32
      %get3A_1825 = arith.index_cast %get3A_1824 : i32 to index
      %get3A_1826 = arith.constant 0 : index
      %get3A_1827 = tpu.vector_load %arg8[%get3A_1825, %get3A_1826] {strides = array<i32>} : memref<104x16xf32, #tpu.memory_space<vmem>>, vector<1x16xf32>,
      %get3A_1828 = vector.shape_cast %get3A_1827 : vector<1x16xf32> to vector<16xf32>
      %add3A_1829 = arith.addf %add3A_1805, %get3A_1828 : vector<16xf32>
      %get3A_1830 = arith.constant 87 : i32
      %get3A_1831 = arith.index_cast %get3A_1830 : i32 to index
      %get3A_1832 = arith.constant 0 : index
      %get3A_1833 = tpu.vector_load %arg8[%get3A_1831, %get3A_1832] {strides = array<i32>} : memref<104x16xf32, #tpu.memory_space<vmem>>, vector<1x16xf32>,
      %get3A_1834 = vector.shape_cast %get3A_1833 : vector<1x16xf32> to vector<16xf32>
      %add3A_1835 = arith.addf %add3A_1811, %get3A_1834 : vector<16xf32>
      %get3A_1836 = arith.constant 88 : i32
      %get3A_1837 = arith.index_cast %get3A_1836 : i32 to index
      %get3A_1838 = arith.constant 0 : index
      %get3A_1839 = tpu.vector_load %arg8[%get3A_1837, %get3A_1838] {strides = array<i32>} : memref<104x16xf32, #tpu.memory_space<vmem>>, vector<1x16xf32>,
      %get3A_1840 = vector.shape_cast %get3A_1839 : vector<1x16xf32> to vector<16xf32>
      %add3A_1841 = arith.addf %add3A_1817, %get3A_1840 : vector<16xf32>
      %get3A_1842 = arith.constant 89 : i32
      %get3A_1843 = arith.index_cast %get3A_1842 : i32 to index
      %get3A_1844 = arith.constant 0 : index
      %get3A_1845 = tpu.vector_load %arg8[%get3A_1843, %get3A_1844] {strides = array<i32>} : memref<104x16xf32, #tpu.memory_space<vmem>>, vector<1x16xf32>,
      %get3A_1846 = vector.shape_cast %get3A_1845 : vector<1x16xf32> to vector<16xf32>
      %add3A_1847 = arith.addf %add3A_1823, %get3A_1846 : vector<16xf32>
      %get3A_1848 = arith.constant 90 : i32
      %get3A_1849 = arith.index_cast %get3A_1848 : i32 to index
      %get3A_1850 = arith.constant 0 : index
      %get3A_1851 = tpu.vector_load %arg8[%get3A_1849, %get3A_1850] {strides = array<i32>} : memref<104x16xf32, #tpu.memory_space<vmem>>, vector<1x16xf32>,
      %get3A_1852 = vector.shape_cast %get3A_1851 : vector<1x16xf32> to vector<16xf32>
      %add3A_1853 = arith.addf %add3A_1829, %get3A_1852 : vector<16xf32>
      %get3A_1854 = arith.constant 91 : i32
      %get3A_1855 = arith.index_cast %get3A_1854 : i32 to index
      %get3A_1856 = arith.constant 0 : index
      %get3A_1857 = tpu.vector_load %arg8[%get3A_1855, %get3A_1856] {strides = array<i32>} : memref<104x16xf32, #tpu.memory_space<vmem>>, vector<1x16xf32>,
      %get3A_1858 = vector.shape_cast %get3A_1857 : vector<1x16xf32> to vector<16xf32>
      %add3A_1859 = arith.addf %add3A_1835, %get3A_1858 : vector<16xf32>
      %get3A_1860 = arith.constant 92 : i32
      %get3A_1861 = arith.index_cast %get3A_1860 : i32 to index
      %get3A_1862 = arith.constant 0 : index
      %get3A_1863 = tpu.vector_load %arg8[%get3A_1861, %get3A_1862] {strides = array<i32>} : memref<104x16xf32, #tpu.memory_space<vmem>>, vector<1x16xf32>,
      %get3A_1864 = vector.shape_cast %get3A_1863 : vector<1x16xf32> to vector<16xf32>
      %add3A_1865 = arith.addf %add3A_1841, %get3A_1864 : vector<16xf32>
      %get3A_1866 = arith.constant 93 : i32
      %get3A_1867 = arith.index_cast %get3A_1866 : i32 to index
      %get3A_1868 = arith.constant 0 : index
      %get3A_1869 = tpu.vector_load %arg8[%get3A_1867, %get3A_1868] {strides = array<i32>} : memref<104x16xf32, #tpu.memory_space<vmem>>, vector<1x16xf32>,
      %get3A_1870 = vector.shape_cast %get3A_1869 : vector<1x16xf32> to vector<16xf32>
      %add3A_1871 = arith.addf %add3A_1847, %get3A_1870 : vector<16xf32>
      %get3A_1872 = arith.constant 94 : i32
      %get3A_1873 = arith.index_cast %get3A_1872 : i32 to index
      %get3A_1874 = arith.constant 0 : index
      %get3A_1875 = tpu.vector_load %arg8[%get3A_1873, %get3A_1874] {strides = array<i32>} : memref<104x16xf32, #tpu.memory_space<vmem>>, vector<1x16xf32>,
      %get3A_1876 = vector.shape_cast %get3A_1875 : vector<1x16xf32> to vector<16xf32>
      %add3A_1877 = arith.addf %add3A_1853, %get3A_1876 : vector<16xf32>
      %get3A_1878 = arith.constant 95 : i32
      %get3A_1879 = arith.index_cast %get3A_1878 : i32 to index
      %get3A_1880 = arith.constant 0 : index
      %get3A_1881 = tpu.vector_load %arg8[%get3A_1879, %get3A_1880] {strides = array<i32>} : memref<104x16xf32, #tpu.memory_space<vmem>>, vector<1x16xf32>,
      %get3A_1882 = vector.shape_cast %get3A_1881 : vector<1x16xf32> to vector<16xf32>
      %add3A_1883 = arith.addf %add3A_1859, %get3A_1882 : vector<16xf32>
      %get3A_1884 = arith.constant 96 : i32
      %get3A_1885 = arith.index_cast %get3A_1884 : i32 to index
      %get3A_1886 = arith.constant 0 : index
      %get3A_1887 = tpu.vector_load %arg8[%get3A_1885, %get3A_1886] {strides = array<i32>} : memref<104x16xf32, #tpu.memory_space<vmem>>, vector<1x16xf32>,
      %get3A_1888 = vector.shape_cast %get3A_1887 : vector<1x16xf32> to vector<16xf32>
      %add3A_1889 = arith.addf %add3A_1865, %get3A_1888 : vector<16xf32>
      %get3A_1890 = arith.constant 97 : i32
      %get3A_1891 = arith.index_cast %get3A_1890 : i32 to index
      %get3A_1892 = arith.constant 0 : index
      %get3A_1893 = tpu.vector_load %arg8[%get3A_1891, %get3A_1892] {strides = array<i32>} : memref<104x16xf32, #tpu.memory_space<vmem>>, vector<1x16xf32>,
      %get3A_1894 = vector.shape_cast %get3A_1893 : vector<1x16xf32> to vector<16xf32>
      %add3A_1895 = arith.addf %add3A_1871, %get3A_1894 : vector<16xf32>
      %get3A_1896 = arith.constant 98 : i32
      %get3A_1897 = arith.index_cast %get3A_1896 : i32 to index
      %get3A_1898 = arith.constant 0 : index
      %get3A_1899 = tpu.vector_load %arg8[%get3A_1897, %get3A_1898] {strides = array<i32>} : memref<104x16xf32, #tpu.memory_space<vmem>>, vector<1x16xf32>,
      %get3A_1900 = vector.shape_cast %get3A_1899 : vector<1x16xf32> to vector<16xf32>
      %add3A_1901 = arith.addf %add3A_1877, %get3A_1900 : vector<16xf32>
      %get3A_1902 = arith.constant 99 : i32
      %get3A_1903 = arith.index_cast %get3A_1902 : i32 to index
      %get3A_1904 = arith.constant 0 : index
      %get3A_1905 = tpu.vector_load %arg8[%get3A_1903, %get3A_1904] {strides = array<i32>} : memref<104x16xf32, #tpu.memory_space<vmem>>, vector<1x16xf32>,
      %get3A_1906 = vector.shape_cast %get3A_1905 : vector<1x16xf32> to vector<16xf32>
      %add3A_1907 = arith.addf %add3A_1883, %get3A_1906 : vector<16xf32>
      %get3A_1908 = arith.constant 100 : i32
      %get3A_1909 = arith.index_cast %get3A_1908 : i32 to index
      %get3A_1910 = arith.constant 0 : index
      %get3A_1911 = tpu.vector_load %arg8[%get3A_1909, %get3A_1910] {strides = array<i32>} : memref<104x16xf32, #tpu.memory_space<vmem>>, vector<1x16xf32>,
      %get3A_1912 = vector.shape_cast %get3A_1911 : vector<1x16xf32> to vector<16xf32>
      %add3A_1913 = arith.addf %add3A_1889, %get3A_1912 : vector<16xf32>
      %get3A_1914 = arith.constant 101 : i32
      %get3A_1915 = arith.index_cast %get3A_1914 : i32 to index
      %get3A_1916 = arith.constant 0 : index
      %get3A_1917 = tpu.vector_load %arg8[%get3A_1915, %get3A_1916] {strides = array<i32>} : memref<104x16xf32, #tpu.memory_space<vmem>>, vector<1x16xf32>,
      %get3A_1918 = vector.shape_cast %get3A_1917 : vector<1x16xf32> to vector<16xf32>
      %add3A_1919 = arith.addf %add3A_1895, %get3A_1918 : vector<16xf32>
      %get3A_1920 = arith.constant 102 : i32
      %get3A_1921 = arith.index_cast %get3A_1920 : i32 to index
      %get3A_1922 = arith.constant 0 : index
      %get3A_1923 = tpu.vector_load %arg8[%get3A_1921, %get3A_1922] {strides = array<i32>} : memref<104x16xf32, #tpu.memory_space<vmem>>, vector<1x16xf32>,
      %get3A_1924 = vector.shape_cast %get3A_1923 : vector<1x16xf32> to vector<16xf32>
      %add3A_1925 = arith.addf %add3A_1901, %get3A_1924 : vector<16xf32>
      %get3A_1926 = arith.constant 103 : i32
      %get3A_1927 = arith.index_cast %get3A_1926 : i32 to index
      %get3A_1928 = arith.constant 0 : index
      %get3A_1929 = tpu.vector_load %arg8[%get3A_1927, %get3A_1928] {strides = array<i32>} : memref<104x16xf32, #tpu.memory_space<vmem>>, vector<1x16xf32>,
      %get3A_1930 = vector.shape_cast %get3A_1929 : vector<1x16xf32> to vector<16xf32>
      %add3A_1931 = arith.addf %add3A_1907, %get3A_1930 : vector<16xf32>
      %get3A_1932 = arith.constant 0 : i32
      %get3A_1933 = arith.index_cast %get3A_1932 : i32 to index
      %get3A_1934 = arith.constant 0 : index
      %get3A_1935 = tpu.vector_load %arg12[%get3A_1933, %get3A_1934] {strides = array<i32>} : memref<96x16xf32, #tpu.memory_space<vmem>>, vector<1x16xf32>,
      %get3A_1936 = vector.shape_cast %get3A_1935 : vector<1x16xf32> to vector<16xf32>
      %add3A_1937 = arith.addf %add3A_1913, %get3A_1936 : vector<16xf32>
      %get3A_1938 = arith.constant 1 : i32
      %get3A_1939 = arith.index_cast %get3A_1938 : i32 to index
      %get3A_1940 = arith.constant 0 : index
      %get3A_1941 = tpu.vector_load %arg12[%get3A_1939, %get3A_1940] {strides = array<i32>} : memref<96x16xf32, #tpu.memory_space<vmem>>, vector<1x16xf32>,
      %get3A_1942 = vector.shape_cast %get3A_1941 : vector<1x16xf32> to vector<16xf32>
      %add3A_1943 = arith.addf %add3A_1919, %get3A_1942 : vector<16xf32>
      %get3A_1944 = arith.constant 2 : i32
      %get3A_1945 = arith.index_cast %get3A_1944 : i32 to index
      %get3A_1946 = arith.constant 0 : index
      %get3A_1947 = tpu.vector_load %arg12[%get3A_1945, %get3A_1946] {strides = array<i32>} : memref<96x16xf32, #tpu.memory_space<vmem>>, vector<1x16xf32>,
      %get3A_1948 = vector.shape_cast %get3A_1947 : vector<1x16xf32> to vector<16xf32>
      %add3A_1949 = arith.addf %add3A_1925, %get3A_1948 : vector<16xf32>
      %get3A_1950 = arith.constant 3 : i32
      %get3A_1951 = arith.index_cast %get3A_1950 : i32 to index
      %get3A_1952 = arith.constant 0 : index
      %get3A_1953 = tpu.vector_load %arg12[%get3A_1951, %get3A_1952] {strides = array<i32>} : memref<96x16xf32, #tpu.memory_space<vmem>>, vector<1x16xf32>,
      %get3A_1954 = vector.shape_cast %get3A_1953 : vector<1x16xf32> to vector<16xf32>
      %add3A_1955 = arith.addf %add3A_1931, %get3A_1954 : vector<16xf32>
      %get3A_1956 = arith.constant 4 : i32
      %get3A_1957 = arith.index_cast %get3A_1956 : i32 to index
      %get3A_1958 = arith.constant 0 : index
      %get3A_1959 = tpu.vector_load %arg12[%get3A_1957, %get3A_1958] {strides = array<i32>} : memref<96x16xf32, #tpu.memory_space<vmem>>, vector<1x16xf32>,
      %get3A_1960 = vector.shape_cast %get3A_1959 : vector<1x16xf32> to vector<16xf32>
      %add3A_1961 = arith.addf %add3A_1937, %get3A_1960 : vector<16xf32>
      %get3A_1962 = arith.constant 5 : i32
      %get3A_1963 = arith.index_cast %get3A_1962 : i32 to index
      %get3A_1964 = arith.constant 0 : index
      %get3A_1965 = tpu.vector_load %arg12[%get3A_1963, %get3A_1964] {strides = array<i32>} : memref<96x16xf32, #tpu.memory_space<vmem>>, vector<1x16xf32>,
      %get3A_1966 = vector.shape_cast %get3A_1965 : vector<1x16xf32> to vector<16xf32>
      %add3A_1967 = arith.addf %add3A_1943, %get3A_1966 : vector<16xf32>
      %get3A_1968 = arith.constant 6 : i32
      %get3A_1969 = arith.index_cast %get3A_1968 : i32 to index
      %get3A_1970 = arith.constant 0 : index
      %get3A_1971 = tpu.vector_load %arg12[%get3A_1969, %get3A_1970] {strides = array<i32>} : memref<96x16xf32, #tpu.memory_space<vmem>>, vector<1x16xf32>,
      %get3A_1972 = vector.shape_cast %get3A_1971 : vector<1x16xf32> to vector<16xf32>
      %add3A_1973 = arith.addf %add3A_1949, %get3A_1972 : vector<16xf32>
      %get3A_1974 = arith.constant 7 : i32
      %get3A_1975 = arith.index_cast %get3A_1974 : i32 to index
      %get3A_1976 = arith.constant 0 : index
      %get3A_1977 = tpu.vector_load %arg12[%get3A_1975, %get3A_1976] {strides = array<i32>} : memref<96x16xf32, #tpu.memory_space<vmem>>, vector<1x16xf32>,
      %get3A_1978 = vector.shape_cast %get3A_1977 : vector<1x16xf32> to vector<16xf32>
      %add3A_1979 = arith.addf %add3A_1955, %get3A_1978 : vector<16xf32>
      %get3A_1980 = arith.constant 8 : i32
      %get3A_1981 = arith.index_cast %get3A_1980 : i32 to index
      %get3A_1982 = arith.constant 0 : index
      %get3A_1983 = tpu.vector_load %arg12[%get3A_1981, %get3A_1982] {strides = array<i32>} : memref<96x16xf32, #tpu.memory_space<vmem>>, vector<1x16xf32>,
      %get3A_1984 = vector.shape_cast %get3A_1983 : vector<1x16xf32> to vector<16xf32>
      %add3A_1985 = arith.addf %add3A_1961, %get3A_1984 : vector<16xf32>
      %get3A_1986 = arith.constant 9 : i32
      %get3A_1987 = arith.index_cast %get3A_1986 : i32 to index
      %get3A_1988 = arith.constant 0 : index
      %get3A_1989 = tpu.vector_load %arg12[%get3A_1987, %get3A_1988] {strides = array<i32>} : memref<96x16xf32, #tpu.memory_space<vmem>>, vector<1x16xf32>,
      %get3A_1990 = vector.shape_cast %get3A_1989 : vector<1x16xf32> to vector<16xf32>
      %add3A_1991 = arith.addf %add3A_1967, %get3A_1990 : vector<16xf32>
      %get3A_1992 = arith.constant 10 : i32
      %get3A_1993 = arith.index_cast %get3A_1992 : i32 to index
      %get3A_1994 = arith.constant 0 : index
      %get3A_1995 = tpu.vector_load %arg12[%get3A_1993, %get3A_1994] {strides = array<i32>} : memref<96x16xf32, #tpu.memory_space<vmem>>, vector<1x16xf32>,
      %get3A_1996 = vector.shape_cast %get3A_1995 : vector<1x16xf32> to vector<16xf32>
      %add3A_1997 = arith.addf %add3A_1973, %get3A_1996 : vector<16xf32>
      %get3A_1998 = arith.constant 11 : i32
      %get3A_1999 = arith.index_cast %get3A_1998 : i32 to index
      %get3A_2000 = arith.constant 0 : index
      %get3A_2001 = tpu.vector_load %arg12[%get3A_1999, %get3A_2000] {strides = array<i32>} : memref<96x16xf32, #tpu.memory_space<vmem>>, vector<1x16xf32>,
      %get3A_2002 = vector.shape_cast %get3A_2001 : vector<1x16xf32> to vector<16xf32>
      %add3A_2003 = arith.addf %add3A_1979, %get3A_2002 : vector<16xf32>
      %get3A_2004 = arith.constant 12 : i32
      %get3A_2005 = arith.index_cast %get3A_2004 : i32 to index
      %get3A_2006 = arith.constant 0 : index
      %get3A_2007 = tpu.vector_load %arg12[%get3A_2005, %get3A_2006] {strides = array<i32>} : memref<96x16xf32, #tpu.memory_space<vmem>>, vector<1x16xf32>,
      %get3A_2008 = vector.shape_cast %get3A_2007 : vector<1x16xf32> to vector<16xf32>
      %add3A_2009 = arith.addf %add3A_1985, %get3A_2008 : vector<16xf32>
      %get3A_2010 = arith.constant 13 : i32
      %get3A_2011 = arith.index_cast %get3A_2010 : i32 to index
      %get3A_2012 = arith.constant 0 : index
      %get3A_2013 = tpu.vector_load %arg12[%get3A_2011, %get3A_2012] {strides = array<i32>} : memref<96x16xf32, #tpu.memory_space<vmem>>, vector<1x16xf32>,
      %get3A_2014 = vector.shape_cast %get3A_2013 : vector<1x16xf32> to vector<16xf32>
      %add3A_2015 = arith.addf %add3A_1991, %get3A_2014 : vector<16xf32>
      %get3A_2016 = arith.constant 14 : i32
      %get3A_2017 = arith.index_cast %get3A_2016 : i32 to index
      %get3A_2018 = arith.constant 0 : index
      %get3A_2019 = tpu.vector_load %arg12[%get3A_2017, %get3A_2018] {strides = array<i32>} : memref<96x16xf32, #tpu.memory_space<vmem>>, vector<1x16xf32>,
      %get3A_2020 = vector.shape_cast %get3A_2019 : vector<1x16xf32> to vector<16xf32>
      %add3A_2021 = arith.addf %add3A_1997, %get3A_2020 : vector<16xf32>
      %get3A_2022 = arith.constant 15 : i32
      %get3A_2023 = arith.index_cast %get3A_2022 : i32 to index
      %get3A_2024 = arith.constant 0 : index
      %get3A_2025 = tpu.vector_load %arg12[%get3A_2023, %get3A_2024] {strides = array<i32>} : memref<96x16xf32, #tpu.memory_space<vmem>>, vector<1x16xf32>,
      %get3A_2026 = vector.shape_cast %get3A_2025 : vector<1x16xf32> to vector<16xf32>
      %add3A_2027 = arith.addf %add3A_2003, %get3A_2026 : vector<16xf32>
      %get3A_2028 = arith.constant 16 : i32
      %get3A_2029 = arith.index_cast %get3A_2028 : i32 to index
      %get3A_2030 = arith.constant 0 : index
      %get3A_2031 = tpu.vector_load %arg12[%get3A_2029, %get3A_2030] {strides = array<i32>} : memref<96x16xf32, #tpu.memory_space<vmem>>, vector<1x16xf32>,
      %get3A_2032 = vector.shape_cast %get3A_2031 : vector<1x16xf32> to vector<16xf32>
      %add3A_2033 = arith.addf %add3A_2009, %get3A_2032 : vector<16xf32>
      %get3A_2034 = arith.constant 17 : i32
      %get3A_2035 = arith.index_cast %get3A_2034 : i32 to index
      %get3A_2036 = arith.constant 0 : index
      %get3A_2037 = tpu.vector_load %arg12[%get3A_2035, %get3A_2036] {strides = array<i32>} : memref<96x16xf32, #tpu.memory_space<vmem>>, vector<1x16xf32>,
      %get3A_2038 = vector.shape_cast %get3A_2037 : vector<1x16xf32> to vector<16xf32>
      %add3A_2039 = arith.addf %add3A_2015, %get3A_2038 : vector<16xf32>
      %get3A_2040 = arith.constant 18 : i32
      %get3A_2041 = arith.index_cast %get3A_2040 : i32 to index
      %get3A_2042 = arith.constant 0 : index
      %get3A_2043 = tpu.vector_load %arg12[%get3A_2041, %get3A_2042] {strides = array<i32>} : memref<96x16xf32, #tpu.memory_space<vmem>>, vector<1x16xf32>,
      %get3A_2044 = vector.shape_cast %get3A_2043 : vector<1x16xf32> to vector<16xf32>
      %add3A_2045 = arith.addf %add3A_2021, %get3A_2044 : vector<16xf32>
      %get3A_2046 = arith.constant 19 : i32
      %get3A_2047 = arith.index_cast %get3A_2046 : i32 to index
      %get3A_2048 = arith.constant 0 : index
      %get3A_2049 = tpu.vector_load %arg12[%get3A_2047, %get3A_2048] {strides = array<i32>} : memref<96x16xf32, #tpu.memory_space<vmem>>, vector<1x16xf32>,
      %get3A_2050 = vector.shape_cast %get3A_2049 : vector<1x16xf32> to vector<16xf32>
      %add3A_2051 = arith.addf %add3A_2027, %get3A_2050 : vector<16xf32>
      %get3A_2052 = arith.constant 20 : i32
      %get3A_2053 = arith.index_cast %get3A_2052 : i32 to index
      %get3A_2054 = arith.constant 0 : index
      %get3A_2055 = tpu.vector_load %arg12[%get3A_2053, %get3A_2054] {strides = array<i32>} : memref<96x16xf32, #tpu.memory_space<vmem>>, vector<1x16xf32>,
      %get3A_2056 = vector.shape_cast %get3A_2055 : vector<1x16xf32> to vector<16xf32>
      %add3A_2057 = arith.addf %add3A_2033, %get3A_2056 : vector<16xf32>
      %get3A_2058 = arith.constant 21 : i32
      %get3A_2059 = arith.index_cast %get3A_2058 : i32 to index
      %get3A_2060 = arith.constant 0 : index
      %get3A_2061 = tpu.vector_load %arg12[%get3A_2059, %get3A_2060] {strides = array<i32>} : memref<96x16xf32, #tpu.memory_space<vmem>>, vector<1x16xf32>,
      %get3A_2062 = vector.shape_cast %get3A_2061 : vector<1x16xf32> to vector<16xf32>
      %add3A_2063 = arith.addf %add3A_2039, %get3A_2062 : vector<16xf32>
      %get3A_2064 = arith.constant 22 : i32
      %get3A_2065 = arith.index_cast %get3A_2064 : i32 to index
      %get3A_2066 = arith.constant 0 : index
      %get3A_2067 = tpu.vector_load %arg12[%get3A_2065, %get3A_2066] {strides = array<i32>} : memref<96x16xf32, #tpu.memory_space<vmem>>, vector<1x16xf32>,
      %get3A_2068 = vector.shape_cast %get3A_2067 : vector<1x16xf32> to vector<16xf32>
      %add3A_2069 = arith.addf %add3A_2045, %get3A_2068 : vector<16xf32>
      %get3A_2070 = arith.constant 23 : i32
      %get3A_2071 = arith.index_cast %get3A_2070 : i32 to index
      %get3A_2072 = arith.constant 0 : index
      %get3A_2073 = tpu.vector_load %arg12[%get3A_2071, %get3A_2072] {strides = array<i32>} : memref<96x16xf32, #tpu.memory_space<vmem>>, vector<1x16xf32>,
      %get3A_2074 = vector.shape_cast %get3A_2073 : vector<1x16xf32> to vector<16xf32>
      %add3A_2075 = arith.addf %add3A_2051, %get3A_2074 : vector<16xf32>
      %get3A_2076 = arith.constant 24 : i32
      %get3A_2077 = arith.index_cast %get3A_2076 : i32 to index
      %get3A_2078 = arith.constant 0 : index
      %get3A_2079 = tpu.vector_load %arg12[%get3A_2077, %get3A_2078] {strides = array<i32>} : memref<96x16xf32, #tpu.memory_space<vmem>>, vector<1x16xf32>,
      %get3A_2080 = vector.shape_cast %get3A_2079 : vector<1x16xf32> to vector<16xf32>
      %add3A_2081 = arith.addf %add3A_2057, %get3A_2080 : vector<16xf32>
      %get3A_2082 = arith.constant 25 : i32
      %get3A_2083 = arith.index_cast %get3A_2082 : i32 to index
      %get3A_2084 = arith.constant 0 : index
      %get3A_2085 = tpu.vector_load %arg12[%get3A_2083, %get3A_2084] {strides = array<i32>} : memref<96x16xf32, #tpu.memory_space<vmem>>, vector<1x16xf32>,
      %get3A_2086 = vector.shape_cast %get3A_2085 : vector<1x16xf32> to vector<16xf32>
      %add3A_2087 = arith.addf %add3A_2063, %get3A_2086 : vector<16xf32>
      %get3A_2088 = arith.constant 26 : i32
      %get3A_2089 = arith.index_cast %get3A_2088 : i32 to index
      %get3A_2090 = arith.constant 0 : index
      %get3A_2091 = tpu.vector_load %arg12[%get3A_2089, %get3A_2090] {strides = array<i32>} : memref<96x16xf32, #tpu.memory_space<vmem>>, vector<1x16xf32>,
      %get3A_2092 = vector.shape_cast %get3A_2091 : vector<1x16xf32> to vector<16xf32>
      %add3A_2093 = arith.addf %add3A_2069, %get3A_2092 : vector<16xf32>
      %get3A_2094 = arith.constant 27 : i32
      %get3A_2095 = arith.index_cast %get3A_2094 : i32 to index
      %get3A_2096 = arith.constant 0 : index
      %get3A_2097 = tpu.vector_load %arg12[%get3A_2095, %get3A_2096] {strides = array<i32>} : memref<96x16xf32, #tpu.memory_space<vmem>>, vector<1x16xf32>,
      %get3A_2098 = vector.shape_cast %get3A_2097 : vector<1x16xf32> to vector<16xf32>
      %add3A_2099 = arith.addf %add3A_2075, %get3A_2098 : vector<16xf32>
      %get3A_2100 = arith.constant 28 : i32
      %get3A_2101 = arith.index_cast %get3A_2100 : i32 to index
      %get3A_2102 = arith.constant 0 : index
      %get3A_2103 = tpu.vector_load %arg12[%get3A_2101, %get3A_2102] {strides = array<i32>} : memref<96x16xf32, #tpu.memory_space<vmem>>, vector<1x16xf32>,
      %get3A_2104 = vector.shape_cast %get3A_2103 : vector<1x16xf32> to vector<16xf32>
      %add3A_2105 = arith.addf %add3A_2081, %get3A_2104 : vector<16xf32>
      %get3A_2106 = arith.constant 29 : i32
      %get3A_2107 = arith.index_cast %get3A_2106 : i32 to index
      %get3A_2108 = arith.constant 0 : index
      %get3A_2109 = tpu.vector_load %arg12[%get3A_2107, %get3A_2108] {strides = array<i32>} : memref<96x16xf32, #tpu.memory_space<vmem>>, vector<1x16xf32>,
      %get3A_2110 = vector.shape_cast %get3A_2109 : vector<1x16xf32> to vector<16xf32>
      %add3A_2111 = arith.addf %add3A_2087, %get3A_2110 : vector<16xf32>
      %get3A_2112 = arith.constant 30 : i32
      %get3A_2113 = arith.index_cast %get3A_2112 : i32 to index
      %get3A_2114 = arith.constant 0 : index
      %get3A_2115 = tpu.vector_load %arg12[%get3A_2113, %get3A_2114] {strides = array<i32>} : memref<96x16xf32, #tpu.memory_space<vmem>>, vector<1x16xf32>,
      %get3A_2116 = vector.shape_cast %get3A_2115 : vector<1x16xf32> to vector<16xf32>
      %add3A_2117 = arith.addf %add3A_2093, %get3A_2116 : vector<16xf32>
      %get3A_2118 = arith.constant 31 : i32
      %get3A_2119 = arith.index_cast %get3A_2118 : i32 to index
      %get3A_2120 = arith.constant 0 : index
      %get3A_2121 = tpu.vector_load %arg12[%get3A_2119, %get3A_2120] {strides = array<i32>} : memref<96x16xf32, #tpu.memory_space<vmem>>, vector<1x16xf32>,
      %get3A_2122 = vector.shape_cast %get3A_2121 : vector<1x16xf32> to vector<16xf32>
      %add3A_2123 = arith.addf %add3A_2099, %get3A_2122 : vector<16xf32>
      %get3A_2124 = arith.constant 32 : i32
      %get3A_2125 = arith.index_cast %get3A_2124 : i32 to index
      %get3A_2126 = arith.constant 0 : index
      %get3A_2127 = tpu.vector_load %arg12[%get3A_2125, %get3A_2126] {strides = array<i32>} : memref<96x16xf32, #tpu.memory_space<vmem>>, vector<1x16xf32>,
      %get3A_2128 = vector.shape_cast %get3A_2127 : vector<1x16xf32> to vector<16xf32>
      %add3A_2129 = arith.addf %add3A_2105, %get3A_2128 : vector<16xf32>
      %get3A_2130 = arith.constant 33 : i32
      %get3A_2131 = arith.index_cast %get3A_2130 : i32 to index
      %get3A_2132 = arith.constant 0 : index
      %get3A_2133 = tpu.vector_load %arg12[%get3A_2131, %get3A_2132] {strides = array<i32>} : memref<96x16xf32, #tpu.memory_space<vmem>>, vector<1x16xf32>,
      %get3A_2134 = vector.shape_cast %get3A_2133 : vector<1x16xf32> to vector<16xf32>
      %add3A_2135 = arith.addf %add3A_2111, %get3A_2134 : vector<16xf32>
      %get3A_2136 = arith.constant 34 : i32
      %get3A_2137 = arith.index_cast %get3A_2136 : i32 to index
      %get3A_2138 = arith.constant 0 : index
      %get3A_2139 = tpu.vector_load %arg12[%get3A_2137, %get3A_2138] {strides = array<i32>} : memref<96x16xf32, #tpu.memory_space<vmem>>, vector<1x16xf32>,
      %get3A_2140 = vector.shape_cast %get3A_2139 : vector<1x16xf32> to vector<16xf32>
      %add3A_2141 = arith.addf %add3A_2117, %get3A_2140 : vector<16xf32>
      %get3A_2142 = arith.constant 35 : i32
      %get3A_2143 = arith.index_cast %get3A_2142 : i32 to index
      %get3A_2144 = arith.constant 0 : index
      %get3A_2145 = tpu.vector_load %arg12[%get3A_2143, %get3A_2144] {strides = array<i32>} : memref<96x16xf32, #tpu.memory_space<vmem>>, vector<1x16xf32>,
      %get3A_2146 = vector.shape_cast %get3A_2145 : vector<1x16xf32> to vector<16xf32>
      %add3A_2147 = arith.addf %add3A_2123, %get3A_2146 : vector<16xf32>
      %get3A_2148 = arith.constant 36 : i32
      %get3A_2149 = arith.index_cast %get3A_2148 : i32 to index
      %get3A_2150 = arith.constant 0 : index
      %get3A_2151 = tpu.vector_load %arg12[%get3A_2149, %get3A_2150] {strides = array<i32>} : memref<96x16xf32, #tpu.memory_space<vmem>>, vector<1x16xf32>,
      %get3A_2152 = vector.shape_cast %get3A_2151 : vector<1x16xf32> to vector<16xf32>
      %add3A_2153 = arith.addf %add3A_2129, %get3A_2152 : vector<16xf32>
      %get3A_2154 = arith.constant 37 : i32
      %get3A_2155 = arith.index_cast %get3A_2154 : i32 to index
      %get3A_2156 = arith.constant 0 : index
      %get3A_2157 = tpu.vector_load %arg12[%get3A_2155, %get3A_2156] {strides = array<i32>} : memref<96x16xf32, #tpu.memory_space<vmem>>, vector<1x16xf32>,
      %get3A_2158 = vector.shape_cast %get3A_2157 : vector<1x16xf32> to vector<16xf32>
      %add3A_2159 = arith.addf %add3A_2135, %get3A_2158 : vector<16xf32>
      %get3A_2160 = arith.constant 38 : i32
      %get3A_2161 = arith.index_cast %get3A_2160 : i32 to index
      %get3A_2162 = arith.constant 0 : index
      %get3A_2163 = tpu.vector_load %arg12[%get3A_2161, %get3A_2162] {strides = array<i32>} : memref<96x16xf32, #tpu.memory_space<vmem>>, vector<1x16xf32>,
      %get3A_2164 = vector.shape_cast %get3A_2163 : vector<1x16xf32> to vector<16xf32>
      %add3A_2165 = arith.addf %add3A_2141, %get3A_2164 : vector<16xf32>
      %get3A_2166 = arith.constant 39 : i32
      %get3A_2167 = arith.index_cast %get3A_2166 : i32 to index
      %get3A_2168 = arith.constant 0 : index
      %get3A_2169 = tpu.vector_load %arg12[%get3A_2167, %get3A_2168] {strides = array<i32>} : memref<96x16xf32, #tpu.memory_space<vmem>>, vector<1x16xf32>,
      %get3A_2170 = vector.shape_cast %get3A_2169 : vector<1x16xf32> to vector<16xf32>
      %add3A_2171 = arith.addf %add3A_2147, %get3A_2170 : vector<16xf32>
      %get3A_2172 = arith.constant 40 : i32
      %get3A_2173 = arith.index_cast %get3A_2172 : i32 to index
      %get3A_2174 = arith.constant 0 : index
      %get3A_2175 = tpu.vector_load %arg12[%get3A_2173, %get3A_2174] {strides = array<i32>} : memref<96x16xf32, #tpu.memory_space<vmem>>, vector<1x16xf32>,
      %get3A_2176 = vector.shape_cast %get3A_2175 : vector<1x16xf32> to vector<16xf32>
      %add3A_2177 = arith.addf %add3A_2153, %get3A_2176 : vector<16xf32>
      %get3A_2178 = arith.constant 41 : i32
      %get3A_2179 = arith.index_cast %get3A_2178 : i32 to index
      %get3A_2180 = arith.constant 0 : index
      %get3A_2181 = tpu.vector_load %arg12[%get3A_2179, %get3A_2180] {strides = array<i32>} : memref<96x16xf32, #tpu.memory_space<vmem>>, vector<1x16xf32>,
      %get3A_2182 = vector.shape_cast %get3A_2181 : vector<1x16xf32> to vector<16xf32>
      %add3A_2183 = arith.addf %add3A_2159, %get3A_2182 : vector<16xf32>
      %get3A_2184 = arith.constant 42 : i32
      %get3A_2185 = arith.index_cast %get3A_2184 : i32 to index
      %get3A_2186 = arith.constant 0 : index
      %get3A_2187 = tpu.vector_load %arg12[%get3A_2185, %get3A_2186] {strides = array<i32>} : memref<96x16xf32, #tpu.memory_space<vmem>>, vector<1x16xf32>,
      %get3A_2188 = vector.shape_cast %get3A_2187 : vector<1x16xf32> to vector<16xf32>
      %add3A_2189 = arith.addf %add3A_2165, %get3A_2188 : vector<16xf32>
      %get3A_2190 = arith.constant 43 : i32
      %get3A_2191 = arith.index_cast %get3A_2190 : i32 to index
      %get3A_2192 = arith.constant 0 : index
      %get3A_2193 = tpu.vector_load %arg12[%get3A_2191, %get3A_2192] {strides = array<i32>} : memref<96x16xf32, #tpu.memory_space<vmem>>, vector<1x16xf32>,
      %get3A_2194 = vector.shape_cast %get3A_2193 : vector<1x16xf32> to vector<16xf32>
      %add3A_2195 = arith.addf %add3A_2171, %get3A_2194 : vector<16xf32>
      %get3A_2196 = arith.constant 44 : i32
      %get3A_2197 = arith.index_cast %get3A_2196 : i32 to index
      %get3A_2198 = arith.constant 0 : index
      %get3A_2199 = tpu.vector_load %arg12[%get3A_2197, %get3A_2198] {strides = array<i32>} : memref<96x16xf32, #tpu.memory_space<vmem>>, vector<1x16xf32>,
      %get3A_2200 = vector.shape_cast %get3A_2199 : vector<1x16xf32> to vector<16xf32>
      %add3A_2201 = arith.addf %add3A_2177, %get3A_2200 : vector<16xf32>
      %get3A_2202 = arith.constant 45 : i32
      %get3A_2203 = arith.index_cast %get3A_2202 : i32 to index
      %get3A_2204 = arith.constant 0 : index
      %get3A_2205 = tpu.vector_load %arg12[%get3A_2203, %get3A_2204] {strides = array<i32>} : memref<96x16xf32, #tpu.memory_space<vmem>>, vector<1x16xf32>,
      %get3A_2206 = vector.shape_cast %get3A_2205 : vector<1x16xf32> to vector<16xf32>
      %add3A_2207 = arith.addf %add3A_2183, %get3A_2206 : vector<16xf32>
      %get3A_2208 = arith.constant 46 : i32
      %get3A_2209 = arith.index_cast %get3A_2208 : i32 to index
      %get3A_2210 = arith.constant 0 : index
      %get3A_2211 = tpu.vector_load %arg12[%get3A_2209, %get3A_2210] {strides = array<i32>} : memref<96x16xf32, #tpu.memory_space<vmem>>, vector<1x16xf32>,
      %get3A_2212 = vector.shape_cast %get3A_2211 : vector<1x16xf32> to vector<16xf32>
      %add3A_2213 = arith.addf %add3A_2189, %get3A_2212 : vector<16xf32>
      %get3A_2214 = arith.constant 47 : i32
      %get3A_2215 = arith.index_cast %get3A_2214 : i32 to index
      %get3A_2216 = arith.constant 0 : index
      %get3A_2217 = tpu.vector_load %arg12[%get3A_2215, %get3A_2216] {strides = array<i32>} : memref<96x16xf32, #tpu.memory_space<vmem>>, vector<1x16xf32>,
      %get3A_2218 = vector.shape_cast %get3A_2217 : vector<1x16xf32> to vector<16xf32>
      %add3A_2219 = arith.addf %add3A_2195, %get3A_2218 : vector<16xf32>
      %get3A_2220 = arith.constant 48 : i32
      %get3A_2221 = arith.index_cast %get3A_2220 : i32 to index
      %get3A_2222 = arith.constant 0 : index
      %get3A_2223 = tpu.vector_load %arg12[%get3A_2221, %get3A_2222] {strides = array<i32>} : memref<96x16xf32, #tpu.memory_space<vmem>>, vector<1x16xf32>,
      %get3A_2224 = vector.shape_cast %get3A_2223 : vector<1x16xf32> to vector<16xf32>
      %add3A_2225 = arith.addf %add3A_2201, %get3A_2224 : vector<16xf32>
      %get3A_2226 = arith.constant 49 : i32
      %get3A_2227 = arith.index_cast %get3A_2226 : i32 to index
      %get3A_2228 = arith.constant 0 : index
      %get3A_2229 = tpu.vector_load %arg12[%get3A_2227, %get3A_2228] {strides = array<i32>} : memref<96x16xf32, #tpu.memory_space<vmem>>, vector<1x16xf32>,
      %get3A_2230 = vector.shape_cast %get3A_2229 : vector<1x16xf32> to vector<16xf32>
      %add3A_2231 = arith.addf %add3A_2207, %get3A_2230 : vector<16xf32>
      %get3A_2232 = arith.constant 50 : i32
      %get3A_2233 = arith.index_cast %get3A_2232 : i32 to index
      %get3A_2234 = arith.constant 0 : index
      %get3A_2235 = tpu.vector_load %arg12[%get3A_2233, %get3A_2234] {strides = array<i32>} : memref<96x16xf32, #tpu.memory_space<vmem>>, vector<1x16xf32>,
      %get3A_2236 = vector.shape_cast %get3A_2235 : vector<1x16xf32> to vector<16xf32>
      %add3A_2237 = arith.addf %add3A_2213, %get3A_2236 : vector<16xf32>
      %get3A_2238 = arith.constant 51 : i32
      %get3A_2239 = arith.index_cast %get3A_2238 : i32 to index
      %get3A_2240 = arith.constant 0 : index
      %get3A_2241 = tpu.vector_load %arg12[%get3A_2239, %get3A_2240] {strides = array<i32>} : memref<96x16xf32, #tpu.memory_space<vmem>>, vector<1x16xf32>,
      %get3A_2242 = vector.shape_cast %get3A_2241 : vector<1x16xf32> to vector<16xf32>
      %add3A_2243 = arith.addf %add3A_2219, %get3A_2242 : vector<16xf32>
      %get3A_2244 = arith.constant 52 : i32
      %get3A_2245 = arith.index_cast %get3A_2244 : i32 to index
      %get3A_2246 = arith.constant 0 : index
      %get3A_2247 = tpu.vector_load %arg12[%get3A_2245, %get3A_2246] {strides = array<i32>} : memref<96x16xf32, #tpu.memory_space<vmem>>, vector<1x16xf32>,
      %get3A_2248 = vector.shape_cast %get3A_2247 : vector<1x16xf32> to vector<16xf32>
      %add3A_2249 = arith.addf %add3A_2225, %get3A_2248 : vector<16xf32>
      %get3A_2250 = arith.constant 53 : i32
      %get3A_2251 = arith.index_cast %get3A_2250 : i32 to index
      %get3A_2252 = arith.constant 0 : index
      %get3A_2253 = tpu.vector_load %arg12[%get3A_2251, %get3A_2252] {strides = array<i32>} : memref<96x16xf32, #tpu.memory_space<vmem>>, vector<1x16xf32>,
      %get3A_2254 = vector.shape_cast %get3A_2253 : vector<1x16xf32> to vector<16xf32>
      %add3A_2255 = arith.addf %add3A_2231, %get3A_2254 : vector<16xf32>
      %get3A_2256 = arith.constant 54 : i32
      %get3A_2257 = arith.index_cast %get3A_2256 : i32 to index
      %get3A_2258 = arith.constant 0 : index
      %get3A_2259 = tpu.vector_load %arg12[%get3A_2257, %get3A_2258] {strides = array<i32>} : memref<96x16xf32, #tpu.memory_space<vmem>>, vector<1x16xf32>,
      %get3A_2260 = vector.shape_cast %get3A_2259 : vector<1x16xf32> to vector<16xf32>
      %add3A_2261 = arith.addf %add3A_2237, %get3A_2260 : vector<16xf32>
      %get3A_2262 = arith.constant 55 : i32
      %get3A_2263 = arith.index_cast %get3A_2262 : i32 to index
      %get3A_2264 = arith.constant 0 : index
      %get3A_2265 = tpu.vector_load %arg12[%get3A_2263, %get3A_2264] {strides = array<i32>} : memref<96x16xf32, #tpu.memory_space<vmem>>, vector<1x16xf32>,
      %get3A_2266 = vector.shape_cast %get3A_2265 : vector<1x16xf32> to vector<16xf32>
      %add3A_2267 = arith.addf %add3A_2243, %get3A_2266 : vector<16xf32>
      %get3A_2268 = arith.constant 56 : i32
      %get3A_2269 = arith.index_cast %get3A_2268 : i32 to index
      %get3A_2270 = arith.constant 0 : index
      %get3A_2271 = tpu.vector_load %arg12[%get3A_2269, %get3A_2270] {strides = array<i32>} : memref<96x16xf32, #tpu.memory_space<vmem>>, vector<1x16xf32>,
      %get3A_2272 = vector.shape_cast %get3A_2271 : vector<1x16xf32> to vector<16xf32>
      %add3A_2273 = arith.addf %add3A_2249, %get3A_2272 : vector<16xf32>
      %get3A_2274 = arith.constant 57 : i32
      %get3A_2275 = arith.index_cast %get3A_2274 : i32 to index
      %get3A_2276 = arith.constant 0 : index
      %get3A_2277 = tpu.vector_load %arg12[%get3A_2275, %get3A_2276] {strides = array<i32>} : memref<96x16xf32, #tpu.memory_space<vmem>>, vector<1x16xf32>,
      %get3A_2278 = vector.shape_cast %get3A_2277 : vector<1x16xf32> to vector<16xf32>
      %add3A_2279 = arith.addf %add3A_2255, %get3A_2278 : vector<16xf32>
      %get3A_2280 = arith.constant 58 : i32
      %get3A_2281 = arith.index_cast %get3A_2280 : i32 to index
      %get3A_2282 = arith.constant 0 : index
      %get3A_2283 = tpu.vector_load %arg12[%get3A_2281, %get3A_2282] {strides = array<i32>} : memref<96x16xf32, #tpu.memory_space<vmem>>, vector<1x16xf32>,
      %get3A_2284 = vector.shape_cast %get3A_2283 : vector<1x16xf32> to vector<16xf32>
      %add3A_2285 = arith.addf %add3A_2261, %get3A_2284 : vector<16xf32>
      %get3A_2286 = arith.constant 59 : i32
      %get3A_2287 = arith.index_cast %get3A_2286 : i32 to index
      %get3A_2288 = arith.constant 0 : index
      %get3A_2289 = tpu.vector_load %arg12[%get3A_2287, %get3A_2288] {strides = array<i32>} : memref<96x16xf32, #tpu.memory_space<vmem>>, vector<1x16xf32>,
      %get3A_2290 = vector.shape_cast %get3A_2289 : vector<1x16xf32> to vector<16xf32>
      %add3A_2291 = arith.addf %add3A_2267, %get3A_2290 : vector<16xf32>
      %get3A_2292 = arith.constant 60 : i32
      %get3A_2293 = arith.index_cast %get3A_2292 : i32 to index
      %get3A_2294 = arith.constant 0 : index
      %get3A_2295 = tpu.vector_load %arg12[%get3A_2293, %get3A_2294] {strides = array<i32>} : memref<96x16xf32, #tpu.memory_space<vmem>>, vector<1x16xf32>,
      %get3A_2296 = vector.shape_cast %get3A_2295 : vector<1x16xf32> to vector<16xf32>
      %add3A_2297 = arith.addf %add3A_2273, %get3A_2296 : vector<16xf32>
      %get3A_2298 = arith.constant 61 : i32
      %get3A_2299 = arith.index_cast %get3A_2298 : i32 to index
      %get3A_2300 = arith.constant 0 : index
      %get3A_2301 = tpu.vector_load %arg12[%get3A_2299, %get3A_2300] {strides = array<i32>} : memref<96x16xf32, #tpu.memory_space<vmem>>, vector<1x16xf32>,
      %get3A_2302 = vector.shape_cast %get3A_2301 : vector<1x16xf32> to vector<16xf32>
      %add3A_2303 = arith.addf %add3A_2279, %get3A_2302 : vector<16xf32>
      %get3A_2304 = arith.constant 62 : i32
      %get3A_2305 = arith.index_cast %get3A_2304 : i32 to index
      %get3A_2306 = arith.constant 0 : index
      %get3A_2307 = tpu.vector_load %arg12[%get3A_2305, %get3A_2306] {strides = array<i32>} : memref<96x16xf32, #tpu.memory_space<vmem>>, vector<1x16xf32>,
      %get3A_2308 = vector.shape_cast %get3A_2307 : vector<1x16xf32> to vector<16xf32>
      %add3A_2309 = arith.addf %add3A_2285, %get3A_2308 : vector<16xf32>
      %get3A_2310 = arith.constant 63 : i32
      %get3A_2311 = arith.index_cast %get3A_2310 : i32 to index
      %get3A_2312 = arith.constant 0 : index
      %get3A_2313 = tpu.vector_load %arg12[%get3A_2311, %get3A_2312] {strides = array<i32>} : memref<96x16xf32, #tpu.memory_space<vmem>>, vector<1x16xf32>,
      %get3A_2314 = vector.shape_cast %get3A_2313 : vector<1x16xf32> to vector<16xf32>
      %add3A_2315 = arith.addf %add3A_2291, %get3A_2314 : vector<16xf32>
      %get3A_2316 = arith.constant 64 : i32
      %get3A_2317 = arith.index_cast %get3A_2316 : i32 to index
      %get3A_2318 = arith.constant 0 : index
      %get3A_2319 = tpu.vector_load %arg12[%get3A_2317, %get3A_2318] {strides = array<i32>} : memref<96x16xf32, #tpu.memory_space<vmem>>, vector<1x16xf32>,
      %get3A_2320 = vector.shape_cast %get3A_2319 : vector<1x16xf32> to vector<16xf32>
      %add3A_2321 = arith.addf %add3A_2297, %get3A_2320 : vector<16xf32>
      %get3A_2322 = arith.constant 65 : i32
      %get3A_2323 = arith.index_cast %get3A_2322 : i32 to index
      %get3A_2324 = arith.constant 0 : index
      %get3A_2325 = tpu.vector_load %arg12[%get3A_2323, %get3A_2324] {strides = array<i32>} : memref<96x16xf32, #tpu.memory_space<vmem>>, vector<1x16xf32>,
      %get3A_2326 = vector.shape_cast %get3A_2325 : vector<1x16xf32> to vector<16xf32>
      %add3A_2327 = arith.addf %add3A_2303, %get3A_2326 : vector<16xf32>
      %get3A_2328 = arith.constant 66 : i32
      %get3A_2329 = arith.index_cast %get3A_2328 : i32 to index
      %get3A_2330 = arith.constant 0 : index
      %get3A_2331 = tpu.vector_load %arg12[%get3A_2329, %get3A_2330] {strides = array<i32>} : memref<96x16xf32, #tpu.memory_space<vmem>>, vector<1x16xf32>,
      %get3A_2332 = vector.shape_cast %get3A_2331 : vector<1x16xf32> to vector<16xf32>
      %add3A_2333 = arith.addf %add3A_2309, %get3A_2332 : vector<16xf32>
      %get3A_2334 = arith.constant 67 : i32
      %get3A_2335 = arith.index_cast %get3A_2334 : i32 to index
      %get3A_2336 = arith.constant 0 : index
      %get3A_2337 = tpu.vector_load %arg12[%get3A_2335, %get3A_2336] {strides = array<i32>} : memref<96x16xf32, #tpu.memory_space<vmem>>, vector<1x16xf32>,
      %get3A_2338 = vector.shape_cast %get3A_2337 : vector<1x16xf32> to vector<16xf32>
      %add3A_2339 = arith.addf %add3A_2315, %get3A_2338 : vector<16xf32>
      %get3A_2340 = arith.constant 68 : i32
      %get3A_2341 = arith.index_cast %get3A_2340 : i32 to index
      %get3A_2342 = arith.constant 0 : index
      %get3A_2343 = tpu.vector_load %arg12[%get3A_2341, %get3A_2342] {strides = array<i32>} : memref<96x16xf32, #tpu.memory_space<vmem>>, vector<1x16xf32>,
      %get3A_2344 = vector.shape_cast %get3A_2343 : vector<1x16xf32> to vector<16xf32>
      %add3A_2345 = arith.addf %add3A_2321, %get3A_2344 : vector<16xf32>
      %get3A_2346 = arith.constant 69 : i32
      %get3A_2347 = arith.index_cast %get3A_2346 : i32 to index
      %get3A_2348 = arith.constant 0 : index
      %get3A_2349 = tpu.vector_load %arg12[%get3A_2347, %get3A_2348] {strides = array<i32>} : memref<96x16xf32, #tpu.memory_space<vmem>>, vector<1x16xf32>,
      %get3A_2350 = vector.shape_cast %get3A_2349 : vector<1x16xf32> to vector<16xf32>
      %add3A_2351 = arith.addf %add3A_2327, %get3A_2350 : vector<16xf32>
      %get3A_2352 = arith.constant 70 : i32
      %get3A_2353 = arith.index_cast %get3A_2352 : i32 to index
      %get3A_2354 = arith.constant 0 : index
      %get3A_2355 = tpu.vector_load %arg12[%get3A_2353, %get3A_2354] {strides = array<i32>} : memref<96x16xf32, #tpu.memory_space<vmem>>, vector<1x16xf32>,
      %get3A_2356 = vector.shape_cast %get3A_2355 : vector<1x16xf32> to vector<16xf32>
      %add3A_2357 = arith.addf %add3A_2333, %get3A_2356 : vector<16xf32>
      %get3A_2358 = arith.constant 71 : i32
      %get3A_2359 = arith.index_cast %get3A_2358 : i32 to index
      %get3A_2360 = arith.constant 0 : index
      %get3A_2361 = tpu.vector_load %arg12[%get3A_2359, %get3A_2360] {strides = array<i32>} : memref<96x16xf32, #tpu.memory_space<vmem>>, vector<1x16xf32>,
      %get3A_2362 = vector.shape_cast %get3A_2361 : vector<1x16xf32> to vector<16xf32>
      %add3A_2363 = arith.addf %add3A_2339, %get3A_2362 : vector<16xf32>
      %get3A_2364 = arith.constant 72 : i32
      %get3A_2365 = arith.index_cast %get3A_2364 : i32 to index
      %get3A_2366 = arith.constant 0 : index
      %get3A_2367 = tpu.vector_load %arg12[%get3A_2365, %get3A_2366] {strides = array<i32>} : memref<96x16xf32, #tpu.memory_space<vmem>>, vector<1x16xf32>,
      %get3A_2368 = vector.shape_cast %get3A_2367 : vector<1x16xf32> to vector<16xf32>
      %add3A_2369 = arith.addf %add3A_2345, %get3A_2368 : vector<16xf32>
      %get3A_2370 = arith.constant 73 : i32
      %get3A_2371 = arith.index_cast %get3A_2370 : i32 to index
      %get3A_2372 = arith.constant 0 : index
      %get3A_2373 = tpu.vector_load %arg12[%get3A_2371, %get3A_2372] {strides = array<i32>} : memref<96x16xf32, #tpu.memory_space<vmem>>, vector<1x16xf32>,
      %get3A_2374 = vector.shape_cast %get3A_2373 : vector<1x16xf32> to vector<16xf32>
      %add3A_2375 = arith.addf %add3A_2351, %get3A_2374 : vector<16xf32>
      %get3A_2376 = arith.constant 74 : i32
      %get3A_2377 = arith.index_cast %get3A_2376 : i32 to index
      %get3A_2378 = arith.constant 0 : index
      %get3A_2379 = tpu.vector_load %arg12[%get3A_2377, %get3A_2378] {strides = array<i32>} : memref<96x16xf32, #tpu.memory_space<vmem>>, vector<1x16xf32>,
      %get3A_2380 = vector.shape_cast %get3A_2379 : vector<1x16xf32> to vector<16xf32>
      %add3A_2381 = arith.addf %add3A_2357, %get3A_2380 : vector<16xf32>
      %get3A_2382 = arith.constant 75 : i32
      %get3A_2383 = arith.index_cast %get3A_2382 : i32 to index
      %get3A_2384 = arith.constant 0 : index
      %get3A_2385 = tpu.vector_load %arg12[%get3A_2383, %get3A_2384] {strides = array<i32>} : memref<96x16xf32, #tpu.memory_space<vmem>>, vector<1x16xf32>,
      %get3A_2386 = vector.shape_cast %get3A_2385 : vector<1x16xf32> to vector<16xf32>
      %add3A_2387 = arith.addf %add3A_2363, %get3A_2386 : vector<16xf32>
      %get3A_2388 = arith.constant 76 : i32
      %get3A_2389 = arith.index_cast %get3A_2388 : i32 to index
      %get3A_2390 = arith.constant 0 : index
      %get3A_2391 = tpu.vector_load %arg12[%get3A_2389, %get3A_2390] {strides = array<i32>} : memref<96x16xf32, #tpu.memory_space<vmem>>, vector<1x16xf32>,
      %get3A_2392 = vector.shape_cast %get3A_2391 : vector<1x16xf32> to vector<16xf32>
      %add3A_2393 = arith.addf %add3A_2369, %get3A_2392 : vector<16xf32>
      %get3A_2394 = arith.constant 77 : i32
      %get3A_2395 = arith.index_cast %get3A_2394 : i32 to index
      %get3A_2396 = arith.constant 0 : index
      %get3A_2397 = tpu.vector_load %arg12[%get3A_2395, %get3A_2396] {strides = array<i32>} : memref<96x16xf32, #tpu.memory_space<vmem>>, vector<1x16xf32>,
      %get3A_2398 = vector.shape_cast %get3A_2397 : vector<1x16xf32> to vector<16xf32>
      %add3A_2399 = arith.addf %add3A_2375, %get3A_2398 : vector<16xf32>
      %get3A_2400 = arith.constant 78 : i32
      %get3A_2401 = arith.index_cast %get3A_2400 : i32 to index
      %get3A_2402 = arith.constant 0 : index
      %get3A_2403 = tpu.vector_load %arg12[%get3A_2401, %get3A_2402] {strides = array<i32>} : memref<96x16xf32, #tpu.memory_space<vmem>>, vector<1x16xf32>,
      %get3A_2404 = vector.shape_cast %get3A_2403 : vector<1x16xf32> to vector<16xf32>
      %add3A_2405 = arith.addf %add3A_2381, %get3A_2404 : vector<16xf32>
      %get3A_2406 = arith.constant 79 : i32
      %get3A_2407 = arith.index_cast %get3A_2406 : i32 to index
      %get3A_2408 = arith.constant 0 : index
      %get3A_2409 = tpu.vector_load %arg12[%get3A_2407, %get3A_2408] {strides = array<i32>} : memref<96x16xf32, #tpu.memory_space<vmem>>, vector<1x16xf32>,
      %get3A_2410 = vector.shape_cast %get3A_2409 : vector<1x16xf32> to vector<16xf32>
      %add3A_2411 = arith.addf %add3A_2387, %get3A_2410 : vector<16xf32>
      %get3A_2412 = arith.constant 80 : i32
      %get3A_2413 = arith.index_cast %get3A_2412 : i32 to index
      %get3A_2414 = arith.constant 0 : index
      %get3A_2415 = tpu.vector_load %arg12[%get3A_2413, %get3A_2414] {strides = array<i32>} : memref<96x16xf32, #tpu.memory_space<vmem>>, vector<1x16xf32>,
      %get3A_2416 = vector.shape_cast %get3A_2415 : vector<1x16xf32> to vector<16xf32>
      %add3A_2417 = arith.addf %add3A_2393, %get3A_2416 : vector<16xf32>
      %get3A_2418 = arith.constant 81 : i32
      %get3A_2419 = arith.index_cast %get3A_2418 : i32 to index
      %get3A_2420 = arith.constant 0 : index
      %get3A_2421 = tpu.vector_load %arg12[%get3A_2419, %get3A_2420] {strides = array<i32>} : memref<96x16xf32, #tpu.memory_space<vmem>>, vector<1x16xf32>,
      %get3A_2422 = vector.shape_cast %get3A_2421 : vector<1x16xf32> to vector<16xf32>
      %add3A_2423 = arith.addf %add3A_2399, %get3A_2422 : vector<16xf32>
      %get3A_2424 = arith.constant 82 : i32
      %get3A_2425 = arith.index_cast %get3A_2424 : i32 to index
      %get3A_2426 = arith.constant 0 : index
      %get3A_2427 = tpu.vector_load %arg12[%get3A_2425, %get3A_2426] {strides = array<i32>} : memref<96x16xf32, #tpu.memory_space<vmem>>, vector<1x16xf32>,
      %get3A_2428 = vector.shape_cast %get3A_2427 : vector<1x16xf32> to vector<16xf32>
      %add3A_2429 = arith.addf %add3A_2405, %get3A_2428 : vector<16xf32>
      %get3A_2430 = arith.constant 83 : i32
      %get3A_2431 = arith.index_cast %get3A_2430 : i32 to index
      %get3A_2432 = arith.constant 0 : index
      %get3A_2433 = tpu.vector_load %arg12[%get3A_2431, %get3A_2432] {strides = array<i32>} : memref<96x16xf32, #tpu.memory_space<vmem>>, vector<1x16xf32>,
      %get3A_2434 = vector.shape_cast %get3A_2433 : vector<1x16xf32> to vector<16xf32>
      %add3A_2435 = arith.addf %add3A_2411, %get3A_2434 : vector<16xf32>
      %get3A_2436 = arith.constant 84 : i32
      %get3A_2437 = arith.index_cast %get3A_2436 : i32 to index
      %get3A_2438 = arith.constant 0 : index
      %get3A_2439 = tpu.vector_load %arg12[%get3A_2437, %get3A_2438] {strides = array<i32>} : memref<96x16xf32, #tpu.memory_space<vmem>>, vector<1x16xf32>,
      %get3A_2440 = vector.shape_cast %get3A_2439 : vector<1x16xf32> to vector<16xf32>
      %add3A_2441 = arith.addf %add3A_2417, %get3A_2440 : vector<16xf32>
      %get3A_2442 = arith.constant 85 : i32
      %get3A_2443 = arith.index_cast %get3A_2442 : i32 to index
      %get3A_2444 = arith.constant 0 : index
      %get3A_2445 = tpu.vector_load %arg12[%get3A_2443, %get3A_2444] {strides = array<i32>} : memref<96x16xf32, #tpu.memory_space<vmem>>, vector<1x16xf32>,
      %get3A_2446 = vector.shape_cast %get3A_2445 : vector<1x16xf32> to vector<16xf32>
      %add3A_2447 = arith.addf %add3A_2423, %get3A_2446 : vector<16xf32>
      %get3A_2448 = arith.constant 86 : i32
      %get3A_2449 = arith.index_cast %get3A_2448 : i32 to index
      %get3A_2450 = arith.constant 0 : index
      %get3A_2451 = tpu.vector_load %arg12[%get3A_2449, %get3A_2450] {strides = array<i32>} : memref<96x16xf32, #tpu.memory_space<vmem>>, vector<1x16xf32>,
      %get3A_2452 = vector.shape_cast %get3A_2451 : vector<1x16xf32> to vector<16xf32>
      %add3A_2453 = arith.addf %add3A_2429, %get3A_2452 : vector<16xf32>
      %get3A_2454 = arith.constant 87 : i32
      %get3A_2455 = arith.index_cast %get3A_2454 : i32 to index
      %get3A_2456 = arith.constant 0 : index
      %get3A_2457 = tpu.vector_load %arg12[%get3A_2455, %get3A_2456] {strides = array<i32>} : memref<96x16xf32, #tpu.memory_space<vmem>>, vector<1x16xf32>,
      %get3A_2458 = vector.shape_cast %get3A_2457 : vector<1x16xf32> to vector<16xf32>
      %add3A_2459 = arith.addf %add3A_2435, %get3A_2458 : vector<16xf32>
      %get3A_2460 = arith.constant 88 : i32
      %get3A_2461 = arith.index_cast %get3A_2460 : i32 to index
      %get3A_2462 = arith.constant 0 : index
      %get3A_2463 = tpu.vector_load %arg12[%get3A_2461, %get3A_2462] {strides = array<i32>} : memref<96x16xf32, #tpu.memory_space<vmem>>, vector<1x16xf32>,
      %get3A_2464 = vector.shape_cast %get3A_2463 : vector<1x16xf32> to vector<16xf32>
      %add3A_2465 = arith.addf %add3A_2441, %get3A_2464 : vector<16xf32>
      %get3A_2466 = arith.constant 89 : i32
      %get3A_2467 = arith.index_cast %get3A_2466 : i32 to index
      %get3A_2468 = arith.constant 0 : index
      %get3A_2469 = tpu.vector_load %arg12[%get3A_2467, %get3A_2468] {strides = array<i32>} : memref<96x16xf32, #tpu.memory_space<vmem>>, vector<1x16xf32>,
      %get3A_2470 = vector.shape_cast %get3A_2469 : vector<1x16xf32> to vector<16xf32>
      %add3A_2471 = arith.addf %add3A_2447, %get3A_2470 : vector<16xf32>
      %get3A_2472 = arith.constant 90 : i32
      %get3A_2473 = arith.index_cast %get3A_2472 : i32 to index
      %get3A_2474 = arith.constant 0 : index
      %get3A_2475 = tpu.vector_load %arg12[%get3A_2473, %get3A_2474] {strides = array<i32>} : memref<96x16xf32, #tpu.memory_space<vmem>>, vector<1x16xf32>,
      %get3A_2476 = vector.shape_cast %get3A_2475 : vector<1x16xf32> to vector<16xf32>
      %add3A_2477 = arith.addf %add3A_2453, %get3A_2476 : vector<16xf32>
      %get3A_2478 = arith.constant 91 : i32
      %get3A_2479 = arith.index_cast %get3A_2478 : i32 to index
      %get3A_2480 = arith.constant 0 : index
      %get3A_2481 = tpu.vector_load %arg12[%get3A_2479, %get3A_2480] {strides = array<i32>} : memref<96x16xf32, #tpu.memory_space<vmem>>, vector<1x16xf32>,
      %get3A_2482 = vector.shape_cast %get3A_2481 : vector<1x16xf32> to vector<16xf32>
      %add3A_2483 = arith.addf %add3A_2459, %get3A_2482 : vector<16xf32>
      %get3A_2484 = arith.constant 92 : i32
      %get3A_2485 = arith.index_cast %get3A_2484 : i32 to index
      %get3A_2486 = arith.constant 0 : index
      %get3A_2487 = tpu.vector_load %arg12[%get3A_2485, %get3A_2486] {strides = array<i32>} : memref<96x16xf32, #tpu.memory_space<vmem>>, vector<1x16xf32>,
      %get3A_2488 = vector.shape_cast %get3A_2487 : vector<1x16xf32> to vector<16xf32>
      %add3A_2489 = arith.addf %add3A_2465, %get3A_2488 : vector<16xf32>
      %get3A_2490 = arith.constant 93 : i32
      %get3A_2491 = arith.index_cast %get3A_2490 : i32 to index
      %get3A_2492 = arith.constant 0 : index
      %get3A_2493 = tpu.vector_load %arg12[%get3A_2491, %get3A_2492] {strides = array<i32>} : memref<96x16xf32, #tpu.memory_space<vmem>>, vector<1x16xf32>,
      %get3A_2494 = vector.shape_cast %get3A_2493 : vector<1x16xf32> to vector<16xf32>
      %add3A_2495 = arith.addf %add3A_2471, %get3A_2494 : vector<16xf32>
      %get3A_2496 = arith.constant 94 : i32
      %get3A_2497 = arith.index_cast %get3A_2496 : i32 to index
      %get3A_2498 = arith.constant 0 : index
      %get3A_2499 = tpu.vector_load %arg12[%get3A_2497, %get3A_2498] {strides = array<i32>} : memref<96x16xf32, #tpu.memory_space<vmem>>, vector<1x16xf32>,
      %get3A_2500 = vector.shape_cast %get3A_2499 : vector<1x16xf32> to vector<16xf32>
      %add3A_2501 = arith.addf %add3A_2477, %get3A_2500 : vector<16xf32>
      %get3A_2502 = arith.constant 95 : i32
      %get3A_2503 = arith.index_cast %get3A_2502 : i32 to index
      %get3A_2504 = arith.constant 0 : index
      %get3A_2505 = tpu.vector_load %arg12[%get3A_2503, %get3A_2504] {strides = array<i32>} : memref<96x16xf32, #tpu.memory_space<vmem>>, vector<1x16xf32>,
      %get3A_2506 = vector.shape_cast %get3A_2505 : vector<1x16xf32> to vector<16xf32>
      %add3A_2507 = arith.addf %add3A_2483, %get3A_2506 : vector<16xf32>
      %add3A_2508 = arith.addf %add3A_2489, %add3A_2495 : vector<16xf32>
      %add3A_2509 = arith.addf %add3A_2501, %add3A_2507 : vector<16xf32>
      %add3A_2510 = arith.addf %add3A_2508, %add3A_2509 : vector<16xf32>
      %add3A_2511 = arith.constant 4 : i32
      %add3A_2512 = arith.addi %add3A_1297, %add3A_2511 : i32
      %lt3A_2513 = arith.constant 128 : i32
      %lt3A_2514 = arith.cmpi slt, %add3A_2512, %lt3A_2513 : i32
      %convert_element_type3A_2515 = arith.extui %lt3A_2514 : i1 to i32
      %cond3A_2516 = arith.constant 0 : i32
      %cond3A_2517 = arith.cmpi ne, %convert_element_type3A_2515, %cond3A_2516 : i32
      scf.if %cond3A_2517 {
        %add3A_4990 = arith.constant 4 : i32
        %add3A_4991 = arith.addi %add3A_1297, %add3A_4990 : i32
        %mul3A_4992 = arith.constant 200 : i32
        %mul3A_4993 = arith.muli %add3A_4991, %mul3A_4992 : i32
        %multiple_of3A_4994 = tpu.assume_multiple %mul3A_4993, 8 : i32
        %dma_start3A_4995 = tpu.memref_slice %arg6[%multiple_of3A_4994] : memref<25600xi32, #tpu.memory_space<vmem>> -> memref<104xi32, #tpu.memory_space<vmem>>
        %dma_start3A_4996 = arith.constant 0 : i32
        %dma_start3A_4997 = arith.constant 0 : i32
        %dma_start3A_4998 = tpu.memref_slice %arg3[%dma_start3A_4996, %dma_start3A_4997] : memref<1048576x16xf32, #tpu.memory_space<hbm>> -> memref<1048576x16xf32, #tpu.memory_space<hbm>>
        tpu.enqueue_indirect_dma source(%dma_start3A_4998 : memref<1048576x16xf32, #tpu.memory_space<hbm>>) target(%arg8 : memref<104x16xf32, #tpu.memory_space<vmem>>) offsets(%dma_start3A_4995 : memref<104xi32, #tpu.memory_space<vmem>>) semaphore(%arg18 : memref<!tpu.dma_semaphore, #tpu.memory_space<semaphore_mem>>)
        %mul3A_4999 = arith.constant 200 : i32
        %mul3A_5000 = arith.muli %add3A_4991, %mul3A_4999 : i32
        %add3A_5001 = arith.constant 104 : i32
        %add3A_5002 = arith.addi %mul3A_5000, %add3A_5001 : i32
        %multiple_of3A_5003 = tpu.assume_multiple %add3A_5002, 8 : i32
        %dma_start3A_5004 = tpu.memref_slice %arg6[%multiple_of3A_5003] : memref<25600xi32, #tpu.memory_space<vmem>> -> memref<96xi32, #tpu.memory_space<vmem>>
        %dma_start3A_5005 = arith.constant 0 : i32
        %dma_start3A_5006 = arith.constant 0 : i32
        %dma_start3A_5007 = tpu.memref_slice %arg3[%dma_start3A_5005, %dma_start3A_5006] : memref<1048576x16xf32, #tpu.memory_space<hbm>> -> memref<1048576x16xf32, #tpu.memory_space<hbm>>
        tpu.enqueue_indirect_dma source(%dma_start3A_5007 : memref<1048576x16xf32, #tpu.memory_space<hbm>>) target(%arg12 : memref<96x16xf32, #tpu.memory_space<vmem>>) offsets(%dma_start3A_5004 : memref<96xi32, #tpu.memory_space<vmem>>) semaphore(%arg22 : memref<!tpu.dma_semaphore, #tpu.memory_space<semaphore_mem>>)
      } else {
      }
      %mul3A_2518 = vector.broadcast %scan3A_60 : f32 to vector<16xf32>
      %mul3A_2519 = arith.mulf %add3A_2510, %mul3A_2518 : vector<16xf32>
      %add3A_2520 = arith.addf %get3A_57, %mul3A_2519 : vector<16xf32>
      %swap3A_2521 = arith.index_cast %add3A_1297 : i32 to index
      %swap3A_2522 = arith.constant 0 : index
      %swap3A_2523 = tpu.vector_load %arg16[%swap3A_2521, %swap3A_2522] {strides = array<i32>} : memref<128x16xf32, #tpu.memory_space<vmem>>, vector<1x16xf32>,
      %swap3A_2524 = vector.shape_cast %swap3A_2523 : vector<1x16xf32> to vector<16xf32>
      %swap3A_2525 = vector.shape_cast %add3A_2520 : vector<16xf32> to vector<1x16xf32>
      tpu.vector_store %arg16[%swap3A_2521, %swap3A_2522], %swap3A_2525 {strides = array<i32>} : memref<128x16xf32, #tpu.memory_space<vmem>>, vector<1x16xf32>,
      %mul3A_2526 = arith.constant 4 : i32
      %mul3A_2527 = arith.muli %scan3A_66, %mul3A_2526 : i32
      %add3A_2528 = arith.constant 2 : i32
      %add3A_2529 = arith.addi %mul3A_2527, %add3A_2528 : i32
      %dma_wait3A_2530 = arith.constant 0 : i32
      %dma_wait3A_2531 = tpu.memref_slice %arg6[%dma_wait3A_2530] : memref<25600xi32, #tpu.memory_space<vmem>> -> memref<104xi32, #tpu.memory_space<vmem>>
      %dma_wait3A_2532 = arith.constant 0 : i32
      %dma_wait3A_2533 = arith.constant 0 : i32
      %dma_wait3A_2534 = tpu.memref_slice %arg3[%dma_wait3A_2532, %dma_wait3A_2533] : memref<1048576x16xf32, #tpu.memory_space<hbm>> -> memref<1048576x16xf32, #tpu.memory_space<hbm>>
      tpu.wait_indirect_dma semaphore(%arg19 : memref<!tpu.dma_semaphore, #tpu.memory_space<semaphore_mem>>) src(%dma_wait3A_2534 : memref<1048576x16xf32, #tpu.memory_space<hbm>>) dst(%arg9 : memref<104x16xf32, #tpu.memory_space<vmem>>)
      %dma_wait3A_2535 = arith.constant 0 : i32
      %dma_wait3A_2536 = tpu.memref_slice %arg6[%dma_wait3A_2535] : memref<25600xi32, #tpu.memory_space<vmem>> -> memref<96xi32, #tpu.memory_space<vmem>>
      %dma_wait3A_2537 = arith.constant 0 : i32
      %dma_wait3A_2538 = arith.constant 0 : i32
      %dma_wait3A_2539 = tpu.memref_slice %arg3[%dma_wait3A_2537, %dma_wait3A_2538] : memref<1048576x16xf32, #tpu.memory_space<hbm>> -> memref<1048576x16xf32, #tpu.memory_space<hbm>>
      tpu.wait_indirect_dma semaphore(%arg23 : memref<!tpu.dma_semaphore, #tpu.memory_space<semaphore_mem>>) src(%dma_wait3A_2539 : memref<1048576x16xf32, #tpu.memory_space<hbm>>) dst(%arg13 : memref<96x16xf32, #tpu.memory_space<vmem>>)
      %get3A_2540 = arith.constant 0 : i32
      %get3A_2541 = arith.index_cast %get3A_2540 : i32 to index
      %get3A_2542 = arith.constant 0 : index
      %get3A_2543 = tpu.vector_load %arg9[%get3A_2541, %get3A_2542] {strides = array<i32>} : memref<104x16xf32, #tpu.memory_space<vmem>>, vector<1x16xf32>,
      %get3A_2544 = vector.shape_cast %get3A_2543 : vector<1x16xf32> to vector<16xf32>
      %add3A_2545 = arith.addf %broadcast_in_dim3A_58, %get3A_2544 : vector<16xf32>
      %get3A_2546 = arith.constant 1 : i32
      %get3A_2547 = arith.index_cast %get3A_2546 : i32 to index
      %get3A_2548 = arith.constant 0 : index
      %get3A_2549 = tpu.vector_load %arg9[%get3A_2547, %get3A_2548] {strides = array<i32>} : memref<104x16xf32, #tpu.memory_space<vmem>>, vector<1x16xf32>,
      %get3A_2550 = vector.shape_cast %get3A_2549 : vector<1x16xf32> to vector<16xf32>
      %add3A_2551 = arith.addf %broadcast_in_dim3A_58, %get3A_2550 : vector<16xf32>
      %get3A_2552 = arith.constant 2 : i32
      %get3A_2553 = arith.index_cast %get3A_2552 : i32 to index
      %get3A_2554 = arith.constant 0 : index
      %get3A_2555 = tpu.vector_load %arg9[%get3A_2553, %get3A_2554] {strides = array<i32>} : memref<104x16xf32, #tpu.memory_space<vmem>>, vector<1x16xf32>,
      %get3A_2556 = vector.shape_cast %get3A_2555 : vector<1x16xf32> to vector<16xf32>
      %add3A_2557 = arith.addf %broadcast_in_dim3A_58, %get3A_2556 : vector<16xf32>
      %get3A_2558 = arith.constant 3 : i32
      %get3A_2559 = arith.index_cast %get3A_2558 : i32 to index
      %get3A_2560 = arith.constant 0 : index
      %get3A_2561 = tpu.vector_load %arg9[%get3A_2559, %get3A_2560] {strides = array<i32>} : memref<104x16xf32, #tpu.memory_space<vmem>>, vector<1x16xf32>,
      %get3A_2562 = vector.shape_cast %get3A_2561 : vector<1x16xf32> to vector<16xf32>
      %add3A_2563 = arith.addf %broadcast_in_dim3A_58, %get3A_2562 : vector<16xf32>
      %get3A_2564 = arith.constant 4 : i32
      %get3A_2565 = arith.index_cast %get3A_2564 : i32 to index
      %get3A_2566 = arith.constant 0 : index
      %get3A_2567 = tpu.vector_load %arg9[%get3A_2565, %get3A_2566] {strides = array<i32>} : memref<104x16xf32, #tpu.memory_space<vmem>>, vector<1x16xf32>,
      %get3A_2568 = vector.shape_cast %get3A_2567 : vector<1x16xf32> to vector<16xf32>
      %add3A_2569 = arith.addf %add3A_2545, %get3A_2568 : vector<16xf32>
      %get3A_2570 = arith.constant 5 : i32
      %get3A_2571 = arith.index_cast %get3A_2570 : i32 to index
      %get3A_2572 = arith.constant 0 : index
      %get3A_2573 = tpu.vector_load %arg9[%get3A_2571, %get3A_2572] {strides = array<i32>} : memref<104x16xf32, #tpu.memory_space<vmem>>, vector<1x16xf32>,
      %get3A_2574 = vector.shape_cast %get3A_2573 : vector<1x16xf32> to vector<16xf32>
      %add3A_2575 = arith.addf %add3A_2551, %get3A_2574 : vector<16xf32>
      %get3A_2576 = arith.constant 6 : i32
      %get3A_2577 = arith.index_cast %get3A_2576 : i32 to index
      %get3A_2578 = arith.constant 0 : index
      %get3A_2579 = tpu.vector_load %arg9[%get3A_2577, %get3A_2578] {strides = array<i32>} : memref<104x16xf32, #tpu.memory_space<vmem>>, vector<1x16xf32>,
      %get3A_2580 = vector.shape_cast %get3A_2579 : vector<1x16xf32> to vector<16xf32>
      %add3A_2581 = arith.addf %add3A_2557, %get3A_2580 : vector<16xf32>
      %get3A_2582 = arith.constant 7 : i32
      %get3A_2583 = arith.index_cast %get3A_2582 : i32 to index
      %get3A_2584 = arith.constant 0 : index
      %get3A_2585 = tpu.vector_load %arg9[%get3A_2583, %get3A_2584] {strides = array<i32>} : memref<104x16xf32, #tpu.memory_space<vmem>>, vector<1x16xf32>,
      %get3A_2586 = vector.shape_cast %get3A_2585 : vector<1x16xf32> to vector<16xf32>
      %add3A_2587 = arith.addf %add3A_2563, %get3A_2586 : vector<16xf32>
      %get3A_2588 = arith.constant 8 : i32
      %get3A_2589 = arith.index_cast %get3A_2588 : i32 to index
      %get3A_2590 = arith.constant 0 : index
      %get3A_2591 = tpu.vector_load %arg9[%get3A_2589, %get3A_2590] {strides = array<i32>} : memref<104x16xf32, #tpu.memory_space<vmem>>, vector<1x16xf32>,
      %get3A_2592 = vector.shape_cast %get3A_2591 : vector<1x16xf32> to vector<16xf32>
      %add3A_2593 = arith.addf %add3A_2569, %get3A_2592 : vector<16xf32>
      %get3A_2594 = arith.constant 9 : i32
      %get3A_2595 = arith.index_cast %get3A_2594 : i32 to index
      %get3A_2596 = arith.constant 0 : index
      %get3A_2597 = tpu.vector_load %arg9[%get3A_2595, %get3A_2596] {strides = array<i32>} : memref<104x16xf32, #tpu.memory_space<vmem>>, vector<1x16xf32>,
      %get3A_2598 = vector.shape_cast %get3A_2597 : vector<1x16xf32> to vector<16xf32>
      %add3A_2599 = arith.addf %add3A_2575, %get3A_2598 : vector<16xf32>
      %get3A_2600 = arith.constant 10 : i32
      %get3A_2601 = arith.index_cast %get3A_2600 : i32 to index
      %get3A_2602 = arith.constant 0 : index
      %get3A_2603 = tpu.vector_load %arg9[%get3A_2601, %get3A_2602] {strides = array<i32>} : memref<104x16xf32, #tpu.memory_space<vmem>>, vector<1x16xf32>,
      %get3A_2604 = vector.shape_cast %get3A_2603 : vector<1x16xf32> to vector<16xf32>
      %add3A_2605 = arith.addf %add3A_2581, %get3A_2604 : vector<16xf32>
      %get3A_2606 = arith.constant 11 : i32
      %get3A_2607 = arith.index_cast %get3A_2606 : i32 to index
      %get3A_2608 = arith.constant 0 : index
      %get3A_2609 = tpu.vector_load %arg9[%get3A_2607, %get3A_2608] {strides = array<i32>} : memref<104x16xf32, #tpu.memory_space<vmem>>, vector<1x16xf32>,
      %get3A_2610 = vector.shape_cast %get3A_2609 : vector<1x16xf32> to vector<16xf32>
      %add3A_2611 = arith.addf %add3A_2587, %get3A_2610 : vector<16xf32>
      %get3A_2612 = arith.constant 12 : i32
      %get3A_2613 = arith.index_cast %get3A_2612 : i32 to index
      %get3A_2614 = arith.constant 0 : index
      %get3A_2615 = tpu.vector_load %arg9[%get3A_2613, %get3A_2614] {strides = array<i32>} : memref<104x16xf32, #tpu.memory_space<vmem>>, vector<1x16xf32>,
      %get3A_2616 = vector.shape_cast %get3A_2615 : vector<1x16xf32> to vector<16xf32>
      %add3A_2617 = arith.addf %add3A_2593, %get3A_2616 : vector<16xf32>
      %get3A_2618 = arith.constant 13 : i32
      %get3A_2619 = arith.index_cast %get3A_2618 : i32 to index
      %get3A_2620 = arith.constant 0 : index
      %get3A_2621 = tpu.vector_load %arg9[%get3A_2619, %get3A_2620] {strides = array<i32>} : memref<104x16xf32, #tpu.memory_space<vmem>>, vector<1x16xf32>,
      %get3A_2622 = vector.shape_cast %get3A_2621 : vector<1x16xf32> to vector<16xf32>
      %add3A_2623 = arith.addf %add3A_2599, %get3A_2622 : vector<16xf32>
      %get3A_2624 = arith.constant 14 : i32
      %get3A_2625 = arith.index_cast %get3A_2624 : i32 to index
      %get3A_2626 = arith.constant 0 : index
      %get3A_2627 = tpu.vector_load %arg9[%get3A_2625, %get3A_2626] {strides = array<i32>} : memref<104x16xf32, #tpu.memory_space<vmem>>, vector<1x16xf32>,
      %get3A_2628 = vector.shape_cast %get3A_2627 : vector<1x16xf32> to vector<16xf32>
      %add3A_2629 = arith.addf %add3A_2605, %get3A_2628 : vector<16xf32>
      %get3A_2630 = arith.constant 15 : i32
      %get3A_2631 = arith.index_cast %get3A_2630 : i32 to index
      %get3A_2632 = arith.constant 0 : index
      %get3A_2633 = tpu.vector_load %arg9[%get3A_2631, %get3A_2632] {strides = array<i32>} : memref<104x16xf32, #tpu.memory_space<vmem>>, vector<1x16xf32>,
      %get3A_2634 = vector.shape_cast %get3A_2633 : vector<1x16xf32> to vector<16xf32>
      %add3A_2635 = arith.addf %add3A_2611, %get3A_2634 : vector<16xf32>
      %get3A_2636 = arith.constant 16 : i32
      %get3A_2637 = arith.index_cast %get3A_2636 : i32 to index
      %get3A_2638 = arith.constant 0 : index
      %get3A_2639 = tpu.vector_load %arg9[%get3A_2637, %get3A_2638] {strides = array<i32>} : memref<104x16xf32, #tpu.memory_space<vmem>>, vector<1x16xf32>,
      %get3A_2640 = vector.shape_cast %get3A_2639 : vector<1x16xf32> to vector<16xf32>
      %add3A_2641 = arith.addf %add3A_2617, %get3A_2640 : vector<16xf32>
      %get3A_2642 = arith.constant 17 : i32
      %get3A_2643 = arith.index_cast %get3A_2642 : i32 to index
      %get3A_2644 = arith.constant 0 : index
      %get3A_2645 = tpu.vector_load %arg9[%get3A_2643, %get3A_2644] {strides = array<i32>} : memref<104x16xf32, #tpu.memory_space<vmem>>, vector<1x16xf32>,
      %get3A_2646 = vector.shape_cast %get3A_2645 : vector<1x16xf32> to vector<16xf32>
      %add3A_2647 = arith.addf %add3A_2623, %get3A_2646 : vector<16xf32>
      %get3A_2648 = arith.constant 18 : i32
      %get3A_2649 = arith.index_cast %get3A_2648 : i32 to index
      %get3A_2650 = arith.constant 0 : index
      %get3A_2651 = tpu.vector_load %arg9[%get3A_2649, %get3A_2650] {strides = array<i32>} : memref<104x16xf32, #tpu.memory_space<vmem>>, vector<1x16xf32>,
      %get3A_2652 = vector.shape_cast %get3A_2651 : vector<1x16xf32> to vector<16xf32>
      %add3A_2653 = arith.addf %add3A_2629, %get3A_2652 : vector<16xf32>
      %get3A_2654 = arith.constant 19 : i32
      %get3A_2655 = arith.index_cast %get3A_2654 : i32 to index
      %get3A_2656 = arith.constant 0 : index
      %get3A_2657 = tpu.vector_load %arg9[%get3A_2655, %get3A_2656] {strides = array<i32>} : memref<104x16xf32, #tpu.memory_space<vmem>>, vector<1x16xf32>,
      %get3A_2658 = vector.shape_cast %get3A_2657 : vector<1x16xf32> to vector<16xf32>
      %add3A_2659 = arith.addf %add3A_2635, %get3A_2658 : vector<16xf32>
      %get3A_2660 = arith.constant 20 : i32
      %get3A_2661 = arith.index_cast %get3A_2660 : i32 to index
      %get3A_2662 = arith.constant 0 : index
      %get3A_2663 = tpu.vector_load %arg9[%get3A_2661, %get3A_2662] {strides = array<i32>} : memref<104x16xf32, #tpu.memory_space<vmem>>, vector<1x16xf32>,
      %get3A_2664 = vector.shape_cast %get3A_2663 : vector<1x16xf32> to vector<16xf32>
      %add3A_2665 = arith.addf %add3A_2641, %get3A_2664 : vector<16xf32>
      %get3A_2666 = arith.constant 21 : i32
      %get3A_2667 = arith.index_cast %get3A_2666 : i32 to index
      %get3A_2668 = arith.constant 0 : index
      %get3A_2669 = tpu.vector_load %arg9[%get3A_2667, %get3A_2668] {strides = array<i32>} : memref<104x16xf32, #tpu.memory_space<vmem>>, vector<1x16xf32>,
      %get3A_2670 = vector.shape_cast %get3A_2669 : vector<1x16xf32> to vector<16xf32>
      %add3A_2671 = arith.addf %add3A_2647, %get3A_2670 : vector<16xf32>
      %get3A_2672 = arith.constant 22 : i32
      %get3A_2673 = arith.index_cast %get3A_2672 : i32 to index
      %get3A_2674 = arith.constant 0 : index
      %get3A_2675 = tpu.vector_load %arg9[%get3A_2673, %get3A_2674] {strides = array<i32>} : memref<104x16xf32, #tpu.memory_space<vmem>>, vector<1x16xf32>,
      %get3A_2676 = vector.shape_cast %get3A_2675 : vector<1x16xf32> to vector<16xf32>
      %add3A_2677 = arith.addf %add3A_2653, %get3A_2676 : vector<16xf32>
      %get3A_2678 = arith.constant 23 : i32
      %get3A_2679 = arith.index_cast %get3A_2678 : i32 to index
      %get3A_2680 = arith.constant 0 : index
      %get3A_2681 = tpu.vector_load %arg9[%get3A_2679, %get3A_2680] {strides = array<i32>} : memref<104x16xf32, #tpu.memory_space<vmem>>, vector<1x16xf32>,
      %get3A_2682 = vector.shape_cast %get3A_2681 : vector<1x16xf32> to vector<16xf32>
      %add3A_2683 = arith.addf %add3A_2659, %get3A_2682 : vector<16xf32>
      %get3A_2684 = arith.constant 24 : i32
      %get3A_2685 = arith.index_cast %get3A_2684 : i32 to index
      %get3A_2686 = arith.constant 0 : index
      %get3A_2687 = tpu.vector_load %arg9[%get3A_2685, %get3A_2686] {strides = array<i32>} : memref<104x16xf32, #tpu.memory_space<vmem>>, vector<1x16xf32>,
      %get3A_2688 = vector.shape_cast %get3A_2687 : vector<1x16xf32> to vector<16xf32>
      %add3A_2689 = arith.addf %add3A_2665, %get3A_2688 : vector<16xf32>
      %get3A_2690 = arith.constant 25 : i32
      %get3A_2691 = arith.index_cast %get3A_2690 : i32 to index
      %get3A_2692 = arith.constant 0 : index
      %get3A_2693 = tpu.vector_load %arg9[%get3A_2691, %get3A_2692] {strides = array<i32>} : memref<104x16xf32, #tpu.memory_space<vmem>>, vector<1x16xf32>,
      %get3A_2694 = vector.shape_cast %get3A_2693 : vector<1x16xf32> to vector<16xf32>
      %add3A_2695 = arith.addf %add3A_2671, %get3A_2694 : vector<16xf32>
      %get3A_2696 = arith.constant 26 : i32
      %get3A_2697 = arith.index_cast %get3A_2696 : i32 to index
      %get3A_2698 = arith.constant 0 : index
      %get3A_2699 = tpu.vector_load %arg9[%get3A_2697, %get3A_2698] {strides = array<i32>} : memref<104x16xf32, #tpu.memory_space<vmem>>, vector<1x16xf32>,
      %get3A_2700 = vector.shape_cast %get3A_2699 : vector<1x16xf32> to vector<16xf32>
      %add3A_2701 = arith.addf %add3A_2677, %get3A_2700 : vector<16xf32>
      %get3A_2702 = arith.constant 27 : i32
      %get3A_2703 = arith.index_cast %get3A_2702 : i32 to index
      %get3A_2704 = arith.constant 0 : index
      %get3A_2705 = tpu.vector_load %arg9[%get3A_2703, %get3A_2704] {strides = array<i32>} : memref<104x16xf32, #tpu.memory_space<vmem>>, vector<1x16xf32>,
      %get3A_2706 = vector.shape_cast %get3A_2705 : vector<1x16xf32> to vector<16xf32>
      %add3A_2707 = arith.addf %add3A_2683, %get3A_2706 : vector<16xf32>
      %get3A_2708 = arith.constant 28 : i32
      %get3A_2709 = arith.index_cast %get3A_2708 : i32 to index
      %get3A_2710 = arith.constant 0 : index
      %get3A_2711 = tpu.vector_load %arg9[%get3A_2709, %get3A_2710] {strides = array<i32>} : memref<104x16xf32, #tpu.memory_space<vmem>>, vector<1x16xf32>,
      %get3A_2712 = vector.shape_cast %get3A_2711 : vector<1x16xf32> to vector<16xf32>
      %add3A_2713 = arith.addf %add3A_2689, %get3A_2712 : vector<16xf32>
      %get3A_2714 = arith.constant 29 : i32
      %get3A_2715 = arith.index_cast %get3A_2714 : i32 to index
      %get3A_2716 = arith.constant 0 : index
      %get3A_2717 = tpu.vector_load %arg9[%get3A_2715, %get3A_2716] {strides = array<i32>} : memref<104x16xf32, #tpu.memory_space<vmem>>, vector<1x16xf32>,
      %get3A_2718 = vector.shape_cast %get3A_2717 : vector<1x16xf32> to vector<16xf32>
      %add3A_2719 = arith.addf %add3A_2695, %get3A_2718 : vector<16xf32>
      %get3A_2720 = arith.constant 30 : i32
      %get3A_2721 = arith.index_cast %get3A_2720 : i32 to index
      %get3A_2722 = arith.constant 0 : index
      %get3A_2723 = tpu.vector_load %arg9[%get3A_2721, %get3A_2722] {strides = array<i32>} : memref<104x16xf32, #tpu.memory_space<vmem>>, vector<1x16xf32>,
      %get3A_2724 = vector.shape_cast %get3A_2723 : vector<1x16xf32> to vector<16xf32>
      %add3A_2725 = arith.addf %add3A_2701, %get3A_2724 : vector<16xf32>
      %get3A_2726 = arith.constant 31 : i32
      %get3A_2727 = arith.index_cast %get3A_2726 : i32 to index
      %get3A_2728 = arith.constant 0 : index
      %get3A_2729 = tpu.vector_load %arg9[%get3A_2727, %get3A_2728] {strides = array<i32>} : memref<104x16xf32, #tpu.memory_space<vmem>>, vector<1x16xf32>,
      %get3A_2730 = vector.shape_cast %get3A_2729 : vector<1x16xf32> to vector<16xf32>
      %add3A_2731 = arith.addf %add3A_2707, %get3A_2730 : vector<16xf32>
      %get3A_2732 = arith.constant 32 : i32
      %get3A_2733 = arith.index_cast %get3A_2732 : i32 to index
      %get3A_2734 = arith.constant 0 : index
      %get3A_2735 = tpu.vector_load %arg9[%get3A_2733, %get3A_2734] {strides = array<i32>} : memref<104x16xf32, #tpu.memory_space<vmem>>, vector<1x16xf32>,
      %get3A_2736 = vector.shape_cast %get3A_2735 : vector<1x16xf32> to vector<16xf32>
      %add3A_2737 = arith.addf %add3A_2713, %get3A_2736 : vector<16xf32>
      %get3A_2738 = arith.constant 33 : i32
      %get3A_2739 = arith.index_cast %get3A_2738 : i32 to index
      %get3A_2740 = arith.constant 0 : index
      %get3A_2741 = tpu.vector_load %arg9[%get3A_2739, %get3A_2740] {strides = array<i32>} : memref<104x16xf32, #tpu.memory_space<vmem>>, vector<1x16xf32>,
      %get3A_2742 = vector.shape_cast %get3A_2741 : vector<1x16xf32> to vector<16xf32>
      %add3A_2743 = arith.addf %add3A_2719, %get3A_2742 : vector<16xf32>
      %get3A_2744 = arith.constant 34 : i32
      %get3A_2745 = arith.index_cast %get3A_2744 : i32 to index
      %get3A_2746 = arith.constant 0 : index
      %get3A_2747 = tpu.vector_load %arg9[%get3A_2745, %get3A_2746] {strides = array<i32>} : memref<104x16xf32, #tpu.memory_space<vmem>>, vector<1x16xf32>,
      %get3A_2748 = vector.shape_cast %get3A_2747 : vector<1x16xf32> to vector<16xf32>
      %add3A_2749 = arith.addf %add3A_2725, %get3A_2748 : vector<16xf32>
      %get3A_2750 = arith.constant 35 : i32
      %get3A_2751 = arith.index_cast %get3A_2750 : i32 to index
      %get3A_2752 = arith.constant 0 : index
      %get3A_2753 = tpu.vector_load %arg9[%get3A_2751, %get3A_2752] {strides = array<i32>} : memref<104x16xf32, #tpu.memory_space<vmem>>, vector<1x16xf32>,
      %get3A_2754 = vector.shape_cast %get3A_2753 : vector<1x16xf32> to vector<16xf32>
      %add3A_2755 = arith.addf %add3A_2731, %get3A_2754 : vector<16xf32>
      %get3A_2756 = arith.constant 36 : i32
      %get3A_2757 = arith.index_cast %get3A_2756 : i32 to index
      %get3A_2758 = arith.constant 0 : index
      %get3A_2759 = tpu.vector_load %arg9[%get3A_2757, %get3A_2758] {strides = array<i32>} : memref<104x16xf32, #tpu.memory_space<vmem>>, vector<1x16xf32>,
      %get3A_2760 = vector.shape_cast %get3A_2759 : vector<1x16xf32> to vector<16xf32>
      %add3A_2761 = arith.addf %add3A_2737, %get3A_2760 : vector<16xf32>
      %get3A_2762 = arith.constant 37 : i32
      %get3A_2763 = arith.index_cast %get3A_2762 : i32 to index
      %get3A_2764 = arith.constant 0 : index
      %get3A_2765 = tpu.vector_load %arg9[%get3A_2763, %get3A_2764] {strides = array<i32>} : memref<104x16xf32, #tpu.memory_space<vmem>>, vector<1x16xf32>,
      %get3A_2766 = vector.shape_cast %get3A_2765 : vector<1x16xf32> to vector<16xf32>
      %add3A_2767 = arith.addf %add3A_2743, %get3A_2766 : vector<16xf32>
      %get3A_2768 = arith.constant 38 : i32
      %get3A_2769 = arith.index_cast %get3A_2768 : i32 to index
      %get3A_2770 = arith.constant 0 : index
      %get3A_2771 = tpu.vector_load %arg9[%get3A_2769, %get3A_2770] {strides = array<i32>} : memref<104x16xf32, #tpu.memory_space<vmem>>, vector<1x16xf32>,
      %get3A_2772 = vector.shape_cast %get3A_2771 : vector<1x16xf32> to vector<16xf32>
      %add3A_2773 = arith.addf %add3A_2749, %get3A_2772 : vector<16xf32>
      %get3A_2774 = arith.constant 39 : i32
      %get3A_2775 = arith.index_cast %get3A_2774 : i32 to index
      %get3A_2776 = arith.constant 0 : index
      %get3A_2777 = tpu.vector_load %arg9[%get3A_2775, %get3A_2776] {strides = array<i32>} : memref<104x16xf32, #tpu.memory_space<vmem>>, vector<1x16xf32>,
      %get3A_2778 = vector.shape_cast %get3A_2777 : vector<1x16xf32> to vector<16xf32>
      %add3A_2779 = arith.addf %add3A_2755, %get3A_2778 : vector<16xf32>
      %get3A_2780 = arith.constant 40 : i32
      %get3A_2781 = arith.index_cast %get3A_2780 : i32 to index
      %get3A_2782 = arith.constant 0 : index
      %get3A_2783 = tpu.vector_load %arg9[%get3A_2781, %get3A_2782] {strides = array<i32>} : memref<104x16xf32, #tpu.memory_space<vmem>>, vector<1x16xf32>,
      %get3A_2784 = vector.shape_cast %get3A_2783 : vector<1x16xf32> to vector<16xf32>
      %add3A_2785 = arith.addf %add3A_2761, %get3A_2784 : vector<16xf32>
      %get3A_2786 = arith.constant 41 : i32
      %get3A_2787 = arith.index_cast %get3A_2786 : i32 to index
      %get3A_2788 = arith.constant 0 : index
      %get3A_2789 = tpu.vector_load %arg9[%get3A_2787, %get3A_2788] {strides = array<i32>} : memref<104x16xf32, #tpu.memory_space<vmem>>, vector<1x16xf32>,
      %get3A_2790 = vector.shape_cast %get3A_2789 : vector<1x16xf32> to vector<16xf32>
      %add3A_2791 = arith.addf %add3A_2767, %get3A_2790 : vector<16xf32>
      %get3A_2792 = arith.constant 42 : i32
      %get3A_2793 = arith.index_cast %get3A_2792 : i32 to index
      %get3A_2794 = arith.constant 0 : index
      %get3A_2795 = tpu.vector_load %arg9[%get3A_2793, %get3A_2794] {strides = array<i32>} : memref<104x16xf32, #tpu.memory_space<vmem>>, vector<1x16xf32>,
      %get3A_2796 = vector.shape_cast %get3A_2795 : vector<1x16xf32> to vector<16xf32>
      %add3A_2797 = arith.addf %add3A_2773, %get3A_2796 : vector<16xf32>
      %get3A_2798 = arith.constant 43 : i32
      %get3A_2799 = arith.index_cast %get3A_2798 : i32 to index
      %get3A_2800 = arith.constant 0 : index
      %get3A_2801 = tpu.vector_load %arg9[%get3A_2799, %get3A_2800] {strides = array<i32>} : memref<104x16xf32, #tpu.memory_space<vmem>>, vector<1x16xf32>,
      %get3A_2802 = vector.shape_cast %get3A_2801 : vector<1x16xf32> to vector<16xf32>
      %add3A_2803 = arith.addf %add3A_2779, %get3A_2802 : vector<16xf32>
      %get3A_2804 = arith.constant 44 : i32
      %get3A_2805 = arith.index_cast %get3A_2804 : i32 to index
      %get3A_2806 = arith.constant 0 : index
      %get3A_2807 = tpu.vector_load %arg9[%get3A_2805, %get3A_2806] {strides = array<i32>} : memref<104x16xf32, #tpu.memory_space<vmem>>, vector<1x16xf32>,
      %get3A_2808 = vector.shape_cast %get3A_2807 : vector<1x16xf32> to vector<16xf32>
      %add3A_2809 = arith.addf %add3A_2785, %get3A_2808 : vector<16xf32>
      %get3A_2810 = arith.constant 45 : i32
      %get3A_2811 = arith.index_cast %get3A_2810 : i32 to index
      %get3A_2812 = arith.constant 0 : index
      %get3A_2813 = tpu.vector_load %arg9[%get3A_2811, %get3A_2812] {strides = array<i32>} : memref<104x16xf32, #tpu.memory_space<vmem>>, vector<1x16xf32>,
      %get3A_2814 = vector.shape_cast %get3A_2813 : vector<1x16xf32> to vector<16xf32>
      %add3A_2815 = arith.addf %add3A_2791, %get3A_2814 : vector<16xf32>
      %get3A_2816 = arith.constant 46 : i32
      %get3A_2817 = arith.index_cast %get3A_2816 : i32 to index
      %get3A_2818 = arith.constant 0 : index
      %get3A_2819 = tpu.vector_load %arg9[%get3A_2817, %get3A_2818] {strides = array<i32>} : memref<104x16xf32, #tpu.memory_space<vmem>>, vector<1x16xf32>,
      %get3A_2820 = vector.shape_cast %get3A_2819 : vector<1x16xf32> to vector<16xf32>
      %add3A_2821 = arith.addf %add3A_2797, %get3A_2820 : vector<16xf32>
      %get3A_2822 = arith.constant 47 : i32
      %get3A_2823 = arith.index_cast %get3A_2822 : i32 to index
      %get3A_2824 = arith.constant 0 : index
      %get3A_2825 = tpu.vector_load %arg9[%get3A_2823, %get3A_2824] {strides = array<i32>} : memref<104x16xf32, #tpu.memory_space<vmem>>, vector<1x16xf32>,
      %get3A_2826 = vector.shape_cast %get3A_2825 : vector<1x16xf32> to vector<16xf32>
      %add3A_2827 = arith.addf %add3A_2803, %get3A_2826 : vector<16xf32>
      %get3A_2828 = arith.constant 48 : i32
      %get3A_2829 = arith.index_cast %get3A_2828 : i32 to index
      %get3A_2830 = arith.constant 0 : index
      %get3A_2831 = tpu.vector_load %arg9[%get3A_2829, %get3A_2830] {strides = array<i32>} : memref<104x16xf32, #tpu.memory_space<vmem>>, vector<1x16xf32>,
      %get3A_2832 = vector.shape_cast %get3A_2831 : vector<1x16xf32> to vector<16xf32>
      %add3A_2833 = arith.addf %add3A_2809, %get3A_2832 : vector<16xf32>
      %get3A_2834 = arith.constant 49 : i32
      %get3A_2835 = arith.index_cast %get3A_2834 : i32 to index
      %get3A_2836 = arith.constant 0 : index
      %get3A_2837 = tpu.vector_load %arg9[%get3A_2835, %get3A_2836] {strides = array<i32>} : memref<104x16xf32, #tpu.memory_space<vmem>>, vector<1x16xf32>,
      %get3A_2838 = vector.shape_cast %get3A_2837 : vector<1x16xf32> to vector<16xf32>
      %add3A_2839 = arith.addf %add3A_2815, %get3A_2838 : vector<16xf32>
      %get3A_2840 = arith.constant 50 : i32
      %get3A_2841 = arith.index_cast %get3A_2840 : i32 to index
      %get3A_2842 = arith.constant 0 : index
      %get3A_2843 = tpu.vector_load %arg9[%get3A_2841, %get3A_2842] {strides = array<i32>} : memref<104x16xf32, #tpu.memory_space<vmem>>, vector<1x16xf32>,
      %get3A_2844 = vector.shape_cast %get3A_2843 : vector<1x16xf32> to vector<16xf32>
      %add3A_2845 = arith.addf %add3A_2821, %get3A_2844 : vector<16xf32>
      %get3A_2846 = arith.constant 51 : i32
      %get3A_2847 = arith.index_cast %get3A_2846 : i32 to index
      %get3A_2848 = arith.constant 0 : index
      %get3A_2849 = tpu.vector_load %arg9[%get3A_2847, %get3A_2848] {strides = array<i32>} : memref<104x16xf32, #tpu.memory_space<vmem>>, vector<1x16xf32>,
      %get3A_2850 = vector.shape_cast %get3A_2849 : vector<1x16xf32> to vector<16xf32>
      %add3A_2851 = arith.addf %add3A_2827, %get3A_2850 : vector<16xf32>
      %get3A_2852 = arith.constant 52 : i32
      %get3A_2853 = arith.index_cast %get3A_2852 : i32 to index
      %get3A_2854 = arith.constant 0 : index
      %get3A_2855 = tpu.vector_load %arg9[%get3A_2853, %get3A_2854] {strides = array<i32>} : memref<104x16xf32, #tpu.memory_space<vmem>>, vector<1x16xf32>,
      %get3A_2856 = vector.shape_cast %get3A_2855 : vector<1x16xf32> to vector<16xf32>
      %add3A_2857 = arith.addf %add3A_2833, %get3A_2856 : vector<16xf32>
      %get3A_2858 = arith.constant 53 : i32
      %get3A_2859 = arith.index_cast %get3A_2858 : i32 to index
      %get3A_2860 = arith.constant 0 : index
      %get3A_2861 = tpu.vector_load %arg9[%get3A_2859, %get3A_2860] {strides = array<i32>} : memref<104x16xf32, #tpu.memory_space<vmem>>, vector<1x16xf32>,
      %get3A_2862 = vector.shape_cast %get3A_2861 : vector<1x16xf32> to vector<16xf32>
      %add3A_2863 = arith.addf %add3A_2839, %get3A_2862 : vector<16xf32>
      %get3A_2864 = arith.constant 54 : i32
      %get3A_2865 = arith.index_cast %get3A_2864 : i32 to index
      %get3A_2866 = arith.constant 0 : index
      %get3A_2867 = tpu.vector_load %arg9[%get3A_2865, %get3A_2866] {strides = array<i32>} : memref<104x16xf32, #tpu.memory_space<vmem>>, vector<1x16xf32>,
      %get3A_2868 = vector.shape_cast %get3A_2867 : vector<1x16xf32> to vector<16xf32>
      %add3A_2869 = arith.addf %add3A_2845, %get3A_2868 : vector<16xf32>
      %get3A_2870 = arith.constant 55 : i32
      %get3A_2871 = arith.index_cast %get3A_2870 : i32 to index
      %get3A_2872 = arith.constant 0 : index
      %get3A_2873 = tpu.vector_load %arg9[%get3A_2871, %get3A_2872] {strides = array<i32>} : memref<104x16xf32, #tpu.memory_space<vmem>>, vector<1x16xf32>,
      %get3A_2874 = vector.shape_cast %get3A_2873 : vector<1x16xf32> to vector<16xf32>
      %add3A_2875 = arith.addf %add3A_2851, %get3A_2874 : vector<16xf32>
      %get3A_2876 = arith.constant 56 : i32
      %get3A_2877 = arith.index_cast %get3A_2876 : i32 to index
      %get3A_2878 = arith.constant 0 : index
      %get3A_2879 = tpu.vector_load %arg9[%get3A_2877, %get3A_2878] {strides = array<i32>} : memref<104x16xf32, #tpu.memory_space<vmem>>, vector<1x16xf32>,
      %get3A_2880 = vector.shape_cast %get3A_2879 : vector<1x16xf32> to vector<16xf32>
      %add3A_2881 = arith.addf %add3A_2857, %get3A_2880 : vector<16xf32>
      %get3A_2882 = arith.constant 57 : i32
      %get3A_2883 = arith.index_cast %get3A_2882 : i32 to index
      %get3A_2884 = arith.constant 0 : index
      %get3A_2885 = tpu.vector_load %arg9[%get3A_2883, %get3A_2884] {strides = array<i32>} : memref<104x16xf32, #tpu.memory_space<vmem>>, vector<1x16xf32>,
      %get3A_2886 = vector.shape_cast %get3A_2885 : vector<1x16xf32> to vector<16xf32>
      %add3A_2887 = arith.addf %add3A_2863, %get3A_2886 : vector<16xf32>
      %get3A_2888 = arith.constant 58 : i32
      %get3A_2889 = arith.index_cast %get3A_2888 : i32 to index
      %get3A_2890 = arith.constant 0 : index
      %get3A_2891 = tpu.vector_load %arg9[%get3A_2889, %get3A_2890] {strides = array<i32>} : memref<104x16xf32, #tpu.memory_space<vmem>>, vector<1x16xf32>,
      %get3A_2892 = vector.shape_cast %get3A_2891 : vector<1x16xf32> to vector<16xf32>
      %add3A_2893 = arith.addf %add3A_2869, %get3A_2892 : vector<16xf32>
      %get3A_2894 = arith.constant 59 : i32
      %get3A_2895 = arith.index_cast %get3A_2894 : i32 to index
      %get3A_2896 = arith.constant 0 : index
      %get3A_2897 = tpu.vector_load %arg9[%get3A_2895, %get3A_2896] {strides = array<i32>} : memref<104x16xf32, #tpu.memory_space<vmem>>, vector<1x16xf32>,
      %get3A_2898 = vector.shape_cast %get3A_2897 : vector<1x16xf32> to vector<16xf32>
      %add3A_2899 = arith.addf %add3A_2875, %get3A_2898 : vector<16xf32>
      %get3A_2900 = arith.constant 60 : i32
      %get3A_2901 = arith.index_cast %get3A_2900 : i32 to index
      %get3A_2902 = arith.constant 0 : index
      %get3A_2903 = tpu.vector_load %arg9[%get3A_2901, %get3A_2902] {strides = array<i32>} : memref<104x16xf32, #tpu.memory_space<vmem>>, vector<1x16xf32>,
      %get3A_2904 = vector.shape_cast %get3A_2903 : vector<1x16xf32> to vector<16xf32>
      %add3A_2905 = arith.addf %add3A_2881, %get3A_2904 : vector<16xf32>
      %get3A_2906 = arith.constant 61 : i32
      %get3A_2907 = arith.index_cast %get3A_2906 : i32 to index
      %get3A_2908 = arith.constant 0 : index
      %get3A_2909 = tpu.vector_load %arg9[%get3A_2907, %get3A_2908] {strides = array<i32>} : memref<104x16xf32, #tpu.memory_space<vmem>>, vector<1x16xf32>,
      %get3A_2910 = vector.shape_cast %get3A_2909 : vector<1x16xf32> to vector<16xf32>
      %add3A_2911 = arith.addf %add3A_2887, %get3A_2910 : vector<16xf32>
      %get3A_2912 = arith.constant 62 : i32
      %get3A_2913 = arith.index_cast %get3A_2912 : i32 to index
      %get3A_2914 = arith.constant 0 : index
      %get3A_2915 = tpu.vector_load %arg9[%get3A_2913, %get3A_2914] {strides = array<i32>} : memref<104x16xf32, #tpu.memory_space<vmem>>, vector<1x16xf32>,
      %get3A_2916 = vector.shape_cast %get3A_2915 : vector<1x16xf32> to vector<16xf32>
      %add3A_2917 = arith.addf %add3A_2893, %get3A_2916 : vector<16xf32>
      %get3A_2918 = arith.constant 63 : i32
      %get3A_2919 = arith.index_cast %get3A_2918 : i32 to index
      %get3A_2920 = arith.constant 0 : index
      %get3A_2921 = tpu.vector_load %arg9[%get3A_2919, %get3A_2920] {strides = array<i32>} : memref<104x16xf32, #tpu.memory_space<vmem>>, vector<1x16xf32>,
      %get3A_2922 = vector.shape_cast %get3A_2921 : vector<1x16xf32> to vector<16xf32>
      %add3A_2923 = arith.addf %add3A_2899, %get3A_2922 : vector<16xf32>
      %get3A_2924 = arith.constant 64 : i32
      %get3A_2925 = arith.index_cast %get3A_2924 : i32 to index
      %get3A_2926 = arith.constant 0 : index
      %get3A_2927 = tpu.vector_load %arg9[%get3A_2925, %get3A_2926] {strides = array<i32>} : memref<104x16xf32, #tpu.memory_space<vmem>>, vector<1x16xf32>,
      %get3A_2928 = vector.shape_cast %get3A_2927 : vector<1x16xf32> to vector<16xf32>
      %add3A_2929 = arith.addf %add3A_2905, %get3A_2928 : vector<16xf32>
      %get3A_2930 = arith.constant 65 : i32
      %get3A_2931 = arith.index_cast %get3A_2930 : i32 to index
      %get3A_2932 = arith.constant 0 : index
      %get3A_2933 = tpu.vector_load %arg9[%get3A_2931, %get3A_2932] {strides = array<i32>} : memref<104x16xf32, #tpu.memory_space<vmem>>, vector<1x16xf32>,
      %get3A_2934 = vector.shape_cast %get3A_2933 : vector<1x16xf32> to vector<16xf32>
      %add3A_2935 = arith.addf %add3A_2911, %get3A_2934 : vector<16xf32>
      %get3A_2936 = arith.constant 66 : i32
      %get3A_2937 = arith.index_cast %get3A_2936 : i32 to index
      %get3A_2938 = arith.constant 0 : index
      %get3A_2939 = tpu.vector_load %arg9[%get3A_2937, %get3A_2938] {strides = array<i32>} : memref<104x16xf32, #tpu.memory_space<vmem>>, vector<1x16xf32>,
      %get3A_2940 = vector.shape_cast %get3A_2939 : vector<1x16xf32> to vector<16xf32>
      %add3A_2941 = arith.addf %add3A_2917, %get3A_2940 : vector<16xf32>
      %get3A_2942 = arith.constant 67 : i32
      %get3A_2943 = arith.index_cast %get3A_2942 : i32 to index
      %get3A_2944 = arith.constant 0 : index
      %get3A_2945 = tpu.vector_load %arg9[%get3A_2943, %get3A_2944] {strides = array<i32>} : memref<104x16xf32, #tpu.memory_space<vmem>>, vector<1x16xf32>,
      %get3A_2946 = vector.shape_cast %get3A_2945 : vector<1x16xf32> to vector<16xf32>
      %add3A_2947 = arith.addf %add3A_2923, %get3A_2946 : vector<16xf32>
      %get3A_2948 = arith.constant 68 : i32
      %get3A_2949 = arith.index_cast %get3A_2948 : i32 to index
      %get3A_2950 = arith.constant 0 : index
      %get3A_2951 = tpu.vector_load %arg9[%get3A_2949, %get3A_2950] {strides = array<i32>} : memref<104x16xf32, #tpu.memory_space<vmem>>, vector<1x16xf32>,
      %get3A_2952 = vector.shape_cast %get3A_2951 : vector<1x16xf32> to vector<16xf32>
      %add3A_2953 = arith.addf %add3A_2929, %get3A_2952 : vector<16xf32>
      %get3A_2954 = arith.constant 69 : i32
      %get3A_2955 = arith.index_cast %get3A_2954 : i32 to index
      %get3A_2956 = arith.constant 0 : index
      %get3A_2957 = tpu.vector_load %arg9[%get3A_2955, %get3A_2956] {strides = array<i32>} : memref<104x16xf32, #tpu.memory_space<vmem>>, vector<1x16xf32>,
      %get3A_2958 = vector.shape_cast %get3A_2957 : vector<1x16xf32> to vector<16xf32>
      %add3A_2959 = arith.addf %add3A_2935, %get3A_2958 : vector<16xf32>
      %get3A_2960 = arith.constant 70 : i32
      %get3A_2961 = arith.index_cast %get3A_2960 : i32 to index
      %get3A_2962 = arith.constant 0 : index
      %get3A_2963 = tpu.vector_load %arg9[%get3A_2961, %get3A_2962] {strides = array<i32>} : memref<104x16xf32, #tpu.memory_space<vmem>>, vector<1x16xf32>,
      %get3A_2964 = vector.shape_cast %get3A_2963 : vector<1x16xf32> to vector<16xf32>
      %add3A_2965 = arith.addf %add3A_2941, %get3A_2964 : vector<16xf32>
      %get3A_2966 = arith.constant 71 : i32
      %get3A_2967 = arith.index_cast %get3A_2966 : i32 to index
      %get3A_2968 = arith.constant 0 : index
      %get3A_2969 = tpu.vector_load %arg9[%get3A_2967, %get3A_2968] {strides = array<i32>} : memref<104x16xf32, #tpu.memory_space<vmem>>, vector<1x16xf32>,
      %get3A_2970 = vector.shape_cast %get3A_2969 : vector<1x16xf32> to vector<16xf32>
      %add3A_2971 = arith.addf %add3A_2947, %get3A_2970 : vector<16xf32>
      %get3A_2972 = arith.constant 72 : i32
      %get3A_2973 = arith.index_cast %get3A_2972 : i32 to index
      %get3A_2974 = arith.constant 0 : index
      %get3A_2975 = tpu.vector_load %arg9[%get3A_2973, %get3A_2974] {strides = array<i32>} : memref<104x16xf32, #tpu.memory_space<vmem>>, vector<1x16xf32>,
      %get3A_2976 = vector.shape_cast %get3A_2975 : vector<1x16xf32> to vector<16xf32>
      %add3A_2977 = arith.addf %add3A_2953, %get3A_2976 : vector<16xf32>
      %get3A_2978 = arith.constant 73 : i32
      %get3A_2979 = arith.index_cast %get3A_2978 : i32 to index
      %get3A_2980 = arith.constant 0 : index
      %get3A_2981 = tpu.vector_load %arg9[%get3A_2979, %get3A_2980] {strides = array<i32>} : memref<104x16xf32, #tpu.memory_space<vmem>>, vector<1x16xf32>,
      %get3A_2982 = vector.shape_cast %get3A_2981 : vector<1x16xf32> to vector<16xf32>
      %add3A_2983 = arith.addf %add3A_2959, %get3A_2982 : vector<16xf32>
      %get3A_2984 = arith.constant 74 : i32
      %get3A_2985 = arith.index_cast %get3A_2984 : i32 to index
      %get3A_2986 = arith.constant 0 : index
      %get3A_2987 = tpu.vector_load %arg9[%get3A_2985, %get3A_2986] {strides = array<i32>} : memref<104x16xf32, #tpu.memory_space<vmem>>, vector<1x16xf32>,
      %get3A_2988 = vector.shape_cast %get3A_2987 : vector<1x16xf32> to vector<16xf32>
      %add3A_2989 = arith.addf %add3A_2965, %get3A_2988 : vector<16xf32>
      %get3A_2990 = arith.constant 75 : i32
      %get3A_2991 = arith.index_cast %get3A_2990 : i32 to index
      %get3A_2992 = arith.constant 0 : index
      %get3A_2993 = tpu.vector_load %arg9[%get3A_2991, %get3A_2992] {strides = array<i32>} : memref<104x16xf32, #tpu.memory_space<vmem>>, vector<1x16xf32>,
      %get3A_2994 = vector.shape_cast %get3A_2993 : vector<1x16xf32> to vector<16xf32>
      %add3A_2995 = arith.addf %add3A_2971, %get3A_2994 : vector<16xf32>
      %get3A_2996 = arith.constant 76 : i32
      %get3A_2997 = arith.index_cast %get3A_2996 : i32 to index
      %get3A_2998 = arith.constant 0 : index
      %get3A_2999 = tpu.vector_load %arg9[%get3A_2997, %get3A_2998] {strides = array<i32>} : memref<104x16xf32, #tpu.memory_space<vmem>>, vector<1x16xf32>,
      %get3A_3000 = vector.shape_cast %get3A_2999 : vector<1x16xf32> to vector<16xf32>
      %add3A_3001 = arith.addf %add3A_2977, %get3A_3000 : vector<16xf32>
      %get3A_3002 = arith.constant 77 : i32
      %get3A_3003 = arith.index_cast %get3A_3002 : i32 to index
      %get3A_3004 = arith.constant 0 : index
      %get3A_3005 = tpu.vector_load %arg9[%get3A_3003, %get3A_3004] {strides = array<i32>} : memref<104x16xf32, #tpu.memory_space<vmem>>, vector<1x16xf32>,
      %get3A_3006 = vector.shape_cast %get3A_3005 : vector<1x16xf32> to vector<16xf32>
      %add3A_3007 = arith.addf %add3A_2983, %get3A_3006 : vector<16xf32>
      %get3A_3008 = arith.constant 78 : i32
      %get3A_3009 = arith.index_cast %get3A_3008 : i32 to index
      %get3A_3010 = arith.constant 0 : index
      %get3A_3011 = tpu.vector_load %arg9[%get3A_3009, %get3A_3010] {strides = array<i32>} : memref<104x16xf32, #tpu.memory_space<vmem>>, vector<1x16xf32>,
      %get3A_3012 = vector.shape_cast %get3A_3011 : vector<1x16xf32> to vector<16xf32>
      %add3A_3013 = arith.addf %add3A_2989, %get3A_3012 : vector<16xf32>
      %get3A_3014 = arith.constant 79 : i32
      %get3A_3015 = arith.index_cast %get3A_3014 : i32 to index
      %get3A_3016 = arith.constant 0 : index
      %get3A_3017 = tpu.vector_load %arg9[%get3A_3015, %get3A_3016] {strides = array<i32>} : memref<104x16xf32, #tpu.memory_space<vmem>>, vector<1x16xf32>,
      %get3A_3018 = vector.shape_cast %get3A_3017 : vector<1x16xf32> to vector<16xf32>
      %add3A_3019 = arith.addf %add3A_2995, %get3A_3018 : vector<16xf32>
      %get3A_3020 = arith.constant 80 : i32
      %get3A_3021 = arith.index_cast %get3A_3020 : i32 to index
      %get3A_3022 = arith.constant 0 : index
      %get3A_3023 = tpu.vector_load %arg9[%get3A_3021, %get3A_3022] {strides = array<i32>} : memref<104x16xf32, #tpu.memory_space<vmem>>, vector<1x16xf32>,
      %get3A_3024 = vector.shape_cast %get3A_3023 : vector<1x16xf32> to vector<16xf32>
      %add3A_3025 = arith.addf %add3A_3001, %get3A_3024 : vector<16xf32>
      %get3A_3026 = arith.constant 81 : i32
      %get3A_3027 = arith.index_cast %get3A_3026 : i32 to index
      %get3A_3028 = arith.constant 0 : index
      %get3A_3029 = tpu.vector_load %arg9[%get3A_3027, %get3A_3028] {strides = array<i32>} : memref<104x16xf32, #tpu.memory_space<vmem>>, vector<1x16xf32>,
      %get3A_3030 = vector.shape_cast %get3A_3029 : vector<1x16xf32> to vector<16xf32>
      %add3A_3031 = arith.addf %add3A_3007, %get3A_3030 : vector<16xf32>
      %get3A_3032 = arith.constant 82 : i32
      %get3A_3033 = arith.index_cast %get3A_3032 : i32 to index
      %get3A_3034 = arith.constant 0 : index
      %get3A_3035 = tpu.vector_load %arg9[%get3A_3033, %get3A_3034] {strides = array<i32>} : memref<104x16xf32, #tpu.memory_space<vmem>>, vector<1x16xf32>,
      %get3A_3036 = vector.shape_cast %get3A_3035 : vector<1x16xf32> to vector<16xf32>
      %add3A_3037 = arith.addf %add3A_3013, %get3A_3036 : vector<16xf32>
      %get3A_3038 = arith.constant 83 : i32
      %get3A_3039 = arith.index_cast %get3A_3038 : i32 to index
      %get3A_3040 = arith.constant 0 : index
      %get3A_3041 = tpu.vector_load %arg9[%get3A_3039, %get3A_3040] {strides = array<i32>} : memref<104x16xf32, #tpu.memory_space<vmem>>, vector<1x16xf32>,
      %get3A_3042 = vector.shape_cast %get3A_3041 : vector<1x16xf32> to vector<16xf32>
      %add3A_3043 = arith.addf %add3A_3019, %get3A_3042 : vector<16xf32>
      %get3A_3044 = arith.constant 84 : i32
      %get3A_3045 = arith.index_cast %get3A_3044 : i32 to index
      %get3A_3046 = arith.constant 0 : index
      %get3A_3047 = tpu.vector_load %arg9[%get3A_3045, %get3A_3046] {strides = array<i32>} : memref<104x16xf32, #tpu.memory_space<vmem>>, vector<1x16xf32>,
      %get3A_3048 = vector.shape_cast %get3A_3047 : vector<1x16xf32> to vector<16xf32>
      %add3A_3049 = arith.addf %add3A_3025, %get3A_3048 : vector<16xf32>
      %get3A_3050 = arith.constant 85 : i32
      %get3A_3051 = arith.index_cast %get3A_3050 : i32 to index
      %get3A_3052 = arith.constant 0 : index
      %get3A_3053 = tpu.vector_load %arg9[%get3A_3051, %get3A_3052] {strides = array<i32>} : memref<104x16xf32, #tpu.memory_space<vmem>>, vector<1x16xf32>,
      %get3A_3054 = vector.shape_cast %get3A_3053 : vector<1x16xf32> to vector<16xf32>
      %add3A_3055 = arith.addf %add3A_3031, %get3A_3054 : vector<16xf32>
      %get3A_3056 = arith.constant 86 : i32
      %get3A_3057 = arith.index_cast %get3A_3056 : i32 to index
      %get3A_3058 = arith.constant 0 : index
      %get3A_3059 = tpu.vector_load %arg9[%get3A_3057, %get3A_3058] {strides = array<i32>} : memref<104x16xf32, #tpu.memory_space<vmem>>, vector<1x16xf32>,
      %get3A_3060 = vector.shape_cast %get3A_3059 : vector<1x16xf32> to vector<16xf32>
      %add3A_3061 = arith.addf %add3A_3037, %get3A_3060 : vector<16xf32>
      %get3A_3062 = arith.constant 87 : i32
      %get3A_3063 = arith.index_cast %get3A_3062 : i32 to index
      %get3A_3064 = arith.constant 0 : index
      %get3A_3065 = tpu.vector_load %arg9[%get3A_3063, %get3A_3064] {strides = array<i32>} : memref<104x16xf32, #tpu.memory_space<vmem>>, vector<1x16xf32>,
      %get3A_3066 = vector.shape_cast %get3A_3065 : vector<1x16xf32> to vector<16xf32>
      %add3A_3067 = arith.addf %add3A_3043, %get3A_3066 : vector<16xf32>
      %get3A_3068 = arith.constant 88 : i32
      %get3A_3069 = arith.index_cast %get3A_3068 : i32 to index
      %get3A_3070 = arith.constant 0 : index
      %get3A_3071 = tpu.vector_load %arg9[%get3A_3069, %get3A_3070] {strides = array<i32>} : memref<104x16xf32, #tpu.memory_space<vmem>>, vector<1x16xf32>,
      %get3A_3072 = vector.shape_cast %get3A_3071 : vector<1x16xf32> to vector<16xf32>
      %add3A_3073 = arith.addf %add3A_3049, %get3A_3072 : vector<16xf32>
      %get3A_3074 = arith.constant 89 : i32
      %get3A_3075 = arith.index_cast %get3A_3074 : i32 to index
      %get3A_3076 = arith.constant 0 : index
      %get3A_3077 = tpu.vector_load %arg9[%get3A_3075, %get3A_3076] {strides = array<i32>} : memref<104x16xf32, #tpu.memory_space<vmem>>, vector<1x16xf32>,
      %get3A_3078 = vector.shape_cast %get3A_3077 : vector<1x16xf32> to vector<16xf32>
      %add3A_3079 = arith.addf %add3A_3055, %get3A_3078 : vector<16xf32>
      %get3A_3080 = arith.constant 90 : i32
      %get3A_3081 = arith.index_cast %get3A_3080 : i32 to index
      %get3A_3082 = arith.constant 0 : index
      %get3A_3083 = tpu.vector_load %arg9[%get3A_3081, %get3A_3082] {strides = array<i32>} : memref<104x16xf32, #tpu.memory_space<vmem>>, vector<1x16xf32>,
      %get3A_3084 = vector.shape_cast %get3A_3083 : vector<1x16xf32> to vector<16xf32>
      %add3A_3085 = arith.addf %add3A_3061, %get3A_3084 : vector<16xf32>
      %get3A_3086 = arith.constant 91 : i32
      %get3A_3087 = arith.index_cast %get3A_3086 : i32 to index
      %get3A_3088 = arith.constant 0 : index
      %get3A_3089 = tpu.vector_load %arg9[%get3A_3087, %get3A_3088] {strides = array<i32>} : memref<104x16xf32, #tpu.memory_space<vmem>>, vector<1x16xf32>,
      %get3A_3090 = vector.shape_cast %get3A_3089 : vector<1x16xf32> to vector<16xf32>
      %add3A_3091 = arith.addf %add3A_3067, %get3A_3090 : vector<16xf32>
      %get3A_3092 = arith.constant 92 : i32
      %get3A_3093 = arith.index_cast %get3A_3092 : i32 to index
      %get3A_3094 = arith.constant 0 : index
      %get3A_3095 = tpu.vector_load %arg9[%get3A_3093, %get3A_3094] {strides = array<i32>} : memref<104x16xf32, #tpu.memory_space<vmem>>, vector<1x16xf32>,
      %get3A_3096 = vector.shape_cast %get3A_3095 : vector<1x16xf32> to vector<16xf32>
      %add3A_3097 = arith.addf %add3A_3073, %get3A_3096 : vector<16xf32>
      %get3A_3098 = arith.constant 93 : i32
      %get3A_3099 = arith.index_cast %get3A_3098 : i32 to index
      %get3A_3100 = arith.constant 0 : index
      %get3A_3101 = tpu.vector_load %arg9[%get3A_3099, %get3A_3100] {strides = array<i32>} : memref<104x16xf32, #tpu.memory_space<vmem>>, vector<1x16xf32>,
      %get3A_3102 = vector.shape_cast %get3A_3101 : vector<1x16xf32> to vector<16xf32>
      %add3A_3103 = arith.addf %add3A_3079, %get3A_3102 : vector<16xf32>
      %get3A_3104 = arith.constant 94 : i32
      %get3A_3105 = arith.index_cast %get3A_3104 : i32 to index
      %get3A_3106 = arith.constant 0 : index
      %get3A_3107 = tpu.vector_load %arg9[%get3A_3105, %get3A_3106] {strides = array<i32>} : memref<104x16xf32, #tpu.memory_space<vmem>>, vector<1x16xf32>,
      %get3A_3108 = vector.shape_cast %get3A_3107 : vector<1x16xf32> to vector<16xf32>
      %add3A_3109 = arith.addf %add3A_3085, %get3A_3108 : vector<16xf32>
      %get3A_3110 = arith.constant 95 : i32
      %get3A_3111 = arith.index_cast %get3A_3110 : i32 to index
      %get3A_3112 = arith.constant 0 : index
      %get3A_3113 = tpu.vector_load %arg9[%get3A_3111, %get3A_3112] {strides = array<i32>} : memref<104x16xf32, #tpu.memory_space<vmem>>, vector<1x16xf32>,
      %get3A_3114 = vector.shape_cast %get3A_3113 : vector<1x16xf32> to vector<16xf32>
      %add3A_3115 = arith.addf %add3A_3091, %get3A_3114 : vector<16xf32>
      %get3A_3116 = arith.constant 96 : i32
      %get3A_3117 = arith.index_cast %get3A_3116 : i32 to index
      %get3A_3118 = arith.constant 0 : index
      %get3A_3119 = tpu.vector_load %arg9[%get3A_3117, %get3A_3118] {strides = array<i32>} : memref<104x16xf32, #tpu.memory_space<vmem>>, vector<1x16xf32>,
      %get3A_3120 = vector.shape_cast %get3A_3119 : vector<1x16xf32> to vector<16xf32>
      %add3A_3121 = arith.addf %add3A_3097, %get3A_3120 : vector<16xf32>
      %get3A_3122 = arith.constant 97 : i32
      %get3A_3123 = arith.index_cast %get3A_3122 : i32 to index
      %get3A_3124 = arith.constant 0 : index
      %get3A_3125 = tpu.vector_load %arg9[%get3A_3123, %get3A_3124] {strides = array<i32>} : memref<104x16xf32, #tpu.memory_space<vmem>>, vector<1x16xf32>,
      %get3A_3126 = vector.shape_cast %get3A_3125 : vector<1x16xf32> to vector<16xf32>
      %add3A_3127 = arith.addf %add3A_3103, %get3A_3126 : vector<16xf32>
      %get3A_3128 = arith.constant 98 : i32
      %get3A_3129 = arith.index_cast %get3A_3128 : i32 to index
      %get3A_3130 = arith.constant 0 : index
      %get3A_3131 = tpu.vector_load %arg9[%get3A_3129, %get3A_3130] {strides = array<i32>} : memref<104x16xf32, #tpu.memory_space<vmem>>, vector<1x16xf32>,
      %get3A_3132 = vector.shape_cast %get3A_3131 : vector<1x16xf32> to vector<16xf32>
      %add3A_3133 = arith.addf %add3A_3109, %get3A_3132 : vector<16xf32>
      %get3A_3134 = arith.constant 99 : i32
      %get3A_3135 = arith.index_cast %get3A_3134 : i32 to index
      %get3A_3136 = arith.constant 0 : index
      %get3A_3137 = tpu.vector_load %arg9[%get3A_3135, %get3A_3136] {strides = array<i32>} : memref<104x16xf32, #tpu.memory_space<vmem>>, vector<1x16xf32>,
      %get3A_3138 = vector.shape_cast %get3A_3137 : vector<1x16xf32> to vector<16xf32>
      %add3A_3139 = arith.addf %add3A_3115, %get3A_3138 : vector<16xf32>
      %get3A_3140 = arith.constant 100 : i32
      %get3A_3141 = arith.index_cast %get3A_3140 : i32 to index
      %get3A_3142 = arith.constant 0 : index
      %get3A_3143 = tpu.vector_load %arg9[%get3A_3141, %get3A_3142] {strides = array<i32>} : memref<104x16xf32, #tpu.memory_space<vmem>>, vector<1x16xf32>,
      %get3A_3144 = vector.shape_cast %get3A_3143 : vector<1x16xf32> to vector<16xf32>
      %add3A_3145 = arith.addf %add3A_3121, %get3A_3144 : vector<16xf32>
      %get3A_3146 = arith.constant 101 : i32
      %get3A_3147 = arith.index_cast %get3A_3146 : i32 to index
      %get3A_3148 = arith.constant 0 : index
      %get3A_3149 = tpu.vector_load %arg9[%get3A_3147, %get3A_3148] {strides = array<i32>} : memref<104x16xf32, #tpu.memory_space<vmem>>, vector<1x16xf32>,
      %get3A_3150 = vector.shape_cast %get3A_3149 : vector<1x16xf32> to vector<16xf32>
      %add3A_3151 = arith.addf %add3A_3127, %get3A_3150 : vector<16xf32>
      %get3A_3152 = arith.constant 102 : i32
      %get3A_3153 = arith.index_cast %get3A_3152 : i32 to index
      %get3A_3154 = arith.constant 0 : index
      %get3A_3155 = tpu.vector_load %arg9[%get3A_3153, %get3A_3154] {strides = array<i32>} : memref<104x16xf32, #tpu.memory_space<vmem>>, vector<1x16xf32>,
      %get3A_3156 = vector.shape_cast %get3A_3155 : vector<1x16xf32> to vector<16xf32>
      %add3A_3157 = arith.addf %add3A_3133, %get3A_3156 : vector<16xf32>
      %get3A_3158 = arith.constant 103 : i32
      %get3A_3159 = arith.index_cast %get3A_3158 : i32 to index
      %get3A_3160 = arith.constant 0 : index
      %get3A_3161 = tpu.vector_load %arg9[%get3A_3159, %get3A_3160] {strides = array<i32>} : memref<104x16xf32, #tpu.memory_space<vmem>>, vector<1x16xf32>,
      %get3A_3162 = vector.shape_cast %get3A_3161 : vector<1x16xf32> to vector<16xf32>
      %add3A_3163 = arith.addf %add3A_3139, %get3A_3162 : vector<16xf32>
      %get3A_3164 = arith.constant 0 : i32
      %get3A_3165 = arith.index_cast %get3A_3164 : i32 to index
      %get3A_3166 = arith.constant 0 : index
      %get3A_3167 = tpu.vector_load %arg13[%get3A_3165, %get3A_3166] {strides = array<i32>} : memref<96x16xf32, #tpu.memory_space<vmem>>, vector<1x16xf32>,
      %get3A_3168 = vector.shape_cast %get3A_3167 : vector<1x16xf32> to vector<16xf32>
      %add3A_3169 = arith.addf %add3A_3145, %get3A_3168 : vector<16xf32>
      %get3A_3170 = arith.constant 1 : i32
      %get3A_3171 = arith.index_cast %get3A_3170 : i32 to index
      %get3A_3172 = arith.constant 0 : index
      %get3A_3173 = tpu.vector_load %arg13[%get3A_3171, %get3A_3172] {strides = array<i32>} : memref<96x16xf32, #tpu.memory_space<vmem>>, vector<1x16xf32>,
      %get3A_3174 = vector.shape_cast %get3A_3173 : vector<1x16xf32> to vector<16xf32>
      %add3A_3175 = arith.addf %add3A_3151, %get3A_3174 : vector<16xf32>
      %get3A_3176 = arith.constant 2 : i32
      %get3A_3177 = arith.index_cast %get3A_3176 : i32 to index
      %get3A_3178 = arith.constant 0 : index
      %get3A_3179 = tpu.vector_load %arg13[%get3A_3177, %get3A_3178] {strides = array<i32>} : memref<96x16xf32, #tpu.memory_space<vmem>>, vector<1x16xf32>,
      %get3A_3180 = vector.shape_cast %get3A_3179 : vector<1x16xf32> to vector<16xf32>
      %add3A_3181 = arith.addf %add3A_3157, %get3A_3180 : vector<16xf32>
      %get3A_3182 = arith.constant 3 : i32
      %get3A_3183 = arith.index_cast %get3A_3182 : i32 to index
      %get3A_3184 = arith.constant 0 : index
      %get3A_3185 = tpu.vector_load %arg13[%get3A_3183, %get3A_3184] {strides = array<i32>} : memref<96x16xf32, #tpu.memory_space<vmem>>, vector<1x16xf32>,
      %get3A_3186 = vector.shape_cast %get3A_3185 : vector<1x16xf32> to vector<16xf32>
      %add3A_3187 = arith.addf %add3A_3163, %get3A_3186 : vector<16xf32>
      %get3A_3188 = arith.constant 4 : i32
      %get3A_3189 = arith.index_cast %get3A_3188 : i32 to index
      %get3A_3190 = arith.constant 0 : index
      %get3A_3191 = tpu.vector_load %arg13[%get3A_3189, %get3A_3190] {strides = array<i32>} : memref<96x16xf32, #tpu.memory_space<vmem>>, vector<1x16xf32>,
      %get3A_3192 = vector.shape_cast %get3A_3191 : vector<1x16xf32> to vector<16xf32>
      %add3A_3193 = arith.addf %add3A_3169, %get3A_3192 : vector<16xf32>
      %get3A_3194 = arith.constant 5 : i32
      %get3A_3195 = arith.index_cast %get3A_3194 : i32 to index
      %get3A_3196 = arith.constant 0 : index
      %get3A_3197 = tpu.vector_load %arg13[%get3A_3195, %get3A_3196] {strides = array<i32>} : memref<96x16xf32, #tpu.memory_space<vmem>>, vector<1x16xf32>,
      %get3A_3198 = vector.shape_cast %get3A_3197 : vector<1x16xf32> to vector<16xf32>
      %add3A_3199 = arith.addf %add3A_3175, %get3A_3198 : vector<16xf32>
      %get3A_3200 = arith.constant 6 : i32
      %get3A_3201 = arith.index_cast %get3A_3200 : i32 to index
      %get3A_3202 = arith.constant 0 : index
      %get3A_3203 = tpu.vector_load %arg13[%get3A_3201, %get3A_3202] {strides = array<i32>} : memref<96x16xf32, #tpu.memory_space<vmem>>, vector<1x16xf32>,
      %get3A_3204 = vector.shape_cast %get3A_3203 : vector<1x16xf32> to vector<16xf32>
      %add3A_3205 = arith.addf %add3A_3181, %get3A_3204 : vector<16xf32>
      %get3A_3206 = arith.constant 7 : i32
      %get3A_3207 = arith.index_cast %get3A_3206 : i32 to index
      %get3A_3208 = arith.constant 0 : index
      %get3A_3209 = tpu.vector_load %arg13[%get3A_3207, %get3A_3208] {strides = array<i32>} : memref<96x16xf32, #tpu.memory_space<vmem>>, vector<1x16xf32>,
      %get3A_3210 = vector.shape_cast %get3A_3209 : vector<1x16xf32> to vector<16xf32>
      %add3A_3211 = arith.addf %add3A_3187, %get3A_3210 : vector<16xf32>
      %get3A_3212 = arith.constant 8 : i32
      %get3A_3213 = arith.index_cast %get3A_3212 : i32 to index
      %get3A_3214 = arith.constant 0 : index
      %get3A_3215 = tpu.vector_load %arg13[%get3A_3213, %get3A_3214] {strides = array<i32>} : memref<96x16xf32, #tpu.memory_space<vmem>>, vector<1x16xf32>,
      %get3A_3216 = vector.shape_cast %get3A_3215 : vector<1x16xf32> to vector<16xf32>
      %add3A_3217 = arith.addf %add3A_3193, %get3A_3216 : vector<16xf32>
      %get3A_3218 = arith.constant 9 : i32
      %get3A_3219 = arith.index_cast %get3A_3218 : i32 to index
      %get3A_3220 = arith.constant 0 : index
      %get3A_3221 = tpu.vector_load %arg13[%get3A_3219, %get3A_3220] {strides = array<i32>} : memref<96x16xf32, #tpu.memory_space<vmem>>, vector<1x16xf32>,
      %get3A_3222 = vector.shape_cast %get3A_3221 : vector<1x16xf32> to vector<16xf32>
      %add3A_3223 = arith.addf %add3A_3199, %get3A_3222 : vector<16xf32>
      %get3A_3224 = arith.constant 10 : i32
      %get3A_3225 = arith.index_cast %get3A_3224 : i32 to index
      %get3A_3226 = arith.constant 0 : index
      %get3A_3227 = tpu.vector_load %arg13[%get3A_3225, %get3A_3226] {strides = array<i32>} : memref<96x16xf32, #tpu.memory_space<vmem>>, vector<1x16xf32>,
      %get3A_3228 = vector.shape_cast %get3A_3227 : vector<1x16xf32> to vector<16xf32>
      %add3A_3229 = arith.addf %add3A_3205, %get3A_3228 : vector<16xf32>
      %get3A_3230 = arith.constant 11 : i32
      %get3A_3231 = arith.index_cast %get3A_3230 : i32 to index
      %get3A_3232 = arith.constant 0 : index
      %get3A_3233 = tpu.vector_load %arg13[%get3A_3231, %get3A_3232] {strides = array<i32>} : memref<96x16xf32, #tpu.memory_space<vmem>>, vector<1x16xf32>,
      %get3A_3234 = vector.shape_cast %get3A_3233 : vector<1x16xf32> to vector<16xf32>
      %add3A_3235 = arith.addf %add3A_3211, %get3A_3234 : vector<16xf32>
      %get3A_3236 = arith.constant 12 : i32
      %get3A_3237 = arith.index_cast %get3A_3236 : i32 to index
      %get3A_3238 = arith.constant 0 : index
      %get3A_3239 = tpu.vector_load %arg13[%get3A_3237, %get3A_3238] {strides = array<i32>} : memref<96x16xf32, #tpu.memory_space<vmem>>, vector<1x16xf32>,
      %get3A_3240 = vector.shape_cast %get3A_3239 : vector<1x16xf32> to vector<16xf32>
      %add3A_3241 = arith.addf %add3A_3217, %get3A_3240 : vector<16xf32>
      %get3A_3242 = arith.constant 13 : i32
      %get3A_3243 = arith.index_cast %get3A_3242 : i32 to index
      %get3A_3244 = arith.constant 0 : index
      %get3A_3245 = tpu.vector_load %arg13[%get3A_3243, %get3A_3244] {strides = array<i32>} : memref<96x16xf32, #tpu.memory_space<vmem>>, vector<1x16xf32>,
      %get3A_3246 = vector.shape_cast %get3A_3245 : vector<1x16xf32> to vector<16xf32>
      %add3A_3247 = arith.addf %add3A_3223, %get3A_3246 : vector<16xf32>
      %get3A_3248 = arith.constant 14 : i32
      %get3A_3249 = arith.index_cast %get3A_3248 : i32 to index
      %get3A_3250 = arith.constant 0 : index
      %get3A_3251 = tpu.vector_load %arg13[%get3A_3249, %get3A_3250] {strides = array<i32>} : memref<96x16xf32, #tpu.memory_space<vmem>>, vector<1x16xf32>,
      %get3A_3252 = vector.shape_cast %get3A_3251 : vector<1x16xf32> to vector<16xf32>
      %add3A_3253 = arith.addf %add3A_3229, %get3A_3252 : vector<16xf32>
      %get3A_3254 = arith.constant 15 : i32
      %get3A_3255 = arith.index_cast %get3A_3254 : i32 to index
      %get3A_3256 = arith.constant 0 : index
      %get3A_3257 = tpu.vector_load %arg13[%get3A_3255, %get3A_3256] {strides = array<i32>} : memref<96x16xf32, #tpu.memory_space<vmem>>, vector<1x16xf32>,
      %get3A_3258 = vector.shape_cast %get3A_3257 : vector<1x16xf32> to vector<16xf32>
      %add3A_3259 = arith.addf %add3A_3235, %get3A_3258 : vector<16xf32>
      %get3A_3260 = arith.constant 16 : i32
      %get3A_3261 = arith.index_cast %get3A_3260 : i32 to index
      %get3A_3262 = arith.constant 0 : index
      %get3A_3263 = tpu.vector_load %arg13[%get3A_3261, %get3A_3262] {strides = array<i32>} : memref<96x16xf32, #tpu.memory_space<vmem>>, vector<1x16xf32>,
      %get3A_3264 = vector.shape_cast %get3A_3263 : vector<1x16xf32> to vector<16xf32>
      %add3A_3265 = arith.addf %add3A_3241, %get3A_3264 : vector<16xf32>
      %get3A_3266 = arith.constant 17 : i32
      %get3A_3267 = arith.index_cast %get3A_3266 : i32 to index
      %get3A_3268 = arith.constant 0 : index
      %get3A_3269 = tpu.vector_load %arg13[%get3A_3267, %get3A_3268] {strides = array<i32>} : memref<96x16xf32, #tpu.memory_space<vmem>>, vector<1x16xf32>,
      %get3A_3270 = vector.shape_cast %get3A_3269 : vector<1x16xf32> to vector<16xf32>
      %add3A_3271 = arith.addf %add3A_3247, %get3A_3270 : vector<16xf32>
      %get3A_3272 = arith.constant 18 : i32
      %get3A_3273 = arith.index_cast %get3A_3272 : i32 to index
      %get3A_3274 = arith.constant 0 : index
      %get3A_3275 = tpu.vector_load %arg13[%get3A_3273, %get3A_3274] {strides = array<i32>} : memref<96x16xf32, #tpu.memory_space<vmem>>, vector<1x16xf32>,
      %get3A_3276 = vector.shape_cast %get3A_3275 : vector<1x16xf32> to vector<16xf32>
      %add3A_3277 = arith.addf %add3A_3253, %get3A_3276 : vector<16xf32>
      %get3A_3278 = arith.constant 19 : i32
      %get3A_3279 = arith.index_cast %get3A_3278 : i32 to index
      %get3A_3280 = arith.constant 0 : index
      %get3A_3281 = tpu.vector_load %arg13[%get3A_3279, %get3A_3280] {strides = array<i32>} : memref<96x16xf32, #tpu.memory_space<vmem>>, vector<1x16xf32>,
      %get3A_3282 = vector.shape_cast %get3A_3281 : vector<1x16xf32> to vector<16xf32>
      %add3A_3283 = arith.addf %add3A_3259, %get3A_3282 : vector<16xf32>
      %get3A_3284 = arith.constant 20 : i32
      %get3A_3285 = arith.index_cast %get3A_3284 : i32 to index
      %get3A_3286 = arith.constant 0 : index
      %get3A_3287 = tpu.vector_load %arg13[%get3A_3285, %get3A_3286] {strides = array<i32>} : memref<96x16xf32, #tpu.memory_space<vmem>>, vector<1x16xf32>,
      %get3A_3288 = vector.shape_cast %get3A_3287 : vector<1x16xf32> to vector<16xf32>
      %add3A_3289 = arith.addf %add3A_3265, %get3A_3288 : vector<16xf32>
      %get3A_3290 = arith.constant 21 : i32
      %get3A_3291 = arith.index_cast %get3A_3290 : i32 to index
      %get3A_3292 = arith.constant 0 : index
      %get3A_3293 = tpu.vector_load %arg13[%get3A_3291, %get3A_3292] {strides = array<i32>} : memref<96x16xf32, #tpu.memory_space<vmem>>, vector<1x16xf32>,
      %get3A_3294 = vector.shape_cast %get3A_3293 : vector<1x16xf32> to vector<16xf32>
      %add3A_3295 = arith.addf %add3A_3271, %get3A_3294 : vector<16xf32>
      %get3A_3296 = arith.constant 22 : i32
      %get3A_3297 = arith.index_cast %get3A_3296 : i32 to index
      %get3A_3298 = arith.constant 0 : index
      %get3A_3299 = tpu.vector_load %arg13[%get3A_3297, %get3A_3298] {strides = array<i32>} : memref<96x16xf32, #tpu.memory_space<vmem>>, vector<1x16xf32>,
      %get3A_3300 = vector.shape_cast %get3A_3299 : vector<1x16xf32> to vector<16xf32>
      %add3A_3301 = arith.addf %add3A_3277, %get3A_3300 : vector<16xf32>
      %get3A_3302 = arith.constant 23 : i32
      %get3A_3303 = arith.index_cast %get3A_3302 : i32 to index
      %get3A_3304 = arith.constant 0 : index
      %get3A_3305 = tpu.vector_load %arg13[%get3A_3303, %get3A_3304] {strides = array<i32>} : memref<96x16xf32, #tpu.memory_space<vmem>>, vector<1x16xf32>,
      %get3A_3306 = vector.shape_cast %get3A_3305 : vector<1x16xf32> to vector<16xf32>
      %add3A_3307 = arith.addf %add3A_3283, %get3A_3306 : vector<16xf32>
      %get3A_3308 = arith.constant 24 : i32
      %get3A_3309 = arith.index_cast %get3A_3308 : i32 to index
      %get3A_3310 = arith.constant 0 : index
      %get3A_3311 = tpu.vector_load %arg13[%get3A_3309, %get3A_3310] {strides = array<i32>} : memref<96x16xf32, #tpu.memory_space<vmem>>, vector<1x16xf32>,
      %get3A_3312 = vector.shape_cast %get3A_3311 : vector<1x16xf32> to vector<16xf32>
      %add3A_3313 = arith.addf %add3A_3289, %get3A_3312 : vector<16xf32>
      %get3A_3314 = arith.constant 25 : i32
      %get3A_3315 = arith.index_cast %get3A_3314 : i32 to index
      %get3A_3316 = arith.constant 0 : index
      %get3A_3317 = tpu.vector_load %arg13[%get3A_3315, %get3A_3316] {strides = array<i32>} : memref<96x16xf32, #tpu.memory_space<vmem>>, vector<1x16xf32>,
      %get3A_3318 = vector.shape_cast %get3A_3317 : vector<1x16xf32> to vector<16xf32>
      %add3A_3319 = arith.addf %add3A_3295, %get3A_3318 : vector<16xf32>
      %get3A_3320 = arith.constant 26 : i32
      %get3A_3321 = arith.index_cast %get3A_3320 : i32 to index
      %get3A_3322 = arith.constant 0 : index
      %get3A_3323 = tpu.vector_load %arg13[%get3A_3321, %get3A_3322] {strides = array<i32>} : memref<96x16xf32, #tpu.memory_space<vmem>>, vector<1x16xf32>,
      %get3A_3324 = vector.shape_cast %get3A_3323 : vector<1x16xf32> to vector<16xf32>
      %add3A_3325 = arith.addf %add3A_3301, %get3A_3324 : vector<16xf32>
      %get3A_3326 = arith.constant 27 : i32
      %get3A_3327 = arith.index_cast %get3A_3326 : i32 to index
      %get3A_3328 = arith.constant 0 : index
      %get3A_3329 = tpu.vector_load %arg13[%get3A_3327, %get3A_3328] {strides = array<i32>} : memref<96x16xf32, #tpu.memory_space<vmem>>, vector<1x16xf32>,
      %get3A_3330 = vector.shape_cast %get3A_3329 : vector<1x16xf32> to vector<16xf32>
      %add3A_3331 = arith.addf %add3A_3307, %get3A_3330 : vector<16xf32>
      %get3A_3332 = arith.constant 28 : i32
      %get3A_3333 = arith.index_cast %get3A_3332 : i32 to index
      %get3A_3334 = arith.constant 0 : index
      %get3A_3335 = tpu.vector_load %arg13[%get3A_3333, %get3A_3334] {strides = array<i32>} : memref<96x16xf32, #tpu.memory_space<vmem>>, vector<1x16xf32>,
      %get3A_3336 = vector.shape_cast %get3A_3335 : vector<1x16xf32> to vector<16xf32>
      %add3A_3337 = arith.addf %add3A_3313, %get3A_3336 : vector<16xf32>
      %get3A_3338 = arith.constant 29 : i32
      %get3A_3339 = arith.index_cast %get3A_3338 : i32 to index
      %get3A_3340 = arith.constant 0 : index
      %get3A_3341 = tpu.vector_load %arg13[%get3A_3339, %get3A_3340] {strides = array<i32>} : memref<96x16xf32, #tpu.memory_space<vmem>>, vector<1x16xf32>,
      %get3A_3342 = vector.shape_cast %get3A_3341 : vector<1x16xf32> to vector<16xf32>
      %add3A_3343 = arith.addf %add3A_3319, %get3A_3342 : vector<16xf32>
      %get3A_3344 = arith.constant 30 : i32
      %get3A_3345 = arith.index_cast %get3A_3344 : i32 to index
      %get3A_3346 = arith.constant 0 : index
      %get3A_3347 = tpu.vector_load %arg13[%get3A_3345, %get3A_3346] {strides = array<i32>} : memref<96x16xf32, #tpu.memory_space<vmem>>, vector<1x16xf32>,
      %get3A_3348 = vector.shape_cast %get3A_3347 : vector<1x16xf32> to vector<16xf32>
      %add3A_3349 = arith.addf %add3A_3325, %get3A_3348 : vector<16xf32>
      %get3A_3350 = arith.constant 31 : i32
      %get3A_3351 = arith.index_cast %get3A_3350 : i32 to index
      %get3A_3352 = arith.constant 0 : index
      %get3A_3353 = tpu.vector_load %arg13[%get3A_3351, %get3A_3352] {strides = array<i32>} : memref<96x16xf32, #tpu.memory_space<vmem>>, vector<1x16xf32>,
      %get3A_3354 = vector.shape_cast %get3A_3353 : vector<1x16xf32> to vector<16xf32>
      %add3A_3355 = arith.addf %add3A_3331, %get3A_3354 : vector<16xf32>
      %get3A_3356 = arith.constant 32 : i32
      %get3A_3357 = arith.index_cast %get3A_3356 : i32 to index
      %get3A_3358 = arith.constant 0 : index
      %get3A_3359 = tpu.vector_load %arg13[%get3A_3357, %get3A_3358] {strides = array<i32>} : memref<96x16xf32, #tpu.memory_space<vmem>>, vector<1x16xf32>,
      %get3A_3360 = vector.shape_cast %get3A_3359 : vector<1x16xf32> to vector<16xf32>
      %add3A_3361 = arith.addf %add3A_3337, %get3A_3360 : vector<16xf32>
      %get3A_3362 = arith.constant 33 : i32
      %get3A_3363 = arith.index_cast %get3A_3362 : i32 to index
      %get3A_3364 = arith.constant 0 : index
      %get3A_3365 = tpu.vector_load %arg13[%get3A_3363, %get3A_3364] {strides = array<i32>} : memref<96x16xf32, #tpu.memory_space<vmem>>, vector<1x16xf32>,
      %get3A_3366 = vector.shape_cast %get3A_3365 : vector<1x16xf32> to vector<16xf32>
      %add3A_3367 = arith.addf %add3A_3343, %get3A_3366 : vector<16xf32>
      %get3A_3368 = arith.constant 34 : i32
      %get3A_3369 = arith.index_cast %get3A_3368 : i32 to index
      %get3A_3370 = arith.constant 0 : index
      %get3A_3371 = tpu.vector_load %arg13[%get3A_3369, %get3A_3370] {strides = array<i32>} : memref<96x16xf32, #tpu.memory_space<vmem>>, vector<1x16xf32>,
      %get3A_3372 = vector.shape_cast %get3A_3371 : vector<1x16xf32> to vector<16xf32>
      %add3A_3373 = arith.addf %add3A_3349, %get3A_3372 : vector<16xf32>
      %get3A_3374 = arith.constant 35 : i32
      %get3A_3375 = arith.index_cast %get3A_3374 : i32 to index
      %get3A_3376 = arith.constant 0 : index
      %get3A_3377 = tpu.vector_load %arg13[%get3A_3375, %get3A_3376] {strides = array<i32>} : memref<96x16xf32, #tpu.memory_space<vmem>>, vector<1x16xf32>,
      %get3A_3378 = vector.shape_cast %get3A_3377 : vector<1x16xf32> to vector<16xf32>
      %add3A_3379 = arith.addf %add3A_3355, %get3A_3378 : vector<16xf32>
      %get3A_3380 = arith.constant 36 : i32
      %get3A_3381 = arith.index_cast %get3A_3380 : i32 to index
      %get3A_3382 = arith.constant 0 : index
      %get3A_3383 = tpu.vector_load %arg13[%get3A_3381, %get3A_3382] {strides = array<i32>} : memref<96x16xf32, #tpu.memory_space<vmem>>, vector<1x16xf32>,
      %get3A_3384 = vector.shape_cast %get3A_3383 : vector<1x16xf32> to vector<16xf32>
      %add3A_3385 = arith.addf %add3A_3361, %get3A_3384 : vector<16xf32>
      %get3A_3386 = arith.constant 37 : i32
      %get3A_3387 = arith.index_cast %get3A_3386 : i32 to index
      %get3A_3388 = arith.constant 0 : index
      %get3A_3389 = tpu.vector_load %arg13[%get3A_3387, %get3A_3388] {strides = array<i32>} : memref<96x16xf32, #tpu.memory_space<vmem>>, vector<1x16xf32>,
      %get3A_3390 = vector.shape_cast %get3A_3389 : vector<1x16xf32> to vector<16xf32>
      %add3A_3391 = arith.addf %add3A_3367, %get3A_3390 : vector<16xf32>
      %get3A_3392 = arith.constant 38 : i32
      %get3A_3393 = arith.index_cast %get3A_3392 : i32 to index
      %get3A_3394 = arith.constant 0 : index
      %get3A_3395 = tpu.vector_load %arg13[%get3A_3393, %get3A_3394] {strides = array<i32>} : memref<96x16xf32, #tpu.memory_space<vmem>>, vector<1x16xf32>,
      %get3A_3396 = vector.shape_cast %get3A_3395 : vector<1x16xf32> to vector<16xf32>
      %add3A_3397 = arith.addf %add3A_3373, %get3A_3396 : vector<16xf32>
      %get3A_3398 = arith.constant 39 : i32
      %get3A_3399 = arith.index_cast %get3A_3398 : i32 to index
      %get3A_3400 = arith.constant 0 : index
      %get3A_3401 = tpu.vector_load %arg13[%get3A_3399, %get3A_3400] {strides = array<i32>} : memref<96x16xf32, #tpu.memory_space<vmem>>, vector<1x16xf32>,
      %get3A_3402 = vector.shape_cast %get3A_3401 : vector<1x16xf32> to vector<16xf32>
      %add3A_3403 = arith.addf %add3A_3379, %get3A_3402 : vector<16xf32>
      %get3A_3404 = arith.constant 40 : i32
      %get3A_3405 = arith.index_cast %get3A_3404 : i32 to index
      %get3A_3406 = arith.constant 0 : index
      %get3A_3407 = tpu.vector_load %arg13[%get3A_3405, %get3A_3406] {strides = array<i32>} : memref<96x16xf32, #tpu.memory_space<vmem>>, vector<1x16xf32>,
      %get3A_3408 = vector.shape_cast %get3A_3407 : vector<1x16xf32> to vector<16xf32>
      %add3A_3409 = arith.addf %add3A_3385, %get3A_3408 : vector<16xf32>
      %get3A_3410 = arith.constant 41 : i32
      %get3A_3411 = arith.index_cast %get3A_3410 : i32 to index
      %get3A_3412 = arith.constant 0 : index
      %get3A_3413 = tpu.vector_load %arg13[%get3A_3411, %get3A_3412] {strides = array<i32>} : memref<96x16xf32, #tpu.memory_space<vmem>>, vector<1x16xf32>,
      %get3A_3414 = vector.shape_cast %get3A_3413 : vector<1x16xf32> to vector<16xf32>
      %add3A_3415 = arith.addf %add3A_3391, %get3A_3414 : vector<16xf32>
      %get3A_3416 = arith.constant 42 : i32
      %get3A_3417 = arith.index_cast %get3A_3416 : i32 to index
      %get3A_3418 = arith.constant 0 : index
      %get3A_3419 = tpu.vector_load %arg13[%get3A_3417, %get3A_3418] {strides = array<i32>} : memref<96x16xf32, #tpu.memory_space<vmem>>, vector<1x16xf32>,
      %get3A_3420 = vector.shape_cast %get3A_3419 : vector<1x16xf32> to vector<16xf32>
      %add3A_3421 = arith.addf %add3A_3397, %get3A_3420 : vector<16xf32>
      %get3A_3422 = arith.constant 43 : i32
      %get3A_3423 = arith.index_cast %get3A_3422 : i32 to index
      %get3A_3424 = arith.constant 0 : index
      %get3A_3425 = tpu.vector_load %arg13[%get3A_3423, %get3A_3424] {strides = array<i32>} : memref<96x16xf32, #tpu.memory_space<vmem>>, vector<1x16xf32>,
      %get3A_3426 = vector.shape_cast %get3A_3425 : vector<1x16xf32> to vector<16xf32>
      %add3A_3427 = arith.addf %add3A_3403, %get3A_3426 : vector<16xf32>
      %get3A_3428 = arith.constant 44 : i32
      %get3A_3429 = arith.index_cast %get3A_3428 : i32 to index
      %get3A_3430 = arith.constant 0 : index
      %get3A_3431 = tpu.vector_load %arg13[%get3A_3429, %get3A_3430] {strides = array<i32>} : memref<96x16xf32, #tpu.memory_space<vmem>>, vector<1x16xf32>,
      %get3A_3432 = vector.shape_cast %get3A_3431 : vector<1x16xf32> to vector<16xf32>
      %add3A_3433 = arith.addf %add3A_3409, %get3A_3432 : vector<16xf32>
      %get3A_3434 = arith.constant 45 : i32
      %get3A_3435 = arith.index_cast %get3A_3434 : i32 to index
      %get3A_3436 = arith.constant 0 : index
      %get3A_3437 = tpu.vector_load %arg13[%get3A_3435, %get3A_3436] {strides = array<i32>} : memref<96x16xf32, #tpu.memory_space<vmem>>, vector<1x16xf32>,
      %get3A_3438 = vector.shape_cast %get3A_3437 : vector<1x16xf32> to vector<16xf32>
      %add3A_3439 = arith.addf %add3A_3415, %get3A_3438 : vector<16xf32>
      %get3A_3440 = arith.constant 46 : i32
      %get3A_3441 = arith.index_cast %get3A_3440 : i32 to index
      %get3A_3442 = arith.constant 0 : index
      %get3A_3443 = tpu.vector_load %arg13[%get3A_3441, %get3A_3442] {strides = array<i32>} : memref<96x16xf32, #tpu.memory_space<vmem>>, vector<1x16xf32>,
      %get3A_3444 = vector.shape_cast %get3A_3443 : vector<1x16xf32> to vector<16xf32>
      %add3A_3445 = arith.addf %add3A_3421, %get3A_3444 : vector<16xf32>
      %get3A_3446 = arith.constant 47 : i32
      %get3A_3447 = arith.index_cast %get3A_3446 : i32 to index
      %get3A_3448 = arith.constant 0 : index
      %get3A_3449 = tpu.vector_load %arg13[%get3A_3447, %get3A_3448] {strides = array<i32>} : memref<96x16xf32, #tpu.memory_space<vmem>>, vector<1x16xf32>,
      %get3A_3450 = vector.shape_cast %get3A_3449 : vector<1x16xf32> to vector<16xf32>
      %add3A_3451 = arith.addf %add3A_3427, %get3A_3450 : vector<16xf32>
      %get3A_3452 = arith.constant 48 : i32
      %get3A_3453 = arith.index_cast %get3A_3452 : i32 to index
      %get3A_3454 = arith.constant 0 : index
      %get3A_3455 = tpu.vector_load %arg13[%get3A_3453, %get3A_3454] {strides = array<i32>} : memref<96x16xf32, #tpu.memory_space<vmem>>, vector<1x16xf32>,
      %get3A_3456 = vector.shape_cast %get3A_3455 : vector<1x16xf32> to vector<16xf32>
      %add3A_3457 = arith.addf %add3A_3433, %get3A_3456 : vector<16xf32>
      %get3A_3458 = arith.constant 49 : i32
      %get3A_3459 = arith.index_cast %get3A_3458 : i32 to index
      %get3A_3460 = arith.constant 0 : index
      %get3A_3461 = tpu.vector_load %arg13[%get3A_3459, %get3A_3460] {strides = array<i32>} : memref<96x16xf32, #tpu.memory_space<vmem>>, vector<1x16xf32>,
      %get3A_3462 = vector.shape_cast %get3A_3461 : vector<1x16xf32> to vector<16xf32>
      %add3A_3463 = arith.addf %add3A_3439, %get3A_3462 : vector<16xf32>
      %get3A_3464 = arith.constant 50 : i32
      %get3A_3465 = arith.index_cast %get3A_3464 : i32 to index
      %get3A_3466 = arith.constant 0 : index
      %get3A_3467 = tpu.vector_load %arg13[%get3A_3465, %get3A_3466] {strides = array<i32>} : memref<96x16xf32, #tpu.memory_space<vmem>>, vector<1x16xf32>,
      %get3A_3468 = vector.shape_cast %get3A_3467 : vector<1x16xf32> to vector<16xf32>
      %add3A_3469 = arith.addf %add3A_3445, %get3A_3468 : vector<16xf32>
      %get3A_3470 = arith.constant 51 : i32
      %get3A_3471 = arith.index_cast %get3A_3470 : i32 to index
      %get3A_3472 = arith.constant 0 : index
      %get3A_3473 = tpu.vector_load %arg13[%get3A_3471, %get3A_3472] {strides = array<i32>} : memref<96x16xf32, #tpu.memory_space<vmem>>, vector<1x16xf32>,
      %get3A_3474 = vector.shape_cast %get3A_3473 : vector<1x16xf32> to vector<16xf32>
      %add3A_3475 = arith.addf %add3A_3451, %get3A_3474 : vector<16xf32>
      %get3A_3476 = arith.constant 52 : i32
      %get3A_3477 = arith.index_cast %get3A_3476 : i32 to index
      %get3A_3478 = arith.constant 0 : index
      %get3A_3479 = tpu.vector_load %arg13[%get3A_3477, %get3A_3478] {strides = array<i32>} : memref<96x16xf32, #tpu.memory_space<vmem>>, vector<1x16xf32>,
      %get3A_3480 = vector.shape_cast %get3A_3479 : vector<1x16xf32> to vector<16xf32>
      %add3A_3481 = arith.addf %add3A_3457, %get3A_3480 : vector<16xf32>
      %get3A_3482 = arith.constant 53 : i32
      %get3A_3483 = arith.index_cast %get3A_3482 : i32 to index
      %get3A_3484 = arith.constant 0 : index
      %get3A_3485 = tpu.vector_load %arg13[%get3A_3483, %get3A_3484] {strides = array<i32>} : memref<96x16xf32, #tpu.memory_space<vmem>>, vector<1x16xf32>,
      %get3A_3486 = vector.shape_cast %get3A_3485 : vector<1x16xf32> to vector<16xf32>
      %add3A_3487 = arith.addf %add3A_3463, %get3A_3486 : vector<16xf32>
      %get3A_3488 = arith.constant 54 : i32
      %get3A_3489 = arith.index_cast %get3A_3488 : i32 to index
      %get3A_3490 = arith.constant 0 : index
      %get3A_3491 = tpu.vector_load %arg13[%get3A_3489, %get3A_3490] {strides = array<i32>} : memref<96x16xf32, #tpu.memory_space<vmem>>, vector<1x16xf32>,
      %get3A_3492 = vector.shape_cast %get3A_3491 : vector<1x16xf32> to vector<16xf32>
      %add3A_3493 = arith.addf %add3A_3469, %get3A_3492 : vector<16xf32>
      %get3A_3494 = arith.constant 55 : i32
      %get3A_3495 = arith.index_cast %get3A_3494 : i32 to index
      %get3A_3496 = arith.constant 0 : index
      %get3A_3497 = tpu.vector_load %arg13[%get3A_3495, %get3A_3496] {strides = array<i32>} : memref<96x16xf32, #tpu.memory_space<vmem>>, vector<1x16xf32>,
      %get3A_3498 = vector.shape_cast %get3A_3497 : vector<1x16xf32> to vector<16xf32>
      %add3A_3499 = arith.addf %add3A_3475, %get3A_3498 : vector<16xf32>
      %get3A_3500 = arith.constant 56 : i32
      %get3A_3501 = arith.index_cast %get3A_3500 : i32 to index
      %get3A_3502 = arith.constant 0 : index
      %get3A_3503 = tpu.vector_load %arg13[%get3A_3501, %get3A_3502] {strides = array<i32>} : memref<96x16xf32, #tpu.memory_space<vmem>>, vector<1x16xf32>,
      %get3A_3504 = vector.shape_cast %get3A_3503 : vector<1x16xf32> to vector<16xf32>
      %add3A_3505 = arith.addf %add3A_3481, %get3A_3504 : vector<16xf32>
      %get3A_3506 = arith.constant 57 : i32
      %get3A_3507 = arith.index_cast %get3A_3506 : i32 to index
      %get3A_3508 = arith.constant 0 : index
      %get3A_3509 = tpu.vector_load %arg13[%get3A_3507, %get3A_3508] {strides = array<i32>} : memref<96x16xf32, #tpu.memory_space<vmem>>, vector<1x16xf32>,
      %get3A_3510 = vector.shape_cast %get3A_3509 : vector<1x16xf32> to vector<16xf32>
      %add3A_3511 = arith.addf %add3A_3487, %get3A_3510 : vector<16xf32>
      %get3A_3512 = arith.constant 58 : i32
      %get3A_3513 = arith.index_cast %get3A_3512 : i32 to index
      %get3A_3514 = arith.constant 0 : index
      %get3A_3515 = tpu.vector_load %arg13[%get3A_3513, %get3A_3514] {strides = array<i32>} : memref<96x16xf32, #tpu.memory_space<vmem>>, vector<1x16xf32>,
      %get3A_3516 = vector.shape_cast %get3A_3515 : vector<1x16xf32> to vector<16xf32>
      %add3A_3517 = arith.addf %add3A_3493, %get3A_3516 : vector<16xf32>
      %get3A_3518 = arith.constant 59 : i32
      %get3A_3519 = arith.index_cast %get3A_3518 : i32 to index
      %get3A_3520 = arith.constant 0 : index
      %get3A_3521 = tpu.vector_load %arg13[%get3A_3519, %get3A_3520] {strides = array<i32>} : memref<96x16xf32, #tpu.memory_space<vmem>>, vector<1x16xf32>,
      %get3A_3522 = vector.shape_cast %get3A_3521 : vector<1x16xf32> to vector<16xf32>
      %add3A_3523 = arith.addf %add3A_3499, %get3A_3522 : vector<16xf32>
      %get3A_3524 = arith.constant 60 : i32
      %get3A_3525 = arith.index_cast %get3A_3524 : i32 to index
      %get3A_3526 = arith.constant 0 : index
      %get3A_3527 = tpu.vector_load %arg13[%get3A_3525, %get3A_3526] {strides = array<i32>} : memref<96x16xf32, #tpu.memory_space<vmem>>, vector<1x16xf32>,
      %get3A_3528 = vector.shape_cast %get3A_3527 : vector<1x16xf32> to vector<16xf32>
      %add3A_3529 = arith.addf %add3A_3505, %get3A_3528 : vector<16xf32>
      %get3A_3530 = arith.constant 61 : i32
      %get3A_3531 = arith.index_cast %get3A_3530 : i32 to index
      %get3A_3532 = arith.constant 0 : index
      %get3A_3533 = tpu.vector_load %arg13[%get3A_3531, %get3A_3532] {strides = array<i32>} : memref<96x16xf32, #tpu.memory_space<vmem>>, vector<1x16xf32>,
      %get3A_3534 = vector.shape_cast %get3A_3533 : vector<1x16xf32> to vector<16xf32>
      %add3A_3535 = arith.addf %add3A_3511, %get3A_3534 : vector<16xf32>
      %get3A_3536 = arith.constant 62 : i32
      %get3A_3537 = arith.index_cast %get3A_3536 : i32 to index
      %get3A_3538 = arith.constant 0 : index
      %get3A_3539 = tpu.vector_load %arg13[%get3A_3537, %get3A_3538] {strides = array<i32>} : memref<96x16xf32, #tpu.memory_space<vmem>>, vector<1x16xf32>,
      %get3A_3540 = vector.shape_cast %get3A_3539 : vector<1x16xf32> to vector<16xf32>
      %add3A_3541 = arith.addf %add3A_3517, %get3A_3540 : vector<16xf32>
      %get3A_3542 = arith.constant 63 : i32
      %get3A_3543 = arith.index_cast %get3A_3542 : i32 to index
      %get3A_3544 = arith.constant 0 : index
      %get3A_3545 = tpu.vector_load %arg13[%get3A_3543, %get3A_3544] {strides = array<i32>} : memref<96x16xf32, #tpu.memory_space<vmem>>, vector<1x16xf32>,
      %get3A_3546 = vector.shape_cast %get3A_3545 : vector<1x16xf32> to vector<16xf32>
      %add3A_3547 = arith.addf %add3A_3523, %get3A_3546 : vector<16xf32>
      %get3A_3548 = arith.constant 64 : i32
      %get3A_3549 = arith.index_cast %get3A_3548 : i32 to index
      %get3A_3550 = arith.constant 0 : index
      %get3A_3551 = tpu.vector_load %arg13[%get3A_3549, %get3A_3550] {strides = array<i32>} : memref<96x16xf32, #tpu.memory_space<vmem>>, vector<1x16xf32>,
      %get3A_3552 = vector.shape_cast %get3A_3551 : vector<1x16xf32> to vector<16xf32>
      %add3A_3553 = arith.addf %add3A_3529, %get3A_3552 : vector<16xf32>
      %get3A_3554 = arith.constant 65 : i32
      %get3A_3555 = arith.index_cast %get3A_3554 : i32 to index
      %get3A_3556 = arith.constant 0 : index
      %get3A_3557 = tpu.vector_load %arg13[%get3A_3555, %get3A_3556] {strides = array<i32>} : memref<96x16xf32, #tpu.memory_space<vmem>>, vector<1x16xf32>,
      %get3A_3558 = vector.shape_cast %get3A_3557 : vector<1x16xf32> to vector<16xf32>
      %add3A_3559 = arith.addf %add3A_3535, %get3A_3558 : vector<16xf32>
      %get3A_3560 = arith.constant 66 : i32
      %get3A_3561 = arith.index_cast %get3A_3560 : i32 to index
      %get3A_3562 = arith.constant 0 : index
      %get3A_3563 = tpu.vector_load %arg13[%get3A_3561, %get3A_3562] {strides = array<i32>} : memref<96x16xf32, #tpu.memory_space<vmem>>, vector<1x16xf32>,
      %get3A_3564 = vector.shape_cast %get3A_3563 : vector<1x16xf32> to vector<16xf32>
      %add3A_3565 = arith.addf %add3A_3541, %get3A_3564 : vector<16xf32>
      %get3A_3566 = arith.constant 67 : i32
      %get3A_3567 = arith.index_cast %get3A_3566 : i32 to index
      %get3A_3568 = arith.constant 0 : index
      %get3A_3569 = tpu.vector_load %arg13[%get3A_3567, %get3A_3568] {strides = array<i32>} : memref<96x16xf32, #tpu.memory_space<vmem>>, vector<1x16xf32>,
      %get3A_3570 = vector.shape_cast %get3A_3569 : vector<1x16xf32> to vector<16xf32>
      %add3A_3571 = arith.addf %add3A_3547, %get3A_3570 : vector<16xf32>
      %get3A_3572 = arith.constant 68 : i32
      %get3A_3573 = arith.index_cast %get3A_3572 : i32 to index
      %get3A_3574 = arith.constant 0 : index
      %get3A_3575 = tpu.vector_load %arg13[%get3A_3573, %get3A_3574] {strides = array<i32>} : memref<96x16xf32, #tpu.memory_space<vmem>>, vector<1x16xf32>,
      %get3A_3576 = vector.shape_cast %get3A_3575 : vector<1x16xf32> to vector<16xf32>
      %add3A_3577 = arith.addf %add3A_3553, %get3A_3576 : vector<16xf32>
      %get3A_3578 = arith.constant 69 : i32
      %get3A_3579 = arith.index_cast %get3A_3578 : i32 to index
      %get3A_3580 = arith.constant 0 : index
      %get3A_3581 = tpu.vector_load %arg13[%get3A_3579, %get3A_3580] {strides = array<i32>} : memref<96x16xf32, #tpu.memory_space<vmem>>, vector<1x16xf32>,
      %get3A_3582 = vector.shape_cast %get3A_3581 : vector<1x16xf32> to vector<16xf32>
      %add3A_3583 = arith.addf %add3A_3559, %get3A_3582 : vector<16xf32>
      %get3A_3584 = arith.constant 70 : i32
      %get3A_3585 = arith.index_cast %get3A_3584 : i32 to index
      %get3A_3586 = arith.constant 0 : index
      %get3A_3587 = tpu.vector_load %arg13[%get3A_3585, %get3A_3586] {strides = array<i32>} : memref<96x16xf32, #tpu.memory_space<vmem>>, vector<1x16xf32>,
      %get3A_3588 = vector.shape_cast %get3A_3587 : vector<1x16xf32> to vector<16xf32>
      %add3A_3589 = arith.addf %add3A_3565, %get3A_3588 : vector<16xf32>
      %get3A_3590 = arith.constant 71 : i32
      %get3A_3591 = arith.index_cast %get3A_3590 : i32 to index
      %get3A_3592 = arith.constant 0 : index
      %get3A_3593 = tpu.vector_load %arg13[%get3A_3591, %get3A_3592] {strides = array<i32>} : memref<96x16xf32, #tpu.memory_space<vmem>>, vector<1x16xf32>,
      %get3A_3594 = vector.shape_cast %get3A_3593 : vector<1x16xf32> to vector<16xf32>
      %add3A_3595 = arith.addf %add3A_3571, %get3A_3594 : vector<16xf32>
      %get3A_3596 = arith.constant 72 : i32
      %get3A_3597 = arith.index_cast %get3A_3596 : i32 to index
      %get3A_3598 = arith.constant 0 : index
      %get3A_3599 = tpu.vector_load %arg13[%get3A_3597, %get3A_3598] {strides = array<i32>} : memref<96x16xf32, #tpu.memory_space<vmem>>, vector<1x16xf32>,
      %get3A_3600 = vector.shape_cast %get3A_3599 : vector<1x16xf32> to vector<16xf32>
      %add3A_3601 = arith.addf %add3A_3577, %get3A_3600 : vector<16xf32>
      %get3A_3602 = arith.constant 73 : i32
      %get3A_3603 = arith.index_cast %get3A_3602 : i32 to index
      %get3A_3604 = arith.constant 0 : index
      %get3A_3605 = tpu.vector_load %arg13[%get3A_3603, %get3A_3604] {strides = array<i32>} : memref<96x16xf32, #tpu.memory_space<vmem>>, vector<1x16xf32>,
      %get3A_3606 = vector.shape_cast %get3A_3605 : vector<1x16xf32> to vector<16xf32>
      %add3A_3607 = arith.addf %add3A_3583, %get3A_3606 : vector<16xf32>
      %get3A_3608 = arith.constant 74 : i32
      %get3A_3609 = arith.index_cast %get3A_3608 : i32 to index
      %get3A_3610 = arith.constant 0 : index
      %get3A_3611 = tpu.vector_load %arg13[%get3A_3609, %get3A_3610] {strides = array<i32>} : memref<96x16xf32, #tpu.memory_space<vmem>>, vector<1x16xf32>,
      %get3A_3612 = vector.shape_cast %get3A_3611 : vector<1x16xf32> to vector<16xf32>
      %add3A_3613 = arith.addf %add3A_3589, %get3A_3612 : vector<16xf32>
      %get3A_3614 = arith.constant 75 : i32
      %get3A_3615 = arith.index_cast %get3A_3614 : i32 to index
      %get3A_3616 = arith.constant 0 : index
      %get3A_3617 = tpu.vector_load %arg13[%get3A_3615, %get3A_3616] {strides = array<i32>} : memref<96x16xf32, #tpu.memory_space<vmem>>, vector<1x16xf32>,
      %get3A_3618 = vector.shape_cast %get3A_3617 : vector<1x16xf32> to vector<16xf32>
      %add3A_3619 = arith.addf %add3A_3595, %get3A_3618 : vector<16xf32>
      %get3A_3620 = arith.constant 76 : i32
      %get3A_3621 = arith.index_cast %get3A_3620 : i32 to index
      %get3A_3622 = arith.constant 0 : index
      %get3A_3623 = tpu.vector_load %arg13[%get3A_3621, %get3A_3622] {strides = array<i32>} : memref<96x16xf32, #tpu.memory_space<vmem>>, vector<1x16xf32>,
      %get3A_3624 = vector.shape_cast %get3A_3623 : vector<1x16xf32> to vector<16xf32>
      %add3A_3625 = arith.addf %add3A_3601, %get3A_3624 : vector<16xf32>
      %get3A_3626 = arith.constant 77 : i32
      %get3A_3627 = arith.index_cast %get3A_3626 : i32 to index
      %get3A_3628 = arith.constant 0 : index
      %get3A_3629 = tpu.vector_load %arg13[%get3A_3627, %get3A_3628] {strides = array<i32>} : memref<96x16xf32, #tpu.memory_space<vmem>>, vector<1x16xf32>,
      %get3A_3630 = vector.shape_cast %get3A_3629 : vector<1x16xf32> to vector<16xf32>
      %add3A_3631 = arith.addf %add3A_3607, %get3A_3630 : vector<16xf32>
      %get3A_3632 = arith.constant 78 : i32
      %get3A_3633 = arith.index_cast %get3A_3632 : i32 to index
      %get3A_3634 = arith.constant 0 : index
      %get3A_3635 = tpu.vector_load %arg13[%get3A_3633, %get3A_3634] {strides = array<i32>} : memref<96x16xf32, #tpu.memory_space<vmem>>, vector<1x16xf32>,
      %get3A_3636 = vector.shape_cast %get3A_3635 : vector<1x16xf32> to vector<16xf32>
      %add3A_3637 = arith.addf %add3A_3613, %get3A_3636 : vector<16xf32>
      %get3A_3638 = arith.constant 79 : i32
      %get3A_3639 = arith.index_cast %get3A_3638 : i32 to index
      %get3A_3640 = arith.constant 0 : index
      %get3A_3641 = tpu.vector_load %arg13[%get3A_3639, %get3A_3640] {strides = array<i32>} : memref<96x16xf32, #tpu.memory_space<vmem>>, vector<1x16xf32>,
      %get3A_3642 = vector.shape_cast %get3A_3641 : vector<1x16xf32> to vector<16xf32>
      %add3A_3643 = arith.addf %add3A_3619, %get3A_3642 : vector<16xf32>
      %get3A_3644 = arith.constant 80 : i32
      %get3A_3645 = arith.index_cast %get3A_3644 : i32 to index
      %get3A_3646 = arith.constant 0 : index
      %get3A_3647 = tpu.vector_load %arg13[%get3A_3645, %get3A_3646] {strides = array<i32>} : memref<96x16xf32, #tpu.memory_space<vmem>>, vector<1x16xf32>,
      %get3A_3648 = vector.shape_cast %get3A_3647 : vector<1x16xf32> to vector<16xf32>
      %add3A_3649 = arith.addf %add3A_3625, %get3A_3648 : vector<16xf32>
      %get3A_3650 = arith.constant 81 : i32
      %get3A_3651 = arith.index_cast %get3A_3650 : i32 to index
      %get3A_3652 = arith.constant 0 : index
      %get3A_3653 = tpu.vector_load %arg13[%get3A_3651, %get3A_3652] {strides = array<i32>} : memref<96x16xf32, #tpu.memory_space<vmem>>, vector<1x16xf32>,
      %get3A_3654 = vector.shape_cast %get3A_3653 : vector<1x16xf32> to vector<16xf32>
      %add3A_3655 = arith.addf %add3A_3631, %get3A_3654 : vector<16xf32>
      %get3A_3656 = arith.constant 82 : i32
      %get3A_3657 = arith.index_cast %get3A_3656 : i32 to index
      %get3A_3658 = arith.constant 0 : index
      %get3A_3659 = tpu.vector_load %arg13[%get3A_3657, %get3A_3658] {strides = array<i32>} : memref<96x16xf32, #tpu.memory_space<vmem>>, vector<1x16xf32>,
      %get3A_3660 = vector.shape_cast %get3A_3659 : vector<1x16xf32> to vector<16xf32>
      %add3A_3661 = arith.addf %add3A_3637, %get3A_3660 : vector<16xf32>
      %get3A_3662 = arith.constant 83 : i32
      %get3A_3663 = arith.index_cast %get3A_3662 : i32 to index
      %get3A_3664 = arith.constant 0 : index
      %get3A_3665 = tpu.vector_load %arg13[%get3A_3663, %get3A_3664] {strides = array<i32>} : memref<96x16xf32, #tpu.memory_space<vmem>>, vector<1x16xf32>,
      %get3A_3666 = vector.shape_cast %get3A_3665 : vector<1x16xf32> to vector<16xf32>
      %add3A_3667 = arith.addf %add3A_3643, %get3A_3666 : vector<16xf32>
      %get3A_3668 = arith.constant 84 : i32
      %get3A_3669 = arith.index_cast %get3A_3668 : i32 to index
      %get3A_3670 = arith.constant 0 : index
      %get3A_3671 = tpu.vector_load %arg13[%get3A_3669, %get3A_3670] {strides = array<i32>} : memref<96x16xf32, #tpu.memory_space<vmem>>, vector<1x16xf32>,
      %get3A_3672 = vector.shape_cast %get3A_3671 : vector<1x16xf32> to vector<16xf32>
      %add3A_3673 = arith.addf %add3A_3649, %get3A_3672 : vector<16xf32>
      %get3A_3674 = arith.constant 85 : i32
      %get3A_3675 = arith.index_cast %get3A_3674 : i32 to index
      %get3A_3676 = arith.constant 0 : index
      %get3A_3677 = tpu.vector_load %arg13[%get3A_3675, %get3A_3676] {strides = array<i32>} : memref<96x16xf32, #tpu.memory_space<vmem>>, vector<1x16xf32>,
      %get3A_3678 = vector.shape_cast %get3A_3677 : vector<1x16xf32> to vector<16xf32>
      %add3A_3679 = arith.addf %add3A_3655, %get3A_3678 : vector<16xf32>
      %get3A_3680 = arith.constant 86 : i32
      %get3A_3681 = arith.index_cast %get3A_3680 : i32 to index
      %get3A_3682 = arith.constant 0 : index
      %get3A_3683 = tpu.vector_load %arg13[%get3A_3681, %get3A_3682] {strides = array<i32>} : memref<96x16xf32, #tpu.memory_space<vmem>>, vector<1x16xf32>,
      %get3A_3684 = vector.shape_cast %get3A_3683 : vector<1x16xf32> to vector<16xf32>
      %add3A_3685 = arith.addf %add3A_3661, %get3A_3684 : vector<16xf32>
      %get3A_3686 = arith.constant 87 : i32
      %get3A_3687 = arith.index_cast %get3A_3686 : i32 to index
      %get3A_3688 = arith.constant 0 : index
      %get3A_3689 = tpu.vector_load %arg13[%get3A_3687, %get3A_3688] {strides = array<i32>} : memref<96x16xf32, #tpu.memory_space<vmem>>, vector<1x16xf32>,
      %get3A_3690 = vector.shape_cast %get3A_3689 : vector<1x16xf32> to vector<16xf32>
      %add3A_3691 = arith.addf %add3A_3667, %get3A_3690 : vector<16xf32>
      %get3A_3692 = arith.constant 88 : i32
      %get3A_3693 = arith.index_cast %get3A_3692 : i32 to index
      %get3A_3694 = arith.constant 0 : index
      %get3A_3695 = tpu.vector_load %arg13[%get3A_3693, %get3A_3694] {strides = array<i32>} : memref<96x16xf32, #tpu.memory_space<vmem>>, vector<1x16xf32>,
      %get3A_3696 = vector.shape_cast %get3A_3695 : vector<1x16xf32> to vector<16xf32>
      %add3A_3697 = arith.addf %add3A_3673, %get3A_3696 : vector<16xf32>
      %get3A_3698 = arith.constant 89 : i32
      %get3A_3699 = arith.index_cast %get3A_3698 : i32 to index
      %get3A_3700 = arith.constant 0 : index
      %get3A_3701 = tpu.vector_load %arg13[%get3A_3699, %get3A_3700] {strides = array<i32>} : memref<96x16xf32, #tpu.memory_space<vmem>>, vector<1x16xf32>,
      %get3A_3702 = vector.shape_cast %get3A_3701 : vector<1x16xf32> to vector<16xf32>
      %add3A_3703 = arith.addf %add3A_3679, %get3A_3702 : vector<16xf32>
      %get3A_3704 = arith.constant 90 : i32
      %get3A_3705 = arith.index_cast %get3A_3704 : i32 to index
      %get3A_3706 = arith.constant 0 : index
      %get3A_3707 = tpu.vector_load %arg13[%get3A_3705, %get3A_3706] {strides = array<i32>} : memref<96x16xf32, #tpu.memory_space<vmem>>, vector<1x16xf32>,
      %get3A_3708 = vector.shape_cast %get3A_3707 : vector<1x16xf32> to vector<16xf32>
      %add3A_3709 = arith.addf %add3A_3685, %get3A_3708 : vector<16xf32>
      %get3A_3710 = arith.constant 91 : i32
      %get3A_3711 = arith.index_cast %get3A_3710 : i32 to index
      %get3A_3712 = arith.constant 0 : index
      %get3A_3713 = tpu.vector_load %arg13[%get3A_3711, %get3A_3712] {strides = array<i32>} : memref<96x16xf32, #tpu.memory_space<vmem>>, vector<1x16xf32>,
      %get3A_3714 = vector.shape_cast %get3A_3713 : vector<1x16xf32> to vector<16xf32>
      %add3A_3715 = arith.addf %add3A_3691, %get3A_3714 : vector<16xf32>
      %get3A_3716 = arith.constant 92 : i32
      %get3A_3717 = arith.index_cast %get3A_3716 : i32 to index
      %get3A_3718 = arith.constant 0 : index
      %get3A_3719 = tpu.vector_load %arg13[%get3A_3717, %get3A_3718] {strides = array<i32>} : memref<96x16xf32, #tpu.memory_space<vmem>>, vector<1x16xf32>,
      %get3A_3720 = vector.shape_cast %get3A_3719 : vector<1x16xf32> to vector<16xf32>
      %add3A_3721 = arith.addf %add3A_3697, %get3A_3720 : vector<16xf32>
      %get3A_3722 = arith.constant 93 : i32
      %get3A_3723 = arith.index_cast %get3A_3722 : i32 to index
      %get3A_3724 = arith.constant 0 : index
      %get3A_3725 = tpu.vector_load %arg13[%get3A_3723, %get3A_3724] {strides = array<i32>} : memref<96x16xf32, #tpu.memory_space<vmem>>, vector<1x16xf32>,
      %get3A_3726 = vector.shape_cast %get3A_3725 : vector<1x16xf32> to vector<16xf32>
      %add3A_3727 = arith.addf %add3A_3703, %get3A_3726 : vector<16xf32>
      %get3A_3728 = arith.constant 94 : i32
      %get3A_3729 = arith.index_cast %get3A_3728 : i32 to index
      %get3A_3730 = arith.constant 0 : index
      %get3A_3731 = tpu.vector_load %arg13[%get3A_3729, %get3A_3730] {strides = array<i32>} : memref<96x16xf32, #tpu.memory_space<vmem>>, vector<1x16xf32>,
      %get3A_3732 = vector.shape_cast %get3A_3731 : vector<1x16xf32> to vector<16xf32>
      %add3A_3733 = arith.addf %add3A_3709, %get3A_3732 : vector<16xf32>
      %get3A_3734 = arith.constant 95 : i32
      %get3A_3735 = arith.index_cast %get3A_3734 : i32 to index
      %get3A_3736 = arith.constant 0 : index
      %get3A_3737 = tpu.vector_load %arg13[%get3A_3735, %get3A_3736] {strides = array<i32>} : memref<96x16xf32, #tpu.memory_space<vmem>>, vector<1x16xf32>,
      %get3A_3738 = vector.shape_cast %get3A_3737 : vector<1x16xf32> to vector<16xf32>
      %add3A_3739 = arith.addf %add3A_3715, %get3A_3738 : vector<16xf32>
      %add3A_3740 = arith.addf %add3A_3721, %add3A_3727 : vector<16xf32>
      %add3A_3741 = arith.addf %add3A_3733, %add3A_3739 : vector<16xf32>
      %add3A_3742 = arith.addf %add3A_3740, %add3A_3741 : vector<16xf32>
      %add3A_3743 = arith.constant 4 : i32
      %add3A_3744 = arith.addi %add3A_2529, %add3A_3743 : i32
      %lt3A_3745 = arith.constant 128 : i32
      %lt3A_3746 = arith.cmpi slt, %add3A_3744, %lt3A_3745 : i32
      %convert_element_type3A_3747 = arith.extui %lt3A_3746 : i1 to i32
      %cond3A_3748 = arith.constant 0 : i32
      %cond3A_3749 = arith.cmpi ne, %convert_element_type3A_3747, %cond3A_3748 : i32
      scf.if %cond3A_3749 {
        %add3A_4990 = arith.constant 4 : i32
        %add3A_4991 = arith.addi %add3A_2529, %add3A_4990 : i32
        %mul3A_4992 = arith.constant 200 : i32
        %mul3A_4993 = arith.muli %add3A_4991, %mul3A_4992 : i32
        %multiple_of3A_4994 = tpu.assume_multiple %mul3A_4993, 8 : i32
        %dma_start3A_4995 = tpu.memref_slice %arg6[%multiple_of3A_4994] : memref<25600xi32, #tpu.memory_space<vmem>> -> memref<104xi32, #tpu.memory_space<vmem>>
        %dma_start3A_4996 = arith.constant 0 : i32
        %dma_start3A_4997 = arith.constant 0 : i32
        %dma_start3A_4998 = tpu.memref_slice %arg3[%dma_start3A_4996, %dma_start3A_4997] : memref<1048576x16xf32, #tpu.memory_space<hbm>> -> memref<1048576x16xf32, #tpu.memory_space<hbm>>
        tpu.enqueue_indirect_dma source(%dma_start3A_4998 : memref<1048576x16xf32, #tpu.memory_space<hbm>>) target(%arg9 : memref<104x16xf32, #tpu.memory_space<vmem>>) offsets(%dma_start3A_4995 : memref<104xi32, #tpu.memory_space<vmem>>) semaphore(%arg19 : memref<!tpu.dma_semaphore, #tpu.memory_space<semaphore_mem>>)
        %mul3A_4999 = arith.constant 200 : i32
        %mul3A_5000 = arith.muli %add3A_4991, %mul3A_4999 : i32
        %add3A_5001 = arith.constant 104 : i32
        %add3A_5002 = arith.addi %mul3A_5000, %add3A_5001 : i32
        %multiple_of3A_5003 = tpu.assume_multiple %add3A_5002, 8 : i32
        %dma_start3A_5004 = tpu.memref_slice %arg6[%multiple_of3A_5003] : memref<25600xi32, #tpu.memory_space<vmem>> -> memref<96xi32, #tpu.memory_space<vmem>>
        %dma_start3A_5005 = arith.constant 0 : i32
        %dma_start3A_5006 = arith.constant 0 : i32
        %dma_start3A_5007 = tpu.memref_slice %arg3[%dma_start3A_5005, %dma_start3A_5006] : memref<1048576x16xf32, #tpu.memory_space<hbm>> -> memref<1048576x16xf32, #tpu.memory_space<hbm>>
        tpu.enqueue_indirect_dma source(%dma_start3A_5007 : memref<1048576x16xf32, #tpu.memory_space<hbm>>) target(%arg13 : memref<96x16xf32, #tpu.memory_space<vmem>>) offsets(%dma_start3A_5004 : memref<96xi32, #tpu.memory_space<vmem>>) semaphore(%arg23 : memref<!tpu.dma_semaphore, #tpu.memory_space<semaphore_mem>>)
      } else {
      }
      %mul3A_3750 = vector.broadcast %scan3A_60 : f32 to vector<16xf32>
      %mul3A_3751 = arith.mulf %add3A_3742, %mul3A_3750 : vector<16xf32>
      %add3A_3752 = arith.addf %get3A_57, %mul3A_3751 : vector<16xf32>
      %swap3A_3753 = arith.index_cast %add3A_2529 : i32 to index
      %swap3A_3754 = arith.constant 0 : index
      %swap3A_3755 = tpu.vector_load %arg16[%swap3A_3753, %swap3A_3754] {strides = array<i32>} : memref<128x16xf32, #tpu.memory_space<vmem>>, vector<1x16xf32>,
      %swap3A_3756 = vector.shape_cast %swap3A_3755 : vector<1x16xf32> to vector<16xf32>
      %swap3A_3757 = vector.shape_cast %add3A_3752 : vector<16xf32> to vector<1x16xf32>
      tpu.vector_store %arg16[%swap3A_3753, %swap3A_3754], %swap3A_3757 {strides = array<i32>} : memref<128x16xf32, #tpu.memory_space<vmem>>, vector<1x16xf32>,
      %mul3A_3758 = arith.constant 4 : i32
      %mul3A_3759 = arith.muli %scan3A_66, %mul3A_3758 : i32
      %add3A_3760 = arith.constant 3 : i32
      %add3A_3761 = arith.addi %mul3A_3759, %add3A_3760 : i32
      %dma_wait3A_3762 = arith.constant 0 : i32
      %dma_wait3A_3763 = tpu.memref_slice %arg6[%dma_wait3A_3762] : memref<25600xi32, #tpu.memory_space<vmem>> -> memref<104xi32, #tpu.memory_space<vmem>>
      %dma_wait3A_3764 = arith.constant 0 : i32
      %dma_wait3A_3765 = arith.constant 0 : i32
      %dma_wait3A_3766 = tpu.memref_slice %arg3[%dma_wait3A_3764, %dma_wait3A_3765] : memref<1048576x16xf32, #tpu.memory_space<hbm>> -> memref<1048576x16xf32, #tpu.memory_space<hbm>>
      tpu.wait_indirect_dma semaphore(%arg20 : memref<!tpu.dma_semaphore, #tpu.memory_space<semaphore_mem>>) src(%dma_wait3A_3766 : memref<1048576x16xf32, #tpu.memory_space<hbm>>) dst(%arg10 : memref<104x16xf32, #tpu.memory_space<vmem>>)
      %dma_wait3A_3767 = arith.constant 0 : i32
      %dma_wait3A_3768 = tpu.memref_slice %arg6[%dma_wait3A_3767] : memref<25600xi32, #tpu.memory_space<vmem>> -> memref<96xi32, #tpu.memory_space<vmem>>
      %dma_wait3A_3769 = arith.constant 0 : i32
      %dma_wait3A_3770 = arith.constant 0 : i32
      %dma_wait3A_3771 = tpu.memref_slice %arg3[%dma_wait3A_3769, %dma_wait3A_3770] : memref<1048576x16xf32, #tpu.memory_space<hbm>> -> memref<1048576x16xf32, #tpu.memory_space<hbm>>
      tpu.wait_indirect_dma semaphore(%arg24 : memref<!tpu.dma_semaphore, #tpu.memory_space<semaphore_mem>>) src(%dma_wait3A_3771 : memref<1048576x16xf32, #tpu.memory_space<hbm>>) dst(%arg14 : memref<96x16xf32, #tpu.memory_space<vmem>>)
      %get3A_3772 = arith.constant 0 : i32
      %get3A_3773 = arith.index_cast %get3A_3772 : i32 to index
      %get3A_3774 = arith.constant 0 : index
      %get3A_3775 = tpu.vector_load %arg10[%get3A_3773, %get3A_3774] {strides = array<i32>} : memref<104x16xf32, #tpu.memory_space<vmem>>, vector<1x16xf32>,
      %get3A_3776 = vector.shape_cast %get3A_3775 : vector<1x16xf32> to vector<16xf32>
      %add3A_3777 = arith.addf %broadcast_in_dim3A_58, %get3A_3776 : vector<16xf32>
      %get3A_3778 = arith.constant 1 : i32
      %get3A_3779 = arith.index_cast %get3A_3778 : i32 to index
      %get3A_3780 = arith.constant 0 : index
      %get3A_3781 = tpu.vector_load %arg10[%get3A_3779, %get3A_3780] {strides = array<i32>} : memref<104x16xf32, #tpu.memory_space<vmem>>, vector<1x16xf32>,
      %get3A_3782 = vector.shape_cast %get3A_3781 : vector<1x16xf32> to vector<16xf32>
      %add3A_3783 = arith.addf %broadcast_in_dim3A_58, %get3A_3782 : vector<16xf32>
      %get3A_3784 = arith.constant 2 : i32
      %get3A_3785 = arith.index_cast %get3A_3784 : i32 to index
      %get3A_3786 = arith.constant 0 : index
      %get3A_3787 = tpu.vector_load %arg10[%get3A_3785, %get3A_3786] {strides = array<i32>} : memref<104x16xf32, #tpu.memory_space<vmem>>, vector<1x16xf32>,
      %get3A_3788 = vector.shape_cast %get3A_3787 : vector<1x16xf32> to vector<16xf32>
      %add3A_3789 = arith.addf %broadcast_in_dim3A_58, %get3A_3788 : vector<16xf32>
      %get3A_3790 = arith.constant 3 : i32
      %get3A_3791 = arith.index_cast %get3A_3790 : i32 to index
      %get3A_3792 = arith.constant 0 : index
      %get3A_3793 = tpu.vector_load %arg10[%get3A_3791, %get3A_3792] {strides = array<i32>} : memref<104x16xf32, #tpu.memory_space<vmem>>, vector<1x16xf32>,
      %get3A_3794 = vector.shape_cast %get3A_3793 : vector<1x16xf32> to vector<16xf32>
      %add3A_3795 = arith.addf %broadcast_in_dim3A_58, %get3A_3794 : vector<16xf32>
      %get3A_3796 = arith.constant 4 : i32
      %get3A_3797 = arith.index_cast %get3A_3796 : i32 to index
      %get3A_3798 = arith.constant 0 : index
      %get3A_3799 = tpu.vector_load %arg10[%get3A_3797, %get3A_3798] {strides = array<i32>} : memref<104x16xf32, #tpu.memory_space<vmem>>, vector<1x16xf32>,
      %get3A_3800 = vector.shape_cast %get3A_3799 : vector<1x16xf32> to vector<16xf32>
      %add3A_3801 = arith.addf %add3A_3777, %get3A_3800 : vector<16xf32>
      %get3A_3802 = arith.constant 5 : i32
      %get3A_3803 = arith.index_cast %get3A_3802 : i32 to index
      %get3A_3804 = arith.constant 0 : index
      %get3A_3805 = tpu.vector_load %arg10[%get3A_3803, %get3A_3804] {strides = array<i32>} : memref<104x16xf32, #tpu.memory_space<vmem>>, vector<1x16xf32>,
      %get3A_3806 = vector.shape_cast %get3A_3805 : vector<1x16xf32> to vector<16xf32>
      %add3A_3807 = arith.addf %add3A_3783, %get3A_3806 : vector<16xf32>
      %get3A_3808 = arith.constant 6 : i32
      %get3A_3809 = arith.index_cast %get3A_3808 : i32 to index
      %get3A_3810 = arith.constant 0 : index
      %get3A_3811 = tpu.vector_load %arg10[%get3A_3809, %get3A_3810] {strides = array<i32>} : memref<104x16xf32, #tpu.memory_space<vmem>>, vector<1x16xf32>,
      %get3A_3812 = vector.shape_cast %get3A_3811 : vector<1x16xf32> to vector<16xf32>
      %add3A_3813 = arith.addf %add3A_3789, %get3A_3812 : vector<16xf32>
      %get3A_3814 = arith.constant 7 : i32
      %get3A_3815 = arith.index_cast %get3A_3814 : i32 to index
      %get3A_3816 = arith.constant 0 : index
      %get3A_3817 = tpu.vector_load %arg10[%get3A_3815, %get3A_3816] {strides = array<i32>} : memref<104x16xf32, #tpu.memory_space<vmem>>, vector<1x16xf32>,
      %get3A_3818 = vector.shape_cast %get3A_3817 : vector<1x16xf32> to vector<16xf32>
      %add3A_3819 = arith.addf %add3A_3795, %get3A_3818 : vector<16xf32>
      %get3A_3820 = arith.constant 8 : i32
      %get3A_3821 = arith.index_cast %get3A_3820 : i32 to index
      %get3A_3822 = arith.constant 0 : index
      %get3A_3823 = tpu.vector_load %arg10[%get3A_3821, %get3A_3822] {strides = array<i32>} : memref<104x16xf32, #tpu.memory_space<vmem>>, vector<1x16xf32>,
      %get3A_3824 = vector.shape_cast %get3A_3823 : vector<1x16xf32> to vector<16xf32>
      %add3A_3825 = arith.addf %add3A_3801, %get3A_3824 : vector<16xf32>
      %get3A_3826 = arith.constant 9 : i32
      %get3A_3827 = arith.index_cast %get3A_3826 : i32 to index
      %get3A_3828 = arith.constant 0 : index
      %get3A_3829 = tpu.vector_load %arg10[%get3A_3827, %get3A_3828] {strides = array<i32>} : memref<104x16xf32, #tpu.memory_space<vmem>>, vector<1x16xf32>,
      %get3A_3830 = vector.shape_cast %get3A_3829 : vector<1x16xf32> to vector<16xf32>
      %add3A_3831 = arith.addf %add3A_3807, %get3A_3830 : vector<16xf32>
      %get3A_3832 = arith.constant 10 : i32
      %get3A_3833 = arith.index_cast %get3A_3832 : i32 to index
      %get3A_3834 = arith.constant 0 : index
      %get3A_3835 = tpu.vector_load %arg10[%get3A_3833, %get3A_3834] {strides = array<i32>} : memref<104x16xf32, #tpu.memory_space<vmem>>, vector<1x16xf32>,
      %get3A_3836 = vector.shape_cast %get3A_3835 : vector<1x16xf32> to vector<16xf32>
      %add3A_3837 = arith.addf %add3A_3813, %get3A_3836 : vector<16xf32>
      %get3A_3838 = arith.constant 11 : i32
      %get3A_3839 = arith.index_cast %get3A_3838 : i32 to index
      %get3A_3840 = arith.constant 0 : index
      %get3A_3841 = tpu.vector_load %arg10[%get3A_3839, %get3A_3840] {strides = array<i32>} : memref<104x16xf32, #tpu.memory_space<vmem>>, vector<1x16xf32>,
      %get3A_3842 = vector.shape_cast %get3A_3841 : vector<1x16xf32> to vector<16xf32>
      %add3A_3843 = arith.addf %add3A_3819, %get3A_3842 : vector<16xf32>
      %get3A_3844 = arith.constant 12 : i32
      %get3A_3845 = arith.index_cast %get3A_3844 : i32 to index
      %get3A_3846 = arith.constant 0 : index
      %get3A_3847 = tpu.vector_load %arg10[%get3A_3845, %get3A_3846] {strides = array<i32>} : memref<104x16xf32, #tpu.memory_space<vmem>>, vector<1x16xf32>,
      %get3A_3848 = vector.shape_cast %get3A_3847 : vector<1x16xf32> to vector<16xf32>
      %add3A_3849 = arith.addf %add3A_3825, %get3A_3848 : vector<16xf32>
      %get3A_3850 = arith.constant 13 : i32
      %get3A_3851 = arith.index_cast %get3A_3850 : i32 to index
      %get3A_3852 = arith.constant 0 : index
      %get3A_3853 = tpu.vector_load %arg10[%get3A_3851, %get3A_3852] {strides = array<i32>} : memref<104x16xf32, #tpu.memory_space<vmem>>, vector<1x16xf32>,
      %get3A_3854 = vector.shape_cast %get3A_3853 : vector<1x16xf32> to vector<16xf32>
      %add3A_3855 = arith.addf %add3A_3831, %get3A_3854 : vector<16xf32>
      %get3A_3856 = arith.constant 14 : i32
      %get3A_3857 = arith.index_cast %get3A_3856 : i32 to index
      %get3A_3858 = arith.constant 0 : index
      %get3A_3859 = tpu.vector_load %arg10[%get3A_3857, %get3A_3858] {strides = array<i32>} : memref<104x16xf32, #tpu.memory_space<vmem>>, vector<1x16xf32>,
      %get3A_3860 = vector.shape_cast %get3A_3859 : vector<1x16xf32> to vector<16xf32>
      %add3A_3861 = arith.addf %add3A_3837, %get3A_3860 : vector<16xf32>
      %get3A_3862 = arith.constant 15 : i32
      %get3A_3863 = arith.index_cast %get3A_3862 : i32 to index
      %get3A_3864 = arith.constant 0 : index
      %get3A_3865 = tpu.vector_load %arg10[%get3A_3863, %get3A_3864] {strides = array<i32>} : memref<104x16xf32, #tpu.memory_space<vmem>>, vector<1x16xf32>,
      %get3A_3866 = vector.shape_cast %get3A_3865 : vector<1x16xf32> to vector<16xf32>
      %add3A_3867 = arith.addf %add3A_3843, %get3A_3866 : vector<16xf32>
      %get3A_3868 = arith.constant 16 : i32
      %get3A_3869 = arith.index_cast %get3A_3868 : i32 to index
      %get3A_3870 = arith.constant 0 : index
      %get3A_3871 = tpu.vector_load %arg10[%get3A_3869, %get3A_3870] {strides = array<i32>} : memref<104x16xf32, #tpu.memory_space<vmem>>, vector<1x16xf32>,
      %get3A_3872 = vector.shape_cast %get3A_3871 : vector<1x16xf32> to vector<16xf32>
      %add3A_3873 = arith.addf %add3A_3849, %get3A_3872 : vector<16xf32>
      %get3A_3874 = arith.constant 17 : i32
      %get3A_3875 = arith.index_cast %get3A_3874 : i32 to index
      %get3A_3876 = arith.constant 0 : index
      %get3A_3877 = tpu.vector_load %arg10[%get3A_3875, %get3A_3876] {strides = array<i32>} : memref<104x16xf32, #tpu.memory_space<vmem>>, vector<1x16xf32>,
      %get3A_3878 = vector.shape_cast %get3A_3877 : vector<1x16xf32> to vector<16xf32>
      %add3A_3879 = arith.addf %add3A_3855, %get3A_3878 : vector<16xf32>
      %get3A_3880 = arith.constant 18 : i32
      %get3A_3881 = arith.index_cast %get3A_3880 : i32 to index
      %get3A_3882 = arith.constant 0 : index
      %get3A_3883 = tpu.vector_load %arg10[%get3A_3881, %get3A_3882] {strides = array<i32>} : memref<104x16xf32, #tpu.memory_space<vmem>>, vector<1x16xf32>,
      %get3A_3884 = vector.shape_cast %get3A_3883 : vector<1x16xf32> to vector<16xf32>
      %add3A_3885 = arith.addf %add3A_3861, %get3A_3884 : vector<16xf32>
      %get3A_3886 = arith.constant 19 : i32
      %get3A_3887 = arith.index_cast %get3A_3886 : i32 to index
      %get3A_3888 = arith.constant 0 : index
      %get3A_3889 = tpu.vector_load %arg10[%get3A_3887, %get3A_3888] {strides = array<i32>} : memref<104x16xf32, #tpu.memory_space<vmem>>, vector<1x16xf32>,
      %get3A_3890 = vector.shape_cast %get3A_3889 : vector<1x16xf32> to vector<16xf32>
      %add3A_3891 = arith.addf %add3A_3867, %get3A_3890 : vector<16xf32>
      %get3A_3892 = arith.constant 20 : i32
      %get3A_3893 = arith.index_cast %get3A_3892 : i32 to index
      %get3A_3894 = arith.constant 0 : index
      %get3A_3895 = tpu.vector_load %arg10[%get3A_3893, %get3A_3894] {strides = array<i32>} : memref<104x16xf32, #tpu.memory_space<vmem>>, vector<1x16xf32>,
      %get3A_3896 = vector.shape_cast %get3A_3895 : vector<1x16xf32> to vector<16xf32>
      %add3A_3897 = arith.addf %add3A_3873, %get3A_3896 : vector<16xf32>
      %get3A_3898 = arith.constant 21 : i32
      %get3A_3899 = arith.index_cast %get3A_3898 : i32 to index
      %get3A_3900 = arith.constant 0 : index
      %get3A_3901 = tpu.vector_load %arg10[%get3A_3899, %get3A_3900] {strides = array<i32>} : memref<104x16xf32, #tpu.memory_space<vmem>>, vector<1x16xf32>,
      %get3A_3902 = vector.shape_cast %get3A_3901 : vector<1x16xf32> to vector<16xf32>
      %add3A_3903 = arith.addf %add3A_3879, %get3A_3902 : vector<16xf32>
      %get3A_3904 = arith.constant 22 : i32
      %get3A_3905 = arith.index_cast %get3A_3904 : i32 to index
      %get3A_3906 = arith.constant 0 : index
      %get3A_3907 = tpu.vector_load %arg10[%get3A_3905, %get3A_3906] {strides = array<i32>} : memref<104x16xf32, #tpu.memory_space<vmem>>, vector<1x16xf32>,
      %get3A_3908 = vector.shape_cast %get3A_3907 : vector<1x16xf32> to vector<16xf32>
      %add3A_3909 = arith.addf %add3A_3885, %get3A_3908 : vector<16xf32>
      %get3A_3910 = arith.constant 23 : i32
      %get3A_3911 = arith.index_cast %get3A_3910 : i32 to index
      %get3A_3912 = arith.constant 0 : index
      %get3A_3913 = tpu.vector_load %arg10[%get3A_3911, %get3A_3912] {strides = array<i32>} : memref<104x16xf32, #tpu.memory_space<vmem>>, vector<1x16xf32>,
      %get3A_3914 = vector.shape_cast %get3A_3913 : vector<1x16xf32> to vector<16xf32>
      %add3A_3915 = arith.addf %add3A_3891, %get3A_3914 : vector<16xf32>
      %get3A_3916 = arith.constant 24 : i32
      %get3A_3917 = arith.index_cast %get3A_3916 : i32 to index
      %get3A_3918 = arith.constant 0 : index
      %get3A_3919 = tpu.vector_load %arg10[%get3A_3917, %get3A_3918] {strides = array<i32>} : memref<104x16xf32, #tpu.memory_space<vmem>>, vector<1x16xf32>,
      %get3A_3920 = vector.shape_cast %get3A_3919 : vector<1x16xf32> to vector<16xf32>
      %add3A_3921 = arith.addf %add3A_3897, %get3A_3920 : vector<16xf32>
      %get3A_3922 = arith.constant 25 : i32
      %get3A_3923 = arith.index_cast %get3A_3922 : i32 to index
      %get3A_3924 = arith.constant 0 : index
      %get3A_3925 = tpu.vector_load %arg10[%get3A_3923, %get3A_3924] {strides = array<i32>} : memref<104x16xf32, #tpu.memory_space<vmem>>, vector<1x16xf32>,
      %get3A_3926 = vector.shape_cast %get3A_3925 : vector<1x16xf32> to vector<16xf32>
      %add3A_3927 = arith.addf %add3A_3903, %get3A_3926 : vector<16xf32>
      %get3A_3928 = arith.constant 26 : i32
      %get3A_3929 = arith.index_cast %get3A_3928 : i32 to index
      %get3A_3930 = arith.constant 0 : index
      %get3A_3931 = tpu.vector_load %arg10[%get3A_3929, %get3A_3930] {strides = array<i32>} : memref<104x16xf32, #tpu.memory_space<vmem>>, vector<1x16xf32>,
      %get3A_3932 = vector.shape_cast %get3A_3931 : vector<1x16xf32> to vector<16xf32>
      %add3A_3933 = arith.addf %add3A_3909, %get3A_3932 : vector<16xf32>
      %get3A_3934 = arith.constant 27 : i32
      %get3A_3935 = arith.index_cast %get3A_3934 : i32 to index
      %get3A_3936 = arith.constant 0 : index
      %get3A_3937 = tpu.vector_load %arg10[%get3A_3935, %get3A_3936] {strides = array<i32>} : memref<104x16xf32, #tpu.memory_space<vmem>>, vector<1x16xf32>,
      %get3A_3938 = vector.shape_cast %get3A_3937 : vector<1x16xf32> to vector<16xf32>
      %add3A_3939 = arith.addf %add3A_3915, %get3A_3938 : vector<16xf32>
      %get3A_3940 = arith.constant 28 : i32
      %get3A_3941 = arith.index_cast %get3A_3940 : i32 to index
      %get3A_3942 = arith.constant 0 : index
      %get3A_3943 = tpu.vector_load %arg10[%get3A_3941, %get3A_3942] {strides = array<i32>} : memref<104x16xf32, #tpu.memory_space<vmem>>, vector<1x16xf32>,
      %get3A_3944 = vector.shape_cast %get3A_3943 : vector<1x16xf32> to vector<16xf32>
      %add3A_3945 = arith.addf %add3A_3921, %get3A_3944 : vector<16xf32>
      %get3A_3946 = arith.constant 29 : i32
      %get3A_3947 = arith.index_cast %get3A_3946 : i32 to index
      %get3A_3948 = arith.constant 0 : index
      %get3A_3949 = tpu.vector_load %arg10[%get3A_3947, %get3A_3948] {strides = array<i32>} : memref<104x16xf32, #tpu.memory_space<vmem>>, vector<1x16xf32>,
      %get3A_3950 = vector.shape_cast %get3A_3949 : vector<1x16xf32> to vector<16xf32>
      %add3A_3951 = arith.addf %add3A_3927, %get3A_3950 : vector<16xf32>
      %get3A_3952 = arith.constant 30 : i32
      %get3A_3953 = arith.index_cast %get3A_3952 : i32 to index
      %get3A_3954 = arith.constant 0 : index
      %get3A_3955 = tpu.vector_load %arg10[%get3A_3953, %get3A_3954] {strides = array<i32>} : memref<104x16xf32, #tpu.memory_space<vmem>>, vector<1x16xf32>,
      %get3A_3956 = vector.shape_cast %get3A_3955 : vector<1x16xf32> to vector<16xf32>
      %add3A_3957 = arith.addf %add3A_3933, %get3A_3956 : vector<16xf32>
      %get3A_3958 = arith.constant 31 : i32
      %get3A_3959 = arith.index_cast %get3A_3958 : i32 to index
      %get3A_3960 = arith.constant 0 : index
      %get3A_3961 = tpu.vector_load %arg10[%get3A_3959, %get3A_3960] {strides = array<i32>} : memref<104x16xf32, #tpu.memory_space<vmem>>, vector<1x16xf32>,
      %get3A_3962 = vector.shape_cast %get3A_3961 : vector<1x16xf32> to vector<16xf32>
      %add3A_3963 = arith.addf %add3A_3939, %get3A_3962 : vector<16xf32>
      %get3A_3964 = arith.constant 32 : i32
      %get3A_3965 = arith.index_cast %get3A_3964 : i32 to index
      %get3A_3966 = arith.constant 0 : index
      %get3A_3967 = tpu.vector_load %arg10[%get3A_3965, %get3A_3966] {strides = array<i32>} : memref<104x16xf32, #tpu.memory_space<vmem>>, vector<1x16xf32>,
      %get3A_3968 = vector.shape_cast %get3A_3967 : vector<1x16xf32> to vector<16xf32>
      %add3A_3969 = arith.addf %add3A_3945, %get3A_3968 : vector<16xf32>
      %get3A_3970 = arith.constant 33 : i32
      %get3A_3971 = arith.index_cast %get3A_3970 : i32 to index
      %get3A_3972 = arith.constant 0 : index
      %get3A_3973 = tpu.vector_load %arg10[%get3A_3971, %get3A_3972] {strides = array<i32>} : memref<104x16xf32, #tpu.memory_space<vmem>>, vector<1x16xf32>,
      %get3A_3974 = vector.shape_cast %get3A_3973 : vector<1x16xf32> to vector<16xf32>
      %add3A_3975 = arith.addf %add3A_3951, %get3A_3974 : vector<16xf32>
      %get3A_3976 = arith.constant 34 : i32
      %get3A_3977 = arith.index_cast %get3A_3976 : i32 to index
      %get3A_3978 = arith.constant 0 : index
      %get3A_3979 = tpu.vector_load %arg10[%get3A_3977, %get3A_3978] {strides = array<i32>} : memref<104x16xf32, #tpu.memory_space<vmem>>, vector<1x16xf32>,
      %get3A_3980 = vector.shape_cast %get3A_3979 : vector<1x16xf32> to vector<16xf32>
      %add3A_3981 = arith.addf %add3A_3957, %get3A_3980 : vector<16xf32>
      %get3A_3982 = arith.constant 35 : i32
      %get3A_3983 = arith.index_cast %get3A_3982 : i32 to index
      %get3A_3984 = arith.constant 0 : index
      %get3A_3985 = tpu.vector_load %arg10[%get3A_3983, %get3A_3984] {strides = array<i32>} : memref<104x16xf32, #tpu.memory_space<vmem>>, vector<1x16xf32>,
      %get3A_3986 = vector.shape_cast %get3A_3985 : vector<1x16xf32> to vector<16xf32>
      %add3A_3987 = arith.addf %add3A_3963, %get3A_3986 : vector<16xf32>
      %get3A_3988 = arith.constant 36 : i32
      %get3A_3989 = arith.index_cast %get3A_3988 : i32 to index
      %get3A_3990 = arith.constant 0 : index
      %get3A_3991 = tpu.vector_load %arg10[%get3A_3989, %get3A_3990] {strides = array<i32>} : memref<104x16xf32, #tpu.memory_space<vmem>>, vector<1x16xf32>,
      %get3A_3992 = vector.shape_cast %get3A_3991 : vector<1x16xf32> to vector<16xf32>
      %add3A_3993 = arith.addf %add3A_3969, %get3A_3992 : vector<16xf32>
      %get3A_3994 = arith.constant 37 : i32
      %get3A_3995 = arith.index_cast %get3A_3994 : i32 to index
      %get3A_3996 = arith.constant 0 : index
      %get3A_3997 = tpu.vector_load %arg10[%get3A_3995, %get3A_3996] {strides = array<i32>} : memref<104x16xf32, #tpu.memory_space<vmem>>, vector<1x16xf32>,
      %get3A_3998 = vector.shape_cast %get3A_3997 : vector<1x16xf32> to vector<16xf32>
      %add3A_3999 = arith.addf %add3A_3975, %get3A_3998 : vector<16xf32>
      %get3A_4000 = arith.constant 38 : i32
      %get3A_4001 = arith.index_cast %get3A_4000 : i32 to index
      %get3A_4002 = arith.constant 0 : index
      %get3A_4003 = tpu.vector_load %arg10[%get3A_4001, %get3A_4002] {strides = array<i32>} : memref<104x16xf32, #tpu.memory_space<vmem>>, vector<1x16xf32>,
      %get3A_4004 = vector.shape_cast %get3A_4003 : vector<1x16xf32> to vector<16xf32>
      %add3A_4005 = arith.addf %add3A_3981, %get3A_4004 : vector<16xf32>
      %get3A_4006 = arith.constant 39 : i32
      %get3A_4007 = arith.index_cast %get3A_4006 : i32 to index
      %get3A_4008 = arith.constant 0 : index
      %get3A_4009 = tpu.vector_load %arg10[%get3A_4007, %get3A_4008] {strides = array<i32>} : memref<104x16xf32, #tpu.memory_space<vmem>>, vector<1x16xf32>,
      %get3A_4010 = vector.shape_cast %get3A_4009 : vector<1x16xf32> to vector<16xf32>
      %add3A_4011 = arith.addf %add3A_3987, %get3A_4010 : vector<16xf32>
      %get3A_4012 = arith.constant 40 : i32
      %get3A_4013 = arith.index_cast %get3A_4012 : i32 to index
      %get3A_4014 = arith.constant 0 : index
      %get3A_4015 = tpu.vector_load %arg10[%get3A_4013, %get3A_4014] {strides = array<i32>} : memref<104x16xf32, #tpu.memory_space<vmem>>, vector<1x16xf32>,
      %get3A_4016 = vector.shape_cast %get3A_4015 : vector<1x16xf32> to vector<16xf32>
      %add3A_4017 = arith.addf %add3A_3993, %get3A_4016 : vector<16xf32>
      %get3A_4018 = arith.constant 41 : i32
      %get3A_4019 = arith.index_cast %get3A_4018 : i32 to index
      %get3A_4020 = arith.constant 0 : index
      %get3A_4021 = tpu.vector_load %arg10[%get3A_4019, %get3A_4020] {strides = array<i32>} : memref<104x16xf32, #tpu.memory_space<vmem>>, vector<1x16xf32>,
      %get3A_4022 = vector.shape_cast %get3A_4021 : vector<1x16xf32> to vector<16xf32>
      %add3A_4023 = arith.addf %add3A_3999, %get3A_4022 : vector<16xf32>
      %get3A_4024 = arith.constant 42 : i32
      %get3A_4025 = arith.index_cast %get3A_4024 : i32 to index
      %get3A_4026 = arith.constant 0 : index
      %get3A_4027 = tpu.vector_load %arg10[%get3A_4025, %get3A_4026] {strides = array<i32>} : memref<104x16xf32, #tpu.memory_space<vmem>>, vector<1x16xf32>,
      %get3A_4028 = vector.shape_cast %get3A_4027 : vector<1x16xf32> to vector<16xf32>
      %add3A_4029 = arith.addf %add3A_4005, %get3A_4028 : vector<16xf32>
      %get3A_4030 = arith.constant 43 : i32
      %get3A_4031 = arith.index_cast %get3A_4030 : i32 to index
      %get3A_4032 = arith.constant 0 : index
      %get3A_4033 = tpu.vector_load %arg10[%get3A_4031, %get3A_4032] {strides = array<i32>} : memref<104x16xf32, #tpu.memory_space<vmem>>, vector<1x16xf32>,
      %get3A_4034 = vector.shape_cast %get3A_4033 : vector<1x16xf32> to vector<16xf32>
      %add3A_4035 = arith.addf %add3A_4011, %get3A_4034 : vector<16xf32>
      %get3A_4036 = arith.constant 44 : i32
      %get3A_4037 = arith.index_cast %get3A_4036 : i32 to index
      %get3A_4038 = arith.constant 0 : index
      %get3A_4039 = tpu.vector_load %arg10[%get3A_4037, %get3A_4038] {strides = array<i32>} : memref<104x16xf32, #tpu.memory_space<vmem>>, vector<1x16xf32>,
      %get3A_4040 = vector.shape_cast %get3A_4039 : vector<1x16xf32> to vector<16xf32>
      %add3A_4041 = arith.addf %add3A_4017, %get3A_4040 : vector<16xf32>
      %get3A_4042 = arith.constant 45 : i32
      %get3A_4043 = arith.index_cast %get3A_4042 : i32 to index
      %get3A_4044 = arith.constant 0 : index
      %get3A_4045 = tpu.vector_load %arg10[%get3A_4043, %get3A_4044] {strides = array<i32>} : memref<104x16xf32, #tpu.memory_space<vmem>>, vector<1x16xf32>,
      %get3A_4046 = vector.shape_cast %get3A_4045 : vector<1x16xf32> to vector<16xf32>
      %add3A_4047 = arith.addf %add3A_4023, %get3A_4046 : vector<16xf32>
      %get3A_4048 = arith.constant 46 : i32
      %get3A_4049 = arith.index_cast %get3A_4048 : i32 to index
      %get3A_4050 = arith.constant 0 : index
      %get3A_4051 = tpu.vector_load %arg10[%get3A_4049, %get3A_4050] {strides = array<i32>} : memref<104x16xf32, #tpu.memory_space<vmem>>, vector<1x16xf32>,
      %get3A_4052 = vector.shape_cast %get3A_4051 : vector<1x16xf32> to vector<16xf32>
      %add3A_4053 = arith.addf %add3A_4029, %get3A_4052 : vector<16xf32>
      %get3A_4054 = arith.constant 47 : i32
      %get3A_4055 = arith.index_cast %get3A_4054 : i32 to index
      %get3A_4056 = arith.constant 0 : index
      %get3A_4057 = tpu.vector_load %arg10[%get3A_4055, %get3A_4056] {strides = array<i32>} : memref<104x16xf32, #tpu.memory_space<vmem>>, vector<1x16xf32>,
      %get3A_4058 = vector.shape_cast %get3A_4057 : vector<1x16xf32> to vector<16xf32>
      %add3A_4059 = arith.addf %add3A_4035, %get3A_4058 : vector<16xf32>
      %get3A_4060 = arith.constant 48 : i32
      %get3A_4061 = arith.index_cast %get3A_4060 : i32 to index
      %get3A_4062 = arith.constant 0 : index
      %get3A_4063 = tpu.vector_load %arg10[%get3A_4061, %get3A_4062] {strides = array<i32>} : memref<104x16xf32, #tpu.memory_space<vmem>>, vector<1x16xf32>,
      %get3A_4064 = vector.shape_cast %get3A_4063 : vector<1x16xf32> to vector<16xf32>
      %add3A_4065 = arith.addf %add3A_4041, %get3A_4064 : vector<16xf32>
      %get3A_4066 = arith.constant 49 : i32
      %get3A_4067 = arith.index_cast %get3A_4066 : i32 to index
      %get3A_4068 = arith.constant 0 : index
      %get3A_4069 = tpu.vector_load %arg10[%get3A_4067, %get3A_4068] {strides = array<i32>} : memref<104x16xf32, #tpu.memory_space<vmem>>, vector<1x16xf32>,
      %get3A_4070 = vector.shape_cast %get3A_4069 : vector<1x16xf32> to vector<16xf32>
      %add3A_4071 = arith.addf %add3A_4047, %get3A_4070 : vector<16xf32>
      %get3A_4072 = arith.constant 50 : i32
      %get3A_4073 = arith.index_cast %get3A_4072 : i32 to index
      %get3A_4074 = arith.constant 0 : index
      %get3A_4075 = tpu.vector_load %arg10[%get3A_4073, %get3A_4074] {strides = array<i32>} : memref<104x16xf32, #tpu.memory_space<vmem>>, vector<1x16xf32>,
      %get3A_4076 = vector.shape_cast %get3A_4075 : vector<1x16xf32> to vector<16xf32>
      %add3A_4077 = arith.addf %add3A_4053, %get3A_4076 : vector<16xf32>
      %get3A_4078 = arith.constant 51 : i32
      %get3A_4079 = arith.index_cast %get3A_4078 : i32 to index
      %get3A_4080 = arith.constant 0 : index
      %get3A_4081 = tpu.vector_load %arg10[%get3A_4079, %get3A_4080] {strides = array<i32>} : memref<104x16xf32, #tpu.memory_space<vmem>>, vector<1x16xf32>,
      %get3A_4082 = vector.shape_cast %get3A_4081 : vector<1x16xf32> to vector<16xf32>
      %add3A_4083 = arith.addf %add3A_4059, %get3A_4082 : vector<16xf32>
      %get3A_4084 = arith.constant 52 : i32
      %get3A_4085 = arith.index_cast %get3A_4084 : i32 to index
      %get3A_4086 = arith.constant 0 : index
      %get3A_4087 = tpu.vector_load %arg10[%get3A_4085, %get3A_4086] {strides = array<i32>} : memref<104x16xf32, #tpu.memory_space<vmem>>, vector<1x16xf32>,
      %get3A_4088 = vector.shape_cast %get3A_4087 : vector<1x16xf32> to vector<16xf32>
      %add3A_4089 = arith.addf %add3A_4065, %get3A_4088 : vector<16xf32>
      %get3A_4090 = arith.constant 53 : i32
      %get3A_4091 = arith.index_cast %get3A_4090 : i32 to index
      %get3A_4092 = arith.constant 0 : index
      %get3A_4093 = tpu.vector_load %arg10[%get3A_4091, %get3A_4092] {strides = array<i32>} : memref<104x16xf32, #tpu.memory_space<vmem>>, vector<1x16xf32>,
      %get3A_4094 = vector.shape_cast %get3A_4093 : vector<1x16xf32> to vector<16xf32>
      %add3A_4095 = arith.addf %add3A_4071, %get3A_4094 : vector<16xf32>
      %get3A_4096 = arith.constant 54 : i32
      %get3A_4097 = arith.index_cast %get3A_4096 : i32 to index
      %get3A_4098 = arith.constant 0 : index
      %get3A_4099 = tpu.vector_load %arg10[%get3A_4097, %get3A_4098] {strides = array<i32>} : memref<104x16xf32, #tpu.memory_space<vmem>>, vector<1x16xf32>,
      %get3A_4100 = vector.shape_cast %get3A_4099 : vector<1x16xf32> to vector<16xf32>
      %add3A_4101 = arith.addf %add3A_4077, %get3A_4100 : vector<16xf32>
      %get3A_4102 = arith.constant 55 : i32
      %get3A_4103 = arith.index_cast %get3A_4102 : i32 to index
      %get3A_4104 = arith.constant 0 : index
      %get3A_4105 = tpu.vector_load %arg10[%get3A_4103, %get3A_4104] {strides = array<i32>} : memref<104x16xf32, #tpu.memory_space<vmem>>, vector<1x16xf32>,
      %get3A_4106 = vector.shape_cast %get3A_4105 : vector<1x16xf32> to vector<16xf32>
      %add3A_4107 = arith.addf %add3A_4083, %get3A_4106 : vector<16xf32>
      %get3A_4108 = arith.constant 56 : i32
      %get3A_4109 = arith.index_cast %get3A_4108 : i32 to index
      %get3A_4110 = arith.constant 0 : index
      %get3A_4111 = tpu.vector_load %arg10[%get3A_4109, %get3A_4110] {strides = array<i32>} : memref<104x16xf32, #tpu.memory_space<vmem>>, vector<1x16xf32>,
      %get3A_4112 = vector.shape_cast %get3A_4111 : vector<1x16xf32> to vector<16xf32>
      %add3A_4113 = arith.addf %add3A_4089, %get3A_4112 : vector<16xf32>
      %get3A_4114 = arith.constant 57 : i32
      %get3A_4115 = arith.index_cast %get3A_4114 : i32 to index
      %get3A_4116 = arith.constant 0 : index
      %get3A_4117 = tpu.vector_load %arg10[%get3A_4115, %get3A_4116] {strides = array<i32>} : memref<104x16xf32, #tpu.memory_space<vmem>>, vector<1x16xf32>,
      %get3A_4118 = vector.shape_cast %get3A_4117 : vector<1x16xf32> to vector<16xf32>
      %add3A_4119 = arith.addf %add3A_4095, %get3A_4118 : vector<16xf32>
      %get3A_4120 = arith.constant 58 : i32
      %get3A_4121 = arith.index_cast %get3A_4120 : i32 to index
      %get3A_4122 = arith.constant 0 : index
      %get3A_4123 = tpu.vector_load %arg10[%get3A_4121, %get3A_4122] {strides = array<i32>} : memref<104x16xf32, #tpu.memory_space<vmem>>, vector<1x16xf32>,
      %get3A_4124 = vector.shape_cast %get3A_4123 : vector<1x16xf32> to vector<16xf32>
      %add3A_4125 = arith.addf %add3A_4101, %get3A_4124 : vector<16xf32>
      %get3A_4126 = arith.constant 59 : i32
      %get3A_4127 = arith.index_cast %get3A_4126 : i32 to index
      %get3A_4128 = arith.constant 0 : index
      %get3A_4129 = tpu.vector_load %arg10[%get3A_4127, %get3A_4128] {strides = array<i32>} : memref<104x16xf32, #tpu.memory_space<vmem>>, vector<1x16xf32>,
      %get3A_4130 = vector.shape_cast %get3A_4129 : vector<1x16xf32> to vector<16xf32>
      %add3A_4131 = arith.addf %add3A_4107, %get3A_4130 : vector<16xf32>
      %get3A_4132 = arith.constant 60 : i32
      %get3A_4133 = arith.index_cast %get3A_4132 : i32 to index
      %get3A_4134 = arith.constant 0 : index
      %get3A_4135 = tpu.vector_load %arg10[%get3A_4133, %get3A_4134] {strides = array<i32>} : memref<104x16xf32, #tpu.memory_space<vmem>>, vector<1x16xf32>,
      %get3A_4136 = vector.shape_cast %get3A_4135 : vector<1x16xf32> to vector<16xf32>
      %add3A_4137 = arith.addf %add3A_4113, %get3A_4136 : vector<16xf32>
      %get3A_4138 = arith.constant 61 : i32
      %get3A_4139 = arith.index_cast %get3A_4138 : i32 to index
      %get3A_4140 = arith.constant 0 : index
      %get3A_4141 = tpu.vector_load %arg10[%get3A_4139, %get3A_4140] {strides = array<i32>} : memref<104x16xf32, #tpu.memory_space<vmem>>, vector<1x16xf32>,
      %get3A_4142 = vector.shape_cast %get3A_4141 : vector<1x16xf32> to vector<16xf32>
      %add3A_4143 = arith.addf %add3A_4119, %get3A_4142 : vector<16xf32>
      %get3A_4144 = arith.constant 62 : i32
      %get3A_4145 = arith.index_cast %get3A_4144 : i32 to index
      %get3A_4146 = arith.constant 0 : index
      %get3A_4147 = tpu.vector_load %arg10[%get3A_4145, %get3A_4146] {strides = array<i32>} : memref<104x16xf32, #tpu.memory_space<vmem>>, vector<1x16xf32>,
      %get3A_4148 = vector.shape_cast %get3A_4147 : vector<1x16xf32> to vector<16xf32>
      %add3A_4149 = arith.addf %add3A_4125, %get3A_4148 : vector<16xf32>
      %get3A_4150 = arith.constant 63 : i32
      %get3A_4151 = arith.index_cast %get3A_4150 : i32 to index
      %get3A_4152 = arith.constant 0 : index
      %get3A_4153 = tpu.vector_load %arg10[%get3A_4151, %get3A_4152] {strides = array<i32>} : memref<104x16xf32, #tpu.memory_space<vmem>>, vector<1x16xf32>,
      %get3A_4154 = vector.shape_cast %get3A_4153 : vector<1x16xf32> to vector<16xf32>
      %add3A_4155 = arith.addf %add3A_4131, %get3A_4154 : vector<16xf32>
      %get3A_4156 = arith.constant 64 : i32
      %get3A_4157 = arith.index_cast %get3A_4156 : i32 to index
      %get3A_4158 = arith.constant 0 : index
      %get3A_4159 = tpu.vector_load %arg10[%get3A_4157, %get3A_4158] {strides = array<i32>} : memref<104x16xf32, #tpu.memory_space<vmem>>, vector<1x16xf32>,
      %get3A_4160 = vector.shape_cast %get3A_4159 : vector<1x16xf32> to vector<16xf32>
      %add3A_4161 = arith.addf %add3A_4137, %get3A_4160 : vector<16xf32>
      %get3A_4162 = arith.constant 65 : i32
      %get3A_4163 = arith.index_cast %get3A_4162 : i32 to index
      %get3A_4164 = arith.constant 0 : index
      %get3A_4165 = tpu.vector_load %arg10[%get3A_4163, %get3A_4164] {strides = array<i32>} : memref<104x16xf32, #tpu.memory_space<vmem>>, vector<1x16xf32>,
      %get3A_4166 = vector.shape_cast %get3A_4165 : vector<1x16xf32> to vector<16xf32>
      %add3A_4167 = arith.addf %add3A_4143, %get3A_4166 : vector<16xf32>
      %get3A_4168 = arith.constant 66 : i32
      %get3A_4169 = arith.index_cast %get3A_4168 : i32 to index
      %get3A_4170 = arith.constant 0 : index
      %get3A_4171 = tpu.vector_load %arg10[%get3A_4169, %get3A_4170] {strides = array<i32>} : memref<104x16xf32, #tpu.memory_space<vmem>>, vector<1x16xf32>,
      %get3A_4172 = vector.shape_cast %get3A_4171 : vector<1x16xf32> to vector<16xf32>
      %add3A_4173 = arith.addf %add3A_4149, %get3A_4172 : vector<16xf32>
      %get3A_4174 = arith.constant 67 : i32
      %get3A_4175 = arith.index_cast %get3A_4174 : i32 to index
      %get3A_4176 = arith.constant 0 : index
      %get3A_4177 = tpu.vector_load %arg10[%get3A_4175, %get3A_4176] {strides = array<i32>} : memref<104x16xf32, #tpu.memory_space<vmem>>, vector<1x16xf32>,
      %get3A_4178 = vector.shape_cast %get3A_4177 : vector<1x16xf32> to vector<16xf32>
      %add3A_4179 = arith.addf %add3A_4155, %get3A_4178 : vector<16xf32>
      %get3A_4180 = arith.constant 68 : i32
      %get3A_4181 = arith.index_cast %get3A_4180 : i32 to index
      %get3A_4182 = arith.constant 0 : index
      %get3A_4183 = tpu.vector_load %arg10[%get3A_4181, %get3A_4182] {strides = array<i32>} : memref<104x16xf32, #tpu.memory_space<vmem>>, vector<1x16xf32>,
      %get3A_4184 = vector.shape_cast %get3A_4183 : vector<1x16xf32> to vector<16xf32>
      %add3A_4185 = arith.addf %add3A_4161, %get3A_4184 : vector<16xf32>
      %get3A_4186 = arith.constant 69 : i32
      %get3A_4187 = arith.index_cast %get3A_4186 : i32 to index
      %get3A_4188 = arith.constant 0 : index
      %get3A_4189 = tpu.vector_load %arg10[%get3A_4187, %get3A_4188] {strides = array<i32>} : memref<104x16xf32, #tpu.memory_space<vmem>>, vector<1x16xf32>,
      %get3A_4190 = vector.shape_cast %get3A_4189 : vector<1x16xf32> to vector<16xf32>
      %add3A_4191 = arith.addf %add3A_4167, %get3A_4190 : vector<16xf32>
      %get3A_4192 = arith.constant 70 : i32
      %get3A_4193 = arith.index_cast %get3A_4192 : i32 to index
      %get3A_4194 = arith.constant 0 : index
      %get3A_4195 = tpu.vector_load %arg10[%get3A_4193, %get3A_4194] {strides = array<i32>} : memref<104x16xf32, #tpu.memory_space<vmem>>, vector<1x16xf32>,
      %get3A_4196 = vector.shape_cast %get3A_4195 : vector<1x16xf32> to vector<16xf32>
      %add3A_4197 = arith.addf %add3A_4173, %get3A_4196 : vector<16xf32>
      %get3A_4198 = arith.constant 71 : i32
      %get3A_4199 = arith.index_cast %get3A_4198 : i32 to index
      %get3A_4200 = arith.constant 0 : index
      %get3A_4201 = tpu.vector_load %arg10[%get3A_4199, %get3A_4200] {strides = array<i32>} : memref<104x16xf32, #tpu.memory_space<vmem>>, vector<1x16xf32>,
      %get3A_4202 = vector.shape_cast %get3A_4201 : vector<1x16xf32> to vector<16xf32>
      %add3A_4203 = arith.addf %add3A_4179, %get3A_4202 : vector<16xf32>
      %get3A_4204 = arith.constant 72 : i32
      %get3A_4205 = arith.index_cast %get3A_4204 : i32 to index
      %get3A_4206 = arith.constant 0 : index
      %get3A_4207 = tpu.vector_load %arg10[%get3A_4205, %get3A_4206] {strides = array<i32>} : memref<104x16xf32, #tpu.memory_space<vmem>>, vector<1x16xf32>,
      %get3A_4208 = vector.shape_cast %get3A_4207 : vector<1x16xf32> to vector<16xf32>
      %add3A_4209 = arith.addf %add3A_4185, %get3A_4208 : vector<16xf32>
      %get3A_4210 = arith.constant 73 : i32
      %get3A_4211 = arith.index_cast %get3A_4210 : i32 to index
      %get3A_4212 = arith.constant 0 : index
      %get3A_4213 = tpu.vector_load %arg10[%get3A_4211, %get3A_4212] {strides = array<i32>} : memref<104x16xf32, #tpu.memory_space<vmem>>, vector<1x16xf32>,
      %get3A_4214 = vector.shape_cast %get3A_4213 : vector<1x16xf32> to vector<16xf32>
      %add3A_4215 = arith.addf %add3A_4191, %get3A_4214 : vector<16xf32>
      %get3A_4216 = arith.constant 74 : i32
      %get3A_4217 = arith.index_cast %get3A_4216 : i32 to index
      %get3A_4218 = arith.constant 0 : index
      %get3A_4219 = tpu.vector_load %arg10[%get3A_4217, %get3A_4218] {strides = array<i32>} : memref<104x16xf32, #tpu.memory_space<vmem>>, vector<1x16xf32>,
      %get3A_4220 = vector.shape_cast %get3A_4219 : vector<1x16xf32> to vector<16xf32>
      %add3A_4221 = arith.addf %add3A_4197, %get3A_4220 : vector<16xf32>
      %get3A_4222 = arith.constant 75 : i32
      %get3A_4223 = arith.index_cast %get3A_4222 : i32 to index
      %get3A_4224 = arith.constant 0 : index
      %get3A_4225 = tpu.vector_load %arg10[%get3A_4223, %get3A_4224] {strides = array<i32>} : memref<104x16xf32, #tpu.memory_space<vmem>>, vector<1x16xf32>,
      %get3A_4226 = vector.shape_cast %get3A_4225 : vector<1x16xf32> to vector<16xf32>
      %add3A_4227 = arith.addf %add3A_4203, %get3A_4226 : vector<16xf32>
      %get3A_4228 = arith.constant 76 : i32
      %get3A_4229 = arith.index_cast %get3A_4228 : i32 to index
      %get3A_4230 = arith.constant 0 : index
      %get3A_4231 = tpu.vector_load %arg10[%get3A_4229, %get3A_4230] {strides = array<i32>} : memref<104x16xf32, #tpu.memory_space<vmem>>, vector<1x16xf32>,
      %get3A_4232 = vector.shape_cast %get3A_4231 : vector<1x16xf32> to vector<16xf32>
      %add3A_4233 = arith.addf %add3A_4209, %get3A_4232 : vector<16xf32>
      %get3A_4234 = arith.constant 77 : i32
      %get3A_4235 = arith.index_cast %get3A_4234 : i32 to index
      %get3A_4236 = arith.constant 0 : index
      %get3A_4237 = tpu.vector_load %arg10[%get3A_4235, %get3A_4236] {strides = array<i32>} : memref<104x16xf32, #tpu.memory_space<vmem>>, vector<1x16xf32>,
      %get3A_4238 = vector.shape_cast %get3A_4237 : vector<1x16xf32> to vector<16xf32>
      %add3A_4239 = arith.addf %add3A_4215, %get3A_4238 : vector<16xf32>
      %get3A_4240 = arith.constant 78 : i32
      %get3A_4241 = arith.index_cast %get3A_4240 : i32 to index
      %get3A_4242 = arith.constant 0 : index
      %get3A_4243 = tpu.vector_load %arg10[%get3A_4241, %get3A_4242] {strides = array<i32>} : memref<104x16xf32, #tpu.memory_space<vmem>>, vector<1x16xf32>,
      %get3A_4244 = vector.shape_cast %get3A_4243 : vector<1x16xf32> to vector<16xf32>
      %add3A_4245 = arith.addf %add3A_4221, %get3A_4244 : vector<16xf32>
      %get3A_4246 = arith.constant 79 : i32
      %get3A_4247 = arith.index_cast %get3A_4246 : i32 to index
      %get3A_4248 = arith.constant 0 : index
      %get3A_4249 = tpu.vector_load %arg10[%get3A_4247, %get3A_4248] {strides = array<i32>} : memref<104x16xf32, #tpu.memory_space<vmem>>, vector<1x16xf32>,
      %get3A_4250 = vector.shape_cast %get3A_4249 : vector<1x16xf32> to vector<16xf32>
      %add3A_4251 = arith.addf %add3A_4227, %get3A_4250 : vector<16xf32>
      %get3A_4252 = arith.constant 80 : i32
      %get3A_4253 = arith.index_cast %get3A_4252 : i32 to index
      %get3A_4254 = arith.constant 0 : index
      %get3A_4255 = tpu.vector_load %arg10[%get3A_4253, %get3A_4254] {strides = array<i32>} : memref<104x16xf32, #tpu.memory_space<vmem>>, vector<1x16xf32>,
      %get3A_4256 = vector.shape_cast %get3A_4255 : vector<1x16xf32> to vector<16xf32>
      %add3A_4257 = arith.addf %add3A_4233, %get3A_4256 : vector<16xf32>
      %get3A_4258 = arith.constant 81 : i32
      %get3A_4259 = arith.index_cast %get3A_4258 : i32 to index
      %get3A_4260 = arith.constant 0 : index
      %get3A_4261 = tpu.vector_load %arg10[%get3A_4259, %get3A_4260] {strides = array<i32>} : memref<104x16xf32, #tpu.memory_space<vmem>>, vector<1x16xf32>,
      %get3A_4262 = vector.shape_cast %get3A_4261 : vector<1x16xf32> to vector<16xf32>
      %add3A_4263 = arith.addf %add3A_4239, %get3A_4262 : vector<16xf32>
      %get3A_4264 = arith.constant 82 : i32
      %get3A_4265 = arith.index_cast %get3A_4264 : i32 to index
      %get3A_4266 = arith.constant 0 : index
      %get3A_4267 = tpu.vector_load %arg10[%get3A_4265, %get3A_4266] {strides = array<i32>} : memref<104x16xf32, #tpu.memory_space<vmem>>, vector<1x16xf32>,
      %get3A_4268 = vector.shape_cast %get3A_4267 : vector<1x16xf32> to vector<16xf32>
      %add3A_4269 = arith.addf %add3A_4245, %get3A_4268 : vector<16xf32>
      %get3A_4270 = arith.constant 83 : i32
      %get3A_4271 = arith.index_cast %get3A_4270 : i32 to index
      %get3A_4272 = arith.constant 0 : index
      %get3A_4273 = tpu.vector_load %arg10[%get3A_4271, %get3A_4272] {strides = array<i32>} : memref<104x16xf32, #tpu.memory_space<vmem>>, vector<1x16xf32>,
      %get3A_4274 = vector.shape_cast %get3A_4273 : vector<1x16xf32> to vector<16xf32>
      %add3A_4275 = arith.addf %add3A_4251, %get3A_4274 : vector<16xf32>
      %get3A_4276 = arith.constant 84 : i32
      %get3A_4277 = arith.index_cast %get3A_4276 : i32 to index
      %get3A_4278 = arith.constant 0 : index
      %get3A_4279 = tpu.vector_load %arg10[%get3A_4277, %get3A_4278] {strides = array<i32>} : memref<104x16xf32, #tpu.memory_space<vmem>>, vector<1x16xf32>,
      %get3A_4280 = vector.shape_cast %get3A_4279 : vector<1x16xf32> to vector<16xf32>
      %add3A_4281 = arith.addf %add3A_4257, %get3A_4280 : vector<16xf32>
      %get3A_4282 = arith.constant 85 : i32
      %get3A_4283 = arith.index_cast %get3A_4282 : i32 to index
      %get3A_4284 = arith.constant 0 : index
      %get3A_4285 = tpu.vector_load %arg10[%get3A_4283, %get3A_4284] {strides = array<i32>} : memref<104x16xf32, #tpu.memory_space<vmem>>, vector<1x16xf32>,
      %get3A_4286 = vector.shape_cast %get3A_4285 : vector<1x16xf32> to vector<16xf32>
      %add3A_4287 = arith.addf %add3A_4263, %get3A_4286 : vector<16xf32>
      %get3A_4288 = arith.constant 86 : i32
      %get3A_4289 = arith.index_cast %get3A_4288 : i32 to index
      %get3A_4290 = arith.constant 0 : index
      %get3A_4291 = tpu.vector_load %arg10[%get3A_4289, %get3A_4290] {strides = array<i32>} : memref<104x16xf32, #tpu.memory_space<vmem>>, vector<1x16xf32>,
      %get3A_4292 = vector.shape_cast %get3A_4291 : vector<1x16xf32> to vector<16xf32>
      %add3A_4293 = arith.addf %add3A_4269, %get3A_4292 : vector<16xf32>
      %get3A_4294 = arith.constant 87 : i32
      %get3A_4295 = arith.index_cast %get3A_4294 : i32 to index
      %get3A_4296 = arith.constant 0 : index
      %get3A_4297 = tpu.vector_load %arg10[%get3A_4295, %get3A_4296] {strides = array<i32>} : memref<104x16xf32, #tpu.memory_space<vmem>>, vector<1x16xf32>,
      %get3A_4298 = vector.shape_cast %get3A_4297 : vector<1x16xf32> to vector<16xf32>
      %add3A_4299 = arith.addf %add3A_4275, %get3A_4298 : vector<16xf32>
      %get3A_4300 = arith.constant 88 : i32
      %get3A_4301 = arith.index_cast %get3A_4300 : i32 to index
      %get3A_4302 = arith.constant 0 : index
      %get3A_4303 = tpu.vector_load %arg10[%get3A_4301, %get3A_4302] {strides = array<i32>} : memref<104x16xf32, #tpu.memory_space<vmem>>, vector<1x16xf32>,
      %get3A_4304 = vector.shape_cast %get3A_4303 : vector<1x16xf32> to vector<16xf32>
      %add3A_4305 = arith.addf %add3A_4281, %get3A_4304 : vector<16xf32>
      %get3A_4306 = arith.constant 89 : i32
      %get3A_4307 = arith.index_cast %get3A_4306 : i32 to index
      %get3A_4308 = arith.constant 0 : index
      %get3A_4309 = tpu.vector_load %arg10[%get3A_4307, %get3A_4308] {strides = array<i32>} : memref<104x16xf32, #tpu.memory_space<vmem>>, vector<1x16xf32>,
      %get3A_4310 = vector.shape_cast %get3A_4309 : vector<1x16xf32> to vector<16xf32>
      %add3A_4311 = arith.addf %add3A_4287, %get3A_4310 : vector<16xf32>
      %get3A_4312 = arith.constant 90 : i32
      %get3A_4313 = arith.index_cast %get3A_4312 : i32 to index
      %get3A_4314 = arith.constant 0 : index
      %get3A_4315 = tpu.vector_load %arg10[%get3A_4313, %get3A_4314] {strides = array<i32>} : memref<104x16xf32, #tpu.memory_space<vmem>>, vector<1x16xf32>,
      %get3A_4316 = vector.shape_cast %get3A_4315 : vector<1x16xf32> to vector<16xf32>
      %add3A_4317 = arith.addf %add3A_4293, %get3A_4316 : vector<16xf32>
      %get3A_4318 = arith.constant 91 : i32
      %get3A_4319 = arith.index_cast %get3A_4318 : i32 to index
      %get3A_4320 = arith.constant 0 : index
      %get3A_4321 = tpu.vector_load %arg10[%get3A_4319, %get3A_4320] {strides = array<i32>} : memref<104x16xf32, #tpu.memory_space<vmem>>, vector<1x16xf32>,
      %get3A_4322 = vector.shape_cast %get3A_4321 : vector<1x16xf32> to vector<16xf32>
      %add3A_4323 = arith.addf %add3A_4299, %get3A_4322 : vector<16xf32>
      %get3A_4324 = arith.constant 92 : i32
      %get3A_4325 = arith.index_cast %get3A_4324 : i32 to index
      %get3A_4326 = arith.constant 0 : index
      %get3A_4327 = tpu.vector_load %arg10[%get3A_4325, %get3A_4326] {strides = array<i32>} : memref<104x16xf32, #tpu.memory_space<vmem>>, vector<1x16xf32>,
      %get3A_4328 = vector.shape_cast %get3A_4327 : vector<1x16xf32> to vector<16xf32>
      %add3A_4329 = arith.addf %add3A_4305, %get3A_4328 : vector<16xf32>
      %get3A_4330 = arith.constant 93 : i32
      %get3A_4331 = arith.index_cast %get3A_4330 : i32 to index
      %get3A_4332 = arith.constant 0 : index
      %get3A_4333 = tpu.vector_load %arg10[%get3A_4331, %get3A_4332] {strides = array<i32>} : memref<104x16xf32, #tpu.memory_space<vmem>>, vector<1x16xf32>,
      %get3A_4334 = vector.shape_cast %get3A_4333 : vector<1x16xf32> to vector<16xf32>
      %add3A_4335 = arith.addf %add3A_4311, %get3A_4334 : vector<16xf32>
      %get3A_4336 = arith.constant 94 : i32
      %get3A_4337 = arith.index_cast %get3A_4336 : i32 to index
      %get3A_4338 = arith.constant 0 : index
      %get3A_4339 = tpu.vector_load %arg10[%get3A_4337, %get3A_4338] {strides = array<i32>} : memref<104x16xf32, #tpu.memory_space<vmem>>, vector<1x16xf32>,
      %get3A_4340 = vector.shape_cast %get3A_4339 : vector<1x16xf32> to vector<16xf32>
      %add3A_4341 = arith.addf %add3A_4317, %get3A_4340 : vector<16xf32>
      %get3A_4342 = arith.constant 95 : i32
      %get3A_4343 = arith.index_cast %get3A_4342 : i32 to index
      %get3A_4344 = arith.constant 0 : index
      %get3A_4345 = tpu.vector_load %arg10[%get3A_4343, %get3A_4344] {strides = array<i32>} : memref<104x16xf32, #tpu.memory_space<vmem>>, vector<1x16xf32>,
      %get3A_4346 = vector.shape_cast %get3A_4345 : vector<1x16xf32> to vector<16xf32>
      %add3A_4347 = arith.addf %add3A_4323, %get3A_4346 : vector<16xf32>
      %get3A_4348 = arith.constant 96 : i32
      %get3A_4349 = arith.index_cast %get3A_4348 : i32 to index
      %get3A_4350 = arith.constant 0 : index
      %get3A_4351 = tpu.vector_load %arg10[%get3A_4349, %get3A_4350] {strides = array<i32>} : memref<104x16xf32, #tpu.memory_space<vmem>>, vector<1x16xf32>,
      %get3A_4352 = vector.shape_cast %get3A_4351 : vector<1x16xf32> to vector<16xf32>
      %add3A_4353 = arith.addf %add3A_4329, %get3A_4352 : vector<16xf32>
      %get3A_4354 = arith.constant 97 : i32
      %get3A_4355 = arith.index_cast %get3A_4354 : i32 to index
      %get3A_4356 = arith.constant 0 : index
      %get3A_4357 = tpu.vector_load %arg10[%get3A_4355, %get3A_4356] {strides = array<i32>} : memref<104x16xf32, #tpu.memory_space<vmem>>, vector<1x16xf32>,
      %get3A_4358 = vector.shape_cast %get3A_4357 : vector<1x16xf32> to vector<16xf32>
      %add3A_4359 = arith.addf %add3A_4335, %get3A_4358 : vector<16xf32>
      %get3A_4360 = arith.constant 98 : i32
      %get3A_4361 = arith.index_cast %get3A_4360 : i32 to index
      %get3A_4362 = arith.constant 0 : index
      %get3A_4363 = tpu.vector_load %arg10[%get3A_4361, %get3A_4362] {strides = array<i32>} : memref<104x16xf32, #tpu.memory_space<vmem>>, vector<1x16xf32>,
      %get3A_4364 = vector.shape_cast %get3A_4363 : vector<1x16xf32> to vector<16xf32>
      %add3A_4365 = arith.addf %add3A_4341, %get3A_4364 : vector<16xf32>
      %get3A_4366 = arith.constant 99 : i32
      %get3A_4367 = arith.index_cast %get3A_4366 : i32 to index
      %get3A_4368 = arith.constant 0 : index
      %get3A_4369 = tpu.vector_load %arg10[%get3A_4367, %get3A_4368] {strides = array<i32>} : memref<104x16xf32, #tpu.memory_space<vmem>>, vector<1x16xf32>,
      %get3A_4370 = vector.shape_cast %get3A_4369 : vector<1x16xf32> to vector<16xf32>
      %add3A_4371 = arith.addf %add3A_4347, %get3A_4370 : vector<16xf32>
      %get3A_4372 = arith.constant 100 : i32
      %get3A_4373 = arith.index_cast %get3A_4372 : i32 to index
      %get3A_4374 = arith.constant 0 : index
      %get3A_4375 = tpu.vector_load %arg10[%get3A_4373, %get3A_4374] {strides = array<i32>} : memref<104x16xf32, #tpu.memory_space<vmem>>, vector<1x16xf32>,
      %get3A_4376 = vector.shape_cast %get3A_4375 : vector<1x16xf32> to vector<16xf32>
      %add3A_4377 = arith.addf %add3A_4353, %get3A_4376 : vector<16xf32>
      %get3A_4378 = arith.constant 101 : i32
      %get3A_4379 = arith.index_cast %get3A_4378 : i32 to index
      %get3A_4380 = arith.constant 0 : index
      %get3A_4381 = tpu.vector_load %arg10[%get3A_4379, %get3A_4380] {strides = array<i32>} : memref<104x16xf32, #tpu.memory_space<vmem>>, vector<1x16xf32>,
      %get3A_4382 = vector.shape_cast %get3A_4381 : vector<1x16xf32> to vector<16xf32>
      %add3A_4383 = arith.addf %add3A_4359, %get3A_4382 : vector<16xf32>
      %get3A_4384 = arith.constant 102 : i32
      %get3A_4385 = arith.index_cast %get3A_4384 : i32 to index
      %get3A_4386 = arith.constant 0 : index
      %get3A_4387 = tpu.vector_load %arg10[%get3A_4385, %get3A_4386] {strides = array<i32>} : memref<104x16xf32, #tpu.memory_space<vmem>>, vector<1x16xf32>,
      %get3A_4388 = vector.shape_cast %get3A_4387 : vector<1x16xf32> to vector<16xf32>
      %add3A_4389 = arith.addf %add3A_4365, %get3A_4388 : vector<16xf32>
      %get3A_4390 = arith.constant 103 : i32
      %get3A_4391 = arith.index_cast %get3A_4390 : i32 to index
      %get3A_4392 = arith.constant 0 : index
      %get3A_4393 = tpu.vector_load %arg10[%get3A_4391, %get3A_4392] {strides = array<i32>} : memref<104x16xf32, #tpu.memory_space<vmem>>, vector<1x16xf32>,
      %get3A_4394 = vector.shape_cast %get3A_4393 : vector<1x16xf32> to vector<16xf32>
      %add3A_4395 = arith.addf %add3A_4371, %get3A_4394 : vector<16xf32>
      %get3A_4396 = arith.constant 0 : i32
      %get3A_4397 = arith.index_cast %get3A_4396 : i32 to index
      %get3A_4398 = arith.constant 0 : index
      %get3A_4399 = tpu.vector_load %arg14[%get3A_4397, %get3A_4398] {strides = array<i32>} : memref<96x16xf32, #tpu.memory_space<vmem>>, vector<1x16xf32>,
      %get3A_4400 = vector.shape_cast %get3A_4399 : vector<1x16xf32> to vector<16xf32>
      %add3A_4401 = arith.addf %add3A_4377, %get3A_4400 : vector<16xf32>
      %get3A_4402 = arith.constant 1 : i32
      %get3A_4403 = arith.index_cast %get3A_4402 : i32 to index
      %get3A_4404 = arith.constant 0 : index
      %get3A_4405 = tpu.vector_load %arg14[%get3A_4403, %get3A_4404] {strides = array<i32>} : memref<96x16xf32, #tpu.memory_space<vmem>>, vector<1x16xf32>,
      %get3A_4406 = vector.shape_cast %get3A_4405 : vector<1x16xf32> to vector<16xf32>
      %add3A_4407 = arith.addf %add3A_4383, %get3A_4406 : vector<16xf32>
      %get3A_4408 = arith.constant 2 : i32
      %get3A_4409 = arith.index_cast %get3A_4408 : i32 to index
      %get3A_4410 = arith.constant 0 : index
      %get3A_4411 = tpu.vector_load %arg14[%get3A_4409, %get3A_4410] {strides = array<i32>} : memref<96x16xf32, #tpu.memory_space<vmem>>, vector<1x16xf32>,
      %get3A_4412 = vector.shape_cast %get3A_4411 : vector<1x16xf32> to vector<16xf32>
      %add3A_4413 = arith.addf %add3A_4389, %get3A_4412 : vector<16xf32>
      %get3A_4414 = arith.constant 3 : i32
      %get3A_4415 = arith.index_cast %get3A_4414 : i32 to index
      %get3A_4416 = arith.constant 0 : index
      %get3A_4417 = tpu.vector_load %arg14[%get3A_4415, %get3A_4416] {strides = array<i32>} : memref<96x16xf32, #tpu.memory_space<vmem>>, vector<1x16xf32>,
      %get3A_4418 = vector.shape_cast %get3A_4417 : vector<1x16xf32> to vector<16xf32>
      %add3A_4419 = arith.addf %add3A_4395, %get3A_4418 : vector<16xf32>
      %get3A_4420 = arith.constant 4 : i32
      %get3A_4421 = arith.index_cast %get3A_4420 : i32 to index
      %get3A_4422 = arith.constant 0 : index
      %get3A_4423 = tpu.vector_load %arg14[%get3A_4421, %get3A_4422] {strides = array<i32>} : memref<96x16xf32, #tpu.memory_space<vmem>>, vector<1x16xf32>,
      %get3A_4424 = vector.shape_cast %get3A_4423 : vector<1x16xf32> to vector<16xf32>
      %add3A_4425 = arith.addf %add3A_4401, %get3A_4424 : vector<16xf32>
      %get3A_4426 = arith.constant 5 : i32
      %get3A_4427 = arith.index_cast %get3A_4426 : i32 to index
      %get3A_4428 = arith.constant 0 : index
      %get3A_4429 = tpu.vector_load %arg14[%get3A_4427, %get3A_4428] {strides = array<i32>} : memref<96x16xf32, #tpu.memory_space<vmem>>, vector<1x16xf32>,
      %get3A_4430 = vector.shape_cast %get3A_4429 : vector<1x16xf32> to vector<16xf32>
      %add3A_4431 = arith.addf %add3A_4407, %get3A_4430 : vector<16xf32>
      %get3A_4432 = arith.constant 6 : i32
      %get3A_4433 = arith.index_cast %get3A_4432 : i32 to index
      %get3A_4434 = arith.constant 0 : index
      %get3A_4435 = tpu.vector_load %arg14[%get3A_4433, %get3A_4434] {strides = array<i32>} : memref<96x16xf32, #tpu.memory_space<vmem>>, vector<1x16xf32>,
      %get3A_4436 = vector.shape_cast %get3A_4435 : vector<1x16xf32> to vector<16xf32>
      %add3A_4437 = arith.addf %add3A_4413, %get3A_4436 : vector<16xf32>
      %get3A_4438 = arith.constant 7 : i32
      %get3A_4439 = arith.index_cast %get3A_4438 : i32 to index
      %get3A_4440 = arith.constant 0 : index
      %get3A_4441 = tpu.vector_load %arg14[%get3A_4439, %get3A_4440] {strides = array<i32>} : memref<96x16xf32, #tpu.memory_space<vmem>>, vector<1x16xf32>,
      %get3A_4442 = vector.shape_cast %get3A_4441 : vector<1x16xf32> to vector<16xf32>
      %add3A_4443 = arith.addf %add3A_4419, %get3A_4442 : vector<16xf32>
      %get3A_4444 = arith.constant 8 : i32
      %get3A_4445 = arith.index_cast %get3A_4444 : i32 to index
      %get3A_4446 = arith.constant 0 : index
      %get3A_4447 = tpu.vector_load %arg14[%get3A_4445, %get3A_4446] {strides = array<i32>} : memref<96x16xf32, #tpu.memory_space<vmem>>, vector<1x16xf32>,
      %get3A_4448 = vector.shape_cast %get3A_4447 : vector<1x16xf32> to vector<16xf32>
      %add3A_4449 = arith.addf %add3A_4425, %get3A_4448 : vector<16xf32>
      %get3A_4450 = arith.constant 9 : i32
      %get3A_4451 = arith.index_cast %get3A_4450 : i32 to index
      %get3A_4452 = arith.constant 0 : index
      %get3A_4453 = tpu.vector_load %arg14[%get3A_4451, %get3A_4452] {strides = array<i32>} : memref<96x16xf32, #tpu.memory_space<vmem>>, vector<1x16xf32>,
      %get3A_4454 = vector.shape_cast %get3A_4453 : vector<1x16xf32> to vector<16xf32>
      %add3A_4455 = arith.addf %add3A_4431, %get3A_4454 : vector<16xf32>
      %get3A_4456 = arith.constant 10 : i32
      %get3A_4457 = arith.index_cast %get3A_4456 : i32 to index
      %get3A_4458 = arith.constant 0 : index
      %get3A_4459 = tpu.vector_load %arg14[%get3A_4457, %get3A_4458] {strides = array<i32>} : memref<96x16xf32, #tpu.memory_space<vmem>>, vector<1x16xf32>,
      %get3A_4460 = vector.shape_cast %get3A_4459 : vector<1x16xf32> to vector<16xf32>
      %add3A_4461 = arith.addf %add3A_4437, %get3A_4460 : vector<16xf32>
      %get3A_4462 = arith.constant 11 : i32
      %get3A_4463 = arith.index_cast %get3A_4462 : i32 to index
      %get3A_4464 = arith.constant 0 : index
      %get3A_4465 = tpu.vector_load %arg14[%get3A_4463, %get3A_4464] {strides = array<i32>} : memref<96x16xf32, #tpu.memory_space<vmem>>, vector<1x16xf32>,
      %get3A_4466 = vector.shape_cast %get3A_4465 : vector<1x16xf32> to vector<16xf32>
      %add3A_4467 = arith.addf %add3A_4443, %get3A_4466 : vector<16xf32>
      %get3A_4468 = arith.constant 12 : i32
      %get3A_4469 = arith.index_cast %get3A_4468 : i32 to index
      %get3A_4470 = arith.constant 0 : index
      %get3A_4471 = tpu.vector_load %arg14[%get3A_4469, %get3A_4470] {strides = array<i32>} : memref<96x16xf32, #tpu.memory_space<vmem>>, vector<1x16xf32>,
      %get3A_4472 = vector.shape_cast %get3A_4471 : vector<1x16xf32> to vector<16xf32>
      %add3A_4473 = arith.addf %add3A_4449, %get3A_4472 : vector<16xf32>
      %get3A_4474 = arith.constant 13 : i32
      %get3A_4475 = arith.index_cast %get3A_4474 : i32 to index
      %get3A_4476 = arith.constant 0 : index
      %get3A_4477 = tpu.vector_load %arg14[%get3A_4475, %get3A_4476] {strides = array<i32>} : memref<96x16xf32, #tpu.memory_space<vmem>>, vector<1x16xf32>,
      %get3A_4478 = vector.shape_cast %get3A_4477 : vector<1x16xf32> to vector<16xf32>
      %add3A_4479 = arith.addf %add3A_4455, %get3A_4478 : vector<16xf32>
      %get3A_4480 = arith.constant 14 : i32
      %get3A_4481 = arith.index_cast %get3A_4480 : i32 to index
      %get3A_4482 = arith.constant 0 : index
      %get3A_4483 = tpu.vector_load %arg14[%get3A_4481, %get3A_4482] {strides = array<i32>} : memref<96x16xf32, #tpu.memory_space<vmem>>, vector<1x16xf32>,
      %get3A_4484 = vector.shape_cast %get3A_4483 : vector<1x16xf32> to vector<16xf32>
      %add3A_4485 = arith.addf %add3A_4461, %get3A_4484 : vector<16xf32>
      %get3A_4486 = arith.constant 15 : i32
      %get3A_4487 = arith.index_cast %get3A_4486 : i32 to index
      %get3A_4488 = arith.constant 0 : index
      %get3A_4489 = tpu.vector_load %arg14[%get3A_4487, %get3A_4488] {strides = array<i32>} : memref<96x16xf32, #tpu.memory_space<vmem>>, vector<1x16xf32>,
      %get3A_4490 = vector.shape_cast %get3A_4489 : vector<1x16xf32> to vector<16xf32>
      %add3A_4491 = arith.addf %add3A_4467, %get3A_4490 : vector<16xf32>
      %get3A_4492 = arith.constant 16 : i32
      %get3A_4493 = arith.index_cast %get3A_4492 : i32 to index
      %get3A_4494 = arith.constant 0 : index
      %get3A_4495 = tpu.vector_load %arg14[%get3A_4493, %get3A_4494] {strides = array<i32>} : memref<96x16xf32, #tpu.memory_space<vmem>>, vector<1x16xf32>,
      %get3A_4496 = vector.shape_cast %get3A_4495 : vector<1x16xf32> to vector<16xf32>
      %add3A_4497 = arith.addf %add3A_4473, %get3A_4496 : vector<16xf32>
      %get3A_4498 = arith.constant 17 : i32
      %get3A_4499 = arith.index_cast %get3A_4498 : i32 to index
      %get3A_4500 = arith.constant 0 : index
      %get3A_4501 = tpu.vector_load %arg14[%get3A_4499, %get3A_4500] {strides = array<i32>} : memref<96x16xf32, #tpu.memory_space<vmem>>, vector<1x16xf32>,
      %get3A_4502 = vector.shape_cast %get3A_4501 : vector<1x16xf32> to vector<16xf32>
      %add3A_4503 = arith.addf %add3A_4479, %get3A_4502 : vector<16xf32>
      %get3A_4504 = arith.constant 18 : i32
      %get3A_4505 = arith.index_cast %get3A_4504 : i32 to index
      %get3A_4506 = arith.constant 0 : index
      %get3A_4507 = tpu.vector_load %arg14[%get3A_4505, %get3A_4506] {strides = array<i32>} : memref<96x16xf32, #tpu.memory_space<vmem>>, vector<1x16xf32>,
      %get3A_4508 = vector.shape_cast %get3A_4507 : vector<1x16xf32> to vector<16xf32>
      %add3A_4509 = arith.addf %add3A_4485, %get3A_4508 : vector<16xf32>
      %get3A_4510 = arith.constant 19 : i32
      %get3A_4511 = arith.index_cast %get3A_4510 : i32 to index
      %get3A_4512 = arith.constant 0 : index
      %get3A_4513 = tpu.vector_load %arg14[%get3A_4511, %get3A_4512] {strides = array<i32>} : memref<96x16xf32, #tpu.memory_space<vmem>>, vector<1x16xf32>,
      %get3A_4514 = vector.shape_cast %get3A_4513 : vector<1x16xf32> to vector<16xf32>
      %add3A_4515 = arith.addf %add3A_4491, %get3A_4514 : vector<16xf32>
      %get3A_4516 = arith.constant 20 : i32
      %get3A_4517 = arith.index_cast %get3A_4516 : i32 to index
      %get3A_4518 = arith.constant 0 : index
      %get3A_4519 = tpu.vector_load %arg14[%get3A_4517, %get3A_4518] {strides = array<i32>} : memref<96x16xf32, #tpu.memory_space<vmem>>, vector<1x16xf32>,
      %get3A_4520 = vector.shape_cast %get3A_4519 : vector<1x16xf32> to vector<16xf32>
      %add3A_4521 = arith.addf %add3A_4497, %get3A_4520 : vector<16xf32>
      %get3A_4522 = arith.constant 21 : i32
      %get3A_4523 = arith.index_cast %get3A_4522 : i32 to index
      %get3A_4524 = arith.constant 0 : index
      %get3A_4525 = tpu.vector_load %arg14[%get3A_4523, %get3A_4524] {strides = array<i32>} : memref<96x16xf32, #tpu.memory_space<vmem>>, vector<1x16xf32>,
      %get3A_4526 = vector.shape_cast %get3A_4525 : vector<1x16xf32> to vector<16xf32>
      %add3A_4527 = arith.addf %add3A_4503, %get3A_4526 : vector<16xf32>
      %get3A_4528 = arith.constant 22 : i32
      %get3A_4529 = arith.index_cast %get3A_4528 : i32 to index
      %get3A_4530 = arith.constant 0 : index
      %get3A_4531 = tpu.vector_load %arg14[%get3A_4529, %get3A_4530] {strides = array<i32>} : memref<96x16xf32, #tpu.memory_space<vmem>>, vector<1x16xf32>,
      %get3A_4532 = vector.shape_cast %get3A_4531 : vector<1x16xf32> to vector<16xf32>
      %add3A_4533 = arith.addf %add3A_4509, %get3A_4532 : vector<16xf32>
      %get3A_4534 = arith.constant 23 : i32
      %get3A_4535 = arith.index_cast %get3A_4534 : i32 to index
      %get3A_4536 = arith.constant 0 : index
      %get3A_4537 = tpu.vector_load %arg14[%get3A_4535, %get3A_4536] {strides = array<i32>} : memref<96x16xf32, #tpu.memory_space<vmem>>, vector<1x16xf32>,
      %get3A_4538 = vector.shape_cast %get3A_4537 : vector<1x16xf32> to vector<16xf32>
      %add3A_4539 = arith.addf %add3A_4515, %get3A_4538 : vector<16xf32>
      %get3A_4540 = arith.constant 24 : i32
      %get3A_4541 = arith.index_cast %get3A_4540 : i32 to index
      %get3A_4542 = arith.constant 0 : index
      %get3A_4543 = tpu.vector_load %arg14[%get3A_4541, %get3A_4542] {strides = array<i32>} : memref<96x16xf32, #tpu.memory_space<vmem>>, vector<1x16xf32>,
      %get3A_4544 = vector.shape_cast %get3A_4543 : vector<1x16xf32> to vector<16xf32>
      %add3A_4545 = arith.addf %add3A_4521, %get3A_4544 : vector<16xf32>
      %get3A_4546 = arith.constant 25 : i32
      %get3A_4547 = arith.index_cast %get3A_4546 : i32 to index
      %get3A_4548 = arith.constant 0 : index
      %get3A_4549 = tpu.vector_load %arg14[%get3A_4547, %get3A_4548] {strides = array<i32>} : memref<96x16xf32, #tpu.memory_space<vmem>>, vector<1x16xf32>,
      %get3A_4550 = vector.shape_cast %get3A_4549 : vector<1x16xf32> to vector<16xf32>
      %add3A_4551 = arith.addf %add3A_4527, %get3A_4550 : vector<16xf32>
      %get3A_4552 = arith.constant 26 : i32
      %get3A_4553 = arith.index_cast %get3A_4552 : i32 to index
      %get3A_4554 = arith.constant 0 : index
      %get3A_4555 = tpu.vector_load %arg14[%get3A_4553, %get3A_4554] {strides = array<i32>} : memref<96x16xf32, #tpu.memory_space<vmem>>, vector<1x16xf32>,
      %get3A_4556 = vector.shape_cast %get3A_4555 : vector<1x16xf32> to vector<16xf32>
      %add3A_4557 = arith.addf %add3A_4533, %get3A_4556 : vector<16xf32>
      %get3A_4558 = arith.constant 27 : i32
      %get3A_4559 = arith.index_cast %get3A_4558 : i32 to index
      %get3A_4560 = arith.constant 0 : index
      %get3A_4561 = tpu.vector_load %arg14[%get3A_4559, %get3A_4560] {strides = array<i32>} : memref<96x16xf32, #tpu.memory_space<vmem>>, vector<1x16xf32>,
      %get3A_4562 = vector.shape_cast %get3A_4561 : vector<1x16xf32> to vector<16xf32>
      %add3A_4563 = arith.addf %add3A_4539, %get3A_4562 : vector<16xf32>
      %get3A_4564 = arith.constant 28 : i32
      %get3A_4565 = arith.index_cast %get3A_4564 : i32 to index
      %get3A_4566 = arith.constant 0 : index
      %get3A_4567 = tpu.vector_load %arg14[%get3A_4565, %get3A_4566] {strides = array<i32>} : memref<96x16xf32, #tpu.memory_space<vmem>>, vector<1x16xf32>,
      %get3A_4568 = vector.shape_cast %get3A_4567 : vector<1x16xf32> to vector<16xf32>
      %add3A_4569 = arith.addf %add3A_4545, %get3A_4568 : vector<16xf32>
      %get3A_4570 = arith.constant 29 : i32
      %get3A_4571 = arith.index_cast %get3A_4570 : i32 to index
      %get3A_4572 = arith.constant 0 : index
      %get3A_4573 = tpu.vector_load %arg14[%get3A_4571, %get3A_4572] {strides = array<i32>} : memref<96x16xf32, #tpu.memory_space<vmem>>, vector<1x16xf32>,
      %get3A_4574 = vector.shape_cast %get3A_4573 : vector<1x16xf32> to vector<16xf32>
      %add3A_4575 = arith.addf %add3A_4551, %get3A_4574 : vector<16xf32>
      %get3A_4576 = arith.constant 30 : i32
      %get3A_4577 = arith.index_cast %get3A_4576 : i32 to index
      %get3A_4578 = arith.constant 0 : index
      %get3A_4579 = tpu.vector_load %arg14[%get3A_4577, %get3A_4578] {strides = array<i32>} : memref<96x16xf32, #tpu.memory_space<vmem>>, vector<1x16xf32>,
      %get3A_4580 = vector.shape_cast %get3A_4579 : vector<1x16xf32> to vector<16xf32>
      %add3A_4581 = arith.addf %add3A_4557, %get3A_4580 : vector<16xf32>
      %get3A_4582 = arith.constant 31 : i32
      %get3A_4583 = arith.index_cast %get3A_4582 : i32 to index
      %get3A_4584 = arith.constant 0 : index
      %get3A_4585 = tpu.vector_load %arg14[%get3A_4583, %get3A_4584] {strides = array<i32>} : memref<96x16xf32, #tpu.memory_space<vmem>>, vector<1x16xf32>,
      %get3A_4586 = vector.shape_cast %get3A_4585 : vector<1x16xf32> to vector<16xf32>
      %add3A_4587 = arith.addf %add3A_4563, %get3A_4586 : vector<16xf32>
      %get3A_4588 = arith.constant 32 : i32
      %get3A_4589 = arith.index_cast %get3A_4588 : i32 to index
      %get3A_4590 = arith.constant 0 : index
      %get3A_4591 = tpu.vector_load %arg14[%get3A_4589, %get3A_4590] {strides = array<i32>} : memref<96x16xf32, #tpu.memory_space<vmem>>, vector<1x16xf32>,
      %get3A_4592 = vector.shape_cast %get3A_4591 : vector<1x16xf32> to vector<16xf32>
      %add3A_4593 = arith.addf %add3A_4569, %get3A_4592 : vector<16xf32>
      %get3A_4594 = arith.constant 33 : i32
      %get3A_4595 = arith.index_cast %get3A_4594 : i32 to index
      %get3A_4596 = arith.constant 0 : index
      %get3A_4597 = tpu.vector_load %arg14[%get3A_4595, %get3A_4596] {strides = array<i32>} : memref<96x16xf32, #tpu.memory_space<vmem>>, vector<1x16xf32>,
      %get3A_4598 = vector.shape_cast %get3A_4597 : vector<1x16xf32> to vector<16xf32>
      %add3A_4599 = arith.addf %add3A_4575, %get3A_4598 : vector<16xf32>
      %get3A_4600 = arith.constant 34 : i32
      %get3A_4601 = arith.index_cast %get3A_4600 : i32 to index
      %get3A_4602 = arith.constant 0 : index
      %get3A_4603 = tpu.vector_load %arg14[%get3A_4601, %get3A_4602] {strides = array<i32>} : memref<96x16xf32, #tpu.memory_space<vmem>>, vector<1x16xf32>,
      %get3A_4604 = vector.shape_cast %get3A_4603 : vector<1x16xf32> to vector<16xf32>
      %add3A_4605 = arith.addf %add3A_4581, %get3A_4604 : vector<16xf32>
      %get3A_4606 = arith.constant 35 : i32
      %get3A_4607 = arith.index_cast %get3A_4606 : i32 to index
      %get3A_4608 = arith.constant 0 : index
      %get3A_4609 = tpu.vector_load %arg14[%get3A_4607, %get3A_4608] {strides = array<i32>} : memref<96x16xf32, #tpu.memory_space<vmem>>, vector<1x16xf32>,
      %get3A_4610 = vector.shape_cast %get3A_4609 : vector<1x16xf32> to vector<16xf32>
      %add3A_4611 = arith.addf %add3A_4587, %get3A_4610 : vector<16xf32>
      %get3A_4612 = arith.constant 36 : i32
      %get3A_4613 = arith.index_cast %get3A_4612 : i32 to index
      %get3A_4614 = arith.constant 0 : index
      %get3A_4615 = tpu.vector_load %arg14[%get3A_4613, %get3A_4614] {strides = array<i32>} : memref<96x16xf32, #tpu.memory_space<vmem>>, vector<1x16xf32>,
      %get3A_4616 = vector.shape_cast %get3A_4615 : vector<1x16xf32> to vector<16xf32>
      %add3A_4617 = arith.addf %add3A_4593, %get3A_4616 : vector<16xf32>
      %get3A_4618 = arith.constant 37 : i32
      %get3A_4619 = arith.index_cast %get3A_4618 : i32 to index
      %get3A_4620 = arith.constant 0 : index
      %get3A_4621 = tpu.vector_load %arg14[%get3A_4619, %get3A_4620] {strides = array<i32>} : memref<96x16xf32, #tpu.memory_space<vmem>>, vector<1x16xf32>,
      %get3A_4622 = vector.shape_cast %get3A_4621 : vector<1x16xf32> to vector<16xf32>
      %add3A_4623 = arith.addf %add3A_4599, %get3A_4622 : vector<16xf32>
      %get3A_4624 = arith.constant 38 : i32
      %get3A_4625 = arith.index_cast %get3A_4624 : i32 to index
      %get3A_4626 = arith.constant 0 : index
      %get3A_4627 = tpu.vector_load %arg14[%get3A_4625, %get3A_4626] {strides = array<i32>} : memref<96x16xf32, #tpu.memory_space<vmem>>, vector<1x16xf32>,
      %get3A_4628 = vector.shape_cast %get3A_4627 : vector<1x16xf32> to vector<16xf32>
      %add3A_4629 = arith.addf %add3A_4605, %get3A_4628 : vector<16xf32>
      %get3A_4630 = arith.constant 39 : i32
      %get3A_4631 = arith.index_cast %get3A_4630 : i32 to index
      %get3A_4632 = arith.constant 0 : index
      %get3A_4633 = tpu.vector_load %arg14[%get3A_4631, %get3A_4632] {strides = array<i32>} : memref<96x16xf32, #tpu.memory_space<vmem>>, vector<1x16xf32>,
      %get3A_4634 = vector.shape_cast %get3A_4633 : vector<1x16xf32> to vector<16xf32>
      %add3A_4635 = arith.addf %add3A_4611, %get3A_4634 : vector<16xf32>
      %get3A_4636 = arith.constant 40 : i32
      %get3A_4637 = arith.index_cast %get3A_4636 : i32 to index
      %get3A_4638 = arith.constant 0 : index
      %get3A_4639 = tpu.vector_load %arg14[%get3A_4637, %get3A_4638] {strides = array<i32>} : memref<96x16xf32, #tpu.memory_space<vmem>>, vector<1x16xf32>,
      %get3A_4640 = vector.shape_cast %get3A_4639 : vector<1x16xf32> to vector<16xf32>
      %add3A_4641 = arith.addf %add3A_4617, %get3A_4640 : vector<16xf32>
      %get3A_4642 = arith.constant 41 : i32
      %get3A_4643 = arith.index_cast %get3A_4642 : i32 to index
      %get3A_4644 = arith.constant 0 : index
      %get3A_4645 = tpu.vector_load %arg14[%get3A_4643, %get3A_4644] {strides = array<i32>} : memref<96x16xf32, #tpu.memory_space<vmem>>, vector<1x16xf32>,
      %get3A_4646 = vector.shape_cast %get3A_4645 : vector<1x16xf32> to vector<16xf32>
      %add3A_4647 = arith.addf %add3A_4623, %get3A_4646 : vector<16xf32>
      %get3A_4648 = arith.constant 42 : i32
      %get3A_4649 = arith.index_cast %get3A_4648 : i32 to index
      %get3A_4650 = arith.constant 0 : index
      %get3A_4651 = tpu.vector_load %arg14[%get3A_4649, %get3A_4650] {strides = array<i32>} : memref<96x16xf32, #tpu.memory_space<vmem>>, vector<1x16xf32>,
      %get3A_4652 = vector.shape_cast %get3A_4651 : vector<1x16xf32> to vector<16xf32>
      %add3A_4653 = arith.addf %add3A_4629, %get3A_4652 : vector<16xf32>
      %get3A_4654 = arith.constant 43 : i32
      %get3A_4655 = arith.index_cast %get3A_4654 : i32 to index
      %get3A_4656 = arith.constant 0 : index
      %get3A_4657 = tpu.vector_load %arg14[%get3A_4655, %get3A_4656] {strides = array<i32>} : memref<96x16xf32, #tpu.memory_space<vmem>>, vector<1x16xf32>,
      %get3A_4658 = vector.shape_cast %get3A_4657 : vector<1x16xf32> to vector<16xf32>
      %add3A_4659 = arith.addf %add3A_4635, %get3A_4658 : vector<16xf32>
      %get3A_4660 = arith.constant 44 : i32
      %get3A_4661 = arith.index_cast %get3A_4660 : i32 to index
      %get3A_4662 = arith.constant 0 : index
      %get3A_4663 = tpu.vector_load %arg14[%get3A_4661, %get3A_4662] {strides = array<i32>} : memref<96x16xf32, #tpu.memory_space<vmem>>, vector<1x16xf32>,
      %get3A_4664 = vector.shape_cast %get3A_4663 : vector<1x16xf32> to vector<16xf32>
      %add3A_4665 = arith.addf %add3A_4641, %get3A_4664 : vector<16xf32>
      %get3A_4666 = arith.constant 45 : i32
      %get3A_4667 = arith.index_cast %get3A_4666 : i32 to index
      %get3A_4668 = arith.constant 0 : index
      %get3A_4669 = tpu.vector_load %arg14[%get3A_4667, %get3A_4668] {strides = array<i32>} : memref<96x16xf32, #tpu.memory_space<vmem>>, vector<1x16xf32>,
      %get3A_4670 = vector.shape_cast %get3A_4669 : vector<1x16xf32> to vector<16xf32>
      %add3A_4671 = arith.addf %add3A_4647, %get3A_4670 : vector<16xf32>
      %get3A_4672 = arith.constant 46 : i32
      %get3A_4673 = arith.index_cast %get3A_4672 : i32 to index
      %get3A_4674 = arith.constant 0 : index
      %get3A_4675 = tpu.vector_load %arg14[%get3A_4673, %get3A_4674] {strides = array<i32>} : memref<96x16xf32, #tpu.memory_space<vmem>>, vector<1x16xf32>,
      %get3A_4676 = vector.shape_cast %get3A_4675 : vector<1x16xf32> to vector<16xf32>
      %add3A_4677 = arith.addf %add3A_4653, %get3A_4676 : vector<16xf32>
      %get3A_4678 = arith.constant 47 : i32
      %get3A_4679 = arith.index_cast %get3A_4678 : i32 to index
      %get3A_4680 = arith.constant 0 : index
      %get3A_4681 = tpu.vector_load %arg14[%get3A_4679, %get3A_4680] {strides = array<i32>} : memref<96x16xf32, #tpu.memory_space<vmem>>, vector<1x16xf32>,
      %get3A_4682 = vector.shape_cast %get3A_4681 : vector<1x16xf32> to vector<16xf32>
      %add3A_4683 = arith.addf %add3A_4659, %get3A_4682 : vector<16xf32>
      %get3A_4684 = arith.constant 48 : i32
      %get3A_4685 = arith.index_cast %get3A_4684 : i32 to index
      %get3A_4686 = arith.constant 0 : index
      %get3A_4687 = tpu.vector_load %arg14[%get3A_4685, %get3A_4686] {strides = array<i32>} : memref<96x16xf32, #tpu.memory_space<vmem>>, vector<1x16xf32>,
      %get3A_4688 = vector.shape_cast %get3A_4687 : vector<1x16xf32> to vector<16xf32>
      %add3A_4689 = arith.addf %add3A_4665, %get3A_4688 : vector<16xf32>
      %get3A_4690 = arith.constant 49 : i32
      %get3A_4691 = arith.index_cast %get3A_4690 : i32 to index
      %get3A_4692 = arith.constant 0 : index
      %get3A_4693 = tpu.vector_load %arg14[%get3A_4691, %get3A_4692] {strides = array<i32>} : memref<96x16xf32, #tpu.memory_space<vmem>>, vector<1x16xf32>,
      %get3A_4694 = vector.shape_cast %get3A_4693 : vector<1x16xf32> to vector<16xf32>
      %add3A_4695 = arith.addf %add3A_4671, %get3A_4694 : vector<16xf32>
      %get3A_4696 = arith.constant 50 : i32
      %get3A_4697 = arith.index_cast %get3A_4696 : i32 to index
      %get3A_4698 = arith.constant 0 : index
      %get3A_4699 = tpu.vector_load %arg14[%get3A_4697, %get3A_4698] {strides = array<i32>} : memref<96x16xf32, #tpu.memory_space<vmem>>, vector<1x16xf32>,
      %get3A_4700 = vector.shape_cast %get3A_4699 : vector<1x16xf32> to vector<16xf32>
      %add3A_4701 = arith.addf %add3A_4677, %get3A_4700 : vector<16xf32>
      %get3A_4702 = arith.constant 51 : i32
      %get3A_4703 = arith.index_cast %get3A_4702 : i32 to index
      %get3A_4704 = arith.constant 0 : index
      %get3A_4705 = tpu.vector_load %arg14[%get3A_4703, %get3A_4704] {strides = array<i32>} : memref<96x16xf32, #tpu.memory_space<vmem>>, vector<1x16xf32>,
      %get3A_4706 = vector.shape_cast %get3A_4705 : vector<1x16xf32> to vector<16xf32>
      %add3A_4707 = arith.addf %add3A_4683, %get3A_4706 : vector<16xf32>
      %get3A_4708 = arith.constant 52 : i32
      %get3A_4709 = arith.index_cast %get3A_4708 : i32 to index
      %get3A_4710 = arith.constant 0 : index
      %get3A_4711 = tpu.vector_load %arg14[%get3A_4709, %get3A_4710] {strides = array<i32>} : memref<96x16xf32, #tpu.memory_space<vmem>>, vector<1x16xf32>,
      %get3A_4712 = vector.shape_cast %get3A_4711 : vector<1x16xf32> to vector<16xf32>
      %add3A_4713 = arith.addf %add3A_4689, %get3A_4712 : vector<16xf32>
      %get3A_4714 = arith.constant 53 : i32
      %get3A_4715 = arith.index_cast %get3A_4714 : i32 to index
      %get3A_4716 = arith.constant 0 : index
      %get3A_4717 = tpu.vector_load %arg14[%get3A_4715, %get3A_4716] {strides = array<i32>} : memref<96x16xf32, #tpu.memory_space<vmem>>, vector<1x16xf32>,
      %get3A_4718 = vector.shape_cast %get3A_4717 : vector<1x16xf32> to vector<16xf32>
      %add3A_4719 = arith.addf %add3A_4695, %get3A_4718 : vector<16xf32>
      %get3A_4720 = arith.constant 54 : i32
      %get3A_4721 = arith.index_cast %get3A_4720 : i32 to index
      %get3A_4722 = arith.constant 0 : index
      %get3A_4723 = tpu.vector_load %arg14[%get3A_4721, %get3A_4722] {strides = array<i32>} : memref<96x16xf32, #tpu.memory_space<vmem>>, vector<1x16xf32>,
      %get3A_4724 = vector.shape_cast %get3A_4723 : vector<1x16xf32> to vector<16xf32>
      %add3A_4725 = arith.addf %add3A_4701, %get3A_4724 : vector<16xf32>
      %get3A_4726 = arith.constant 55 : i32
      %get3A_4727 = arith.index_cast %get3A_4726 : i32 to index
      %get3A_4728 = arith.constant 0 : index
      %get3A_4729 = tpu.vector_load %arg14[%get3A_4727, %get3A_4728] {strides = array<i32>} : memref<96x16xf32, #tpu.memory_space<vmem>>, vector<1x16xf32>,
      %get3A_4730 = vector.shape_cast %get3A_4729 : vector<1x16xf32> to vector<16xf32>
      %add3A_4731 = arith.addf %add3A_4707, %get3A_4730 : vector<16xf32>
      %get3A_4732 = arith.constant 56 : i32
      %get3A_4733 = arith.index_cast %get3A_4732 : i32 to index
      %get3A_4734 = arith.constant 0 : index
      %get3A_4735 = tpu.vector_load %arg14[%get3A_4733, %get3A_4734] {strides = array<i32>} : memref<96x16xf32, #tpu.memory_space<vmem>>, vector<1x16xf32>,
      %get3A_4736 = vector.shape_cast %get3A_4735 : vector<1x16xf32> to vector<16xf32>
      %add3A_4737 = arith.addf %add3A_4713, %get3A_4736 : vector<16xf32>
      %get3A_4738 = arith.constant 57 : i32
      %get3A_4739 = arith.index_cast %get3A_4738 : i32 to index
      %get3A_4740 = arith.constant 0 : index
      %get3A_4741 = tpu.vector_load %arg14[%get3A_4739, %get3A_4740] {strides = array<i32>} : memref<96x16xf32, #tpu.memory_space<vmem>>, vector<1x16xf32>,
      %get3A_4742 = vector.shape_cast %get3A_4741 : vector<1x16xf32> to vector<16xf32>
      %add3A_4743 = arith.addf %add3A_4719, %get3A_4742 : vector<16xf32>
      %get3A_4744 = arith.constant 58 : i32
      %get3A_4745 = arith.index_cast %get3A_4744 : i32 to index
      %get3A_4746 = arith.constant 0 : index
      %get3A_4747 = tpu.vector_load %arg14[%get3A_4745, %get3A_4746] {strides = array<i32>} : memref<96x16xf32, #tpu.memory_space<vmem>>, vector<1x16xf32>,
      %get3A_4748 = vector.shape_cast %get3A_4747 : vector<1x16xf32> to vector<16xf32>
      %add3A_4749 = arith.addf %add3A_4725, %get3A_4748 : vector<16xf32>
      %get3A_4750 = arith.constant 59 : i32
      %get3A_4751 = arith.index_cast %get3A_4750 : i32 to index
      %get3A_4752 = arith.constant 0 : index
      %get3A_4753 = tpu.vector_load %arg14[%get3A_4751, %get3A_4752] {strides = array<i32>} : memref<96x16xf32, #tpu.memory_space<vmem>>, vector<1x16xf32>,
      %get3A_4754 = vector.shape_cast %get3A_4753 : vector<1x16xf32> to vector<16xf32>
      %add3A_4755 = arith.addf %add3A_4731, %get3A_4754 : vector<16xf32>
      %get3A_4756 = arith.constant 60 : i32
      %get3A_4757 = arith.index_cast %get3A_4756 : i32 to index
      %get3A_4758 = arith.constant 0 : index
      %get3A_4759 = tpu.vector_load %arg14[%get3A_4757, %get3A_4758] {strides = array<i32>} : memref<96x16xf32, #tpu.memory_space<vmem>>, vector<1x16xf32>,
      %get3A_4760 = vector.shape_cast %get3A_4759 : vector<1x16xf32> to vector<16xf32>
      %add3A_4761 = arith.addf %add3A_4737, %get3A_4760 : vector<16xf32>
      %get3A_4762 = arith.constant 61 : i32
      %get3A_4763 = arith.index_cast %get3A_4762 : i32 to index
      %get3A_4764 = arith.constant 0 : index
      %get3A_4765 = tpu.vector_load %arg14[%get3A_4763, %get3A_4764] {strides = array<i32>} : memref<96x16xf32, #tpu.memory_space<vmem>>, vector<1x16xf32>,
      %get3A_4766 = vector.shape_cast %get3A_4765 : vector<1x16xf32> to vector<16xf32>
      %add3A_4767 = arith.addf %add3A_4743, %get3A_4766 : vector<16xf32>
      %get3A_4768 = arith.constant 62 : i32
      %get3A_4769 = arith.index_cast %get3A_4768 : i32 to index
      %get3A_4770 = arith.constant 0 : index
      %get3A_4771 = tpu.vector_load %arg14[%get3A_4769, %get3A_4770] {strides = array<i32>} : memref<96x16xf32, #tpu.memory_space<vmem>>, vector<1x16xf32>,
      %get3A_4772 = vector.shape_cast %get3A_4771 : vector<1x16xf32> to vector<16xf32>
      %add3A_4773 = arith.addf %add3A_4749, %get3A_4772 : vector<16xf32>
      %get3A_4774 = arith.constant 63 : i32
      %get3A_4775 = arith.index_cast %get3A_4774 : i32 to index
      %get3A_4776 = arith.constant 0 : index
      %get3A_4777 = tpu.vector_load %arg14[%get3A_4775, %get3A_4776] {strides = array<i32>} : memref<96x16xf32, #tpu.memory_space<vmem>>, vector<1x16xf32>,
      %get3A_4778 = vector.shape_cast %get3A_4777 : vector<1x16xf32> to vector<16xf32>
      %add3A_4779 = arith.addf %add3A_4755, %get3A_4778 : vector<16xf32>
      %get3A_4780 = arith.constant 64 : i32
      %get3A_4781 = arith.index_cast %get3A_4780 : i32 to index
      %get3A_4782 = arith.constant 0 : index
      %get3A_4783 = tpu.vector_load %arg14[%get3A_4781, %get3A_4782] {strides = array<i32>} : memref<96x16xf32, #tpu.memory_space<vmem>>, vector<1x16xf32>,
      %get3A_4784 = vector.shape_cast %get3A_4783 : vector<1x16xf32> to vector<16xf32>
      %add3A_4785 = arith.addf %add3A_4761, %get3A_4784 : vector<16xf32>
      %get3A_4786 = arith.constant 65 : i32
      %get3A_4787 = arith.index_cast %get3A_4786 : i32 to index
      %get3A_4788 = arith.constant 0 : index
      %get3A_4789 = tpu.vector_load %arg14[%get3A_4787, %get3A_4788] {strides = array<i32>} : memref<96x16xf32, #tpu.memory_space<vmem>>, vector<1x16xf32>,
      %get3A_4790 = vector.shape_cast %get3A_4789 : vector<1x16xf32> to vector<16xf32>
      %add3A_4791 = arith.addf %add3A_4767, %get3A_4790 : vector<16xf32>
      %get3A_4792 = arith.constant 66 : i32
      %get3A_4793 = arith.index_cast %get3A_4792 : i32 to index
      %get3A_4794 = arith.constant 0 : index
      %get3A_4795 = tpu.vector_load %arg14[%get3A_4793, %get3A_4794] {strides = array<i32>} : memref<96x16xf32, #tpu.memory_space<vmem>>, vector<1x16xf32>,
      %get3A_4796 = vector.shape_cast %get3A_4795 : vector<1x16xf32> to vector<16xf32>
      %add3A_4797 = arith.addf %add3A_4773, %get3A_4796 : vector<16xf32>
      %get3A_4798 = arith.constant 67 : i32
      %get3A_4799 = arith.index_cast %get3A_4798 : i32 to index
      %get3A_4800 = arith.constant 0 : index
      %get3A_4801 = tpu.vector_load %arg14[%get3A_4799, %get3A_4800] {strides = array<i32>} : memref<96x16xf32, #tpu.memory_space<vmem>>, vector<1x16xf32>,
      %get3A_4802 = vector.shape_cast %get3A_4801 : vector<1x16xf32> to vector<16xf32>
      %add3A_4803 = arith.addf %add3A_4779, %get3A_4802 : vector<16xf32>
      %get3A_4804 = arith.constant 68 : i32
      %get3A_4805 = arith.index_cast %get3A_4804 : i32 to index
      %get3A_4806 = arith.constant 0 : index
      %get3A_4807 = tpu.vector_load %arg14[%get3A_4805, %get3A_4806] {strides = array<i32>} : memref<96x16xf32, #tpu.memory_space<vmem>>, vector<1x16xf32>,
      %get3A_4808 = vector.shape_cast %get3A_4807 : vector<1x16xf32> to vector<16xf32>
      %add3A_4809 = arith.addf %add3A_4785, %get3A_4808 : vector<16xf32>
      %get3A_4810 = arith.constant 69 : i32
      %get3A_4811 = arith.index_cast %get3A_4810 : i32 to index
      %get3A_4812 = arith.constant 0 : index
      %get3A_4813 = tpu.vector_load %arg14[%get3A_4811, %get3A_4812] {strides = array<i32>} : memref<96x16xf32, #tpu.memory_space<vmem>>, vector<1x16xf32>,
      %get3A_4814 = vector.shape_cast %get3A_4813 : vector<1x16xf32> to vector<16xf32>
      %add3A_4815 = arith.addf %add3A_4791, %get3A_4814 : vector<16xf32>
      %get3A_4816 = arith.constant 70 : i32
      %get3A_4817 = arith.index_cast %get3A_4816 : i32 to index
      %get3A_4818 = arith.constant 0 : index
      %get3A_4819 = tpu.vector_load %arg14[%get3A_4817, %get3A_4818] {strides = array<i32>} : memref<96x16xf32, #tpu.memory_space<vmem>>, vector<1x16xf32>,
      %get3A_4820 = vector.shape_cast %get3A_4819 : vector<1x16xf32> to vector<16xf32>
      %add3A_4821 = arith.addf %add3A_4797, %get3A_4820 : vector<16xf32>
      %get3A_4822 = arith.constant 71 : i32
      %get3A_4823 = arith.index_cast %get3A_4822 : i32 to index
      %get3A_4824 = arith.constant 0 : index
      %get3A_4825 = tpu.vector_load %arg14[%get3A_4823, %get3A_4824] {strides = array<i32>} : memref<96x16xf32, #tpu.memory_space<vmem>>, vector<1x16xf32>,
      %get3A_4826 = vector.shape_cast %get3A_4825 : vector<1x16xf32> to vector<16xf32>
      %add3A_4827 = arith.addf %add3A_4803, %get3A_4826 : vector<16xf32>
      %get3A_4828 = arith.constant 72 : i32
      %get3A_4829 = arith.index_cast %get3A_4828 : i32 to index
      %get3A_4830 = arith.constant 0 : index
      %get3A_4831 = tpu.vector_load %arg14[%get3A_4829, %get3A_4830] {strides = array<i32>} : memref<96x16xf32, #tpu.memory_space<vmem>>, vector<1x16xf32>,
      %get3A_4832 = vector.shape_cast %get3A_4831 : vector<1x16xf32> to vector<16xf32>
      %add3A_4833 = arith.addf %add3A_4809, %get3A_4832 : vector<16xf32>
      %get3A_4834 = arith.constant 73 : i32
      %get3A_4835 = arith.index_cast %get3A_4834 : i32 to index
      %get3A_4836 = arith.constant 0 : index
      %get3A_4837 = tpu.vector_load %arg14[%get3A_4835, %get3A_4836] {strides = array<i32>} : memref<96x16xf32, #tpu.memory_space<vmem>>, vector<1x16xf32>,
      %get3A_4838 = vector.shape_cast %get3A_4837 : vector<1x16xf32> to vector<16xf32>
      %add3A_4839 = arith.addf %add3A_4815, %get3A_4838 : vector<16xf32>
      %get3A_4840 = arith.constant 74 : i32
      %get3A_4841 = arith.index_cast %get3A_4840 : i32 to index
      %get3A_4842 = arith.constant 0 : index
      %get3A_4843 = tpu.vector_load %arg14[%get3A_4841, %get3A_4842] {strides = array<i32>} : memref<96x16xf32, #tpu.memory_space<vmem>>, vector<1x16xf32>,
      %get3A_4844 = vector.shape_cast %get3A_4843 : vector<1x16xf32> to vector<16xf32>
      %add3A_4845 = arith.addf %add3A_4821, %get3A_4844 : vector<16xf32>
      %get3A_4846 = arith.constant 75 : i32
      %get3A_4847 = arith.index_cast %get3A_4846 : i32 to index
      %get3A_4848 = arith.constant 0 : index
      %get3A_4849 = tpu.vector_load %arg14[%get3A_4847, %get3A_4848] {strides = array<i32>} : memref<96x16xf32, #tpu.memory_space<vmem>>, vector<1x16xf32>,
      %get3A_4850 = vector.shape_cast %get3A_4849 : vector<1x16xf32> to vector<16xf32>
      %add3A_4851 = arith.addf %add3A_4827, %get3A_4850 : vector<16xf32>
      %get3A_4852 = arith.constant 76 : i32
      %get3A_4853 = arith.index_cast %get3A_4852 : i32 to index
      %get3A_4854 = arith.constant 0 : index
      %get3A_4855 = tpu.vector_load %arg14[%get3A_4853, %get3A_4854] {strides = array<i32>} : memref<96x16xf32, #tpu.memory_space<vmem>>, vector<1x16xf32>,
      %get3A_4856 = vector.shape_cast %get3A_4855 : vector<1x16xf32> to vector<16xf32>
      %add3A_4857 = arith.addf %add3A_4833, %get3A_4856 : vector<16xf32>
      %get3A_4858 = arith.constant 77 : i32
      %get3A_4859 = arith.index_cast %get3A_4858 : i32 to index
      %get3A_4860 = arith.constant 0 : index
      %get3A_4861 = tpu.vector_load %arg14[%get3A_4859, %get3A_4860] {strides = array<i32>} : memref<96x16xf32, #tpu.memory_space<vmem>>, vector<1x16xf32>,
      %get3A_4862 = vector.shape_cast %get3A_4861 : vector<1x16xf32> to vector<16xf32>
      %add3A_4863 = arith.addf %add3A_4839, %get3A_4862 : vector<16xf32>
      %get3A_4864 = arith.constant 78 : i32
      %get3A_4865 = arith.index_cast %get3A_4864 : i32 to index
      %get3A_4866 = arith.constant 0 : index
      %get3A_4867 = tpu.vector_load %arg14[%get3A_4865, %get3A_4866] {strides = array<i32>} : memref<96x16xf32, #tpu.memory_space<vmem>>, vector<1x16xf32>,
      %get3A_4868 = vector.shape_cast %get3A_4867 : vector<1x16xf32> to vector<16xf32>
      %add3A_4869 = arith.addf %add3A_4845, %get3A_4868 : vector<16xf32>
      %get3A_4870 = arith.constant 79 : i32
      %get3A_4871 = arith.index_cast %get3A_4870 : i32 to index
      %get3A_4872 = arith.constant 0 : index
      %get3A_4873 = tpu.vector_load %arg14[%get3A_4871, %get3A_4872] {strides = array<i32>} : memref<96x16xf32, #tpu.memory_space<vmem>>, vector<1x16xf32>,
      %get3A_4874 = vector.shape_cast %get3A_4873 : vector<1x16xf32> to vector<16xf32>
      %add3A_4875 = arith.addf %add3A_4851, %get3A_4874 : vector<16xf32>
      %get3A_4876 = arith.constant 80 : i32
      %get3A_4877 = arith.index_cast %get3A_4876 : i32 to index
      %get3A_4878 = arith.constant 0 : index
      %get3A_4879 = tpu.vector_load %arg14[%get3A_4877, %get3A_4878] {strides = array<i32>} : memref<96x16xf32, #tpu.memory_space<vmem>>, vector<1x16xf32>,
      %get3A_4880 = vector.shape_cast %get3A_4879 : vector<1x16xf32> to vector<16xf32>
      %add3A_4881 = arith.addf %add3A_4857, %get3A_4880 : vector<16xf32>
      %get3A_4882 = arith.constant 81 : i32
      %get3A_4883 = arith.index_cast %get3A_4882 : i32 to index
      %get3A_4884 = arith.constant 0 : index
      %get3A_4885 = tpu.vector_load %arg14[%get3A_4883, %get3A_4884] {strides = array<i32>} : memref<96x16xf32, #tpu.memory_space<vmem>>, vector<1x16xf32>,
      %get3A_4886 = vector.shape_cast %get3A_4885 : vector<1x16xf32> to vector<16xf32>
      %add3A_4887 = arith.addf %add3A_4863, %get3A_4886 : vector<16xf32>
      %get3A_4888 = arith.constant 82 : i32
      %get3A_4889 = arith.index_cast %get3A_4888 : i32 to index
      %get3A_4890 = arith.constant 0 : index
      %get3A_4891 = tpu.vector_load %arg14[%get3A_4889, %get3A_4890] {strides = array<i32>} : memref<96x16xf32, #tpu.memory_space<vmem>>, vector<1x16xf32>,
      %get3A_4892 = vector.shape_cast %get3A_4891 : vector<1x16xf32> to vector<16xf32>
      %add3A_4893 = arith.addf %add3A_4869, %get3A_4892 : vector<16xf32>
      %get3A_4894 = arith.constant 83 : i32
      %get3A_4895 = arith.index_cast %get3A_4894 : i32 to index
      %get3A_4896 = arith.constant 0 : index
      %get3A_4897 = tpu.vector_load %arg14[%get3A_4895, %get3A_4896] {strides = array<i32>} : memref<96x16xf32, #tpu.memory_space<vmem>>, vector<1x16xf32>,
      %get3A_4898 = vector.shape_cast %get3A_4897 : vector<1x16xf32> to vector<16xf32>
      %add3A_4899 = arith.addf %add3A_4875, %get3A_4898 : vector<16xf32>
      %get3A_4900 = arith.constant 84 : i32
      %get3A_4901 = arith.index_cast %get3A_4900 : i32 to index
      %get3A_4902 = arith.constant 0 : index
      %get3A_4903 = tpu.vector_load %arg14[%get3A_4901, %get3A_4902] {strides = array<i32>} : memref<96x16xf32, #tpu.memory_space<vmem>>, vector<1x16xf32>,
      %get3A_4904 = vector.shape_cast %get3A_4903 : vector<1x16xf32> to vector<16xf32>
      %add3A_4905 = arith.addf %add3A_4881, %get3A_4904 : vector<16xf32>
      %get3A_4906 = arith.constant 85 : i32
      %get3A_4907 = arith.index_cast %get3A_4906 : i32 to index
      %get3A_4908 = arith.constant 0 : index
      %get3A_4909 = tpu.vector_load %arg14[%get3A_4907, %get3A_4908] {strides = array<i32>} : memref<96x16xf32, #tpu.memory_space<vmem>>, vector<1x16xf32>,
      %get3A_4910 = vector.shape_cast %get3A_4909 : vector<1x16xf32> to vector<16xf32>
      %add3A_4911 = arith.addf %add3A_4887, %get3A_4910 : vector<16xf32>
      %get3A_4912 = arith.constant 86 : i32
      %get3A_4913 = arith.index_cast %get3A_4912 : i32 to index
      %get3A_4914 = arith.constant 0 : index
      %get3A_4915 = tpu.vector_load %arg14[%get3A_4913, %get3A_4914] {strides = array<i32>} : memref<96x16xf32, #tpu.memory_space<vmem>>, vector<1x16xf32>,
      %get3A_4916 = vector.shape_cast %get3A_4915 : vector<1x16xf32> to vector<16xf32>
      %add3A_4917 = arith.addf %add3A_4893, %get3A_4916 : vector<16xf32>
      %get3A_4918 = arith.constant 87 : i32
      %get3A_4919 = arith.index_cast %get3A_4918 : i32 to index
      %get3A_4920 = arith.constant 0 : index
      %get3A_4921 = tpu.vector_load %arg14[%get3A_4919, %get3A_4920] {strides = array<i32>} : memref<96x16xf32, #tpu.memory_space<vmem>>, vector<1x16xf32>,
      %get3A_4922 = vector.shape_cast %get3A_4921 : vector<1x16xf32> to vector<16xf32>
      %add3A_4923 = arith.addf %add3A_4899, %get3A_4922 : vector<16xf32>
      %get3A_4924 = arith.constant 88 : i32
      %get3A_4925 = arith.index_cast %get3A_4924 : i32 to index
      %get3A_4926 = arith.constant 0 : index
      %get3A_4927 = tpu.vector_load %arg14[%get3A_4925, %get3A_4926] {strides = array<i32>} : memref<96x16xf32, #tpu.memory_space<vmem>>, vector<1x16xf32>,
      %get3A_4928 = vector.shape_cast %get3A_4927 : vector<1x16xf32> to vector<16xf32>
      %add3A_4929 = arith.addf %add3A_4905, %get3A_4928 : vector<16xf32>
      %get3A_4930 = arith.constant 89 : i32
      %get3A_4931 = arith.index_cast %get3A_4930 : i32 to index
      %get3A_4932 = arith.constant 0 : index
      %get3A_4933 = tpu.vector_load %arg14[%get3A_4931, %get3A_4932] {strides = array<i32>} : memref<96x16xf32, #tpu.memory_space<vmem>>, vector<1x16xf32>,
      %get3A_4934 = vector.shape_cast %get3A_4933 : vector<1x16xf32> to vector<16xf32>
      %add3A_4935 = arith.addf %add3A_4911, %get3A_4934 : vector<16xf32>
      %get3A_4936 = arith.constant 90 : i32
      %get3A_4937 = arith.index_cast %get3A_4936 : i32 to index
      %get3A_4938 = arith.constant 0 : index
      %get3A_4939 = tpu.vector_load %arg14[%get3A_4937, %get3A_4938] {strides = array<i32>} : memref<96x16xf32, #tpu.memory_space<vmem>>, vector<1x16xf32>,
      %get3A_4940 = vector.shape_cast %get3A_4939 : vector<1x16xf32> to vector<16xf32>
      %add3A_4941 = arith.addf %add3A_4917, %get3A_4940 : vector<16xf32>
      %get3A_4942 = arith.constant 91 : i32
      %get3A_4943 = arith.index_cast %get3A_4942 : i32 to index
      %get3A_4944 = arith.constant 0 : index
      %get3A_4945 = tpu.vector_load %arg14[%get3A_4943, %get3A_4944] {strides = array<i32>} : memref<96x16xf32, #tpu.memory_space<vmem>>, vector<1x16xf32>,
      %get3A_4946 = vector.shape_cast %get3A_4945 : vector<1x16xf32> to vector<16xf32>
      %add3A_4947 = arith.addf %add3A_4923, %get3A_4946 : vector<16xf32>
      %get3A_4948 = arith.constant 92 : i32
      %get3A_4949 = arith.index_cast %get3A_4948 : i32 to index
      %get3A_4950 = arith.constant 0 : index
      %get3A_4951 = tpu.vector_load %arg14[%get3A_4949, %get3A_4950] {strides = array<i32>} : memref<96x16xf32, #tpu.memory_space<vmem>>, vector<1x16xf32>,
      %get3A_4952 = vector.shape_cast %get3A_4951 : vector<1x16xf32> to vector<16xf32>
      %add3A_4953 = arith.addf %add3A_4929, %get3A_4952 : vector<16xf32>
      %get3A_4954 = arith.constant 93 : i32
      %get3A_4955 = arith.index_cast %get3A_4954 : i32 to index
      %get3A_4956 = arith.constant 0 : index
      %get3A_4957 = tpu.vector_load %arg14[%get3A_4955, %get3A_4956] {strides = array<i32>} : memref<96x16xf32, #tpu.memory_space<vmem>>, vector<1x16xf32>,
      %get3A_4958 = vector.shape_cast %get3A_4957 : vector<1x16xf32> to vector<16xf32>
      %add3A_4959 = arith.addf %add3A_4935, %get3A_4958 : vector<16xf32>
      %get3A_4960 = arith.constant 94 : i32
      %get3A_4961 = arith.index_cast %get3A_4960 : i32 to index
      %get3A_4962 = arith.constant 0 : index
      %get3A_4963 = tpu.vector_load %arg14[%get3A_4961, %get3A_4962] {strides = array<i32>} : memref<96x16xf32, #tpu.memory_space<vmem>>, vector<1x16xf32>,
      %get3A_4964 = vector.shape_cast %get3A_4963 : vector<1x16xf32> to vector<16xf32>
      %add3A_4965 = arith.addf %add3A_4941, %get3A_4964 : vector<16xf32>
      %get3A_4966 = arith.constant 95 : i32
      %get3A_4967 = arith.index_cast %get3A_4966 : i32 to index
      %get3A_4968 = arith.constant 0 : index
      %get3A_4969 = tpu.vector_load %arg14[%get3A_4967, %get3A_4968] {strides = array<i32>} : memref<96x16xf32, #tpu.memory_space<vmem>>, vector<1x16xf32>,
      %get3A_4970 = vector.shape_cast %get3A_4969 : vector<1x16xf32> to vector<16xf32>
      %add3A_4971 = arith.addf %add3A_4947, %get3A_4970 : vector<16xf32>
      %add3A_4972 = arith.addf %add3A_4953, %add3A_4959 : vector<16xf32>
      %add3A_4973 = arith.addf %add3A_4965, %add3A_4971 : vector<16xf32>
      %add3A_4974 = arith.addf %add3A_4972, %add3A_4973 : vector<16xf32>
      %add3A_4975 = arith.constant 4 : i32
      %add3A_4976 = arith.addi %add3A_3761, %add3A_4975 : i32
      %lt3A_4977 = arith.constant 128 : i32
      %lt3A_4978 = arith.cmpi slt, %add3A_4976, %lt3A_4977 : i32
      %convert_element_type3A_4979 = arith.extui %lt3A_4978 : i1 to i32
      %cond3A_4980 = arith.constant 0 : i32
      %cond3A_4981 = arith.cmpi ne, %convert_element_type3A_4979, %cond3A_4980 : i32
      scf.if %cond3A_4981 {
        %add3A_4990 = arith.constant 4 : i32
        %add3A_4991 = arith.addi %add3A_3761, %add3A_4990 : i32
        %mul3A_4992 = arith.constant 200 : i32
        %mul3A_4993 = arith.muli %add3A_4991, %mul3A_4992 : i32
        %multiple_of3A_4994 = tpu.assume_multiple %mul3A_4993, 8 : i32
        %dma_start3A_4995 = tpu.memref_slice %arg6[%multiple_of3A_4994] : memref<25600xi32, #tpu.memory_space<vmem>> -> memref<104xi32, #tpu.memory_space<vmem>>
        %dma_start3A_4996 = arith.constant 0 : i32
        %dma_start3A_4997 = arith.constant 0 : i32
        %dma_start3A_4998 = tpu.memref_slice %arg3[%dma_start3A_4996, %dma_start3A_4997] : memref<1048576x16xf32, #tpu.memory_space<hbm>> -> memref<1048576x16xf32, #tpu.memory_space<hbm>>
        tpu.enqueue_indirect_dma source(%dma_start3A_4998 : memref<1048576x16xf32, #tpu.memory_space<hbm>>) target(%arg10 : memref<104x16xf32, #tpu.memory_space<vmem>>) offsets(%dma_start3A_4995 : memref<104xi32, #tpu.memory_space<vmem>>) semaphore(%arg20 : memref<!tpu.dma_semaphore, #tpu.memory_space<semaphore_mem>>)
        %mul3A_4999 = arith.constant 200 : i32
        %mul3A_5000 = arith.muli %add3A_4991, %mul3A_4999 : i32
        %add3A_5001 = arith.constant 104 : i32
        %add3A_5002 = arith.addi %mul3A_5000, %add3A_5001 : i32
        %multiple_of3A_5003 = tpu.assume_multiple %add3A_5002, 8 : i32
        %dma_start3A_5004 = tpu.memref_slice %arg6[%multiple_of3A_5003] : memref<25600xi32, #tpu.memory_space<vmem>> -> memref<96xi32, #tpu.memory_space<vmem>>
        %dma_start3A_5005 = arith.constant 0 : i32
        %dma_start3A_5006 = arith.constant 0 : i32
        %dma_start3A_5007 = tpu.memref_slice %arg3[%dma_start3A_5005, %dma_start3A_5006] : memref<1048576x16xf32, #tpu.memory_space<hbm>> -> memref<1048576x16xf32, #tpu.memory_space<hbm>>
        tpu.enqueue_indirect_dma source(%dma_start3A_5007 : memref<1048576x16xf32, #tpu.memory_space<hbm>>) target(%arg14 : memref<96x16xf32, #tpu.memory_space<vmem>>) offsets(%dma_start3A_5004 : memref<96xi32, #tpu.memory_space<vmem>>) semaphore(%arg24 : memref<!tpu.dma_semaphore, #tpu.memory_space<semaphore_mem>>)
      } else {
      }
      %mul3A_4982 = vector.broadcast %scan3A_60 : f32 to vector<16xf32>
      %mul3A_4983 = arith.mulf %add3A_4974, %mul3A_4982 : vector<16xf32>
      %add3A_4984 = arith.addf %get3A_57, %mul3A_4983 : vector<16xf32>
      %swap3A_4985 = arith.index_cast %add3A_3761 : i32 to index
      %swap3A_4986 = arith.constant 0 : index
      %swap3A_4987 = tpu.vector_load %arg16[%swap3A_4985, %swap3A_4986] {strides = array<i32>} : memref<128x16xf32, #tpu.memory_space<vmem>>, vector<1x16xf32>,
      %swap3A_4988 = vector.shape_cast %swap3A_4987 : vector<1x16xf32> to vector<16xf32>
      %swap3A_4989 = vector.shape_cast %add3A_4984 : vector<16xf32> to vector<1x16xf32>
      tpu.vector_store %arg16[%swap3A_4985, %swap3A_4986], %swap3A_4989 {strides = array<i32>} : memref<128x16xf32, #tpu.memory_space<vmem>>, vector<1x16xf32>,
    }
    %scan3A_65 = arith.constant 32 : i32
    "tpu.region"() ({
      %run_scoped3A = tpu.sem_alloc : memref<!tpu.dma_semaphore, #tpu.memory_space<semaphore_mem>>
      %dma_start3A_66 = arith.constant 0 : i32
      %dma_start3A_67 = tpu.memref_slice %arg5[%mul3A_2, %dma_start3A_66] : memref<4096x16xf32, #tpu.memory_space<hbm>> -> memref<128x16xf32, #tpu.memory_space<hbm>>
      %dma_start3A_68 = arith.constant 0 : i32
      %dma_start3A_69 = tpu.memref_slice %arg5[%mul3A_2, %dma_start3A_68] : memref<4096x16xf32, #tpu.memory_space<hbm>> -> memref<128x16xf32, #tpu.memory_space<hbm>>
      tpu.enqueue_dma source(%arg16 : memref<128x16xf32, #tpu.memory_space<vmem>>) target(%dma_start3A_69 : memref<128x16xf32, #tpu.memory_space<hbm>>) target_semaphore(%run_scoped3A : memref<!tpu.dma_semaphore, #tpu.memory_space<semaphore_mem>>)
      %dma_wait3A = arith.constant 0 : i32
      %dma_wait3A_70 = tpu.memref_slice %arg5[%mul3A_2, %dma_wait3A] : memref<4096x16xf32, #tpu.memory_space<hbm>> -> memref<128x16xf32, #tpu.memory_space<hbm>>
      %dma_wait3A_71 = arith.constant 0 : i32
      %dma_wait3A_72 = tpu.memref_slice %arg5[%mul3A_2, %dma_wait3A_71] : memref<4096x16xf32, #tpu.memory_space<hbm>> -> memref<128x16xf32, #tpu.memory_space<hbm>>
      tpu.wait_dma2 semaphore(%run_scoped3A : memref<!tpu.dma_semaphore, #tpu.memory_space<semaphore_mem>>) src(%arg16 : memref<128x16xf32, #tpu.memory_space<vmem>>) dst(%dma_wait3A_72 : memref<128x16xf32, #tpu.memory_space<hbm>>)
      tpu.yield
    }) : () -> ()
    return
  }
}

module attributes {stable_mosaic.version = 14 : i64} {
  func.func @_mm_body(%arg0: i32, %arg1: memref<64x4096xf32, #tpu.memory_space<vmem>>, %arg2: memref<64x4096xf32, #tpu.memory_space<vmem>>, %arg3: memref<64x4096xf32, #tpu.memory_space<vmem>>, %arg4: memref<64x4096xf32, #tpu.memory_space<vmem>>, %arg5: memref<64x4096xf32, #tpu.memory_space<vmem>>, %arg6: memref<64x4096xf32, #tpu.memory_space<vmem>>, %arg7: memref<64x4096xf32, #tpu.memory_space<vmem>>, %arg8: memref<64x4096xf32, #tpu.memory_space<vmem>>, %arg9: memref<512x128xf32, #tpu.memory_space<vmem>>, %arg10: memref<4096x128xf32, #tpu.memory_space<vmem>>) attributes {dimension_semantics = [#tpu.dimension_semantics<arbitrary>], iteration_bounds = array<i64: 32>, scalar_prefetch = 0 : i64, scratch_operands = 0 : i64, tpu.core_type = #tpu.core_type<tc>, window_params = [{transform_indices = @transform_0, window_bounds = array<i64: 64, 4096>}, {transform_indices = @transform_1, window_bounds = array<i64: 64, 4096>}, {transform_indices = @transform_2, window_bounds = array<i64: 64, 4096>}, {transform_indices = @transform_3, window_bounds = array<i64: 64, 4096>}, {transform_indices = @transform_4, window_bounds = array<i64: 64, 4096>}, {transform_indices = @transform_5, window_bounds = array<i64: 64, 4096>}, {transform_indices = @transform_6, window_bounds = array<i64: 64, 4096>}, {transform_indices = @transform_7, window_bounds = array<i64: 64, 4096>}, {pipeline_mode = #tpu.pipeline_mode<synchronous>, transform_indices = @transform_8, window_bounds = array<i64: 512, 128>}, {transform_indices = @transform_9, window_bounds = array<i64: 4096, 128>}]} {
    %get3A = arith.constant 0 : index
    %get3A_0 = arith.constant 0 : index
    %get3A_1 = vector.load %arg1[%get3A, %get3A_0] : memref<64x4096xf32, #tpu.memory_space<vmem>>, vector<64x4096xf32>
    %get3A_2 = arith.constant 0 : index
    %get3A_3 = arith.constant 0 : index
    %get3A_4 = vector.load %arg2[%get3A_2, %get3A_3] : memref<64x4096xf32, #tpu.memory_space<vmem>>, vector<64x4096xf32>
    %get3A_5 = arith.constant 0 : index
    %get3A_6 = arith.constant 0 : index
    %get3A_7 = vector.load %arg3[%get3A_5, %get3A_6] : memref<64x4096xf32, #tpu.memory_space<vmem>>, vector<64x4096xf32>
    %get3A_8 = arith.constant 0 : index
    %get3A_9 = arith.constant 0 : index
    %get3A_10 = vector.load %arg4[%get3A_8, %get3A_9] : memref<64x4096xf32, #tpu.memory_space<vmem>>, vector<64x4096xf32>
    %get3A_11 = arith.constant 0 : index
    %get3A_12 = arith.constant 0 : index
    %get3A_13 = vector.load %arg5[%get3A_11, %get3A_12] : memref<64x4096xf32, #tpu.memory_space<vmem>>, vector<64x4096xf32>
    %get3A_14 = arith.constant 0 : index
    %get3A_15 = arith.constant 0 : index
    %get3A_16 = vector.load %arg6[%get3A_14, %get3A_15] : memref<64x4096xf32, #tpu.memory_space<vmem>>, vector<64x4096xf32>
    %get3A_17 = arith.constant 0 : index
    %get3A_18 = arith.constant 0 : index
    %get3A_19 = vector.load %arg7[%get3A_17, %get3A_18] : memref<64x4096xf32, #tpu.memory_space<vmem>>, vector<64x4096xf32>
    %get3A_20 = arith.constant 0 : index
    %get3A_21 = arith.constant 0 : index
    %get3A_22 = vector.load %arg8[%get3A_20, %get3A_21] : memref<64x4096xf32, #tpu.memory_space<vmem>>, vector<64x4096xf32>
    %concatenate3A = tpu.concatenate %get3A_1, %get3A_4, %get3A_7, %get3A_10, %get3A_13, %get3A_16, %get3A_19, %get3A_22 in 0 : vector<64x4096xf32>, vector<64x4096xf32>, vector<64x4096xf32>, vector<64x4096xf32>, vector<64x4096xf32>, vector<64x4096xf32>, vector<64x4096xf32>, vector<64x4096xf32> -> vector<512x4096xf32>
    %get3A_23 = arith.constant 0 : index
    %get3A_24 = arith.constant 0 : index
    %get3A_25 = vector.load %arg9[%get3A_23, %get3A_24] : memref<512x128xf32, #tpu.memory_space<vmem>>, vector<512x128xf32>
    %dot_general3A = arith.constant dense<0.000000e+00> : vector<4096x128xf32>
    %dot_general3A_26 = tpu.matmul %concatenate3A, %get3A_25, %dot_general3A {dimension_numbers = #tpu.dot_dimension_numbers<[0], [0], [1], [1], [0, 1, 1, 1], [], []>, transpose_lhs_hint = false} : vector<512x4096xf32>, vector<512x128xf32>, vector<4096x128xf32> -> vector<4096x128xf32>
    %swap3A = arith.constant 0 : index
    %swap3A_27 = arith.constant 0 : index
    %swap3A_28 = vector.load %arg10[%swap3A, %swap3A_27] : memref<4096x128xf32, #tpu.memory_space<vmem>>, vector<4096x128xf32>
    tpu.vector_store %arg10[%swap3A, %swap3A_27], %dot_general3A_26 {strides = array<i32>} : memref<4096x128xf32, #tpu.memory_space<vmem>>, vector<4096x128xf32>,
    return
  }
  func.func @transform_0(%arg0: i32) -> (i32, i32) {
    %add3A = arith.constant 0 : i32
    %add3A_0 = arith.addi %add3A, %arg0 : i32
    %min3A = arith.constant 244 : i32
    %min3A_1 = arith.minsi %add3A_0, %min3A : i32
    %c0_i32 = arith.constant 0 : i32
    %c0_i32_2 = arith.constant 0 : i32
    return %c0_i32, %min3A_1 : i32, i32
  }
  func.func @transform_1(%arg0: i32) -> (i32, i32) {
    %add3A = arith.constant 32 : i32
    %add3A_0 = arith.addi %add3A, %arg0 : i32
    %min3A = arith.constant 244 : i32
    %min3A_1 = arith.minsi %add3A_0, %min3A : i32
    %c0_i32 = arith.constant 0 : i32
    %c0_i32_2 = arith.constant 0 : i32
    return %c0_i32, %min3A_1 : i32, i32
  }
  func.func @transform_2(%arg0: i32) -> (i32, i32) {
    %add3A = arith.constant 64 : i32
    %add3A_0 = arith.addi %add3A, %arg0 : i32
    %min3A = arith.constant 244 : i32
    %min3A_1 = arith.minsi %add3A_0, %min3A : i32
    %c0_i32 = arith.constant 0 : i32
    %c0_i32_2 = arith.constant 0 : i32
    return %c0_i32, %min3A_1 : i32, i32
  }
  func.func @transform_3(%arg0: i32) -> (i32, i32) {
    %add3A = arith.constant 96 : i32
    %add3A_0 = arith.addi %add3A, %arg0 : i32
    %min3A = arith.constant 244 : i32
    %min3A_1 = arith.minsi %add3A_0, %min3A : i32
    %c0_i32 = arith.constant 0 : i32
    %c0_i32_2 = arith.constant 0 : i32
    return %c0_i32, %min3A_1 : i32, i32
  }
  func.func @transform_4(%arg0: i32) -> (i32, i32) {
    %add3A = arith.constant 128 : i32
    %add3A_0 = arith.addi %add3A, %arg0 : i32
    %min3A = arith.constant 244 : i32
    %min3A_1 = arith.minsi %add3A_0, %min3A : i32
    %c0_i32 = arith.constant 0 : i32
    %c0_i32_2 = arith.constant 0 : i32
    return %c0_i32, %min3A_1 : i32, i32
  }
  func.func @transform_5(%arg0: i32) -> (i32, i32) {
    %add3A = arith.constant 160 : i32
    %add3A_0 = arith.addi %add3A, %arg0 : i32
    %min3A = arith.constant 244 : i32
    %min3A_1 = arith.minsi %add3A_0, %min3A : i32
    %c0_i32 = arith.constant 0 : i32
    %c0_i32_2 = arith.constant 0 : i32
    return %c0_i32, %min3A_1 : i32, i32
  }
  func.func @transform_6(%arg0: i32) -> (i32, i32) {
    %add3A = arith.constant 192 : i32
    %add3A_0 = arith.addi %add3A, %arg0 : i32
    %min3A = arith.constant 244 : i32
    %min3A_1 = arith.minsi %add3A_0, %min3A : i32
    %c0_i32 = arith.constant 0 : i32
    %c0_i32_2 = arith.constant 0 : i32
    return %c0_i32, %min3A_1 : i32, i32
  }
  func.func @transform_7(%arg0: i32) -> (i32, i32) {
    %add3A = arith.constant 224 : i32
    %add3A_0 = arith.addi %add3A, %arg0 : i32
    %min3A = arith.constant 244 : i32
    %min3A_1 = arith.minsi %add3A_0, %min3A : i32
    %c0_i32 = arith.constant 0 : i32
    %c0_i32_2 = arith.constant 0 : i32
    return %c0_i32, %min3A_1 : i32, i32
  }
  func.func @transform_8(%arg0: i32) -> (i32, i32) {
    %c0_i32 = arith.constant 0 : i32
    %c0_i32_0 = arith.constant 0 : i32
    %c0_i32_1 = arith.constant 0 : i32
    return %c0_i32, %c0_i32_0 : i32, i32
  }
  func.func @transform_9(%arg0: i32) -> (i32, i32) {
    %c0_i32 = arith.constant 0 : i32
    %c0_i32_0 = arith.constant 0 : i32
    return %arg0, %c0_i32 : i32, i32
  }
}

</mosaic_0001>

<sc_bundles>
// kernel: kernel.4.cloned.1.call-start
scs
__scs_entry_jumppad:
0x0: {  	(pc) =	sbr.rel $0x88, $3  }
0x1: {  	(tag) =	ssettag $0x0;
	lr =	simm.s32 $0x1  }
0x2: {  	[smem:$0x3F9D] =	sst lr;
	_ =	strace $0xD0000000  }
0x3: {  	_ = 	snop  }
0x4: {  	_ = 	snop  }
0x5: {  	_ = 	snop  }
0x6: {  	_ = 	snop  }
0x7: {  	_ = 	snop  }
__scs_overlays_trampoline_lowered:
0x8: {  	[smem:$0x3FAC] =	sst s0  }
0x9: {  	[smem:$0x3FAD] =	sst s1  }
0xa: {  	[smem:$0x3FAE] =	sst s2  }
0xb: {  	[smem:$0x3FAF] =	sst s3  }
0xc: {  	[smem:$0x3FB0] =	sst s4  }
0xd: {  	[smem:$0x3FB1] =	sst s5  }
0xe: {  	[smem:$0x3FB2] =	sst s6  }
0xf: {  	[smem:$0x3FB3] =	sst s7  }
0x10: {  	[smem:$0x3FB4] =	sst s8  }
0x11: {  	[smem:$0x3FB5] =	sst s9;
	s0 =	simm.s32 @!p0 $0x0  }
0x12: {  	s1 =	sld [smem:$0x3F9B];
	s0 =	simm.s32 @p0 $0x1  }
0x13: {  	[smem:$0x3FB6] =	sst s0;
	s0 =	simm.s32 @!p1 $0x0  }
0x14: {  	s2 =	sld [smem:$0x3F9A];
	s0 =	simm.s32 @p1 $0x1  }
0x15: {  	[smem:$0x3FB7] =	sst s0;
	s0 =	simm.s32 @!p2 $0x0  }
0x16: {  	s3 =	sld [smem:$0x3FDB];
	s0 =	simm.s32 @p2 $0x1  }
0x17: {  	s4 =	simm.s32 $0x1BF5;
	[smem:$0x3FB9] =	sst s0  }
0x18: {  	s0 =	sld [smem:$0x3F9C];
	_ =	swait.ge [sflag:s4], $0x0  }
0x19: {  	s7 =	sld [smem:$0x3F9D]  }
0x1a: {  	s8 =	sadd.s32 $0xFFFFE003, lr  }
0x1b: {  	s9 =	sadd.s32 $0xFFFFFEF7, lr;
	s5 =	simm.s32 $0xFFFFFFFF;
	p2 =	slt.u32 s8, $0xFFFFF086  }
0x1c: {  	p1 =	slt.u32 s9, $0xF7A;
	s5 =	simm.s32 @!p2 $0x0  }
0x1d: {  	s5 =	simm.s32 @p1 $0x1;
	p0 =	seq.s32 s7, s2  }
0x1e: {  	s7 =	smul.u32 @!p0 $0xF7A, s2;
	p2 =	seq.s32 @!p0 s5, $0x0  }
0x1f: {  	s9 =	smul.u32 $0xF7A, s1;
	s8 =	simm.s32 @!p0 $0x1BF5;
	p2 =	por !p2, p0  }
0x20: {  	[sflag:s8] =	ssyncset.s32 @!p0 $0xFFFFF086;
	s6 =	sadd.s32 @!p0 s3, s7;
	s7 =	simm.s32 @!p0 $0x108  }
0x21: {  	s3 =	sadd.s32 s3, s9;
	s6 =	sadd.s32 @!p0 $0x88, s6;
	s7 =	simm.s32 @p2 $0x1082  }
0x22: {  	[simem:s7], [sflag:s8] =	dma.local @!p0 [hbm:s6], $0xF7A  }
0x23: {  	s9 =	sor.u32 $0xD0000000, s2;
	s6 =	simm.s32 $0x108;
	_ =	swait.ge @!p0 [sflag:s8], $0x0  }
0x24: {  	s3 =	sadd.s32 $0x88, s3;
	s6 =	simm.s32 @!p1 $0x1082;
	[sflag:s4] =	ssyncset.s32 $0xFFFFF086  }
0x25: {  	[simem:s6], [sflag:s4] =	dma.local [hbm:s3], $0xF7A  }
0x26: {  	[smem:$0x3F9D] =	sst s1;
	(tag) =	ssettag s2;
	_ =	strace s9  }
0x27: {  	s1 =	sld [smem:$0x3FAD]  }
0x28: {  	s2 =	sld [smem:$0x3FAE]  }
0x29: {  	s4 =	sld [smem:$0x3FB0]  }
0x2a: {  	p0 =	seq.s32 s5, $0x0;
	s5 =	sld [smem:$0x3FB1]  }
0x2b: {  	s6 =	sld [smem:$0x3FB2]  }
0x2c: {  	s7 =	sld [smem:$0x3FB3]  }
0x2d: {  	s3 =	simm.s32 $0x108;
	s8 =	sld [smem:$0x3FB4]  }
0x2e: {  	s3 =	simm.s32 @!p0 $0x1082;
	s9 =	sld [smem:$0x3FB5]  }
0x2f: {  	lr =	sadd.s32 s0, s3;
	s0 =	sld [smem:$0x3FAC]  }
0x30: {  	s3 =	sld [smem:$0x3FAF]  }
0x31: {  	[smem:$0x3FB8] =	sst s10  }
0x32: {  	s10 =	sld [smem:$0x3FB6];
	_ =	sdelay $0x3  }
0x33: {  	p0 =	seq.s32 s10, $0x1;
	s10 =	sld [smem:$0x3FB8];
	_ =	sdelay $0x3  }
0x34: {  	[smem:$0x3FB8] =	sst s10  }
0x35: {  	s10 =	sld [smem:$0x3FB7];
	_ =	sdelay $0x3  }
0x36: {  	p1 =	seq.s32 s10, $0x1;
	s10 =	sld [smem:$0x3FB8];
	_ =	sdelay $0x3  }
0x37: {  	[smem:$0x3FB8] =	sst s10  }
0x38: {  	s10 =	sld [smem:$0x3FB9]  }
0x39: {  	_ = 	snop;
	(pc) =	sbr.ind lr, $3  }
0x3a: {  	_ = 	snop  }
0x3b: {  	_ = 	snop  }
0x3c: {  	p2 =	seq.s32 s10, $0x1;
	s10 =	sld [smem:$0x3FB8]  }
0x3d: {  	_ =	shalt  }
0x3e: {  	_ =	shalt  }
0x3f: {  	_ =	shalt  }
0x40: {  	_ =	shalt  }
0x41: {  	_ =	shalt  }
0x42: {  	_ =	shalt  }
0x43: {  	_ =	shalt  }
0x44: {  	_ =	shalt  }
0x45: {  	_ =	shalt  }
0x46: {  	_ =	shalt  }
0x47: {  	_ =	shalt  }
0x48: {  	_ =	shalt  }
0x49: {  	_ =	shalt  }
0x4a: {  	_ =	shalt  }
0x4b: {  	_ =	shalt  }
0x4c: {  	_ =	shalt  }
0x4d: {  	_ =	shalt  }
0x4e: {  	_ =	shalt  }
0x4f: {  	_ =	shalt  }
0x50: {  	_ =	shalt  }
0x51: {  	_ =	shalt  }
0x52: {  	_ =	shalt  }
0x53: {  	_ =	shalt  }
0x54: {  	_ =	shalt  }
0x55: {  	_ =	shalt  }
0x56: {  	_ =	shalt  }
0x57: {  	_ =	shalt  }
0x58: {  	_ =	shalt  }
0x59: {  	_ =	shalt  }
0x5a: {  	_ =	shalt  }
0x5b: {  	_ =	shalt  }
0x5c: {  	_ =	shalt  }
0x5d: {  	_ =	shalt  }
0x5e: {  	_ =	shalt  }
0x5f: {  	_ =	shalt  }
0x60: {  	_ =	shalt  }
0x61: {  	_ =	shalt  }
0x62: {  	_ =	shalt  }
0x63: {  	_ =	shalt  }
0x64: {  	_ =	shalt  }
0x65: {  	_ =	shalt  }
0x66: {  	_ =	shalt  }
0x67: {  	_ =	shalt  }
0x68: {  	_ =	shalt  }
0x69: {  	_ =	shalt  }
0x6a: {  	_ =	shalt  }
0x6b: {  	_ =	shalt  }
0x6c: {  	_ =	shalt  }
0x6d: {  	_ =	shalt  }
0x6e: {  	_ =	shalt  }
0x6f: {  	_ =	shalt  }
0x70: {  	_ =	shalt  }
0x71: {  	_ =	shalt  }
0x72: {  	_ =	shalt  }
0x73: {  	_ =	shalt  }
0x74: {  	_ =	shalt  }
0x75: {  	_ =	shalt  }
0x76: {  	_ =	shalt  }
0x77: {  	_ =	shalt  }
0x78: {  	_ =	shalt  }
0x79: {  	_ =	shalt  }
0x7a: {  	_ =	shalt  }
0x7b: {  	_ =	shalt  }
0x7c: {  	_ =	shalt  }
0x7d: {  	_ =	shalt  }
0x7e: {  	_ =	shalt  }
0x7f: {  	_ =	shalt  }
0x80: {  	_ =	shalt  }
0x81: {  	_ =	shalt  }
0x82: {  	_ =	shalt  }
0x83: {  	_ =	shalt  }
0x84: {  	_ =	shalt  }
0x85: {  	_ =	shalt  }
0x86: {  	_ =	shalt  }
0x87: {  	_ =	shalt  }
.Lfunc_end0:
.L_simem_size_0:
called_computation_lowered:
.L_overlay_start_0:
0x88: {  	s2 =	sld [smem:$0x3FD9]  }
0x89: {  	s3 =	sld [smem:$0x3FFE];
	_ =	sdelay $0x1  }
0x8a: {  	s1 =	srdreg.scid  }
0x8b: {  	s0 =	sand.u32 $0x1, s1  }
0x8c: {  	s17 =	sshll.u32 s0, $0xA;
	s2 =	sadd.s32 s3, s2  }
0x8d: {  	s2 =	sadd.s32 s2, s17  }
0x8e: {  	[smem:$0x3FC4] =	sst s2  }
0x8f: {  	_ = 	snop  }
0x90: {  	s2 =	sld [smem:$0x3FC6]  }
0x91: {  	s18 =	sld [smem:$0x3FD0];
	(tm) =	ssettm $0x1  }
0x92: {  	s4 =	sld [smem:$0x3FFB];
	_ =	sdelay $0x3  }
0x93: {  	_ =	strace s4  }
0x94: {  	s4 =	sld [smem:$0x3FFC];
	_ =	sdelay $0x3  }
0x95: {  	_ =	strace s4  }
0x96: {  	s4 =	sld [smem:$0x3FFD];
	_ =	sdelay $0x3  }
0x97: {  	_ =	strace s4  }
0x98: {  	_ =	strace $0x8FFFFFFF  }
0x99: {  	s19 =	sld [smem:$0x3FDB];
	_ =	sdelay $0x1  }
0x9a: {  	s5 =	simm.s32 $_scs_section_size  }
0x9b: {  	s6 =	simm.s32 $_size__tile_overlayer_lowered;
	s7 =	simm.s32 $_tile_overlayer_lowered  }
0x9c: {  	s22 =	simm.s32 $0x1BFF;
	s21 =	sshll.u32 s7, $0x1;
	s4 =	sadd.s32 s5, s19  }
0x9d: {  	s8 =	simm.s32 $0x0;
	s20 =	sshll.u32 s6, $0x1;
	s6 =	sadd.s32 s21, s4  }
0x9e: {  	[timem:s8], [sflag:s22] =	dma.local [hbm:s6], s20  }
0x9f: {  	_ =	swait.ge [sflag:s22], s20  }
0xa0: {  	s5 =	ssub.s32 $0x0, s20;
	[sflag:s22] =	ssyncset.done $0x0  }
0xa1: {  	[sflag:s22] =	ssyncadd.s32 s5;
	_ =	sdelay $0x1  }
0xa2: {  	s23 =	simm.s32 $0x1B8B  }
0xa3: {  	_ =	swait.ge [sflag:s23], $0x1  }
0xa4: {  	[sflag:s23] =	ssyncset.done $0x0  }
0xa5: {  	s25 =	simm.s32 $0x1B8E;
	s24 =	sld [smem:$0x3FFE];
	[sflag:s23] =	ssyncadd.s32 $0xFFFFFFFF  }
0xa6: {  	s26 =	simm.s32 $execute0_lowered;
	[smem:$0x3FD2] =	sst s25  }
0xa7: {  	s6 =	sshll.u32 s26, $0x1;
	_ =	strace $0x80000046;
	[dreg:$0x1] =	wrdreg $0xFFFFFFFF  }
0xa8: {  	s28 =	simm.s32 $_size_execute0_lowered;
	s4 =	sadd.s32 s4, s6;
	[dreg:$0x0] =	wrdreg $0x0  }
0xa9: {  	s6 =	sshll.u32 s28, $0x1;
	[dreg:$0x2] =	wrdreg s4  }
0xaa: {  	[dreg:$0x3] =	wrdreg s6  }
0xab: {  	[dreg:$0x4] =	wrdreg $0xC0  }
0xac: {  	_ =	task [dreg:s8], $0x5FFFF  }
0xad: {  	[dreg:$0x1] =	wrdreg $0xFFFFFFFF  }
0xae: {  	[dreg:$0x0] =	wrdreg $0x60  }
0xaf: {  	[dreg:$0x2] =	wrdreg s24  }
0xb0: {  	[dreg:$0x3] =	wrdreg s2  }
0xb1: {  	[dreg:$0x4] =	wrdreg s18  }
0xb2: {  	[dreg:$0x5] =	wrdreg $0x9  }
0xb3: {  	_ =	task.clear_ibuf [dreg:s8], $0x6FFFF;
	_ =	strace $0x90000046  }
0xb4: {  	s29 =	simm.s32 $0x9;
	_ =	strace $0x80000048  }
0xb5: {  	_ =	swait.ge [sflag:s29], $0x1  }
0xb6: {  	[sflag:s29] =	ssyncadd.s32 $0xFFFFFFFF  }
0xb7: {  	_ =	strace $0x90000048  }
0xb8: {  	_ =	sfence  }
0xb9: {  	s30 =	sld [smem:$0x0];
	_ =	sdelay $0x2  }
0xba: {  	s31 =	sshll.u32 s1, $0xD;
	s1 =	sshrl.u32 s1, $0x2  }
0xbb: {  	s3 =	sand.u32 $0x4000, s31;
	s1 =	sadd.s32 s1, s30  }
0xbc: {  	s0 =	sor.u32 s3, s0;
	s1 =	sshll.u32 s1, $0x11  }
0xbd: {  	s0 =	sor.u32 s1, s0  }
0xbe: {  	s0 =	sadd.s32 $0x8F2B, s0  }
0xbf: {  	[sflag:s0] =	ssyncadd.remote.s32 $0x1  }
0xc0: {  	_ =	sfence.sel $0xFFFF  }
0xc1: {  	[dreg:$0x0] =	wrdreg $0xFFFFFFFF;
	(pc) =	sbr.abs _section_cstart, $3  }
0xc2: {  	[dreg:$0x1] =	wrdreg $0xFFFFFFFF  }
0xc3: {  	_ =	task.clear_ibuf [dreg:s8], $0x2FFFF;
	_ =	strace $0x9FFFFFFF  }
0xc4: {  	(tm) =	ssettm $0x7FFFFFFF  }
0xc5: {  	_ =	shalt  }
tec
execute0_lowered:
.L_overlay_start_1:
0x0: {  	(tag) =	ssettag $0x1  }
0x1: {  	s0 =	rddreg [dreg:$0x0];
	s1 =	srdreg.scid  }
0x2: {  	s3 =	stileid.u32;
	s2 =	rddreg [dreg:$0x2]  }
0x3: {  	s8 =	simm.s32 $0x9;
	s10 =	simm.s32 $0x68;
	s12 =	simm.s32 $0x60  }
0x4: {  	s20 =	simm.s32 $0x1F8;
	s21 =	simm.s32 $0x8A00;
	s22 =	simm.s32 $0x258  }
0x5: {  	s23 =	simm.s32 $0x7780;
	s24 =	simm.s32 $0x2C0;
	s28 =	simm.s32 $0x5  }
0x6: {  	s29 =	simm.s32 $0x2;
	s30 =	simm.s32 $0x6;
	s31 =	simm.s32 $0x3  }
0x7: {  	s9 =	simm.s32 $0x9610;
	s1 =	sand.u32 $0x1, s1;
	s4 =	sshll.u32 s3, $0x1  }
0x8: {  	s11 =	simm.s32 $0x0;
	s3 =	simm.s32 $0x0;
	s6 =	sor.u32 s1, s4  }
0x9: {  	[smem:$0x7FF] =	sst s3;
	s1 =	ssub.s32 $0x2, s1;
	s4 =	smul.u32 $0xC80, s6  }
.Ltmp0:
0xa: {  	_ =	strace $0x80000047;
	s26 =	sshll.u32 s6, $0x8;
	(pc) =	sbr.rel .LBB2_1-.Ltmp0, $4  }
0xb: {  	s25 =	sshrl.u32 s1, $0x1;
	s6 =	sadd.s32 s2, s26;
	s26 =	simm.s32 $0x1  }
0xc: {  	s2 =	simm.s32 $0x8;
	s5 =	sadd.s32 s4, s0;
	s4 =	sadd.s32 $0x19400, s0  }
0xd: {  	s0 =	ssub.s32 s1, s25;
	s25 =	simm.s32 $0x9000;
	s1 =	simm.s32 $0x7  }
0xe: {  	s5 =	sadd.s32 $0x400, s5;
	s7 =	smax.u32 s0, $0x1;
	s0 =	simm.s32 $0x4  }
.LBB2_6:
0xf: {  	s11 =	sadd.s32 $0x1, s11  }
0x10: {  	p0 =	sne.s32 s11, s7  }
.Ltmp1:
0x11: {  	[tilespmem:s14+$0x0] =	vst v0;
	(pc) =	sbr.rel @!p0 .LBB2_7-.Ltmp1, $4  }
0x12: {  	[hbm4b:s6+s3] =	stream.linear.scatter [tilespmem:s9], [sflag:$0x9], $0x800, $0x38;
	[tilespmem:$0x9E10] =	vst v63  }
0x13: {  	_ =	swait.ge [sflag:s8], $0x800  }
0x14: {  	[sflag:s8] =	ssyncset.done $0x0  }
0x15: {  	[sflag:s8] =	ssyncadd.s32 $0xFFFFF800  }
.LBB2_1:
0x16: {  	[tilespmem:s3], [sflag:$0x9] =	stream.linear.gather [hbm4b:s5+s3], $0x6400, $0x38;
	[tilespmem:$0x9E10] =	vst v63  }
0x17: {  	_ =	swait.ge [sflag:s8], $0x6400  }
0x18: {  	[sflag:s8] =	ssyncset.done $0x0  }
0x19: {  	[sflag:s8] =	ssyncadd.s32 $0xFFFF9C00  }
0x1a: {  	s14 =	simm.s32 $0x9600;
	s13 =	rddreg [dreg:$0x1]  }
0x1b: {  	[tilespmem:s14], [sflag:$0x9] =	stream.linear.gather [hbm4b:s13+s3], $0x10, $0x38;
	[tilespmem:$0x9E10] =	vst v63  }
0x1c: {  	_ =	swait.ge [sflag:s8], $0x10  }
0x1d: {  	[sflag:s8] =	ssyncset.done $0x0  }
0x1e: {  	s13 =	simm.s32 $0x0;
	[sflag:s8] =	ssyncadd.s32 $0xFFFFFFF0  }
0x1f: {  	v0 =	vld [tilespmem:s13+$0x30]  }
0x20: {  	v2 =	vld [tilespmem:s13+$0x20];
	_ =	sdelay $0x2  }
0x21: {  	v1 =	vld [tilespmem:s13+$0x10]  }
0x22: {  	v3 =	vshll.u32 v0, $0x3;
	v4 =	vshra.s32 v0, $0x11;
	v0 =	vld [tilespmem:s13+$0x0]  }
0x23: {  	v5 =	vshll.u32 v2, $0x3;
	v6 =	vand.u32 $0xFFFF8, v3  }
0x24: {  	s15 =	simm.s32 $0x100;
	s14 =	simm.s32 $0x200;
	v2 =	vshra.s32 v2, $0x11;
	v3 =	vand.u32 $0xFFFF8, v5;
	v4 =	vor.u32 v4, v6  }
.LBB2_2:
0x25: {  	p0 =	sne.s32 s14, $0x18F00  }
0x26: {  	s16 =	sshra.s32 s15, $0x2;
	v5 =	vshll.u32 v1, $0x3;
	v1 =	vshra.s32 v1, $0x11;
	v2 =	vor.u32 v2, v3;
	[tilespmem:s13+$0x30] =	vst v4;
	s15 =	smov.u32 s14;
	s14 =	sadd.s32 $0x100, s14  }
0x27: {  	v3 =	vld [tilespmem:s16+$0x30];
	v4 =	vshll.u32 v0, $0x3;
	v0 =	vshra.s32 v0, $0x11;
	v5 =	vand.u32 $0xFFFF8, v5;
	[tilespmem:s13+$0x20] =	vst v2  }
0x28: {  	v2 =	vld [tilespmem:s16+$0x20];
	v4 =	vand.u32 $0xFFFF8, v4;
	v1 =	vor.u32 v1, v5  }
0x29: {  	v0 =	vor.u32 v0, v4;
	[tilespmem:s13+$0x10] =	vst v1  }
.Ltmp2:
0x2a: {  	v1 =	vld [tilespmem:s16+$0x10];
	[tilespmem:s13+$0x0] =	vst v0;
	s13 =	smov.u32 s16;
	(pc) =	sbr.rel @p0 .LBB2_2-.Ltmp2, $4  }
0x2b: {  	v0 =	vld [tilespmem:s13+$0x0]  }
0x2c: {  	v4 =	vshll.u32 v3, $0x3;
	v5 =	vshra.s32 v3, $0x11  }
0x2d: {  	v3 =	vshll.u32 v2, $0x3;
	v2 =	vshra.s32 v2, $0x11;
	v4 =	vand.u32 $0xFFFF8, v4  }
0x2e: {  	v3 =	vand.u32 $0xFFFF8, v3;
	v4 =	vor.u32 v5, v4  }
0x2f: {  	s14 =	sshra.s32 s15, $0x2;
	[tilespmem:s13+$0x30] =	vst v4;
	v55 =	vshll.u32 v1, $0x3;
	v2 =	vor.u32 v2, v3  }
0x30: {  	v57 =	vshra.s32 v1, $0x11;
	v56 =	vld [tilespmem:s14+$0x30];
	v4 =	vand.u32 $0xFFFF8, v55;
	[tilespmem:s13+$0x20] =	vst v2;
	v58 =	vshll.u32 v0, $0x3  }
0x31: {  	v59 =	vshra.s32 v0, $0x11;
	v5 =	vld [tilespmem:s14+$0x20];
	v1 =	vor.u32 v57, v4;
	v2 =	vand.u32 $0xFFFF8, v58  }
0x32: {  	[tilespmem:s13+$0x10] =	vst v1;
	v0 =	vor.u32 v59, v2  }
0x33: {  	v1 =	vld [tilespmem:s14+$0x10];
	[tilespmem:s13+$0x0] =	vst v0  }
0x34: {  	v0 =	vld [tilespmem:s14+$0x0];
	_ =	sdelay $0x1  }
0x35: {  	v60 =	vshll.u32 v56, $0x3;
	v3 =	vshra.s32 v56, $0x11;
	v61 =	vshll.u32 v5, $0x3  }
0x36: {  	v5 =	vshra.s32 v5, $0x11;
	v2 =	vand.u32 $0xFFFF8, v60;
	v4 =	vand.u32 $0xFFFF8, v61  }
0x37: {  	v2 =	vor.u32 v3, v2;
	v62 =	vshll.u32 v1, $0x3;
	v1 =	vshra.s32 v1, $0x11  }
0x38: {  	v4 =	vor.u32 v5, v4;
	[tilespmem:s14+$0x30] =	vst v2;
	v63 =	vshll.u32 v0, $0x3;
	v3 =	vand.u32 $0xFFFF8, v62  }
0x39: {  	v0 =	vshra.s32 v0, $0x11;
	[tilespmem:s14+$0x20] =	vst v4;
	v2 =	vand.u32 $0xFFFF8, v63;
	v1 =	vor.u32 v1, v3  }
0x3a: {  	v0 =	vor.u32 v0, v2;
	[tilespmem:s14+$0x10] =	vst v1  }
0x3b: {  	s16 =	simm.s32 $0x6400;
	s13 =	simm.s32 $0x0;
	[tilespmem:s14+$0x0] =	vst v0  }
0x3c: {  	[tilespmem:s16], [sflag:$0x1] =	stream.indirect.gather [hbm4b:s4+s10], $0x10, s13, s10, $0xb8;
	[tilespmem:$0x9E10] =	vst v63  }
0x3d: {  	s17 =	simm.s32 $0x7E00  }
0x3e: {  	[tilespmem:s17], [sflag:$0x5] =	stream.indirect.gather [hbm4b:s4+s12], $0x10, s10, s12, $0xb8;
	[tilespmem:$0x9E10] =	vst v63  }
0x3f: {  	s18 =	simm.s32 $0xC8;
	s19 =	simm.s32 $0x6A80  }
0x40: {  	[tilespmem:s19], [sflag:$0x2] =	stream.indirect.gather [hbm4b:s4+s10], $0x10, s18, s10, $0xb8;
	[tilespmem:$0x9E10] =	vst v63  }
0x41: {  	s16 =	simm.s32 $0x130;
	s17 =	simm.s32 $0x8400  }
0x42: {  	[tilespmem:s17], [sflag:$0x6] =	stream.indirect.gather [hbm4b:s4+s12], $0x10, s16, s12, $0xb8;
	[tilespmem:$0x9E10] =	vst v63  }
0x43: {  	s18 =	simm.s32 $0x190;
	s19 =	simm.s32 $0x7100  }
0x44: {  	[tilespmem:s19], [sflag:$0x3] =	stream.indirect.gather [hbm4b:s4+s10], $0x10, s18, s10, $0xb8;
	[tilespmem:$0x9E10] =	vst v63  }
0x45: {  	_ = 	snop  }
0x46: {  	[tilespmem:s21], [sflag:$0x7] =	stream.indirect.gather [hbm4b:s4+s12], $0x10, s20, s12, $0xb8;
	[tilespmem:$0x9E10] =	vst v63  }
0x47: {  	_ = 	snop  }
0x48: {  	[tilespmem:s23], [sflag:$0x4] =	stream.indirect.gather [hbm4b:s4+s10], $0x10, s22, s10, $0xb8;
	[tilespmem:$0x9E10] =	vst v63  }
0x49: {  	_ = 	snop  }
0x4a: {  	[tilespmem:s25], [sflag:$0x8] =	stream.indirect.gather [hbm4b:s4+s12], $0x10, s24, s12, $0xb8;
	[tilespmem:$0x9E10] =	vst v63  }
0x4b: {  	v0 =	vld [tilespmem:$0x9600];
	_ =	sdelay $0x4  }
0x4c: {  	s14 =	simm.s32 $0x9640;
	[tilespmem:$0x1FFF0] =	vst v0  }
.LBB2_4:
0x4d: {  	_ =	swait.ge [sflag:s26], $0x680  }
0x4e: {  	[sflag:s26] =	ssyncset.done $0x0  }
0x4f: {  	[sflag:s26] =	ssyncadd.s32 $0xFFFFF980  }
0x50: {  	_ =	swait.ge [sflag:s28], $0x600  }
0x51: {  	[sflag:s28] =	ssyncset.done $0x0  }
0x52: {  	[sflag:s28] =	ssyncadd.s32 $0xFFFFFA00  }
0x53: {  	v0 =	vld [tilespmem:$0x67E0];
	_ =	sdelay $0x4  }
0x54: {  	[tilespmem:$0x1F4F0] =	vst v0;
	v0 =	vld [tilespmem:$0x6800];
	_ =	sdelay $0x4  }
0x55: {  	[tilespmem:$0x1F500] =	vst v0;
	v0 =	vld [tilespmem:$0x6810];
	_ =	sdelay $0x4  }
0x56: {  	[tilespmem:$0x1F510] =	vst v0;
	v0 =	vld [tilespmem:$0x6820];
	_ =	sdelay $0x4  }
0x57: {  	[tilespmem:$0x1F520] =	vst v0;
	v0 =	vld [tilespmem:$0x6830];
	_ =	sdelay $0x4  }
0x58: {  	[tilespmem:$0x1F530] =	vst v0;
	v0 =	vld [tilespmem:$0x6840];
	_ =	sdelay $0x4  }
0x59: {  	[tilespmem:$0x1F540] =	vst v0;
	v0 =	vld [tilespmem:$0x6850];
	_ =	sdelay $0x4  }
0x5a: {  	[tilespmem:$0x1F550] =	vst v0;
	v0 =	vld [tilespmem:$0x6860];
	_ =	sdelay $0x4  }
0x5b: {  	[tilespmem:$0x1F560] =	vst v0;
	v0 =	vld [tilespmem:$0x6870];
	_ =	sdelay $0x4  }
0x5c: {  	[tilespmem:$0x1F570] =	vst v0;
	v0 =	vld [tilespmem:$0x6880];
	_ =	sdelay $0x4  }
0x5d: {  	[tilespmem:$0x1F580] =	vst v0;
	v0 =	vld [tilespmem:$0x6890];
	_ =	sdelay $0x4  }
0x5e: {  	[tilespmem:$0x1F590] =	vst v0;
	v0 =	vld [tilespmem:$0x68A0];
	_ =	sdelay $0x4  }
0x5f: {  	[tilespmem:$0x1F5A0] =	vst v0;
	v0 =	vld [tilespmem:$0x68B0];
	_ =	sdelay $0x4  }
0x60: {  	[tilespmem:$0x1F5B0] =	vst v0;
	v0 =	vld [tilespmem:$0x68C0];
	_ =	sdelay $0x4  }
0x61: {  	[tilespmem:$0x1F5C0] =	vst v0;
	v0 =	vld [tilespmem:$0x68D0];
	_ =	sdelay $0x4  }
0x62: {  	[tilespmem:$0x1F5D0] =	vst v0;
	v0 =	vld [tilespmem:$0x68E0];
	_ =	sdelay $0x4  }
0x63: {  	[tilespmem:$0x1F5E0] =	vst v0;
	v0 =	vld [tilespmem:$0x68F0];
	_ =	sdelay $0x4  }
0x64: {  	[tilespmem:$0x1F5F0] =	vst v0;
	v0 =	vld [tilespmem:$0x6900];
	_ =	sdelay $0x4  }
0x65: {  	[tilespmem:$0x1F600] =	vst v0;
	v0 =	vld [tilespmem:$0x6910];
	_ =	sdelay $0x4  }
0x66: {  	[tilespmem:$0x1F610] =	vst v0;
	v0 =	vld [tilespmem:$0x6920];
	_ =	sdelay $0x4  }
0x67: {  	[tilespmem:$0x1F620] =	vst v0;
	v0 =	vld [tilespmem:$0x6930];
	_ =	sdelay $0x4  }
0x68: {  	[tilespmem:$0x1F630] =	vst v0;
	v0 =	vld [tilespmem:$0x6940];
	_ =	sdelay $0x4  }
0x69: {  	[tilespmem:$0x1F640] =	vst v0;
	v0 =	vld [tilespmem:$0x6950];
	_ =	sdelay $0x4  }
0x6a: {  	[tilespmem:$0x1F650] =	vst v0;
	v0 =	vld [tilespmem:$0x6960];
	_ =	sdelay $0x3  }
0x6b: {  	v2 =	vld [tilespmem:$0x6400]  }
0x6c: {  	[tilespmem:$0x1F660] =	vst v0;
	v0 =	vld [tilespmem:$0x6970]  }
0x6d: {  	v5 =	vld [tilespmem:$0x6410]  }
0x6e: {  	v11 =	vld [tilespmem:$0x6420]  }
0x6f: {  	v14 =	vld [tilespmem:$0x6430]  }
0x70: {  	v17 =	vld [tilespmem:$0x6440]  }
0x71: {  	[tilespmem:$0x1F670] =	vst v0;
	v0 =	vld [tilespmem:$0x6980]  }
0x72: {  	v22 =	vld [tilespmem:$0x6450]  }
0x73: {  	v25 =	vld [tilespmem:$0x6460]  }
0x74: {  	v30 =	vld [tilespmem:$0x6470]  }
0x75: {  	v33 =	vld [tilespmem:$0x6480]  }
0x76: {  	[tilespmem:$0x1F680] =	vst v0;
	v0 =	vld [tilespmem:$0x6990]  }
0x77: {  	v38 =	vld [tilespmem:$0x6490]  }
0x78: {  	v41 =	vld [tilespmem:$0x64A0]  }
0x79: {  	v46 =	vld [tilespmem:$0x64B0]  }
0x7a: {  	v49 =	vld [tilespmem:$0x64C0]  }
0x7b: {  	[tilespmem:$0x1F690] =	vst v0;
	v0 =	vld [tilespmem:$0x69A0]  }
0x7c: {  	v54 =	vld [tilespmem:$0x64D0]  }
0x7d: {  	v57 =	vld [tilespmem:$0x64E0]  }
0x7e: {  	v62 =	vld [tilespmem:$0x64F0]  }
0x7f: {  	v3 =	vld [tilespmem:$0x6500]  }
0x80: {  	[tilespmem:$0x1F6A0] =	vst v0;
	v0 =	vld [tilespmem:$0x69B0]  }
0x81: {  	v1 =	vld [tilespmem:$0x6510]  }
0x82: {  	v6 =	vld [tilespmem:$0x6520]  }
0x83: {  	v4 =	vld [tilespmem:$0x6530]  }
0x84: {  	v8 =	vld [tilespmem:$0x6540]  }
0x85: {  	[tilespmem:$0x1F6B0] =	vst v0;
	v0 =	vld [tilespmem:$0x69C0]  }
0x86: {  	v7 =	vld [tilespmem:$0x6550]  }
0x87: {  	v10 =	vld [tilespmem:$0x6560]  }
0x88: {  	v9 =	vld [tilespmem:$0x6570]  }
0x89: {  	v13 =	vld [tilespmem:$0x6580]  }
0x8a: {  	[tilespmem:$0x1F6C0] =	vst v0;
	v0 =	vld [tilespmem:$0x69D0]  }
0x8b: {  	v12 =	vld [tilespmem:$0x6590]  }
0x8c: {  	v16 =	vld [tilespmem:$0x65A0]  }
0x8d: {  	v15 =	vld [tilespmem:$0x65B0]  }
0x8e: {  	v19 =	vld [tilespmem:$0x65C0]  }
0x8f: {  	[tilespmem:$0x1F6D0] =	vst v0;
	v0 =	vld [tilespmem:$0x69E0]  }
0x90: {  	v18 =	vld [tilespmem:$0x65D0]  }
0x91: {  	v21 =	vld [tilespmem:$0x65E0]  }
0x92: {  	v20 =	vld [tilespmem:$0x65F0]  }
0x93: {  	v24 =	vld [tilespmem:$0x6600]  }
0x94: {  	[tilespmem:$0x1F6E0] =	vst v0;
	v0 =	vld [tilespmem:$0x69F0]  }
0x95: {  	v23 =	vld [tilespmem:$0x6610]  }
0x96: {  	v27 =	vld [tilespmem:$0x6620]  }
0x97: {  	v26 =	vld [tilespmem:$0x6630]  }
0x98: {  	v29 =	vld [tilespmem:$0x6640]  }
0x99: {  	[tilespmem:$0x1F6F0] =	vst v0;
	v0 =	vld [tilespmem:$0x6A00]  }
0x9a: {  	v28 =	vld [tilespmem:$0x6650]  }
0x9b: {  	v32 =	vld [tilespmem:$0x6660]  }
0x9c: {  	v31 =	vld [tilespmem:$0x6670]  }
0x9d: {  	v35 =	vld [tilespmem:$0x6680]  }
0x9e: {  	[tilespmem:$0x1F700] =	vst v0;
	v0 =	vld [tilespmem:$0x6A10]  }
0x9f: {  	v34 =	vld [tilespmem:$0x6690]  }
0xa0: {  	v37 =	vld [tilespmem:$0x66A0]  }
0xa1: {  	v36 =	vld [tilespmem:$0x66B0]  }
0xa2: {  	v40 =	vld [tilespmem:$0x66C0]  }
0xa3: {  	[tilespmem:$0x1F710] =	vst v0;
	v0 =	vld [tilespmem:$0x6A20]  }
0xa4: {  	v39 =	vld [tilespmem:$0x66D0]  }
0xa5: {  	v43 =	vld [tilespmem:$0x66E0]  }
0xa6: {  	v42 =	vld [tilespmem:$0x66F0]  }
0xa7: {  	v45 =	vld [tilespmem:$0x6700]  }
0xa8: {  	[tilespmem:$0x1F720] =	vst v0;
	v0 =	vld [tilespmem:$0x6A30]  }
0xa9: {  	v44 =	vld [tilespmem:$0x6710]  }
0xaa: {  	v48 =	vld [tilespmem:$0x6720]  }
0xab: {  	v47 =	vld [tilespmem:$0x6730]  }
0xac: {  	v51 =	vld [tilespmem:$0x6740]  }
0xad: {  	[tilespmem:$0x1F730] =	vst v0;
	v0 =	vld [tilespmem:$0x6A40]  }
0xae: {  	v50 =	vld [tilespmem:$0x6750]  }
0xaf: {  	v53 =	vld [tilespmem:$0x6760]  }
0xb0: {  	v52 =	vld [tilespmem:$0x6770]  }
0xb1: {  	v63 =	vld [tilespmem:$0x6780]  }
0xb2: {  	[tilespmem:$0x1F740] =	vst v0;
	v0 =	vld [tilespmem:$0x6A50]  }
0xb3: {  	v55 =	vld [tilespmem:$0x6790]  }
0xb4: {  	v60 =	vld [tilespmem:$0x67A0]  }
0xb5: {  	v61 =	vld [tilespmem:$0x67B0]  }
0xb6: {  	v58 =	vld [tilespmem:$0x67C0]  }
0xb7: {  	[tilespmem:$0x1F750] =	vst v0;
	v0 =	vld [tilespmem:$0x6A60]  }
0xb8: {  	v59 =	vld [tilespmem:$0x67D0];
	v2 =	vadd.f32 $0.0e+00, v2  }
0xb9: {  	v56 =	vld [tilespmem:$0x67F0];
	v5 =	vadd.f32 $0.0e+00, v5  }
0xba: {  	v2 =	vadd.f32 v17, v2;
	v17 =	vld [tilespmem:$0x7E40]  }
0xbb: {  	v11 =	vadd.f32 $0.0e+00, v11;
	v5 =	vadd.f32 v22, v5;
	v22 =	vld [tilespmem:$0x7E50]  }
0xbc: {  	[tilespmem:$0x1F760] =	vst v0;
	v0 =	vld [tilespmem:$0x6A70]  }
0xbd: {  	v11 =	vadd.f32 v25, v11;
	v25 =	vld [tilespmem:$0x7E60]  }
0xbe: {  	v2 =	vadd.f32 v33, v2;
	v33 =	vld [tilespmem:$0x7E80]  }
0xbf: {  	v5 =	vadd.f32 v38, v5;
	v38 =	vld [tilespmem:$0x7E90]  }
0xc0: {  	v11 =	vadd.f32 v41, v11;
	v41 =	vld [tilespmem:$0x7EA0]  }
0xc1: {  	[tilespmem:$0x1F770] =	vst v0;
	v0 =	vld [tilespmem:$0x7E00]  }
0xc2: {  	v2 =	vadd.f32 v49, v2;
	v49 =	vld [tilespmem:$0x7EC0]  }
0xc3: {  	v5 =	vadd.f32 v54, v5;
	v11 =	vadd.f32 v57, v11;
	v54 =	vld [tilespmem:$0x7ED0]  }
0xc4: {  	v57 =	vld [tilespmem:$0x7EE0]  }
0xc5: {  	v2 =	vadd.f32 v3, v2;
	v3 =	vadd.f32 v6, v11;
	v11 =	vld [tilespmem:$0x7F00]  }
0xc6: {  	[tilespmem:$0x1F780] =	vst v0;
	v0 =	vld [tilespmem:$0x7E10]  }
0xc7: {  	v1 =	vadd.f32 v1, v5;
	v5 =	vld [tilespmem:$0x7F10]  }
0xc8: {  	v6 =	vld [tilespmem:$0x7F30]  }
0xc9: {  	v1 =	vadd.f32 v7, v1;
	v7 =	vld [tilespmem:$0x7F40]  }
0xca: {  	v2 =	vadd.f32 v8, v2;
	v3 =	vadd.f32 v10, v3;
	v8 =	vld [tilespmem:$0x7F50]  }
0xcb: {  	v10 =	vld [tilespmem:$0x7F70];
	[tilespmem:$0x1F790] =	vst v0;
	v0 =	vadd.f32 $0.0e+00, v14  }
0xcc: {  	v1 =	vadd.f32 v12, v1;
	v3 =	vadd.f32 v16, v3;
	v12 =	vld [tilespmem:$0x7F80]  }
0xcd: {  	v2 =	vadd.f32 v13, v2;
	v13 =	vld [tilespmem:$0x7F90];
	v0 =	vadd.f32 v30, v0  }
0xce: {  	v16 =	vld [tilespmem:$0x7FB0];
	v1 =	vadd.f32 v18, v1;
	v3 =	vadd.f32 v21, v3  }
0xcf: {  	v2 =	vadd.f32 v19, v2;
	v14 =	vld [tilespmem:$0x7E20];
	v0 =	vadd.f32 v46, v0  }
0xd0: {  	v18 =	vld [tilespmem:$0x7FC0];
	v1 =	vadd.f32 v23, v1;
	v3 =	vadd.f32 v27, v3  }
0xd1: {  	v24 =	vadd.f32 v24, v2;
	v2 =	vld [tilespmem:$0x7F20];
	v0 =	vadd.f32 v62, v0  }
0xd2: {  	v1 =	vadd.f32 v28, v1;
	v3 =	vadd.f32 v32, v3;
	v30 =	vld [tilespmem:$0x7E70]  }
0xd3: {  	v46 =	vld [tilespmem:$0x7EB0];
	v0 =	vadd.f32 v4, v0  }
0xd4: {  	v1 =	vadd.f32 v34, v1;
	v3 =	vadd.f32 v37, v3;
	[tilespmem:$0x1F7A0] =	vst v14;
	v14 =	vld [tilespmem:$0x7E30]  }
0xd5: {  	v62 =	vld [tilespmem:$0x7EF0];
	v0 =	vadd.f32 v9, v0  }
0xd6: {  	v1 =	vadd.f32 v39, v1;
	v3 =	vadd.f32 v43, v3;
	v9 =	vld [tilespmem:$0x7F60]  }
0xd7: {  	v0 =	vadd.f32 v15, v0;
	v15 =	vld [tilespmem:$0x7FA0]  }
0xd8: {  	v1 =	vadd.f32 v44, v1;
	v3 =	vadd.f32 v48, v3;
	v19 =	vld [tilespmem:$0x7FD0]  }
0xd9: {  	v21 =	vld [tilespmem:$0x7FF0]  }
0xda: {  	v1 =	vadd.f32 v50, v1;
	v3 =	vadd.f32 v53, v3;
	v53 =	vld [tilespmem:$0x1F4F0]  }
0xdb: {  	v23 =	vld [tilespmem:$0x8000]  }
0xdc: {  	v1 =	vadd.f32 v55, v1;
	v55 =	vld [tilespmem:$0x1F500]  }
0xdd: {  	v4 =	vadd.f32 v29, v24;
	v24 =	vld [tilespmem:$0x8010]  }
0xde: {  	v1 =	vadd.f32 v59, v1;
	v59 =	vld [tilespmem:$0x1F530]  }
0xdf: {  	v3 =	vadd.f32 v60, v3;
	v60 =	vld [tilespmem:$0x1F540]  }
0xe0: {  	v27 =	vld [tilespmem:$0x8030]  }
0xe1: {  	v32 =	vld [tilespmem:$0x1F570]  }
0xe2: {  	v28 =	vld [tilespmem:$0x8040]  }
0xe3: {  	v34 =	vld [tilespmem:$0x1F580]  }
0xe4: {  	v4 =	vadd.f32 v35, v4;
	v35 =	vld [tilespmem:$0x1F590]  }
0xe5: {  	v29 =	vld [tilespmem:$0x8050]  }
0xe6: {  	v37 =	vld [tilespmem:$0x1F5B0]  }
0xe7: {  	v39 =	vld [tilespmem:$0x1F5C0]  }
0xe8: {  	v4 =	vadd.f32 v40, v4;
	v40 =	vld [tilespmem:$0x1F5D0]  }
0xe9: {  	v43 =	vld [tilespmem:$0x1F5F0]  }
0xea: {  	v44 =	vld [tilespmem:$0x1F600]  }
0xeb: {  	v48 =	vld [tilespmem:$0x1F630]  }
0xec: {  	v50 =	vld [tilespmem:$0x1F640]  }
0xed: {  	v0 =	vadd.f32 v20, v0;
	v20 =	vld [tilespmem:$0x7FE0]  }
0xee: {  	v4 =	vadd.f32 v45, v4;
	v45 =	vld [tilespmem:$0x1F610]  }
0xef: {  	v0 =	vadd.f32 v26, v0;
	v26 =	vld [tilespmem:$0x8020]  }
0xf0: {  	v4 =	vadd.f32 v51, v4;
	v51 =	vld [tilespmem:$0x1F650]  }
0xf1: {  	v3 =	vadd.f32 v53, v3;
	v53 =	vld [tilespmem:$0x1F670]  }
0xf2: {  	v0 =	vadd.f32 v31, v0;
	v4 =	vadd.f32 v63, v4;
	v63 =	vld [tilespmem:$0x1F560]  }
0xf3: {  	v31 =	vld [tilespmem:$0x8060]  }
0xf4: {  	v0 =	vadd.f32 v36, v0;
	v4 =	vadd.f32 v58, v4;
	v58 =	vld [tilespmem:$0x1F520]  }
0xf5: {  	v36 =	vld [tilespmem:$0x1F5A0]  }
0xf6: {  	v0 =	vadd.f32 v42, v0;
	v42 =	vld [tilespmem:$0x1F5E0]  }
0xf7: {  	v4 =	vadd.f32 v55, v4;
	v55 =	vld [tilespmem:$0x1F680]  }
0xf8: {  	v0 =	vadd.f32 v47, v0;
	v47 =	vld [tilespmem:$0x1F620]  }
0xf9: {  	v4 =	vadd.f32 v60, v4;
	v60 =	vld [tilespmem:$0x1F6C0]  }
0xfa: {  	v3 =	vadd.f32 v58, v3;
	v58 =	vld [tilespmem:$0x1F6A0]  }
0xfb: {  	v4 =	vadd.f32 v34, v4;
	v34 =	vld [tilespmem:$0x8080]  }
0xfc: {  	v0 =	vadd.f32 v52, v0;
	v52 =	vld [tilespmem:$0x1F660]  }
0xfd: {  	v3 =	vadd.f32 v63, v3;
	v63 =	vld [tilespmem:$0x1F6E0]  }
0xfe: {  	v0 =	vadd.f32 v61, v0;
	v61 =	vld [tilespmem:$0x1F550]  }
0xff: {  	v4 =	vadd.f32 v39, v4;
	v39 =	vld [tilespmem:$0x80C0]  }
0x100: {  	v3 =	vadd.f32 v36, v3;
	v36 =	vld [tilespmem:$0x80A0]  }
0x101: {  	v0 =	vadd.f32 v56, v0;
	v56 =	vld [tilespmem:$0x1F510]  }
0x102: {  	v4 =	vadd.f32 v44, v4;
	v44 =	vld [tilespmem:$0x8100]  }
0x103: {  	v3 =	vadd.f32 v42, v3;
	v42 =	vld [tilespmem:$0x80E0]  }
0x104: {  	v0 =	vadd.f32 v59, v0;
	v59 =	vld [tilespmem:$0x1F6B0]  }
0x105: {  	v4 =	vadd.f32 v50, v4;
	v50 =	vld [tilespmem:$0x1F700]  }
0x106: {  	v3 =	vadd.f32 v47, v3;
	v47 =	vld [tilespmem:$0x8120]  }
0x107: {  	v0 =	vadd.f32 v32, v0;
	v32 =	vld [tilespmem:$0x8070]  }
0x108: {  	v4 =	vadd.f32 v55, v4;
	v55 =	vld [tilespmem:$0x1F740]  }
0x109: {  	v1 =	vadd.f32 v56, v1;
	v56 =	vld [tilespmem:$0x1F690]  }
0x10a: {  	v3 =	vadd.f32 v52, v3;
	v52 =	vld [tilespmem:$0x1F720]  }
0x10b: {  	v0 =	vadd.f32 v37, v0;
	v37 =	vld [tilespmem:$0x80B0];
	v1 =	vadd.f32 v61, v1  }
0x10c: {  	v4 =	vadd.f32 v60, v4;
	v60 =	vld [tilespmem:$0x1F780]  }
0x10d: {  	v61 =	vld [tilespmem:$0x1F6D0];
	v1 =	vadd.f32 v35, v1  }
0x10e: {  	v3 =	vadd.f32 v58, v3;
	v58 =	vld [tilespmem:$0x1F760]  }
0x10f: {  	v0 =	vadd.f32 v43, v0;
	v43 =	vld [tilespmem:$0x80F0];
	v1 =	vadd.f32 v40, v1  }
0x110: {  	v4 =	vadd.f32 v50, v4;
	v50 =	vld [tilespmem:$0x8140]  }
0x111: {  	v35 =	vld [tilespmem:$0x8090];
	v0 =	vadd.f32 v48, v0;
	v1 =	vadd.f32 v45, v1  }
0x112: {  	v48 =	vld [tilespmem:$0x1F6F0]  }
0x113: {  	v0 =	vadd.f32 v53, v0;
	v53 =	vld [tilespmem:$0x1F730];
	v1 =	vadd.f32 v51, v1  }
0x114: {  	v51 =	vld [tilespmem:$0x1F710]  }
0x115: {  	v0 =	vadd.f32 v59, v0;
	v59 =	vld [tilespmem:$0x1F770];
	v1 =	vadd.f32 v56, v1  }
0x116: {  	v3 =	vadd.f32 v63, v3;
	v56 =	vld [tilespmem:$0x1F750]  }
0x117: {  	v63 =	vld [tilespmem:$0x1F7A0];
	v0 =	vadd.f32 v48, v0;
	v1 =	vadd.f32 v61, v1  }
0x118: {  	v4 =	vadd.f32 v55, v4;
	v3 =	vadd.f32 v52, v3;
	v61 =	vld [tilespmem:$0x1F790]  }
0x119: {  	v55 =	vld [tilespmem:$0x82F0];
	v0 =	vadd.f32 v53, v0;
	v1 =	vadd.f32 v51, v1  }
0x11a: {  	v40 =	vld [tilespmem:$0x80D0];
	v3 =	vadd.f32 v58, v3  }
0x11b: {  	v52 =	vld [tilespmem:$0x82C0];
	v0 =	vadd.f32 v59, v0;
	v1 =	vadd.f32 v56, v1  }
0x11c: {  	v4 =	vadd.f32 v60, v4;
	v60 =	vld [tilespmem:$0x8210];
	v3 =	vadd.f32 v63, v3  }
0x11d: {  	v45 =	vld [tilespmem:$0x8110];
	v0 =	vadd.f32 v14, v0;
	v1 =	vadd.f32 v61, v1  }
0x11e: {  	v58 =	vld [tilespmem:$0x81B0];
	v4 =	vadd.f32 v17, v4;
	v3 =	vadd.f32 v25, v3  }
0x11f: {  	v63 =	vld [tilespmem:$0x8260];
	v0 =	vadd.f32 v30, v0;
	v1 =	vadd.f32 v22, v1  }
0x120: {  	v48 =	vld [tilespmem:$0x8130];
	v4 =	vadd.f32 v33, v4;
	v3 =	vadd.f32 v41, v3  }
0x121: {  	v25 =	vld [tilespmem:$0x8190];
	v0 =	vadd.f32 v46, v0;
	v1 =	vadd.f32 v38, v1  }
0x122: {  	v4 =	vadd.f32 v49, v4;
	v49 =	vld [tilespmem:$0x82B0];
	v3 =	vadd.f32 v57, v3  }
0x123: {  	v53 =	vld [tilespmem:$0x82D0];
	v0 =	vadd.f32 v62, v0;
	v1 =	vadd.f32 v54, v1  }
0x124: {  	v41 =	vld [tilespmem:$0x8290];
	v4 =	vadd.f32 v11, v4;
	v2 =	vadd.f32 v2, v3  }
0x125: {  	v59 =	vld [tilespmem:$0x81D0];
	v0 =	vadd.f32 v6, v0;
	v1 =	vadd.f32 v5, v1  }
0x126: {  	v11 =	vld [tilespmem:$0x8240];
	v4 =	vadd.f32 v7, v4;
	v2 =	vadd.f32 v9, v2  }
0x127: {  	v51 =	vld [tilespmem:$0x8150];
	v0 =	vadd.f32 v10, v0;
	v1 =	vadd.f32 v8, v1  }
0x128: {  	v57 =	vld [tilespmem:$0x8310];
	v4 =	vadd.f32 v12, v4;
	v2 =	vadd.f32 v15, v2  }
0x129: {  	v14 =	vld [tilespmem:$0x8160];
	v0 =	vadd.f32 v16, v0;
	v1 =	vadd.f32 v13, v1  }
0x12a: {  	v7 =	vld [tilespmem:$0x8200];
	v4 =	vadd.f32 v18, v4;
	v2 =	vadd.f32 v20, v2  }
0x12b: {  	v56 =	vld [tilespmem:$0x8170];
	v0 =	vadd.f32 v21, v0;
	v1 =	vadd.f32 v19, v1  }
0x12c: {  	v3 =	vld [tilespmem:$0x81E0];
	v4 =	vadd.f32 v23, v4;
	v2 =	vadd.f32 v26, v2  }
0x12d: {  	v30 =	vld [tilespmem:$0x81A0];
	v0 =	vadd.f32 v27, v0;
	v1 =	vadd.f32 v24, v1  }
0x12e: {  	v9 =	vld [tilespmem:$0x8220];
	v4 =	vadd.f32 v28, v4;
	v2 =	vadd.f32 v31, v2  }
0x12f: {  	v61 =	vld [tilespmem:$0x8230];
	v0 =	vadd.f32 v32, v0;
	v1 =	vadd.f32 v29, v1  }
0x130: {  	v46 =	vld [tilespmem:$0x82A0];
	v4 =	vadd.f32 v34, v4;
	v2 =	vadd.f32 v36, v2  }
0x131: {  	v18 =	vld [tilespmem:$0x83A0];
	v0 =	vadd.f32 v37, v0;
	v1 =	vadd.f32 v35, v1  }
0x132: {  	v22 =	vld [tilespmem:$0x8180];
	v4 =	vadd.f32 v39, v4;
	v2 =	vadd.f32 v42, v2  }
0x133: {  	v62 =	vld [tilespmem:$0x8250];
	v0 =	vadd.f32 v43, v0;
	v1 =	vadd.f32 v40, v1  }
0x134: {  	v23 =	vld [tilespmem:$0x83F0];
	v4 =	vadd.f32 v44, v4;
	v2 =	vadd.f32 v47, v2  }
0x135: {  	v38 =	vld [tilespmem:$0x81C0];
	v0 =	vadd.f32 v48, v0;
	v1 =	vadd.f32 v45, v1  }
0x136: {  	v6 =	vld [tilespmem:$0x81F0];
	v4 =	vadd.f32 v50, v4;
	v2 =	vadd.f32 v14, v2  }
0x137: {  	v20 =	vld [tilespmem:$0x83C0];
	v0 =	vadd.f32 v56, v0;
	v1 =	vadd.f32 v51, v1  }
0x138: {  	v54 =	vld [tilespmem:$0x82E0];
	v4 =	vadd.f32 v22, v4;
	v2 =	vadd.f32 v30, v2  }
0x139: {  	v16 =	vld [tilespmem:$0x8390];
	v0 =	vadd.f32 v58, v0;
	v1 =	vadd.f32 v25, v1  }
0x13a: {  	v4 =	vadd.f32 v38, v4;
	v29 =	vld [tilespmem:$0x8270];
	v2 =	vadd.f32 v3, v2  }
0x13b: {  	v32 =	vld [tilespmem:$0x8280];
	v0 =	vadd.f32 v6, v0;
	v1 =	vadd.f32 v59, v1  }
0x13c: {  	v4 =	vadd.f32 v7, v4;
	v3 =	vld [tilespmem:$0x8340];
	v2 =	vadd.f32 v9, v2  }
0x13d: {  	v56 =	vld [tilespmem:$0x8300];
	v0 =	vadd.f32 v61, v0;
	v1 =	vadd.f32 v60, v1  }
0x13e: {  	v4 =	vadd.f32 v11, v4;
	v2 =	vadd.f32 v63, v2;
	v58 =	vld [tilespmem:$0x8320]  }
0x13f: {  	v61 =	vld [tilespmem:$0x8360];
	v0 =	vadd.f32 v29, v0;
	v1 =	vadd.f32 v62, v1  }
0x140: {  	v4 =	vadd.f32 v32, v4;
	v2 =	vadd.f32 v46, v2;
	v59 =	vld [tilespmem:$0x8330]  }
0x141: {  	v60 =	vld [tilespmem:$0x8350];
	v0 =	vadd.f32 v49, v0;
	v1 =	vadd.f32 v41, v1  }
0x142: {  	v4 =	vadd.f32 v52, v4;
	v2 =	vadd.f32 v54, v2;
	v62 =	vld [tilespmem:$0x8370]  }
0x143: {  	v63 =	vld [tilespmem:$0x8380];
	v0 =	vadd.f32 v55, v0;
	v1 =	vadd.f32 v53, v1  }
0x144: {  	v19 =	vld [tilespmem:$0x83B0];
	v4 =	vadd.f32 v56, v4;
	v2 =	vadd.f32 v58, v2  }
0x145: {  	v22 =	vld [tilespmem:$0x83E0];
	v0 =	vadd.f32 v59, v0;
	v1 =	vadd.f32 v57, v1  }
0x146: {  	v21 =	vld [tilespmem:$0x83D0];
	v3 =	vadd.f32 v3, v4;
	v2 =	vadd.f32 v61, v2  }
0x147: {  	v0 =	vadd.f32 v62, v0;
	v1 =	vadd.f32 v60, v1  }
0x148: {  	v3 =	vadd.f32 v63, v3;
	v2 =	vadd.f32 v18, v2  }
0x149: {  	v0 =	vadd.f32 v19, v0;
	v1 =	vadd.f32 v16, v1  }
0x14a: {  	v3 =	vadd.f32 v20, v3;
	v2 =	vadd.f32 v22, v2  }
0x14b: {  	v0 =	vadd.f32 v23, v0;
	v1 =	vadd.f32 v21, v1;
	_ =	sdelay $0x1  }
0x14c: {  	v0 =	vadd.f32 v0, v2;
	v1 =	vadd.f32 v1, v3;
	_ =	sdelay $0x1  }
0x14d: {  	v0 =	vadd.f32 v0, v1;
	v1 =	vld [tilespmem:$0x1FFF0]  }
0x14e: {  	p0 =	seq.s32 s13, $0x18380  }
0x14f: {  	s15 =	sshra.s32 @!p0 s13, $0x2  }
0x150: {  	s16 =	simm.s32 @!p0 $0x68;
	s18 =	simm.s32 @!p0 $0x6400;
	s17 =	sadd.s32 @!p0 $0x320, s15;
	v0 =	vmul.f32 $4.999999890e-03, v0  }
0x151: {  	[tilespmem:s18], [sflag:$0x1] =	stream.indirect.gather @!p0 [hbm4b:s4+s16], $0x10, s17, s16, $0xb8;
	[tilespmem:$0x9E10] =	vst v63  }
0x152: {  	s19 =	simm.s32 @!p0 $0x7E00;
	s18 =	sadd.s32 @!p0 $0x388, s15;
	s17 =	simm.s32 @!p0 $0x60;
	v0 =	vadd.f32 v0, v1  }
0x153: {  	[tilespmem:s19], [sflag:$0x5] =	stream.indirect.gather @!p0 [hbm4b:s4+s17], $0x10, s18, s17, $0xb8;
	[tilespmem:$0x9E10] =	vst v63  }
0x154: {  	[tilespmem:s14+$0xFFFFFFD0] =	vst v0  }
0x155: {  	_ =	swait.ge [sflag:s29], $0x680  }
0x156: {  	[sflag:s29] =	ssyncset.done $0x0  }
0x157: {  	[sflag:s29] =	ssyncadd.s32 $0xFFFFF980  }
0x158: {  	_ =	swait.ge [sflag:s30], $0x600  }
0x159: {  	[sflag:s30] =	ssyncset.done $0x0  }
0x15a: {  	[sflag:s30] =	ssyncadd.s32 $0xFFFFFA00  }
0x15b: {  	v0 =	vld [tilespmem:$0x6E60];
	_ =	sdelay $0x4  }
0x15c: {  	[tilespmem:$0x1F7B0] =	vst v0;
	v0 =	vld [tilespmem:$0x6E80];
	_ =	sdelay $0x4  }
0x15d: {  	[tilespmem:$0x1F7C0] =	vst v0;
	v0 =	vld [tilespmem:$0x6E90];
	_ =	sdelay $0x4  }
0x15e: {  	[tilespmem:$0x1F7D0] =	vst v0;
	v0 =	vld [tilespmem:$0x6EA0];
	_ =	sdelay $0x4  }
0x15f: {  	[tilespmem:$0x1F7E0] =	vst v0;
	v0 =	vld [tilespmem:$0x6EB0];
	_ =	sdelay $0x4  }
0x160: {  	[tilespmem:$0x1F7F0] =	vst v0;
	v0 =	vld [tilespmem:$0x6EC0];
	_ =	sdelay $0x4  }
0x161: {  	[tilespmem:$0x1F800] =	vst v0;
	v0 =	vld [tilespmem:$0x6ED0];
	_ =	sdelay $0x4  }
0x162: {  	[tilespmem:$0x1F810] =	vst v0;
	v0 =	vld [tilespmem:$0x6EE0];
	_ =	sdelay $0x4  }
0x163: {  	[tilespmem:$0x1F820] =	vst v0;
	v0 =	vld [tilespmem:$0x6EF0];
	_ =	sdelay $0x4  }
0x164: {  	[tilespmem:$0x1F830] =	vst v0;
	v0 =	vld [tilespmem:$0x6F00];
	_ =	sdelay $0x4  }
0x165: {  	[tilespmem:$0x1F840] =	vst v0;
	v0 =	vld [tilespmem:$0x6F10];
	_ =	sdelay $0x4  }
0x166: {  	[tilespmem:$0x1F850] =	vst v0;
	v0 =	vld [tilespmem:$0x6F20];
	_ =	sdelay $0x4  }
0x167: {  	[tilespmem:$0x1F860] =	vst v0;
	v0 =	vld [tilespmem:$0x6F30];
	_ =	sdelay $0x4  }
0x168: {  	[tilespmem:$0x1F870] =	vst v0;
	v0 =	vld [tilespmem:$0x6F40];
	_ =	sdelay $0x4  }
0x169: {  	[tilespmem:$0x1F880] =	vst v0;
	v0 =	vld [tilespmem:$0x6F50];
	_ =	sdelay $0x4  }
0x16a: {  	[tilespmem:$0x1F890] =	vst v0;
	v0 =	vld [tilespmem:$0x6F60];
	_ =	sdelay $0x4  }
0x16b: {  	[tilespmem:$0x1F8A0] =	vst v0;
	v0 =	vld [tilespmem:$0x6F70];
	_ =	sdelay $0x4  }
0x16c: {  	[tilespmem:$0x1F8B0] =	vst v0;
	v0 =	vld [tilespmem:$0x6F80];
	_ =	sdelay $0x4  }
0x16d: {  	[tilespmem:$0x1F8C0] =	vst v0;
	v0 =	vld [tilespmem:$0x6F90];
	_ =	sdelay $0x2  }
0x16e: {  	v2 =	vld [tilespmem:$0x6A80]  }
0x16f: {  	v5 =	vld [tilespmem:$0x6A90]  }
0x170: {  	[tilespmem:$0x1F8D0] =	vst v0;
	v0 =	vld [tilespmem:$0x6FA0]  }
0x171: {  	v11 =	vld [tilespmem:$0x6AA0]  }
0x172: {  	v14 =	vld [tilespmem:$0x6AB0]  }
0x173: {  	v17 =	vld [tilespmem:$0x6AC0]  }
0x174: {  	v22 =	vld [tilespmem:$0x6AD0]  }
0x175: {  	[tilespmem:$0x1F8E0] =	vst v0;
	v0 =	vld [tilespmem:$0x6FB0]  }
0x176: {  	v25 =	vld [tilespmem:$0x6AE0]  }
0x177: {  	v30 =	vld [tilespmem:$0x6AF0]  }
0x178: {  	v33 =	vld [tilespmem:$0x6B00]  }
0x179: {  	v38 =	vld [tilespmem:$0x6B10]  }
0x17a: {  	[tilespmem:$0x1F8F0] =	vst v0;
	v0 =	vld [tilespmem:$0x6FC0]  }
0x17b: {  	v41 =	vld [tilespmem:$0x6B20]  }
0x17c: {  	v46 =	vld [tilespmem:$0x6B30]  }
0x17d: {  	v49 =	vld [tilespmem:$0x6B40]  }
0x17e: {  	v54 =	vld [tilespmem:$0x6B50]  }
0x17f: {  	[tilespmem:$0x1F900] =	vst v0;
	v0 =	vld [tilespmem:$0x6FD0]  }
0x180: {  	v57 =	vld [tilespmem:$0x6B60]  }
0x181: {  	v62 =	vld [tilespmem:$0x6B70]  }
0x182: {  	v3 =	vld [tilespmem:$0x6B80]  }
0x183: {  	v1 =	vld [tilespmem:$0x6B90]  }
0x184: {  	[tilespmem:$0x1F910] =	vst v0;
	v0 =	vld [tilespmem:$0x6FE0]  }
0x185: {  	v6 =	vld [tilespmem:$0x6BA0]  }
0x186: {  	v4 =	vld [tilespmem:$0x6BB0]  }
0x187: {  	v8 =	vld [tilespmem:$0x6BC0]  }
0x188: {  	v7 =	vld [tilespmem:$0x6BD0]  }
0x189: {  	[tilespmem:$0x1F920] =	vst v0;
	v0 =	vld [tilespmem:$0x6FF0]  }
0x18a: {  	v10 =	vld [tilespmem:$0x6BE0]  }
0x18b: {  	v9 =	vld [tilespmem:$0x6BF0]  }
0x18c: {  	v13 =	vld [tilespmem:$0x6C00]  }
0x18d: {  	v12 =	vld [tilespmem:$0x6C10]  }
0x18e: {  	[tilespmem:$0x1F930] =	vst v0;
	v0 =	vld [tilespmem:$0x7000]  }
0x18f: {  	v16 =	vld [tilespmem:$0x6C20]  }
0x190: {  	v15 =	vld [tilespmem:$0x6C30]  }
0x191: {  	v19 =	vld [tilespmem:$0x6C40]  }
0x192: {  	v18 =	vld [tilespmem:$0x6C50]  }
0x193: {  	[tilespmem:$0x1F940] =	vst v0;
	v0 =	vld [tilespmem:$0x7010]  }
0x194: {  	v21 =	vld [tilespmem:$0x6C60]  }
0x195: {  	v20 =	vld [tilespmem:$0x6C70]  }
0x196: {  	v24 =	vld [tilespmem:$0x6C80]  }
0x197: {  	v23 =	vld [tilespmem:$0x6C90]  }
0x198: {  	[tilespmem:$0x1F950] =	vst v0;
	v0 =	vld [tilespmem:$0x7020]  }
0x199: {  	v27 =	vld [tilespmem:$0x6CA0]  }
0x19a: {  	v26 =	vld [tilespmem:$0x6CB0]  }
0x19b: {  	v29 =	vld [tilespmem:$0x6CC0]  }
0x19c: {  	v28 =	vld [tilespmem:$0x6CD0]  }
0x19d: {  	[tilespmem:$0x1F960] =	vst v0;
	v0 =	vld [tilespmem:$0x7030]  }
0x19e: {  	v32 =	vld [tilespmem:$0x6CE0]  }
0x19f: {  	v31 =	vld [tilespmem:$0x6CF0]  }
0x1a0: {  	v35 =	vld [tilespmem:$0x6D00]  }
0x1a1: {  	v34 =	vld [tilespmem:$0x6D10]  }
0x1a2: {  	[tilespmem:$0x1F970] =	vst v0;
	v0 =	vld [tilespmem:$0x7040]  }
0x1a3: {  	v37 =	vld [tilespmem:$0x6D20]  }
0x1a4: {  	v36 =	vld [tilespmem:$0x6D30]  }
0x1a5: {  	v40 =	vld [tilespmem:$0x6D40]  }
0x1a6: {  	v39 =	vld [tilespmem:$0x6D50]  }
0x1a7: {  	[tilespmem:$0x1F980] =	vst v0;
	v0 =	vld [tilespmem:$0x7050]  }
0x1a8: {  	v43 =	vld [tilespmem:$0x6D60]  }
0x1a9: {  	v42 =	vld [tilespmem:$0x6D70]  }
0x1aa: {  	v45 =	vld [tilespmem:$0x6D80]  }
0x1ab: {  	v44 =	vld [tilespmem:$0x6D90]  }
0x1ac: {  	[tilespmem:$0x1F990] =	vst v0;
	v0 =	vld [tilespmem:$0x7060]  }
0x1ad: {  	v48 =	vld [tilespmem:$0x6DA0]  }
0x1ae: {  	v47 =	vld [tilespmem:$0x6DB0]  }
0x1af: {  	v51 =	vld [tilespmem:$0x6DC0]  }
0x1b0: {  	v50 =	vld [tilespmem:$0x6DD0]  }
0x1b1: {  	[tilespmem:$0x1F9A0] =	vst v0;
	v0 =	vld [tilespmem:$0x7070]  }
0x1b2: {  	v53 =	vld [tilespmem:$0x6DE0]  }
0x1b3: {  	v52 =	vld [tilespmem:$0x6DF0]  }
0x1b4: {  	v55 =	vld [tilespmem:$0x6E00]  }
0x1b5: {  	v63 =	vld [tilespmem:$0x6E10]  }
0x1b6: {  	[tilespmem:$0x1F9B0] =	vst v0;
	v0 =	vld [tilespmem:$0x7080]  }
0x1b7: {  	v60 =	vld [tilespmem:$0x6E20]  }
0x1b8: {  	v61 =	vld [tilespmem:$0x6E30]  }
0x1b9: {  	v58 =	vld [tilespmem:$0x6E40]  }
0x1ba: {  	v59 =	vld [tilespmem:$0x6E50]  }
0x1bb: {  	v2 =	vadd.f32 $0.0e+00, v2;
	[tilespmem:$0x1F9C0] =	vst v0;
	v0 =	vld [tilespmem:$0x7090]  }
0x1bc: {  	v56 =	vld [tilespmem:$0x6E70];
	v5 =	vadd.f32 $0.0e+00, v5  }
0x1bd: {  	v11 =	vadd.f32 $0.0e+00, v11;
	v2 =	vadd.f32 v17, v2;
	v17 =	vld [tilespmem:$0x8440]  }
0x1be: {  	v5 =	vadd.f32 v22, v5;
	v22 =	vld [tilespmem:$0x8450]  }
0x1bf: {  	v11 =	vadd.f32 v25, v11;
	v25 =	vld [tilespmem:$0x8460]  }
0x1c0: {  	[tilespmem:$0x1F9D0] =	vst v0;
	v0 =	vld [tilespmem:$0x70A0]  }
0x1c1: {  	v2 =	vadd.f32 v33, v2;
	v33 =	vld [tilespmem:$0x8480]  }
0x1c2: {  	v5 =	vadd.f32 v38, v5;
	v38 =	vld [tilespmem:$0x8490]  }
0x1c3: {  	v11 =	vadd.f32 v41, v11;
	v41 =	vld [tilespmem:$0x84A0]  }
0x1c4: {  	v2 =	vadd.f32 v49, v2;
	v49 =	vld [tilespmem:$0x84C0]  }
0x1c5: {  	[tilespmem:$0x1F9E0] =	vst v0;
	v0 =	vld [tilespmem:$0x70B0]  }
0x1c6: {  	v5 =	vadd.f32 v54, v5;
	v11 =	vadd.f32 v57, v11;
	v54 =	vld [tilespmem:$0x84D0]  }
0x1c7: {  	v57 =	vld [tilespmem:$0x84E0]  }
0x1c8: {  	v2 =	vadd.f32 v3, v2;
	v3 =	vadd.f32 v6, v11;
	v11 =	vld [tilespmem:$0x8500]  }
0x1c9: {  	v1 =	vadd.f32 v1, v5;
	v5 =	vld [tilespmem:$0x8510]  }
0x1ca: {  	[tilespmem:$0x1F9F0] =	vst v0;
	v0 =	vld [tilespmem:$0x70C0]  }
0x1cb: {  	v6 =	vld [tilespmem:$0x8530];
	v1 =	vadd.f32 v7, v1;
	v3 =	vadd.f32 v10, v3  }
0x1cc: {  	v2 =	vadd.f32 v8, v2;
	v7 =	vld [tilespmem:$0x8540]  }
0x1cd: {  	v8 =	vld [tilespmem:$0x8550];
	v1 =	vadd.f32 v12, v1;
	v3 =	vadd.f32 v16, v3  }
0x1ce: {  	v10 =	vld [tilespmem:$0x8570]  }
0x1cf: {  	v1 =	vadd.f32 v18, v1;
	v3 =	vadd.f32 v21, v3;
	[tilespmem:$0x1FA00] =	vst v0;
	v0 =	vld [tilespmem:$0x70D0]  }
0x1d0: {  	v2 =	vadd.f32 v13, v2;
	v12 =	vld [tilespmem:$0x8580]  }
0x1d1: {  	v13 =	vld [tilespmem:$0x8590];
	v1 =	vadd.f32 v23, v1;
	v3 =	vadd.f32 v27, v3  }
0x1d2: {  	v16 =	vld [tilespmem:$0x85B0]  }
0x1d3: {  	v18 =	vld [tilespmem:$0x85C0];
	v1 =	vadd.f32 v28, v1;
	v3 =	vadd.f32 v32, v3  }
0x1d4: {  	v2 =	vadd.f32 v19, v2;
	[tilespmem:$0x1FA10] =	vst v0;
	v0 =	vld [tilespmem:$0x70E0]  }
0x1d5: {  	v19 =	vld [tilespmem:$0x85D0];
	v1 =	vadd.f32 v34, v1;
	v3 =	vadd.f32 v37, v3  }
0x1d6: {  	v21 =	vld [tilespmem:$0x85F0];
	v24 =	vadd.f32 v24, v2  }
0x1d7: {  	v2 =	vld [tilespmem:$0x8520];
	v1 =	vadd.f32 v39, v1;
	v3 =	vadd.f32 v43, v3  }
0x1d8: {  	v23 =	vld [tilespmem:$0x8600]  }
0x1d9: {  	v1 =	vadd.f32 v44, v1;
	v3 =	vadd.f32 v48, v3;
	[tilespmem:$0x1FA20] =	vst v0;
	v0 =	vld [tilespmem:$0x70F0]  }
0x1da: {  	v27 =	vld [tilespmem:$0x8630]  }
0x1db: {  	v28 =	vld [tilespmem:$0x8640];
	v1 =	vadd.f32 v50, v1;
	v3 =	vadd.f32 v53, v3  }
0x1dc: {  	v53 =	vld [tilespmem:$0x1F7B0]  }
0x1dd: {  	v1 =	vadd.f32 v63, v1;
	v3 =	vadd.f32 v60, v3;
	v60 =	vld [tilespmem:$0x1F800]  }
0x1de: {  	[tilespmem:$0x1FA30] =	vst v0;
	v0 =	vld [tilespmem:$0x8400]  }
0x1df: {  	v1 =	vadd.f32 v59, v1;
	v59 =	vld [tilespmem:$0x1F7F0]  }
0x1e0: {  	v63 =	vld [tilespmem:$0x1F820]  }
0x1e1: {  	v32 =	vld [tilespmem:$0x1F830]  }
0x1e2: {  	v34 =	vld [tilespmem:$0x1F840]  }
0x1e3: {  	[tilespmem:$0x1FA40] =	vst v0;
	v0 =	vld [tilespmem:$0x8410]  }
0x1e4: {  	v37 =	vld [tilespmem:$0x1F870]  }
0x1e5: {  	v39 =	vld [tilespmem:$0x1F880]  }
0x1e6: {  	v43 =	vld [tilespmem:$0x1F8B0]  }
0x1e7: {  	v44 =	vld [tilespmem:$0x1F8C0]  }
0x1e8: {  	v48 =	vld [tilespmem:$0x1F8F0];
	[tilespmem:$0x1FA50] =	vst v0;
	v0 =	vadd.f32 $0.0e+00, v14  }
0x1e9: {  	v14 =	vld [tilespmem:$0x8420]  }
0x1ea: {  	v50 =	vld [tilespmem:$0x1F900];
	v0 =	vadd.f32 v30, v0  }
0x1eb: {  	v3 =	vadd.f32 v53, v3;
	v53 =	vld [tilespmem:$0x1F930]  }
0x1ec: {  	v30 =	vld [tilespmem:$0x8470];
	v0 =	vadd.f32 v46, v0  }
0x1ed: {  	v46 =	vld [tilespmem:$0x84B0]  }
0x1ee: {  	[tilespmem:$0x1FA60] =	vst v14;
	v14 =	vld [tilespmem:$0x8430];
	v0 =	vadd.f32 v62, v0  }
0x1ef: {  	v62 =	vld [tilespmem:$0x84F0]  }
0x1f0: {  	v0 =	vadd.f32 v4, v0;
	v4 =	vadd.f32 v29, v24;
	v24 =	vld [tilespmem:$0x8610]  }
0x1f1: {  	v29 =	vld [tilespmem:$0x8650]  }
0x1f2: {  	v0 =	vadd.f32 v9, v0;
	v4 =	vadd.f32 v35, v4;
	v9 =	vld [tilespmem:$0x8560]  }
0x1f3: {  	v35 =	vld [tilespmem:$0x1F850]  }
0x1f4: {  	v0 =	vadd.f32 v15, v0;
	v4 =	vadd.f32 v40, v4;
	v15 =	vld [tilespmem:$0x85A0]  }
0x1f5: {  	v40 =	vld [tilespmem:$0x1F890]  }
0x1f6: {  	v0 =	vadd.f32 v20, v0;
	v4 =	vadd.f32 v45, v4;
	v20 =	vld [tilespmem:$0x85E0]  }
0x1f7: {  	v45 =	vld [tilespmem:$0x1F8D0]  }
0x1f8: {  	v0 =	vadd.f32 v26, v0;
	v4 =	vadd.f32 v51, v4;
	v26 =	vld [tilespmem:$0x8620]  }
0x1f9: {  	v51 =	vld [tilespmem:$0x1F910]  }
0x1fa: {  	v0 =	vadd.f32 v31, v0;
	v4 =	vadd.f32 v55, v4;
	v55 =	vld [tilespmem:$0x1F7C0]  }
0x1fb: {  	v31 =	vld [tilespmem:$0x8660]  }
0x1fc: {  	v0 =	vadd.f32 v36, v0;
	v4 =	vadd.f32 v58, v4;
	v58 =	vld [tilespmem:$0x1F7E0]  }
0x1fd: {  	v36 =	vld [tilespmem:$0x1F860]  }
0x1fe: {  	v0 =	vadd.f32 v42, v0;
	v42 =	vld [tilespmem:$0x1F8A0]  }
0x1ff: {  	v4 =	vadd.f32 v55, v4;
	v55 =	vld [tilespmem:$0x1F940]  }
0x200: {  	v0 =	vadd.f32 v47, v0;
	v47 =	vld [tilespmem:$0x1F8E0]  }
0x201: {  	v3 =	vadd.f32 v58, v3;
	v58 =	vld [tilespmem:$0x1F960]  }
0x202: {  	v4 =	vadd.f32 v60, v4;
	v60 =	vld [tilespmem:$0x1F980]  }
0x203: {  	v0 =	vadd.f32 v52, v0;
	v52 =	vld [tilespmem:$0x1F920]  }
0x204: {  	v4 =	vadd.f32 v34, v4;
	v34 =	vld [tilespmem:$0x8680]  }
0x205: {  	v3 =	vadd.f32 v63, v3;
	v63 =	vld [tilespmem:$0x1F9A0]  }
0x206: {  	v0 =	vadd.f32 v61, v0;
	v61 =	vld [tilespmem:$0x1F810]  }
0x207: {  	v3 =	vadd.f32 v36, v3;
	v36 =	vld [tilespmem:$0x86A0]  }
0x208: {  	v4 =	vadd.f32 v39, v4;
	v39 =	vld [tilespmem:$0x86C0]  }
0x209: {  	v0 =	vadd.f32 v56, v0;
	v56 =	vld [tilespmem:$0x1F7D0]  }
0x20a: {  	v3 =	vadd.f32 v42, v3;
	v42 =	vld [tilespmem:$0x86E0]  }
0x20b: {  	v4 =	vadd.f32 v44, v4;
	v44 =	vld [tilespmem:$0x8700]  }
0x20c: {  	v0 =	vadd.f32 v59, v0;
	v59 =	vld [tilespmem:$0x1F970]  }
0x20d: {  	v4 =	vadd.f32 v50, v4;
	v50 =	vld [tilespmem:$0x1F9C0]  }
0x20e: {  	v3 =	vadd.f32 v47, v3;
	v47 =	vld [tilespmem:$0x8720]  }
0x20f: {  	v0 =	vadd.f32 v32, v0;
	v32 =	vld [tilespmem:$0x8670]  }
0x210: {  	v1 =	vadd.f32 v56, v1;
	v56 =	vld [tilespmem:$0x1F950]  }
0x211: {  	v3 =	vadd.f32 v52, v3;
	v52 =	vld [tilespmem:$0x1F9E0]  }
0x212: {  	v4 =	vadd.f32 v55, v4;
	v55 =	vld [tilespmem:$0x1FA00]  }
0x213: {  	v0 =	vadd.f32 v37, v0;
	v37 =	vld [tilespmem:$0x86B0];
	v1 =	vadd.f32 v61, v1  }
0x214: {  	v61 =	vld [tilespmem:$0x1F990]  }
0x215: {  	v3 =	vadd.f32 v58, v3;
	v58 =	vld [tilespmem:$0x1FA20];
	v1 =	vadd.f32 v35, v1  }
0x216: {  	v4 =	vadd.f32 v60, v4;
	v60 =	vld [tilespmem:$0x1FA40]  }
0x217: {  	v0 =	vadd.f32 v43, v0;
	v43 =	vld [tilespmem:$0x86F0];
	v1 =	vadd.f32 v40, v1  }
0x218: {  	v35 =	vld [tilespmem:$0x8690];
	v4 =	vadd.f32 v50, v4  }
0x219: {  	v50 =	vld [tilespmem:$0x8740];
	v0 =	vadd.f32 v48, v0;
	v1 =	vadd.f32 v45, v1  }
0x21a: {  	v48 =	vld [tilespmem:$0x1F9B0]  }
0x21b: {  	v0 =	vadd.f32 v53, v0;
	v53 =	vld [tilespmem:$0x1F9F0];
	v1 =	vadd.f32 v51, v1  }
0x21c: {  	v51 =	vld [tilespmem:$0x1F9D0]  }
0x21d: {  	v0 =	vadd.f32 v59, v0;
	v59 =	vld [tilespmem:$0x1FA30];
	v1 =	vadd.f32 v56, v1  }
0x21e: {  	v3 =	vadd.f32 v63, v3;
	v56 =	vld [tilespmem:$0x1FA10]  }
0x21f: {  	v63 =	vld [tilespmem:$0x1FA60];
	v0 =	vadd.f32 v48, v0;
	v1 =	vadd.f32 v61, v1  }
0x220: {  	v3 =	vadd.f32 v52, v3;
	v61 =	vld [tilespmem:$0x1FA50]  }
0x221: {  	v40 =	vld [tilespmem:$0x86D0];
	v0 =	vadd.f32 v53, v0;
	v1 =	vadd.f32 v51, v1  }
0x222: {  	v4 =	vadd.f32 v55, v4;
	v52 =	vld [tilespmem:$0x88C0];
	v3 =	vadd.f32 v58, v3  }
0x223: {  	v55 =	vld [tilespmem:$0x88F0];
	v0 =	vadd.f32 v59, v0;
	v1 =	vadd.f32 v56, v1  }
0x224: {  	v45 =	vld [tilespmem:$0x8710];
	v4 =	vadd.f32 v60, v4;
	v3 =	vadd.f32 v63, v3  }
0x225: {  	v58 =	vld [tilespmem:$0x87B0];
	v0 =	vadd.f32 v14, v0;
	v1 =	vadd.f32 v61, v1  }
0x226: {  	v60 =	vld [tilespmem:$0x8810];
	v4 =	vadd.f32 v17, v4;
	v3 =	vadd.f32 v25, v3  }
0x227: {  	v63 =	vld [tilespmem:$0x8860];
	v0 =	vadd.f32 v30, v0;
	v1 =	vadd.f32 v22, v1  }
0x228: {  	v48 =	vld [tilespmem:$0x8730];
	v4 =	vadd.f32 v33, v4;
	v3 =	vadd.f32 v41, v3  }
0x229: {  	v25 =	vld [tilespmem:$0x8790];
	v0 =	vadd.f32 v46, v0;
	v1 =	vadd.f32 v38, v1  }
0x22a: {  	v53 =	vld [tilespmem:$0x88D0];
	v4 =	vadd.f32 v49, v4;
	v3 =	vadd.f32 v57, v3  }
0x22b: {  	v41 =	vld [tilespmem:$0x8890];
	v0 =	vadd.f32 v62, v0;
	v1 =	vadd.f32 v54, v1  }
0x22c: {  	v49 =	vld [tilespmem:$0x88B0];
	v4 =	vadd.f32 v11, v4;
	v2 =	vadd.f32 v2, v3  }
0x22d: {  	v59 =	vld [tilespmem:$0x87D0];
	v0 =	vadd.f32 v6, v0;
	v1 =	vadd.f32 v5, v1  }
0x22e: {  	v51 =	vld [tilespmem:$0x8750];
	v4 =	vadd.f32 v7, v4;
	v2 =	vadd.f32 v9, v2  }
0x22f: {  	v11 =	vld [tilespmem:$0x8840];
	v0 =	vadd.f32 v10, v0;
	v1 =	vadd.f32 v8, v1  }
0x230: {  	v57 =	vld [tilespmem:$0x8910];
	v4 =	vadd.f32 v12, v4;
	v2 =	vadd.f32 v15, v2  }
0x231: {  	v14 =	vld [tilespmem:$0x8760];
	v0 =	vadd.f32 v16, v0;
	v1 =	vadd.f32 v13, v1  }
0x232: {  	v56 =	vld [tilespmem:$0x8770];
	v4 =	vadd.f32 v18, v4;
	v2 =	vadd.f32 v20, v2  }
0x233: {  	v3 =	vld [tilespmem:$0x87E0];
	v0 =	vadd.f32 v21, v0;
	v1 =	vadd.f32 v19, v1  }
0x234: {  	v7 =	vld [tilespmem:$0x8800];
	v4 =	vadd.f32 v23, v4;
	v2 =	vadd.f32 v26, v2  }
0x235: {  	v30 =	vld [tilespmem:$0x87A0];
	v0 =	vadd.f32 v27, v0;
	v1 =	vadd.f32 v24, v1  }
0x236: {  	v9 =	vld [tilespmem:$0x8820];
	v4 =	vadd.f32 v28, v4;
	v2 =	vadd.f32 v31, v2  }
0x237: {  	v61 =	vld [tilespmem:$0x8830];
	v0 =	vadd.f32 v32, v0;
	v1 =	vadd.f32 v29, v1  }
0x238: {  	v46 =	vld [tilespmem:$0x88A0];
	v4 =	vadd.f32 v34, v4;
	v2 =	vadd.f32 v36, v2  }
0x239: {  	v22 =	vld [tilespmem:$0x8780];
	v0 =	vadd.f32 v37, v0;
	v1 =	vadd.f32 v35, v1  }
0x23a: {  	v18 =	vld [tilespmem:$0x89A0];
	v4 =	vadd.f32 v39, v4;
	v2 =	vadd.f32 v42, v2  }
0x23b: {  	v62 =	vld [tilespmem:$0x8850];
	v0 =	vadd.f32 v43, v0;
	v1 =	vadd.f32 v40, v1  }
0x23c: {  	v38 =	vld [tilespmem:$0x87C0];
	v4 =	vadd.f32 v44, v4;
	v2 =	vadd.f32 v47, v2  }
0x23d: {  	v20 =	vld [tilespmem:$0x89C0];
	v0 =	vadd.f32 v48, v0;
	v1 =	vadd.f32 v45, v1  }
0x23e: {  	v6 =	vld [tilespmem:$0x87F0];
	v4 =	vadd.f32 v50, v4;
	v2 =	vadd.f32 v14, v2  }
0x23f: {  	v23 =	vld [tilespmem:$0x89F0];
	v0 =	vadd.f32 v56, v0;
	v1 =	vadd.f32 v51, v1  }
0x240: {  	v54 =	vld [tilespmem:$0x88E0];
	v4 =	vadd.f32 v22, v4;
	v2 =	vadd.f32 v30, v2  }
0x241: {  	v16 =	vld [tilespmem:$0x8990];
	v0 =	vadd.f32 v58, v0;
	v1 =	vadd.f32 v25, v1  }
0x242: {  	v29 =	vld [tilespmem:$0x8870];
	v4 =	vadd.f32 v38, v4;
	v2 =	vadd.f32 v3, v2  }
0x243: {  	v32 =	vld [tilespmem:$0x8880];
	v0 =	vadd.f32 v6, v0;
	v1 =	vadd.f32 v59, v1  }
0x244: {  	v3 =	vld [tilespmem:$0x8940];
	v4 =	vadd.f32 v7, v4;
	v2 =	vadd.f32 v9, v2  }
0x245: {  	v56 =	vld [tilespmem:$0x8900];
	v0 =	vadd.f32 v61, v0;
	v1 =	vadd.f32 v60, v1  }
0x246: {  	v4 =	vadd.f32 v11, v4;
	v2 =	vadd.f32 v63, v2;
	v58 =	vld [tilespmem:$0x8920]  }
0x247: {  	v61 =	vld [tilespmem:$0x8960];
	v0 =	vadd.f32 v29, v0;
	v1 =	vadd.f32 v62, v1  }
0x248: {  	v4 =	vadd.f32 v32, v4;
	v2 =	vadd.f32 v46, v2;
	v59 =	vld [tilespmem:$0x8930]  }
0x249: {  	v60 =	vld [tilespmem:$0x8950];
	v0 =	vadd.f32 v49, v0;
	v1 =	vadd.f32 v41, v1  }
0x24a: {  	v4 =	vadd.f32 v52, v4;
	v2 =	vadd.f32 v54, v2;
	v62 =	vld [tilespmem:$0x8970]  }
0x24b: {  	v63 =	vld [tilespmem:$0x8980];
	v0 =	vadd.f32 v55, v0;
	v1 =	vadd.f32 v53, v1  }
0x24c: {  	v19 =	vld [tilespmem:$0x89B0];
	v4 =	vadd.f32 v56, v4;
	v2 =	vadd.f32 v58, v2  }
0x24d: {  	v22 =	vld [tilespmem:$0x89E0];
	v0 =	vadd.f32 v59, v0;
	v1 =	vadd.f32 v57, v1  }
0x24e: {  	v21 =	vld [tilespmem:$0x89D0];
	v3 =	vadd.f32 v3, v4;
	v2 =	vadd.f32 v61, v2  }
0x24f: {  	v0 =	vadd.f32 v62, v0;
	v1 =	vadd.f32 v60, v1  }
0x250: {  	v3 =	vadd.f32 v63, v3;
	v2 =	vadd.f32 v18, v2  }
0x251: {  	v0 =	vadd.f32 v19, v0;
	v1 =	vadd.f32 v16, v1  }
0x252: {  	v3 =	vadd.f32 v20, v3;
	v2 =	vadd.f32 v22, v2  }
0x253: {  	v0 =	vadd.f32 v23, v0;
	v1 =	vadd.f32 v21, v1;
	_ =	sdelay $0x1  }
0x254: {  	v0 =	vadd.f32 v0, v2;
	v1 =	vadd.f32 v1, v3;
	_ =	sdelay $0x1  }
0x255: {  	v0 =	vadd.f32 v0, v1;
	v1 =	vld [tilespmem:$0x1FFF0];
	_ =	sdelay $0x2  }
0x256: {  	s18 =	sadd.s32 @!p0 $0x3E8, s15;
	s19 =	simm.s32 @!p0 $0x6A80;
	v0 =	vmul.f32 $4.999999890e-03, v0  }
0x257: {  	[tilespmem:s19], [sflag:$0x2] =	stream.indirect.gather @!p0 [hbm4b:s4+s16], $0x10, s18, s16, $0xb8;
	[tilespmem:$0x9E10] =	vst v63  }
0x258: {  	s18 =	sadd.s32 @!p0 $0x450, s15;
	s19 =	simm.s32 @!p0 $0x8400;
	v0 =	vadd.f32 v0, v1  }
0x259: {  	[tilespmem:s19], [sflag:$0x6] =	stream.indirect.gather @!p0 [hbm4b:s4+s17], $0x10, s18, s17, $0xb8;
	[tilespmem:$0x9E10] =	vst v63  }
0x25a: {  	[tilespmem:s14+$0xFFFFFFE0] =	vst v0  }
0x25b: {  	_ =	swait.ge [sflag:s31], $0x680  }
0x25c: {  	[sflag:s31] =	ssyncset.done $0x0  }
0x25d: {  	[sflag:s31] =	ssyncadd.s32 $0xFFFFF980  }
0x25e: {  	_ =	swait.ge [sflag:s1], $0x600  }
0x25f: {  	[sflag:s1] =	ssyncset.done $0x0  }
0x260: {  	[sflag:s1] =	ssyncadd.s32 $0xFFFFFA00  }
0x261: {  	v2 =	vld [tilespmem:$0x7100]  }
0x262: {  	v5 =	vld [tilespmem:$0x7110]  }
0x263: {  	v11 =	vld [tilespmem:$0x7120]  }
0x264: {  	v14 =	vld [tilespmem:$0x7130]  }
0x265: {  	v17 =	vld [tilespmem:$0x7140]  }
0x266: {  	v22 =	vld [tilespmem:$0x7150]  }
0x267: {  	v25 =	vld [tilespmem:$0x7160]  }
0x268: {  	v30 =	vld [tilespmem:$0x7170]  }
0x269: {  	v33 =	vld [tilespmem:$0x7180]  }
0x26a: {  	v38 =	vld [tilespmem:$0x7190]  }
0x26b: {  	v41 =	vld [tilespmem:$0x71A0]  }
0x26c: {  	v46 =	vld [tilespmem:$0x71B0]  }
0x26d: {  	v49 =	vld [tilespmem:$0x71C0]  }
0x26e: {  	v54 =	vld [tilespmem:$0x71D0]  }
0x26f: {  	v57 =	vld [tilespmem:$0x71E0]  }
0x270: {  	v62 =	vld [tilespmem:$0x71F0]  }
0x271: {  	v3 =	vld [tilespmem:$0x7200]  }
0x272: {  	v1 =	vld [tilespmem:$0x7210]  }
0x273: {  	v0 =	vld [tilespmem:$0x74E0]  }
0x274: {  	v6 =	vld [tilespmem:$0x7220]  }
0x275: {  	v4 =	vld [tilespmem:$0x7230]  }
0x276: {  	v8 =	vld [tilespmem:$0x7240]  }
0x277: {  	v7 =	vld [tilespmem:$0x7250]  }
0x278: {  	[tilespmem:$0x1FA70] =	vst v0;
	v0 =	vld [tilespmem:$0x7500]  }
0x279: {  	v10 =	vld [tilespmem:$0x7260]  }
0x27a: {  	v9 =	vld [tilespmem:$0x7270]  }
0x27b: {  	v13 =	vld [tilespmem:$0x7280]  }
0x27c: {  	v12 =	vld [tilespmem:$0x7290]  }
0x27d: {  	[tilespmem:$0x1FA80] =	vst v0;
	v0 =	vld [tilespmem:$0x7510]  }
0x27e: {  	v16 =	vld [tilespmem:$0x72A0]  }
0x27f: {  	v15 =	vld [tilespmem:$0x72B0]  }
0x280: {  	v19 =	vld [tilespmem:$0x72C0]  }
0x281: {  	v18 =	vld [tilespmem:$0x72D0]  }
0x282: {  	[tilespmem:$0x1FA90] =	vst v0;
	v0 =	vld [tilespmem:$0x7520]  }
0x283: {  	v21 =	vld [tilespmem:$0x72E0]  }
0x284: {  	v20 =	vld [tilespmem:$0x72F0]  }
0x285: {  	v24 =	vld [tilespmem:$0x7300]  }
0x286: {  	v23 =	vld [tilespmem:$0x7310]  }
0x287: {  	[tilespmem:$0x1FAA0] =	vst v0;
	v0 =	vld [tilespmem:$0x7530]  }
0x288: {  	v27 =	vld [tilespmem:$0x7320]  }
0x289: {  	v26 =	vld [tilespmem:$0x7330]  }
0x28a: {  	v29 =	vld [tilespmem:$0x7340]  }
0x28b: {  	v28 =	vld [tilespmem:$0x7350]  }
0x28c: {  	[tilespmem:$0x1FAB0] =	vst v0;
	v0 =	vld [tilespmem:$0x7540]  }
0x28d: {  	v32 =	vld [tilespmem:$0x7360]  }
0x28e: {  	v31 =	vld [tilespmem:$0x7370]  }
0x28f: {  	v35 =	vld [tilespmem:$0x7380]  }
0x290: {  	v34 =	vld [tilespmem:$0x7390]  }
0x291: {  	[tilespmem:$0x1FAC0] =	vst v0;
	v0 =	vld [tilespmem:$0x7550]  }
0x292: {  	v37 =	vld [tilespmem:$0x73A0]  }
0x293: {  	v36 =	vld [tilespmem:$0x73B0]  }
0x294: {  	v40 =	vld [tilespmem:$0x73C0]  }
0x295: {  	v39 =	vld [tilespmem:$0x73D0]  }
0x296: {  	[tilespmem:$0x1FAD0] =	vst v0;
	v0 =	vld [tilespmem:$0x7560]  }
0x297: {  	v43 =	vld [tilespmem:$0x73E0]  }
0x298: {  	v42 =	vld [tilespmem:$0x73F0]  }
0x299: {  	v45 =	vld [tilespmem:$0x7400]  }
0x29a: {  	v44 =	vld [tilespmem:$0x7410]  }
0x29b: {  	[tilespmem:$0x1FAE0] =	vst v0;
	v0 =	vld [tilespmem:$0x7570]  }
0x29c: {  	v48 =	vld [tilespmem:$0x7420]  }
0x29d: {  	v47 =	vld [tilespmem:$0x7430]  }
0x29e: {  	v51 =	vld [tilespmem:$0x7440]  }
0x29f: {  	v50 =	vld [tilespmem:$0x7450]  }
0x2a0: {  	[tilespmem:$0x1FAF0] =	vst v0;
	v0 =	vld [tilespmem:$0x7580]  }
0x2a1: {  	v53 =	vld [tilespmem:$0x7460]  }
0x2a2: {  	v52 =	vld [tilespmem:$0x7470]  }
0x2a3: {  	v55 =	vld [tilespmem:$0x7480]  }
0x2a4: {  	v63 =	vld [tilespmem:$0x7490]  }
0x2a5: {  	[tilespmem:$0x1FB00] =	vst v0;
	v0 =	vld [tilespmem:$0x7590]  }
0x2a6: {  	v60 =	vld [tilespmem:$0x74A0]  }
0x2a7: {  	v61 =	vld [tilespmem:$0x74B0]  }
0x2a8: {  	v58 =	vld [tilespmem:$0x74C0]  }
0x2a9: {  	v59 =	vld [tilespmem:$0x74D0]  }
0x2aa: {  	v56 =	vld [tilespmem:$0x74F0];
	[tilespmem:$0x1FB10] =	vst v0  }
0x2ab: {  	v0 =	vld [tilespmem:$0x75A0];
	_ =	sdelay $0x4  }
0x2ac: {  	[tilespmem:$0x1FB20] =	vst v0;
	v0 =	vld [tilespmem:$0x75B0];
	_ =	sdelay $0x4  }
0x2ad: {  	[tilespmem:$0x1FB30] =	vst v0;
	v0 =	vld [tilespmem:$0x75C0];
	_ =	sdelay $0x4  }
0x2ae: {  	[tilespmem:$0x1FB40] =	vst v0;
	v0 =	vld [tilespmem:$0x75D0];
	_ =	sdelay $0x4  }
0x2af: {  	[tilespmem:$0x1FB50] =	vst v0;
	v0 =	vld [tilespmem:$0x75E0];
	_ =	sdelay $0x4  }
0x2b0: {  	[tilespmem:$0x1FB60] =	vst v0;
	v0 =	vld [tilespmem:$0x75F0];
	_ =	sdelay $0x4  }
0x2b1: {  	[tilespmem:$0x1FB70] =	vst v0;
	v0 =	vld [tilespmem:$0x7600];
	_ =	sdelay $0x4  }
0x2b2: {  	[tilespmem:$0x1FB80] =	vst v0;
	v0 =	vld [tilespmem:$0x7610];
	_ =	sdelay $0x4  }
0x2b3: {  	[tilespmem:$0x1FB90] =	vst v0;
	v0 =	vld [tilespmem:$0x7620];
	_ =	sdelay $0x4  }
0x2b4: {  	[tilespmem:$0x1FBA0] =	vst v0;
	v0 =	vld [tilespmem:$0x7630];
	_ =	sdelay $0x4  }
0x2b5: {  	[tilespmem:$0x1FBB0] =	vst v0;
	v0 =	vld [tilespmem:$0x7640];
	_ =	sdelay $0x4  }
0x2b6: {  	[tilespmem:$0x1FBC0] =	vst v0;
	v0 =	vld [tilespmem:$0x7650];
	_ =	sdelay $0x4  }
0x2b7: {  	[tilespmem:$0x1FBD0] =	vst v0;
	v0 =	vld [tilespmem:$0x7660];
	_ =	sdelay $0x4  }
0x2b8: {  	[tilespmem:$0x1FBE0] =	vst v0;
	v0 =	vld [tilespmem:$0x7670];
	_ =	sdelay $0x4  }
0x2b9: {  	[tilespmem:$0x1FBF0] =	vst v0;
	v0 =	vld [tilespmem:$0x7680];
	_ =	sdelay $0x4  }
0x2ba: {  	[tilespmem:$0x1FC00] =	vst v0;
	v0 =	vld [tilespmem:$0x7690];
	_ =	sdelay $0x4  }
0x2bb: {  	[tilespmem:$0x1FC10] =	vst v0;
	v0 =	vld [tilespmem:$0x76A0];
	_ =	sdelay $0x4  }
0x2bc: {  	[tilespmem:$0x1FC20] =	vst v0;
	v0 =	vld [tilespmem:$0x76B0];
	_ =	sdelay $0x4  }
0x2bd: {  	[tilespmem:$0x1FC30] =	vst v0;
	v0 =	vld [tilespmem:$0x76C0];
	_ =	sdelay $0x4  }
0x2be: {  	[tilespmem:$0x1FC40] =	vst v0;
	v0 =	vld [tilespmem:$0x76D0];
	_ =	sdelay $0x4  }
0x2bf: {  	[tilespmem:$0x1FC50] =	vst v0;
	v0 =	vld [tilespmem:$0x76E0];
	_ =	sdelay $0x4  }
0x2c0: {  	[tilespmem:$0x1FC60] =	vst v0;
	v0 =	vld [tilespmem:$0x76F0];
	_ =	sdelay $0x4  }
0x2c1: {  	[tilespmem:$0x1FC70] =	vst v0;
	v0 =	vld [tilespmem:$0x7700];
	_ =	sdelay $0x4  }
0x2c2: {  	v2 =	vadd.f32 $0.0e+00, v2;
	[tilespmem:$0x1FC80] =	vst v0;
	v0 =	vld [tilespmem:$0x7710]  }
0x2c3: {  	v5 =	vadd.f32 $0.0e+00, v5  }
0x2c4: {  	v11 =	vadd.f32 $0.0e+00, v11;
	v2 =	vadd.f32 v17, v2;
	v17 =	vld [tilespmem:$0x8A40]  }
0x2c5: {  	v5 =	vadd.f32 v22, v5;
	v22 =	vld [tilespmem:$0x8A50]  }
0x2c6: {  	v11 =	vadd.f32 v25, v11;
	v2 =	vadd.f32 v33, v2;
	v25 =	vld [tilespmem:$0x8A60]  }
0x2c7: {  	[tilespmem:$0x1FC90] =	vst v0;
	v0 =	vld [tilespmem:$0x7720]  }
0x2c8: {  	v5 =	vadd.f32 v38, v5;
	v2 =	vadd.f32 v49, v2;
	v33 =	vld [tilespmem:$0x8A80]  }
0x2c9: {  	v11 =	vadd.f32 v41, v11;
	v38 =	vld [tilespmem:$0x8A90]  }
0x2ca: {  	v5 =	vadd.f32 v54, v5;
	v2 =	vadd.f32 v3, v2;
	v41 =	vld [tilespmem:$0x8AA0]  }
0x2cb: {  	v11 =	vadd.f32 v57, v11;
	v49 =	vld [tilespmem:$0x8AC0]  }
0x2cc: {  	v1 =	vadd.f32 v1, v5;
	v2 =	vadd.f32 v8, v2;
	[tilespmem:$0x1FCA0] =	vst v0;
	v0 =	vld [tilespmem:$0x7730]  }
0x2cd: {  	v3 =	vadd.f32 v6, v11;
	v54 =	vld [tilespmem:$0x8AD0]  }
0x2ce: {  	v1 =	vadd.f32 v7, v1;
	v2 =	vadd.f32 v13, v2;
	v57 =	vld [tilespmem:$0x8AE0]  }
0x2cf: {  	v3 =	vadd.f32 v10, v3;
	v11 =	vld [tilespmem:$0x8B00]  }
0x2d0: {  	v1 =	vadd.f32 v12, v1;
	v2 =	vadd.f32 v19, v2;
	v5 =	vld [tilespmem:$0x8B10]  }
0x2d1: {  	v3 =	vadd.f32 v16, v3;
	[tilespmem:$0x1FCB0] =	vst v0;
	v0 =	vld [tilespmem:$0x7740]  }
0x2d2: {  	v1 =	vadd.f32 v18, v1;
	v24 =	vadd.f32 v24, v2;
	v2 =	vld [tilespmem:$0x8B20]  }
0x2d3: {  	v3 =	vadd.f32 v21, v3;
	v6 =	vld [tilespmem:$0x8B30]  }
0x2d4: {  	v1 =	vadd.f32 v23, v1;
	v7 =	vld [tilespmem:$0x8B40]  }
0x2d5: {  	v3 =	vadd.f32 v27, v3;
	v8 =	vld [tilespmem:$0x8B50]  }
0x2d6: {  	v1 =	vadd.f32 v28, v1;
	[tilespmem:$0x1FCC0] =	vst v0;
	v0 =	vld [tilespmem:$0x7750]  }
0x2d7: {  	v3 =	vadd.f32 v32, v3;
	v10 =	vld [tilespmem:$0x8B70]  }
0x2d8: {  	v1 =	vadd.f32 v34, v1;
	v12 =	vld [tilespmem:$0x8B80]  }
0x2d9: {  	v3 =	vadd.f32 v37, v3;
	v13 =	vld [tilespmem:$0x8B90]  }
0x2da: {  	v1 =	vadd.f32 v39, v1;
	v16 =	vld [tilespmem:$0x8BB0]  }
0x2db: {  	v3 =	vadd.f32 v43, v3;
	[tilespmem:$0x1FCD0] =	vst v0;
	v0 =	vld [tilespmem:$0x7760]  }
0x2dc: {  	v1 =	vadd.f32 v44, v1;
	v18 =	vld [tilespmem:$0x8BC0]  }
0x2dd: {  	v3 =	vadd.f32 v48, v3;
	v19 =	vld [tilespmem:$0x8BD0]  }
0x2de: {  	v1 =	vadd.f32 v50, v1;
	v21 =	vld [tilespmem:$0x8BF0]  }
0x2df: {  	v3 =	vadd.f32 v53, v3;
	v53 =	vld [tilespmem:$0x1FA70]  }
0x2e0: {  	v1 =	vadd.f32 v63, v1;
	[tilespmem:$0x1FCE0] =	vst v0;
	v0 =	vld [tilespmem:$0x7770]  }
0x2e1: {  	v23 =	vld [tilespmem:$0x8C00]  }
0x2e2: {  	v1 =	vadd.f32 v59, v1;
	v59 =	vld [tilespmem:$0x1FAB0]  }
0x2e3: {  	v3 =	vadd.f32 v60, v3;
	v60 =	vld [tilespmem:$0x1FAC0]  }
0x2e4: {  	v27 =	vld [tilespmem:$0x8C30]  }
0x2e5: {  	[tilespmem:$0x1FCF0] =	vst v0;
	v0 =	vld [tilespmem:$0x8A00]  }
0x2e6: {  	v63 =	vld [tilespmem:$0x1FAE0]  }
0x2e7: {  	v32 =	vld [tilespmem:$0x1FAF0]  }
0x2e8: {  	v28 =	vld [tilespmem:$0x8C40]  }
0x2e9: {  	v34 =	vld [tilespmem:$0x1FB00]  }
0x2ea: {  	[tilespmem:$0x1FD00] =	vst v0;
	v0 =	vld [tilespmem:$0x8A10]  }
0x2eb: {  	v37 =	vld [tilespmem:$0x1FB30]  }
0x2ec: {  	v39 =	vld [tilespmem:$0x1FB40]  }
0x2ed: {  	v43 =	vld [tilespmem:$0x1FB70]  }
0x2ee: {  	v44 =	vld [tilespmem:$0x1FB80]  }
0x2ef: {  	v48 =	vld [tilespmem:$0x1FBB0];
	[tilespmem:$0x1FD10] =	vst v0;
	v0 =	vadd.f32 $0.0e+00, v14  }
0x2f0: {  	v14 =	vld [tilespmem:$0x8A20]  }
0x2f1: {  	v50 =	vld [tilespmem:$0x1FBC0];
	v0 =	vadd.f32 v30, v0  }
0x2f2: {  	v3 =	vadd.f32 v53, v3;
	v53 =	vld [tilespmem:$0x1FBF0]  }
0x2f3: {  	v30 =	vld [tilespmem:$0x8A70];
	v0 =	vadd.f32 v46, v0  }
0x2f4: {  	v46 =	vld [tilespmem:$0x8AB0]  }
0x2f5: {  	[tilespmem:$0x1FD20] =	vst v14;
	v14 =	vld [tilespmem:$0x8A30];
	v0 =	vadd.f32 v62, v0  }
0x2f6: {  	v62 =	vld [tilespmem:$0x8AF0]  }
0x2f7: {  	v0 =	vadd.f32 v4, v0;
	v4 =	vadd.f32 v29, v24;
	v24 =	vld [tilespmem:$0x8C10]  }
0x2f8: {  	v29 =	vld [tilespmem:$0x8C50]  }
0x2f9: {  	v0 =	vadd.f32 v9, v0;
	v4 =	vadd.f32 v35, v4;
	v9 =	vld [tilespmem:$0x8B60]  }
0x2fa: {  	v35 =	vld [tilespmem:$0x1FB10]  }
0x2fb: {  	v0 =	vadd.f32 v15, v0;
	v4 =	vadd.f32 v40, v4;
	v15 =	vld [tilespmem:$0x8BA0]  }
0x2fc: {  	v40 =	vld [tilespmem:$0x1FB50]  }
0x2fd: {  	v0 =	vadd.f32 v20, v0;
	v4 =	vadd.f32 v45, v4;
	v20 =	vld [tilespmem:$0x8BE0]  }
0x2fe: {  	v45 =	vld [tilespmem:$0x1FB90]  }
0x2ff: {  	v0 =	vadd.f32 v26, v0;
	v4 =	vadd.f32 v51, v4;
	v26 =	vld [tilespmem:$0x8C20]  }
0x300: {  	v51 =	vld [tilespmem:$0x1FBD0]  }
0x301: {  	v0 =	vadd.f32 v31, v0;
	v4 =	vadd.f32 v55, v4;
	v55 =	vld [tilespmem:$0x1FA80]  }
0x302: {  	v31 =	vld [tilespmem:$0x8C60]  }
0x303: {  	v0 =	vadd.f32 v36, v0;
	v4 =	vadd.f32 v58, v4;
	v58 =	vld [tilespmem:$0x1FAA0]  }
0x304: {  	v36 =	vld [tilespmem:$0x1FB20]  }
0x305: {  	v0 =	vadd.f32 v42, v0;
	v42 =	vld [tilespmem:$0x1FB60]  }
0x306: {  	v4 =	vadd.f32 v55, v4;
	v55 =	vld [tilespmem:$0x1FC00]  }
0x307: {  	v0 =	vadd.f32 v47, v0;
	v47 =	vld [tilespmem:$0x1FBA0]  }
0x308: {  	v3 =	vadd.f32 v58, v3;
	v58 =	vld [tilespmem:$0x1FC20]  }
0x309: {  	v4 =	vadd.f32 v60, v4;
	v60 =	vld [tilespmem:$0x1FC40]  }
0x30a: {  	v0 =	vadd.f32 v52, v0;
	v52 =	vld [tilespmem:$0x1FBE0]  }
0x30b: {  	v4 =	vadd.f32 v34, v4;
	v34 =	vld [tilespmem:$0x8C80]  }
0x30c: {  	v3 =	vadd.f32 v63, v3;
	v63 =	vld [tilespmem:$0x1FC60]  }
0x30d: {  	v0 =	vadd.f32 v61, v0;
	v61 =	vld [tilespmem:$0x1FAD0]  }
0x30e: {  	v3 =	vadd.f32 v36, v3;
	v36 =	vld [tilespmem:$0x8CA0]  }
0x30f: {  	v4 =	vadd.f32 v39, v4;
	v39 =	vld [tilespmem:$0x8CC0]  }
0x310: {  	v0 =	vadd.f32 v56, v0;
	v56 =	vld [tilespmem:$0x1FA90]  }
0x311: {  	v3 =	vadd.f32 v42, v3;
	v42 =	vld [tilespmem:$0x8CE0]  }
0x312: {  	v4 =	vadd.f32 v44, v4;
	v44 =	vld [tilespmem:$0x8D00]  }
0x313: {  	v0 =	vadd.f32 v59, v0;
	v59 =	vld [tilespmem:$0x1FC30]  }
0x314: {  	v4 =	vadd.f32 v50, v4;
	v50 =	vld [tilespmem:$0x1FC80]  }
0x315: {  	v3 =	vadd.f32 v47, v3;
	v47 =	vld [tilespmem:$0x8D20]  }
0x316: {  	v0 =	vadd.f32 v32, v0;
	v32 =	vld [tilespmem:$0x8C70]  }
0x317: {  	v1 =	vadd.f32 v56, v1;
	v56 =	vld [tilespmem:$0x1FC10]  }
0x318: {  	v3 =	vadd.f32 v52, v3;
	v52 =	vld [tilespmem:$0x1FCA0]  }
0x319: {  	v4 =	vadd.f32 v55, v4;
	v55 =	vld [tilespmem:$0x1FCC0]  }
0x31a: {  	v0 =	vadd.f32 v37, v0;
	v37 =	vld [tilespmem:$0x8CB0];
	v1 =	vadd.f32 v61, v1  }
0x31b: {  	v61 =	vld [tilespmem:$0x1FC50]  }
0x31c: {  	v3 =	vadd.f32 v58, v3;
	v58 =	vld [tilespmem:$0x1FCE0];
	v1 =	vadd.f32 v35, v1  }
0x31d: {  	v4 =	vadd.f32 v60, v4;
	v60 =	vld [tilespmem:$0x1FD00]  }
0x31e: {  	v0 =	vadd.f32 v43, v0;
	v43 =	vld [tilespmem:$0x8CF0];
	v1 =	vadd.f32 v40, v1  }
0x31f: {  	v35 =	vld [tilespmem:$0x8C90];
	v4 =	vadd.f32 v50, v4  }
0x320: {  	v50 =	vld [tilespmem:$0x8D40];
	v0 =	vadd.f32 v48, v0;
	v1 =	vadd.f32 v45, v1  }
0x321: {  	v48 =	vld [tilespmem:$0x1FC70]  }
0x322: {  	v0 =	vadd.f32 v53, v0;
	v53 =	vld [tilespmem:$0x1FCB0];
	v1 =	vadd.f32 v51, v1  }
0x323: {  	v51 =	vld [tilespmem:$0x1FC90]  }
0x324: {  	v0 =	vadd.f32 v59, v0;
	v59 =	vld [tilespmem:$0x1FCF0];
	v1 =	vadd.f32 v56, v1  }
0x325: {  	v3 =	vadd.f32 v63, v3;
	v56 =	vld [tilespmem:$0x1FCD0]  }
0x326: {  	v63 =	vld [tilespmem:$0x1FD20];
	v0 =	vadd.f32 v48, v0;
	v1 =	vadd.f32 v61, v1  }
0x327: {  	v3 =	vadd.f32 v52, v3;
	v61 =	vld [tilespmem:$0x1FD10]  }
0x328: {  	v40 =	vld [tilespmem:$0x8CD0];
	v0 =	vadd.f32 v53, v0;
	v1 =	vadd.f32 v51, v1  }
0x329: {  	v4 =	vadd.f32 v55, v4;
	v52 =	vld [tilespmem:$0x8EC0];
	v3 =	vadd.f32 v58, v3  }
0x32a: {  	v55 =	vld [tilespmem:$0x8EF0];
	v0 =	vadd.f32 v59, v0;
	v1 =	vadd.f32 v56, v1  }
0x32b: {  	v45 =	vld [tilespmem:$0x8D10];
	v4 =	vadd.f32 v60, v4;
	v3 =	vadd.f32 v63, v3  }
0x32c: {  	v58 =	vld [tilespmem:$0x8DB0];
	v0 =	vadd.f32 v14, v0;
	v1 =	vadd.f32 v61, v1  }
0x32d: {  	v60 =	vld [tilespmem:$0x8E10];
	v4 =	vadd.f32 v17, v4;
	v3 =	vadd.f32 v25, v3  }
0x32e: {  	v63 =	vld [tilespmem:$0x8E60];
	v0 =	vadd.f32 v30, v0;
	v1 =	vadd.f32 v22, v1  }
0x32f: {  	v48 =	vld [tilespmem:$0x8D30];
	v4 =	vadd.f32 v33, v4;
	v3 =	vadd.f32 v41, v3  }
0x330: {  	v25 =	vld [tilespmem:$0x8D90];
	v0 =	vadd.f32 v46, v0;
	v1 =	vadd.f32 v38, v1  }
0x331: {  	v53 =	vld [tilespmem:$0x8ED0];
	v4 =	vadd.f32 v49, v4;
	v3 =	vadd.f32 v57, v3  }
0x332: {  	v41 =	vld [tilespmem:$0x8E90];
	v0 =	vadd.f32 v62, v0;
	v1 =	vadd.f32 v54, v1  }
0x333: {  	v49 =	vld [tilespmem:$0x8EB0];
	v4 =	vadd.f32 v11, v4;
	v2 =	vadd.f32 v2, v3  }
0x334: {  	v59 =	vld [tilespmem:$0x8DD0];
	v0 =	vadd.f32 v6, v0;
	v1 =	vadd.f32 v5, v1  }
0x335: {  	v51 =	vld [tilespmem:$0x8D50];
	v4 =	vadd.f32 v7, v4;
	v2 =	vadd.f32 v9, v2  }
0x336: {  	v11 =	vld [tilespmem:$0x8E40];
	v0 =	vadd.f32 v10, v0;
	v1 =	vadd.f32 v8, v1  }
0x337: {  	v57 =	vld [tilespmem:$0x8F10];
	v4 =	vadd.f32 v12, v4;
	v2 =	vadd.f32 v15, v2  }
0x338: {  	v14 =	vld [tilespmem:$0x8D60];
	v0 =	vadd.f32 v16, v0;
	v1 =	vadd.f32 v13, v1  }
0x339: {  	v56 =	vld [tilespmem:$0x8D70];
	v4 =	vadd.f32 v18, v4;
	v2 =	vadd.f32 v20, v2  }
0x33a: {  	v3 =	vld [tilespmem:$0x8DE0];
	v0 =	vadd.f32 v21, v0;
	v1 =	vadd.f32 v19, v1  }
0x33b: {  	v7 =	vld [tilespmem:$0x8E00];
	v4 =	vadd.f32 v23, v4;
	v2 =	vadd.f32 v26, v2  }
0x33c: {  	v30 =	vld [tilespmem:$0x8DA0];
	v0 =	vadd.f32 v27, v0;
	v1 =	vadd.f32 v24, v1  }
0x33d: {  	v9 =	vld [tilespmem:$0x8E20];
	v4 =	vadd.f32 v28, v4;
	v2 =	vadd.f32 v31, v2  }
0x33e: {  	v61 =	vld [tilespmem:$0x8E30];
	v0 =	vadd.f32 v32, v0;
	v1 =	vadd.f32 v29, v1  }
0x33f: {  	v46 =	vld [tilespmem:$0x8EA0];
	v4 =	vadd.f32 v34, v4;
	v2 =	vadd.f32 v36, v2  }
0x340: {  	v22 =	vld [tilespmem:$0x8D80];
	v0 =	vadd.f32 v37, v0;
	v1 =	vadd.f32 v35, v1  }
0x341: {  	v18 =	vld [tilespmem:$0x8FA0];
	v4 =	vadd.f32 v39, v4;
	v2 =	vadd.f32 v42, v2  }
0x342: {  	v62 =	vld [tilespmem:$0x8E50];
	v0 =	vadd.f32 v43, v0;
	v1 =	vadd.f32 v40, v1  }
0x343: {  	v38 =	vld [tilespmem:$0x8DC0];
	v4 =	vadd.f32 v44, v4;
	v2 =	vadd.f32 v47, v2  }
0x344: {  	v20 =	vld [tilespmem:$0x8FC0];
	v0 =	vadd.f32 v48, v0;
	v1 =	vadd.f32 v45, v1  }
0x345: {  	v6 =	vld [tilespmem:$0x8DF0];
	v4 =	vadd.f32 v50, v4;
	v2 =	vadd.f32 v14, v2  }
0x346: {  	v23 =	vld [tilespmem:$0x8FF0];
	v0 =	vadd.f32 v56, v0;
	v1 =	vadd.f32 v51, v1  }
0x347: {  	v54 =	vld [tilespmem:$0x8EE0];
	v4 =	vadd.f32 v22, v4;
	v2 =	vadd.f32 v30, v2  }
0x348: {  	v16 =	vld [tilespmem:$0x8F90];
	v0 =	vadd.f32 v58, v0;
	v1 =	vadd.f32 v25, v1  }
0x349: {  	v29 =	vld [tilespmem:$0x8E70];
	v4 =	vadd.f32 v38, v4;
	v2 =	vadd.f32 v3, v2  }
0x34a: {  	v32 =	vld [tilespmem:$0x8E80];
	v0 =	vadd.f32 v6, v0;
	v1 =	vadd.f32 v59, v1  }
0x34b: {  	v3 =	vld [tilespmem:$0x8F40];
	v4 =	vadd.f32 v7, v4;
	v2 =	vadd.f32 v9, v2  }
0x34c: {  	v56 =	vld [tilespmem:$0x8F00];
	v0 =	vadd.f32 v61, v0;
	v1 =	vadd.f32 v60, v1  }
0x34d: {  	v4 =	vadd.f32 v11, v4;
	v2 =	vadd.f32 v63, v2;
	v58 =	vld [tilespmem:$0x8F20]  }
0x34e: {  	v61 =	vld [tilespmem:$0x8F60];
	v0 =	vadd.f32 v29, v0;
	v1 =	vadd.f32 v62, v1  }
0x34f: {  	v4 =	vadd.f32 v32, v4;
	v2 =	vadd.f32 v46, v2;
	v59 =	vld [tilespmem:$0x8F30]  }
0x350: {  	v60 =	vld [tilespmem:$0x8F50];
	v0 =	vadd.f32 v49, v0;
	v1 =	vadd.f32 v41, v1  }
0x351: {  	v4 =	vadd.f32 v52, v4;
	v2 =	vadd.f32 v54, v2;
	v62 =	vld [tilespmem:$0x8F70]  }
0x352: {  	v63 =	vld [tilespmem:$0x8F80];
	v0 =	vadd.f32 v55, v0;
	v1 =	vadd.f32 v53, v1  }
0x353: {  	v19 =	vld [tilespmem:$0x8FB0];
	v4 =	vadd.f32 v56, v4;
	v2 =	vadd.f32 v58, v2  }
0x354: {  	v22 =	vld [tilespmem:$0x8FE0];
	v0 =	vadd.f32 v59, v0;
	v1 =	vadd.f32 v57, v1  }
0x355: {  	v21 =	vld [tilespmem:$0x8FD0];
	v3 =	vadd.f32 v3, v4;
	v2 =	vadd.f32 v61, v2  }
0x356: {  	v0 =	vadd.f32 v62, v0;
	v1 =	vadd.f32 v60, v1  }
0x357: {  	v3 =	vadd.f32 v63, v3;
	v2 =	vadd.f32 v18, v2  }
0x358: {  	v0 =	vadd.f32 v19, v0;
	v1 =	vadd.f32 v16, v1  }
0x359: {  	v3 =	vadd.f32 v20, v3;
	v2 =	vadd.f32 v22, v2  }
0x35a: {  	v0 =	vadd.f32 v23, v0;
	v1 =	vadd.f32 v21, v1;
	_ =	sdelay $0x1  }
0x35b: {  	v0 =	vadd.f32 v0, v2;
	v1 =	vadd.f32 v1, v3;
	_ =	sdelay $0x1  }
0x35c: {  	v0 =	vadd.f32 v0, v1;
	v1 =	vld [tilespmem:$0x1FFF0];
	_ =	sdelay $0x2  }
0x35d: {  	s18 =	sadd.s32 @!p0 $0x4B0, s15;
	s19 =	simm.s32 @!p0 $0x7100;
	v0 =	vmul.f32 $4.999999890e-03, v0  }
0x35e: {  	[tilespmem:s19], [sflag:$0x3] =	stream.indirect.gather @!p0 [hbm4b:s4+s16], $0x10, s18, s16, $0xb8;
	[tilespmem:$0x9E10] =	vst v63  }
0x35f: {  	s15 =	sadd.s32 @!p0 $0x518, s15;
	s16 =	simm.s32 @!p0 $0x8A00;
	v0 =	vadd.f32 v0, v1  }
0x360: {  	[tilespmem:s16], [sflag:$0x7] =	stream.indirect.gather @!p0 [hbm4b:s4+s17], $0x10, s15, s17, $0xb8;
	[tilespmem:$0x9E10] =	vst v63  }
0x361: {  	[tilespmem:s14+$0xFFFFFFF0] =	vst v0  }
0x362: {  	_ =	swait.ge [sflag:s0], $0x680  }
0x363: {  	[sflag:s0] =	ssyncset.done $0x0  }
0x364: {  	[sflag:s0] =	ssyncadd.s32 $0xFFFFF980  }
0x365: {  	_ =	swait.ge [sflag:s2], $0x600  }
0x366: {  	[sflag:s2] =	ssyncset.done $0x0  }
0x367: {  	[sflag:s2] =	ssyncadd.s32 $0xFFFFFA00  }
0x368: {  	v0 =	vld [tilespmem:$0x7B60];
	_ =	sdelay $0x4  }
0x369: {  	[tilespmem:$0x1FD30] =	vst v0;
	v0 =	vld [tilespmem:$0x7B80];
	_ =	sdelay $0x4  }
0x36a: {  	[tilespmem:$0x1FD40] =	vst v0;
	v0 =	vld [tilespmem:$0x7B90];
	_ =	sdelay $0x4  }
0x36b: {  	[tilespmem:$0x1FD50] =	vst v0;
	v0 =	vld [tilespmem:$0x7BA0];
	_ =	sdelay $0x4  }
0x36c: {  	[tilespmem:$0x1FD60] =	vst v0;
	v0 =	vld [tilespmem:$0x7BB0];
	_ =	sdelay $0x4  }
0x36d: {  	[tilespmem:$0x1FD70] =	vst v0;
	v0 =	vld [tilespmem:$0x7BC0];
	_ =	sdelay $0x4  }
0x36e: {  	[tilespmem:$0x1FD80] =	vst v0;
	v0 =	vld [tilespmem:$0x7BD0];
	_ =	sdelay $0x4  }
0x36f: {  	[tilespmem:$0x1FD90] =	vst v0;
	v0 =	vld [tilespmem:$0x7BE0];
	_ =	sdelay $0x4  }
0x370: {  	[tilespmem:$0x1FDA0] =	vst v0;
	v0 =	vld [tilespmem:$0x7BF0];
	_ =	sdelay $0x4  }
0x371: {  	[tilespmem:$0x1FDB0] =	vst v0;
	v0 =	vld [tilespmem:$0x7C00];
	_ =	sdelay $0x4  }
0x372: {  	[tilespmem:$0x1FDC0] =	vst v0;
	v0 =	vld [tilespmem:$0x7C10];
	_ =	sdelay $0x4  }
0x373: {  	[tilespmem:$0x1FDD0] =	vst v0;
	v0 =	vld [tilespmem:$0x7C20];
	_ =	sdelay $0x4  }
0x374: {  	[tilespmem:$0x1FDE0] =	vst v0;
	v0 =	vld [tilespmem:$0x7C30];
	_ =	sdelay $0x4  }
0x375: {  	[tilespmem:$0x1FDF0] =	vst v0;
	v0 =	vld [tilespmem:$0x7C40];
	_ =	sdelay $0x4  }
0x376: {  	[tilespmem:$0x1FE00] =	vst v0;
	v0 =	vld [tilespmem:$0x7C50];
	_ =	sdelay $0x4  }
0x377: {  	[tilespmem:$0x1FE10] =	vst v0;
	v0 =	vld [tilespmem:$0x7C60];
	_ =	sdelay $0x4  }
0x378: {  	[tilespmem:$0x1FE20] =	vst v0;
	v0 =	vld [tilespmem:$0x7C70];
	_ =	sdelay $0x4  }
0x379: {  	[tilespmem:$0x1FE30] =	vst v0;
	v0 =	vld [tilespmem:$0x7C80];
	_ =	sdelay $0x4  }
0x37a: {  	[tilespmem:$0x1FE40] =	vst v0;
	v0 =	vld [tilespmem:$0x7C90];
	_ =	sdelay $0x2  }
0x37b: {  	v2 =	vld [tilespmem:$0x7780]  }
0x37c: {  	v5 =	vld [tilespmem:$0x7790]  }
0x37d: {  	[tilespmem:$0x1FE50] =	vst v0;
	v0 =	vld [tilespmem:$0x7CA0]  }
0x37e: {  	v11 =	vld [tilespmem:$0x77A0]  }
0x37f: {  	v14 =	vld [tilespmem:$0x77B0]  }
0x380: {  	v17 =	vld [tilespmem:$0x77C0]  }
0x381: {  	v22 =	vld [tilespmem:$0x77D0]  }
0x382: {  	[tilespmem:$0x1FE60] =	vst v0;
	v0 =	vld [tilespmem:$0x7CB0]  }
0x383: {  	v25 =	vld [tilespmem:$0x77E0]  }
0x384: {  	v30 =	vld [tilespmem:$0x77F0]  }
0x385: {  	v33 =	vld [tilespmem:$0x7800]  }
0x386: {  	v38 =	vld [tilespmem:$0x7810]  }
0x387: {  	[tilespmem:$0x1FE70] =	vst v0;
	v0 =	vld [tilespmem:$0x7CC0]  }
0x388: {  	v41 =	vld [tilespmem:$0x7820]  }
0x389: {  	v46 =	vld [tilespmem:$0x7830]  }
0x38a: {  	v49 =	vld [tilespmem:$0x7840]  }
0x38b: {  	v54 =	vld [tilespmem:$0x7850]  }
0x38c: {  	[tilespmem:$0x1FE80] =	vst v0;
	v0 =	vld [tilespmem:$0x7CD0]  }
0x38d: {  	v57 =	vld [tilespmem:$0x7860]  }
0x38e: {  	v62 =	vld [tilespmem:$0x7870]  }
0x38f: {  	v3 =	vld [tilespmem:$0x7880]  }
0x390: {  	v1 =	vld [tilespmem:$0x7890]  }
0x391: {  	[tilespmem:$0x1FE90] =	vst v0;
	v0 =	vld [tilespmem:$0x7CE0]  }
0x392: {  	v6 =	vld [tilespmem:$0x78A0]  }
0x393: {  	v4 =	vld [tilespmem:$0x78B0]  }
0x394: {  	v8 =	vld [tilespmem:$0x78C0]  }
0x395: {  	v7 =	vld [tilespmem:$0x78D0]  }
0x396: {  	[tilespmem:$0x1FEA0] =	vst v0;
	v0 =	vld [tilespmem:$0x7CF0]  }
0x397: {  	v10 =	vld [tilespmem:$0x78E0]  }
0x398: {  	v9 =	vld [tilespmem:$0x78F0]  }
0x399: {  	v13 =	vld [tilespmem:$0x7900]  }
0x39a: {  	v12 =	vld [tilespmem:$0x7910]  }
0x39b: {  	[tilespmem:$0x1FEB0] =	vst v0;
	v0 =	vld [tilespmem:$0x7D00]  }
0x39c: {  	v16 =	vld [tilespmem:$0x7920]  }
0x39d: {  	v15 =	vld [tilespmem:$0x7930]  }
0x39e: {  	v19 =	vld [tilespmem:$0x7940]  }
0x39f: {  	v18 =	vld [tilespmem:$0x7950]  }
0x3a0: {  	[tilespmem:$0x1FEC0] =	vst v0;
	v0 =	vld [tilespmem:$0x7D10]  }
0x3a1: {  	v21 =	vld [tilespmem:$0x7960]  }
0x3a2: {  	v20 =	vld [tilespmem:$0x7970]  }
0x3a3: {  	v24 =	vld [tilespmem:$0x7980]  }
0x3a4: {  	v23 =	vld [tilespmem:$0x7990]  }
0x3a5: {  	[tilespmem:$0x1FED0] =	vst v0;
	v0 =	vld [tilespmem:$0x7D20]  }
0x3a6: {  	v27 =	vld [tilespmem:$0x79A0]  }
0x3a7: {  	v26 =	vld [tilespmem:$0x79B0]  }
0x3a8: {  	v29 =	vld [tilespmem:$0x79C0]  }
0x3a9: {  	v28 =	vld [tilespmem:$0x79D0]  }
0x3aa: {  	[tilespmem:$0x1FEE0] =	vst v0;
	v0 =	vld [tilespmem:$0x7D30]  }
0x3ab: {  	v32 =	vld [tilespmem:$0x79E0]  }
0x3ac: {  	v31 =	vld [tilespmem:$0x79F0]  }
0x3ad: {  	v35 =	vld [tilespmem:$0x7A00]  }
0x3ae: {  	v34 =	vld [tilespmem:$0x7A10]  }
0x3af: {  	[tilespmem:$0x1FEF0] =	vst v0;
	v0 =	vld [tilespmem:$0x7D40]  }
0x3b0: {  	v37 =	vld [tilespmem:$0x7A20]  }
0x3b1: {  	v36 =	vld [tilespmem:$0x7A30]  }
0x3b2: {  	v40 =	vld [tilespmem:$0x7A40]  }
0x3b3: {  	v39 =	vld [tilespmem:$0x7A50]  }
0x3b4: {  	[tilespmem:$0x1FF00] =	vst v0;
	v0 =	vld [tilespmem:$0x7D50]  }
0x3b5: {  	v43 =	vld [tilespmem:$0x7A60]  }
0x3b6: {  	v42 =	vld [tilespmem:$0x7A70]  }
0x3b7: {  	v45 =	vld [tilespmem:$0x7A80]  }
0x3b8: {  	v44 =	vld [tilespmem:$0x7A90]  }
0x3b9: {  	[tilespmem:$0x1FF10] =	vst v0;
	v0 =	vld [tilespmem:$0x7D60]  }
0x3ba: {  	v48 =	vld [tilespmem:$0x7AA0]  }
0x3bb: {  	v47 =	vld [tilespmem:$0x7AB0]  }
0x3bc: {  	v51 =	vld [tilespmem:$0x7AC0]  }
0x3bd: {  	v50 =	vld [tilespmem:$0x7AD0]  }
0x3be: {  	[tilespmem:$0x1FF20] =	vst v0;
	v0 =	vld [tilespmem:$0x7D70]  }
0x3bf: {  	v53 =	vld [tilespmem:$0x7AE0]  }
0x3c0: {  	v52 =	vld [tilespmem:$0x7AF0]  }
0x3c1: {  	v55 =	vld [tilespmem:$0x7B00]  }
0x3c2: {  	v63 =	vld [tilespmem:$0x7B10]  }
0x3c3: {  	[tilespmem:$0x1FF30] =	vst v0;
	v0 =	vld [tilespmem:$0x7D80]  }
0x3c4: {  	v60 =	vld [tilespmem:$0x7B20]  }
0x3c5: {  	v61 =	vld [tilespmem:$0x7B30]  }
0x3c6: {  	v58 =	vld [tilespmem:$0x7B40]  }
0x3c7: {  	v59 =	vld [tilespmem:$0x7B50]  }
0x3c8: {  	v2 =	vadd.f32 $0.0e+00, v2;
	[tilespmem:$0x1FF40] =	vst v0;
	v0 =	vld [tilespmem:$0x7D90]  }
0x3c9: {  	v56 =	vld [tilespmem:$0x7B70];
	v5 =	vadd.f32 $0.0e+00, v5  }
0x3ca: {  	v11 =	vadd.f32 $0.0e+00, v11;
	v2 =	vadd.f32 v17, v2;
	v17 =	vld [tilespmem:$0x9040]  }
0x3cb: {  	v5 =	vadd.f32 v22, v5;
	v22 =	vld [tilespmem:$0x9050]  }
0x3cc: {  	v11 =	vadd.f32 v25, v11;
	v25 =	vld [tilespmem:$0x9060]  }
0x3cd: {  	[tilespmem:$0x1FF50] =	vst v0;
	v0 =	vld [tilespmem:$0x7DA0]  }
0x3ce: {  	v2 =	vadd.f32 v33, v2;
	v33 =	vld [tilespmem:$0x9080]  }
0x3cf: {  	v5 =	vadd.f32 v38, v5;
	v38 =	vld [tilespmem:$0x9090]  }
0x3d0: {  	v11 =	vadd.f32 v41, v11;
	v41 =	vld [tilespmem:$0x90A0]  }
0x3d1: {  	v2 =	vadd.f32 v49, v2;
	v49 =	vld [tilespmem:$0x90C0]  }
0x3d2: {  	[tilespmem:$0x1FF60] =	vst v0;
	v0 =	vld [tilespmem:$0x7DB0]  }
0x3d3: {  	v5 =	vadd.f32 v54, v5;
	v11 =	vadd.f32 v57, v11;
	v54 =	vld [tilespmem:$0x90D0]  }
0x3d4: {  	v57 =	vld [tilespmem:$0x90E0]  }
0x3d5: {  	v2 =	vadd.f32 v3, v2;
	v3 =	vadd.f32 v6, v11;
	v11 =	vld [tilespmem:$0x9100]  }
0x3d6: {  	v1 =	vadd.f32 v1, v5;
	v5 =	vld [tilespmem:$0x9110]  }
0x3d7: {  	[tilespmem:$0x1FF70] =	vst v0;
	v0 =	vld [tilespmem:$0x7DC0]  }
0x3d8: {  	v6 =	vld [tilespmem:$0x9130];
	v1 =	vadd.f32 v7, v1;
	v3 =	vadd.f32 v10, v3  }
0x3d9: {  	v2 =	vadd.f32 v8, v2;
	v7 =	vld [tilespmem:$0x9140]  }
0x3da: {  	v8 =	vld [tilespmem:$0x9150];
	v1 =	vadd.f32 v12, v1;
	v3 =	vadd.f32 v16, v3  }
0x3db: {  	v10 =	vld [tilespmem:$0x9170]  }
0x3dc: {  	v1 =	vadd.f32 v18, v1;
	v3 =	vadd.f32 v21, v3;
	[tilespmem:$0x1FF80] =	vst v0;
	v0 =	vld [tilespmem:$0x7DD0]  }
0x3dd: {  	v2 =	vadd.f32 v13, v2;
	v12 =	vld [tilespmem:$0x9180]  }
0x3de: {  	v13 =	vld [tilespmem:$0x9190];
	v1 =	vadd.f32 v23, v1;
	v3 =	vadd.f32 v27, v3  }
0x3df: {  	v16 =	vld [tilespmem:$0x91B0]  }
0x3e0: {  	v18 =	vld [tilespmem:$0x91C0];
	v1 =	vadd.f32 v28, v1;
	v3 =	vadd.f32 v32, v3  }
0x3e1: {  	v2 =	vadd.f32 v19, v2;
	[tilespmem:$0x1FF90] =	vst v0;
	v0 =	vld [tilespmem:$0x7DE0]  }
0x3e2: {  	v19 =	vld [tilespmem:$0x91D0];
	v1 =	vadd.f32 v34, v1;
	v3 =	vadd.f32 v37, v3  }
0x3e3: {  	v21 =	vld [tilespmem:$0x91F0];
	v24 =	vadd.f32 v24, v2  }
0x3e4: {  	v2 =	vld [tilespmem:$0x9120];
	v1 =	vadd.f32 v39, v1;
	v3 =	vadd.f32 v43, v3  }
0x3e5: {  	v23 =	vld [tilespmem:$0x9200]  }
0x3e6: {  	v1 =	vadd.f32 v44, v1;
	v3 =	vadd.f32 v48, v3;
	[tilespmem:$0x1FFA0] =	vst v0;
	v0 =	vld [tilespmem:$0x7DF0]  }
0x3e7: {  	v27 =	vld [tilespmem:$0x9230]  }
0x3e8: {  	v28 =	vld [tilespmem:$0x9240];
	v1 =	vadd.f32 v50, v1;
	v3 =	vadd.f32 v53, v3  }
0x3e9: {  	v53 =	vld [tilespmem:$0x1FD30]  }
0x3ea: {  	v1 =	vadd.f32 v63, v1;
	v3 =	vadd.f32 v60, v3;
	v60 =	vld [tilespmem:$0x1FD80]  }
0x3eb: {  	[tilespmem:$0x1FFB0] =	vst v0;
	v0 =	vld [tilespmem:$0x9000]  }
0x3ec: {  	v1 =	vadd.f32 v59, v1;
	v59 =	vld [tilespmem:$0x1FD70]  }
0x3ed: {  	v63 =	vld [tilespmem:$0x1FDA0]  }
0x3ee: {  	v32 =	vld [tilespmem:$0x1FDB0]  }
0x3ef: {  	v34 =	vld [tilespmem:$0x1FDC0]  }
0x3f0: {  	[tilespmem:$0x1FFC0] =	vst v0;
	v0 =	vld [tilespmem:$0x9010]  }
0x3f1: {  	v37 =	vld [tilespmem:$0x1FDF0]  }
0x3f2: {  	v39 =	vld [tilespmem:$0x1FE00]  }
0x3f3: {  	v43 =	vld [tilespmem:$0x1FE30]  }
0x3f4: {  	v44 =	vld [tilespmem:$0x1FE40]  }
0x3f5: {  	v48 =	vld [tilespmem:$0x1FE70];
	[tilespmem:$0x1FFD0] =	vst v0;
	v0 =	vadd.f32 $0.0e+00, v14  }
0x3f6: {  	v14 =	vld [tilespmem:$0x9020]  }
0x3f7: {  	v50 =	vld [tilespmem:$0x1FE80];
	v0 =	vadd.f32 v30, v0  }
0x3f8: {  	v3 =	vadd.f32 v53, v3;
	v53 =	vld [tilespmem:$0x1FEB0]  }
0x3f9: {  	v30 =	vld [tilespmem:$0x9070];
	v0 =	vadd.f32 v46, v0  }
0x3fa: {  	v46 =	vld [tilespmem:$0x90B0]  }
0x3fb: {  	[tilespmem:$0x1FFE0] =	vst v14;
	v14 =	vld [tilespmem:$0x9030];
	v0 =	vadd.f32 v62, v0  }
0x3fc: {  	v62 =	vld [tilespmem:$0x90F0]  }
0x3fd: {  	v0 =	vadd.f32 v4, v0;
	v4 =	vadd.f32 v29, v24;
	v24 =	vld [tilespmem:$0x9210]  }
0x3fe: {  	v29 =	vld [tilespmem:$0x9250]  }
0x3ff: {  	v0 =	vadd.f32 v9, v0;
	v4 =	vadd.f32 v35, v4;
	v9 =	vld [tilespmem:$0x9160]  }
0x400: {  	v35 =	vld [tilespmem:$0x1FDD0]  }
0x401: {  	v0 =	vadd.f32 v15, v0;
	v4 =	vadd.f32 v40, v4;
	v15 =	vld [tilespmem:$0x91A0]  }
0x402: {  	v40 =	vld [tilespmem:$0x1FE10]  }
0x403: {  	v0 =	vadd.f32 v20, v0;
	v4 =	vadd.f32 v45, v4;
	v20 =	vld [tilespmem:$0x91E0]  }
0x404: {  	v45 =	vld [tilespmem:$0x1FE50]  }
0x405: {  	v0 =	vadd.f32 v26, v0;
	v4 =	vadd.f32 v51, v4;
	v26 =	vld [tilespmem:$0x9220]  }
0x406: {  	v51 =	vld [tilespmem:$0x1FE90]  }
0x407: {  	v0 =	vadd.f32 v31, v0;
	v4 =	vadd.f32 v55, v4;
	v55 =	vld [tilespmem:$0x1FD40]  }
0x408: {  	v31 =	vld [tilespmem:$0x9260]  }
0x409: {  	v0 =	vadd.f32 v36, v0;
	v4 =	vadd.f32 v58, v4;
	v58 =	vld [tilespmem:$0x1FD60]  }
0x40a: {  	v36 =	vld [tilespmem:$0x1FDE0]  }
0x40b: {  	v0 =	vadd.f32 v42, v0;
	v42 =	vld [tilespmem:$0x1FE20]  }
0x40c: {  	v4 =	vadd.f32 v55, v4;
	v55 =	vld [tilespmem:$0x1FEC0]  }
0x40d: {  	v0 =	vadd.f32 v47, v0;
	v47 =	vld [tilespmem:$0x1FE60]  }
0x40e: {  	v3 =	vadd.f32 v58, v3;
	v58 =	vld [tilespmem:$0x1FEE0]  }
0x40f: {  	v4 =	vadd.f32 v60, v4;
	v60 =	vld [tilespmem:$0x1FF00]  }
0x410: {  	v0 =	vadd.f32 v52, v0;
	v52 =	vld [tilespmem:$0x1FEA0]  }
0x411: {  	v4 =	vadd.f32 v34, v4;
	v34 =	vld [tilespmem:$0x9280]  }
0x412: {  	v3 =	vadd.f32 v63, v3;
	v63 =	vld [tilespmem:$0x1FF20]  }
0x413: {  	v0 =	vadd.f32 v61, v0;
	v61 =	vld [tilespmem:$0x1FD90]  }
0x414: {  	v3 =	vadd.f32 v36, v3;
	v36 =	vld [tilespmem:$0x92A0]  }
0x415: {  	v4 =	vadd.f32 v39, v4;
	v39 =	vld [tilespmem:$0x92C0]  }
0x416: {  	v0 =	vadd.f32 v56, v0;
	v56 =	vld [tilespmem:$0x1FD50]  }
0x417: {  	v3 =	vadd.f32 v42, v3;
	v42 =	vld [tilespmem:$0x92E0]  }
0x418: {  	v4 =	vadd.f32 v44, v4;
	v44 =	vld [tilespmem:$0x9300]  }
0x419: {  	v0 =	vadd.f32 v59, v0;
	v59 =	vld [tilespmem:$0x1FEF0]  }
0x41a: {  	v4 =	vadd.f32 v50, v4;
	v50 =	vld [tilespmem:$0x1FF40]  }
0x41b: {  	v3 =	vadd.f32 v47, v3;
	v47 =	vld [tilespmem:$0x9320]  }
0x41c: {  	v0 =	vadd.f32 v32, v0;
	v32 =	vld [tilespmem:$0x9270]  }
0x41d: {  	v1 =	vadd.f32 v56, v1;
	v56 =	vld [tilespmem:$0x1FED0]  }
0x41e: {  	v3 =	vadd.f32 v52, v3;
	v52 =	vld [tilespmem:$0x1FF60]  }
0x41f: {  	v4 =	vadd.f32 v55, v4;
	v55 =	vld [tilespmem:$0x1FF80]  }
0x420: {  	v0 =	vadd.f32 v37, v0;
	v37 =	vld [tilespmem:$0x92B0];
	v1 =	vadd.f32 v61, v1  }
0x421: {  	v61 =	vld [tilespmem:$0x1FF10]  }
0x422: {  	v3 =	vadd.f32 v58, v3;
	v58 =	vld [tilespmem:$0x1FFA0];
	v1 =	vadd.f32 v35, v1  }
0x423: {  	v4 =	vadd.f32 v60, v4;
	v60 =	vld [tilespmem:$0x1FFC0]  }
0x424: {  	v0 =	vadd.f32 v43, v0;
	v43 =	vld [tilespmem:$0x92F0];
	v1 =	vadd.f32 v40, v1  }
0x425: {  	v35 =	vld [tilespmem:$0x9290];
	v3 =	vadd.f32 v63, v3  }
0x426: {  	v63 =	vld [tilespmem:$0x1FFE0];
	v0 =	vadd.f32 v48, v0;
	v1 =	vadd.f32 v45, v1  }
0x427: {  	v48 =	vld [tilespmem:$0x1FF30]  }
0x428: {  	v0 =	vadd.f32 v53, v0;
	v53 =	vld [tilespmem:$0x1FF70];
	v1 =	vadd.f32 v51, v1  }
0x429: {  	v4 =	vadd.f32 v50, v4;
	v3 =	vadd.f32 v52, v3;
	v51 =	vld [tilespmem:$0x1FF50]  }
0x42a: {  	v0 =	vadd.f32 v59, v0;
	v59 =	vld [tilespmem:$0x1FFB0];
	v1 =	vadd.f32 v56, v1  }
0x42b: {  	v4 =	vadd.f32 v55, v4;
	v3 =	vadd.f32 v58, v3;
	v56 =	vld [tilespmem:$0x1FF90]  }
0x42c: {  	v50 =	vld [tilespmem:$0x9340];
	v0 =	vadd.f32 v48, v0;
	v1 =	vadd.f32 v61, v1  }
0x42d: {  	v4 =	vadd.f32 v60, v4;
	v3 =	vadd.f32 v63, v3;
	v61 =	vld [tilespmem:$0x1FFD0]  }
0x42e: {  	v40 =	vld [tilespmem:$0x92D0];
	v0 =	vadd.f32 v53, v0;
	v1 =	vadd.f32 v51, v1  }
0x42f: {  	v52 =	vld [tilespmem:$0x93A0];
	v4 =	vadd.f32 v17, v4;
	v3 =	vadd.f32 v25, v3  }
0x430: {  	v55 =	vld [tilespmem:$0x93D0];
	v0 =	vadd.f32 v59, v0;
	v1 =	vadd.f32 v56, v1  }
0x431: {  	v45 =	vld [tilespmem:$0x9310];
	v4 =	vadd.f32 v33, v4;
	v3 =	vadd.f32 v41, v3  }
0x432: {  	v58 =	vld [tilespmem:$0x9410];
	v0 =	vadd.f32 v14, v0;
	v1 =	vadd.f32 v61, v1  }
0x433: {  	v60 =	vld [tilespmem:$0x9430];
	v4 =	vadd.f32 v49, v4;
	v3 =	vadd.f32 v57, v3  }
0x434: {  	v17 =	vld [tilespmem:$0x9370];
	v0 =	vadd.f32 v30, v0;
	v1 =	vadd.f32 v22, v1  }
0x435: {  	v63 =	vld [tilespmem:$0x9460];
	v4 =	vadd.f32 v11, v4;
	v2 =	vadd.f32 v2, v3  }
0x436: {  	v48 =	vld [tilespmem:$0x9330];
	v0 =	vadd.f32 v46, v0;
	v1 =	vadd.f32 v38, v1  }
0x437: {  	v25 =	vld [tilespmem:$0x9390];
	v4 =	vadd.f32 v7, v4;
	v2 =	vadd.f32 v9, v2  }
0x438: {  	v53 =	vld [tilespmem:$0x93B0];
	v0 =	vadd.f32 v62, v0;
	v1 =	vadd.f32 v54, v1  }
0x439: {  	v41 =	vld [tilespmem:$0x94B0];
	v4 =	vadd.f32 v12, v4;
	v2 =	vadd.f32 v15, v2  }
0x43a: {  	v49 =	vld [tilespmem:$0x9500];
	v0 =	vadd.f32 v6, v0;
	v1 =	vadd.f32 v5, v1  }
0x43b: {  	v59 =	vld [tilespmem:$0x9420];
	v4 =	vadd.f32 v18, v4;
	v2 =	vadd.f32 v20, v2  }
0x43c: {  	v51 =	vld [tilespmem:$0x9350];
	v0 =	vadd.f32 v10, v0;
	v1 =	vadd.f32 v8, v1  }
0x43d: {  	v57 =	vld [tilespmem:$0x9400];
	v4 =	vadd.f32 v23, v4;
	v2 =	vadd.f32 v26, v2  }
0x43e: {  	v14 =	vld [tilespmem:$0x9360];
	v0 =	vadd.f32 v16, v0;
	v1 =	vadd.f32 v13, v1  }
0x43f: {  	v3 =	vld [tilespmem:$0x93E0];
	v4 =	vadd.f32 v28, v4;
	v2 =	vadd.f32 v31, v2  }
0x440: {  	v56 =	vld [tilespmem:$0x93F0];
	v0 =	vadd.f32 v21, v0;
	v1 =	vadd.f32 v19, v1  }
0x441: {  	v61 =	vld [tilespmem:$0x9440];
	v4 =	vadd.f32 v34, v4;
	v2 =	vadd.f32 v36, v2  }
0x442: {  	v46 =	vld [tilespmem:$0x94D0];
	v0 =	vadd.f32 v27, v0;
	v1 =	vadd.f32 v24, v1  }
0x443: {  	v22 =	vld [tilespmem:$0x9380];
	v4 =	vadd.f32 v39, v4;
	v2 =	vadd.f32 v42, v2  }
0x444: {  	v62 =	vld [tilespmem:$0x9450];
	v0 =	vadd.f32 v32, v0;
	v1 =	vadd.f32 v29, v1  }
0x445: {  	v54 =	vld [tilespmem:$0x93C0];
	v4 =	vadd.f32 v44, v4;
	v2 =	vadd.f32 v47, v2  }
0x446: {  	v47 =	vld [tilespmem:$0x94E0];
	v0 =	vadd.f32 v37, v0;
	v1 =	vadd.f32 v35, v1  }
0x447: {  	v4 =	vadd.f32 v50, v4;
	v50 =	vld [tilespmem:$0x9510]  }
0x448: {  	v32 =	vld [tilespmem:$0x9480];
	v0 =	vadd.f32 v43, v0;
	v1 =	vadd.f32 v40, v1  }
0x449: {  	v2 =	vadd.f32 v14, v2;
	v4 =	vadd.f32 v22, v4;
	v37 =	vld [tilespmem:$0x94A0]  }
0x44a: {  	v29 =	vld [tilespmem:$0x9470];
	v0 =	vadd.f32 v48, v0;
	v1 =	vadd.f32 v45, v1  }
0x44b: {  	v2 =	vadd.f32 v52, v2;
	v4 =	vadd.f32 v54, v4;
	v52 =	vld [tilespmem:$0x9530]  }
0x44c: {  	v54 =	vld [tilespmem:$0x9560];
	v0 =	vadd.f32 v17, v0;
	v1 =	vadd.f32 v51, v1  }
0x44d: {  	v43 =	vld [tilespmem:$0x94C0]  }
0x44e: {  	v35 =	vld [tilespmem:$0x9490];
	v0 =	vadd.f32 v53, v0;
	v1 =	vadd.f32 v25, v1  }
0x44f: {  	v2 =	vadd.f32 v3, v2;
	v3 =	vld [tilespmem:$0x9540];
	v4 =	vadd.f32 v57, v4  }
0x450: {  	v57 =	vld [tilespmem:$0x9590];
	v0 =	vadd.f32 v56, v0;
	v1 =	vadd.f32 v55, v1  }
0x451: {  	v48 =	vld [tilespmem:$0x94F0];
	v2 =	vadd.f32 v59, v2  }
0x452: {  	v59 =	vld [tilespmem:$0x95B0];
	v0 =	vadd.f32 v60, v0;
	v1 =	vadd.f32 v58, v1  }
0x453: {  	v4 =	vadd.f32 v61, v4;
	v61 =	vld [tilespmem:$0x95D0];
	v2 =	vadd.f32 v63, v2  }
0x454: {  	v51 =	vld [tilespmem:$0x9520];
	v0 =	vadd.f32 v29, v0;
	v1 =	vadd.f32 v62, v1  }
0x455: {  	v4 =	vadd.f32 v32, v4;
	v53 =	vld [tilespmem:$0x9550];
	v2 =	vadd.f32 v37, v2  }
0x456: {  	v56 =	vld [tilespmem:$0x9580];
	v0 =	vadd.f32 v41, v0;
	v1 =	vadd.f32 v35, v1  }
0x457: {  	v4 =	vadd.f32 v43, v4;
	v2 =	vadd.f32 v47, v2;
	v55 =	vld [tilespmem:$0x9570]  }
0x458: {  	v58 =	vld [tilespmem:$0x95A0];
	v0 =	vadd.f32 v48, v0;
	v1 =	vadd.f32 v46, v1  }
0x459: {  	v4 =	vadd.f32 v49, v4;
	v60 =	vld [tilespmem:$0x95C0];
	v2 =	vadd.f32 v51, v2  }
0x45a: {  	v62 =	vld [tilespmem:$0x95E0];
	v0 =	vadd.f32 v52, v0;
	v1 =	vadd.f32 v50, v1  }
0x45b: {  	v63 =	vld [tilespmem:$0x95F0];
	v3 =	vadd.f32 v3, v4;
	v2 =	vadd.f32 v54, v2  }
0x45c: {  	v0 =	vadd.f32 v55, v0;
	v1 =	vadd.f32 v53, v1  }
0x45d: {  	v3 =	vadd.f32 v56, v3;
	v2 =	vadd.f32 v58, v2  }
0x45e: {  	v0 =	vadd.f32 v59, v0;
	v1 =	vadd.f32 v57, v1  }
0x45f: {  	v3 =	vadd.f32 v60, v3;
	v2 =	vadd.f32 v62, v2  }
0x460: {  	v0 =	vadd.f32 v63, v0;
	v1 =	vadd.f32 v61, v1;
	_ =	sdelay $0x1  }
0x461: {  	v0 =	vadd.f32 v0, v2;
	v1 =	vadd.f32 v1, v3;
	_ =	sdelay $0x1  }
0x462: {  	v0 =	vadd.f32 v0, v1;
	v1 =	vld [tilespmem:$0x1FFF0]  }
.Ltmp3:
0x463: {  	_ = 	snop;
	(pc) =	sbr.rel @p0 .LBB2_6-.Ltmp3, $3  }
0x464: {  	_ = 	snop  }
0x465: {  	v0 =	vmul.f32 $4.999999890e-03, v0;
	_ =	sdelay $0x1  }
0x466: {  	v0 =	vadd.f32 v0, v1  }
0x467: {  	s15 =	sshra.s32 s13, $0x2  }
.Ltmp4:
0x468: {  	s16 =	sadd.s32 $0x578, s15;
	(pc) =	sbr.rel .LBB2_4-.Ltmp4, $4  }
0x469: {  	[tilespmem:s23], [sflag:$0x4] =	stream.indirect.gather [hbm4b:s4+s10], $0x10, s16, s10, $0xb8;
	[tilespmem:$0x9E10] =	vst v63  }
0x46a: {  	s15 =	sadd.s32 $0x5E0, s15  }
0x46b: {  	[tilespmem:s25], [sflag:$0x8] =	stream.indirect.gather [hbm4b:s4+s12], $0x10, s15, s12, $0xb8;
	[tilespmem:$0x9E10] =	vst v63  }
0x46c: {  	s13 =	sadd.s32 $0xC80, s13;
	[tilespmem:s14+$0x0] =	vst v0;
	s14 =	sadd.s32 $0x40, s14  }
.LBB2_7:
0x46d: {  	_ =	sfence.sel $0x180000  }
0x46e: {  	[bflag:$0x0] =	sbarrier.arrive $0xFFFF  }
0x46f: {  	_ =	strace $0x90000047  }
0x470: {  	s0 =	stileid.u32;
	[bflag:$0x2] =	sbarrier.arrive $0xFFFF  }
0x471: {  	p0 =	sne.s32 s0, $0x0;
	s0 =	rddreg [dreg:$0x3]  }
0x472: {  	s0 =	sadd.s32 @!p0 $0x100000, s0  }
0x473: {  	[sflag:s0] =	ssyncadd.tile.s32 @!p0 $0x1;
	_ =	shalt  }
.Lfunc_end2:
_tile_overlayer_lowered:
.L_overlay_start_2:
0x474: {  	(tag) =	ssettag $0x2  }
0x475: {  	s0 =	rddreg [dreg:$0x0];
	s2 =	stileid.u32  }
0x476: {  	s1 =	rddreg [dreg:$0x1];
	p0 =	sne.s32 s2, $0x0  }
0x477: {  	s3 =	rddreg [dreg:$0x2];
	[bflag:$0x3] =	sbarrier.arrive $0xFFFF;
	s2 =	simm.s32 @!p0 $0x1C09  }
0x478: {  	[timem:s3], [sflag:s2] =	dma.local @!p0 [hbm:s0], s1  }
0x479: {  	s0 =	simm.s32 @!p0 $0x9  }
0x47a: {  	_ =	swait.ge @!p0 [sflag:s0], s1  }
0x47b: {  	s1 =	ssub.s32 @!p0 $0x0, s1;
	[sflag:s0] =	ssyncset.done @!p0 $0x0  }
0x47c: {  	[sflag:s0] =	ssyncadd.s32 @!p0 s1  }
0x47d: {  	[bflag:$0x3] =	sbarrier.arrive $0xFFFF  }
0x47e: {  	_ =	shalt  }

</sc_bundles>
